<compile_context>
chip_gen: v7x
topology: tpu7x:2x2x1
jax: 0.10.2.dev20260603
libtpu: 0.0.44.dev20260713+nightly
codegen_flags: <defaults>
</compile_context>

<pallas_src>
import functools

import jax
import jax.numpy as jnp
from jax import lax
from jax.experimental import pallas as pl
from jax.experimental.pallas import tpu as pltpu
from jax.experimental.pallas import tpu_sc as plsc

LANES = 16


def _build_sc_agg(n_nodes, d_feat, b, n_neigh, chunk, n_chunks_pt,
                  tile_rows, n_tiles, w_cols, inv_count):
    mesh = plsc.VectorSubcoreMesh(core_axis_name="c", subcore_axis_name="s")
    n_slots = n_neigh + 1
    ngr = n_neigh * chunk
    grows = ngr + chunk
    n_groups = w_cols // (2 * LANES)
    assert n_chunks_pt % 6 == 0
    cslab = n_nodes // n_tiles
    assert cslab * n_tiles == n_nodes
    cpiece = 56
    n_pieces = -(-cslab // cpiece)
    n_pieces += n_pieces % 2

    @functools.partial(
        pl.kernel,
        mesh=mesh,
        out_type=jax.ShapeDtypeStruct((b, d_feat), jnp.float32),
        compiler_params=pltpu.CompilerParams(use_tc_tiling_on_sc=False,
                                             needs_layout_passes=False),
        scratch_types=[
            pltpu.VMEM_SHARED((n_nodes, w_cols), jnp.bfloat16),
            pltpu.VMEM((3, grows), jnp.int32),
            pltpu.VMEM((2, grows, w_cols), jnp.bfloat16),
            pltpu.VMEM((2, cpiece, w_cols), jnp.float32),
            pltpu.SemaphoreType.DMA,
            pltpu.SemaphoreType.DMA,
            pltpu.SemaphoreType.DMA,
            pltpu.SemaphoreType.DMA,
            pltpu.SemaphoreType.DMA,
            pltpu.SemaphoreType.DMA,
            pltpu.SemaphoreType.DMA,
        ],
    )
    def agg(nodes_hbm, neighs_hbm, table_hbm, out_hbm,
            tblk, idx_v, buf_v, outb_v,
            gsem0, gsem1, osem0, osem1, isem0, isem1, isem2):
        cid = lax.axis_index("c")
        sid = lax.axis_index("s")
        gsems = (gsem0, gsem1)
        osems = (osem0, osem1)
        isems = (isem0, isem1, isem2)
        c0 = cid * w_cols

        def stage_row0(i):
            return jnp.minimum(sid * cslab + i * cpiece,
                               sid * cslab + cslab - cpiece)

        def stage_in(i, pp):
            return pltpu.make_async_copy(
                table_hbm.at[pl.ds(stage_row0(i), cpiece), pl.ds(c0, w_cols)],
                outb_v.at[pp], gsems[pp])

        def stage_out(i, pp):
            return pltpu.make_async_copy(
                buf_v.at[pp].at[pl.ds(0, cpiece)],
                tblk.at[pl.ds(stage_row0(i), cpiece)], osems[pp])

        stage_in(0, 0).start()

        def piece_body(j, _):
            for pp in (0, 1):
                i = 2 * j + pp
                ppn = (pp + 1) % 2

                @pl.when(i + 1 < n_pieces)
                def _():
                    stage_in(i + 1, ppn).start()

                stage_in(i, pp).wait()

                @pl.when(i >= 2)
                def _():
                    stage_out(i - 2, pp).wait()

                def crow(r, _):
                    for h in range(n_groups):
                        a = outb_v[pp, r, pl.ds(h * 2 * LANES, LANES)]
                        bq = outb_v[pp, r, pl.ds(h * 2 * LANES + LANES, LANES)]
                        buf_v[pp, r, pl.ds(h * 2 * LANES, 2 * LANES)] = (
                            plsc.pack(a, bq,
                                      format=plsc.PackFormat.INTERLEAVED))
                    return 0

                lax.fori_loop(0, cpiece, crow, 0)
                stage_out(i, pp).start()
            return 0

        lax.fori_loop(0, n_pieces // 2, piece_body, 0)
        for pp in (0, 1):
            stage_out(n_pieces - 2 + pp, pp).wait()
        plsc.subcore_barrier()

        def row_base(k):
            return jnp.minimum(sid * tile_rows + k * chunk, b - chunk)

        def idx_cps(k, q):
            rb = row_base(k)
            return (
                pltpu.make_async_copy(
                    neighs_hbm.at[pl.ds(rb * n_neigh, ngr)],
                    idx_v.at[q, pl.ds(0, ngr)], isems[q]),
                pltpu.make_async_copy(
                    nodes_hbm.at[pl.ds(rb, chunk)],
                    idx_v.at[q, pl.ds(ngr, chunk)], isems[q]),
            )

        def gather_cps(q, p, sem):
            return (
                pltpu.make_async_copy(
                    tblk.at[idx_v.at[q, pl.ds(0, ngr)]],
                    buf_v.at[p].at[pl.ds(0, ngr)], sem),
                pltpu.make_async_copy(
                    tblk.at[idx_v.at[q, pl.ds(ngr, chunk)]],
                    buf_v.at[p].at[pl.ds(ngr, chunk)], sem),
            )

        def start(cps):
            for cp in cps:
                cp.start()

        def wait(cps):
            for cp in cps:
                cp.wait()

        def out_slice(k):
            return out_hbm.at[pl.ds(row_base(k), chunk), pl.ds(c0, w_cols)]

        start(idx_cps(0, 0))
        wait(idx_cps(0, 0))
        start(gather_cps(0, 0, gsems[0]))
        start(idx_cps(1, 1))

        def six_body(i, _):
            for u in range(6):
                k = 6 * i + u
                p = u % 2
                pn = (p + 1) % 2
                q1 = (u + 1) % 3
                q2 = (u + 2) % 3

                @pl.when(k + 2 < n_chunks_pt)
                def _():
                    start(idx_cps(k + 2, q2))

                @pl.when(k + 1 < n_chunks_pt)
                def _():
                    wait(idx_cps(k + 1, q1))
                    start(gather_cps(q1, pn, gsems[pn]))

                wait(gather_cps(u % 3, p, gsems[p]))

                @pl.when(k >= 2)
                def _():
                    pltpu.make_async_copy(
                        outb_v.at[p].at[pl.ds(0, chunk)],
                        out_slice(k - 2), osems[p]).wait()

                def rbody(r, _):
                    rn = r * n_neigh
                    for h in range(n_groups):
                        col = pl.ds(h * 2 * LANES, 2 * LANES)
                        acc = buf_v[p, ngr + r, col]
                        for s in range(n_neigh):
                            acc = acc + buf_v[p, rn + s, col]
                        lo, hi = plsc.unpack(
                            acc, format=plsc.PackFormat.INTERLEAVED)
                        outb_v[p, r, pl.ds(h * 2 * LANES, LANES)] = (
                            lo * inv_count)
                        outb_v[p, r, pl.ds(h * 2 * LANES + LANES, LANES)] = (
                            hi * inv_count)
                    return 0

                lax.fori_loop(0, chunk, rbody, 0)
                pltpu.async_copy(outb_v.at[p].at[pl.ds(0, chunk)],
                                 out_slice(k), osems[p])
            return 0

        lax.fori_loop(0, n_chunks_pt // 6, six_body, 0)
        for p in (0, 1):
            k = n_chunks_pt - 2 + p
            pltpu.make_async_copy(
                outb_v.at[p].at[pl.ds(0, chunk)],
                out_slice(k), osems[p]).wait()

    return agg


def kernel(nodes, to_neighs, feature_table, num_sample):
    b = nodes.shape[0]
    n_neigh = to_neighs.shape[1]
    n_nodes, d_feat = feature_table.shape
    n_tiles = 16
    chunk = 32
    w_cols = d_feat // 2
    inv_count = 1.0 / float(n_neigh + 1)

    tile_rows = -(-b // n_tiles)
    tile_rows += (-tile_rows) % 8
    n_chunks_pt = -(-tile_rows // chunk)
    n_chunks_pt += (-n_chunks_pt) % 6

    agg = _build_sc_agg(n_nodes, d_feat, b, n_neigh, chunk, n_chunks_pt,
                        tile_rows, n_tiles, w_cols, inv_count)
    return agg(nodes, to_neighs.reshape(-1), feature_table)

# --- scband reference (transcript-rebuilt; emitter-appended) ---
"""Pipeline reference for scband-mean-aggregator-56349970923547 (READ-ONLY COPY).

The authoritative reference and input builder live on the scoring server;
editing this copy changes nothing except your own understanding.
"""

import jax, jax.numpy as jnp
import numpy as np

N_NODES = 50000
D_FEAT = 128
B = 50000
NUM_SAMPLE = 10


def setup_inputs(seed: int = 0) -> dict:
    key = jax.random.key(seed)
    k1, k2, k3 = jax.random.split(key, 3)
    nodes = jax.random.randint(k1, (B,), 0, N_NODES, dtype=jnp.int32)
    # Tensorized to_neighs: each of the B nodes has NUM_SAMPLE sampled neighbor ids.
    to_neighs = jax.random.randint(k2, (B, NUM_SAMPLE), 0, N_NODES, dtype=jnp.int32)
    # Learned parameter: the embedding table behind self.features (nn.Embedding(N_NODES, D_FEAT)).
    feature_table = jax.random.normal(k3, (N_NODES, D_FEAT), dtype=jnp.float32)
    return {"nodes": nodes, "to_neighs": to_neighs, "feature_table": feature_table, "num_sample": NUM_SAMPLE}


def reference(nodes, to_neighs, feature_table, num_sample=NUM_SAMPLE):
    # Faithful tensorized MeanAggregator with gcn=True:
    # each sampled neighborhood is augmented with the center node itself,
    # then mean-pooled over the looked-up embeddings. The original builds a
    # row-normalized dense mask and does mask @ embed_matrix over the unique
    # neighbor set; with uniformly sampled neighbor lists this is exactly the
    # per-row mean of gathered embeddings (gather -> segment-mean structure).
    sample_width = to_neighs.shape[1]
    all_idx = jnp.concatenate([nodes[:, None], to_neighs[:, :sample_width]], axis=1)  # [B, S+1]
    embed = jnp.take(feature_table, all_idx, axis=0)  # gather: [B, S+1, D]
    num_neigh = jnp.asarray(num_sample, jnp.float32) + jnp.float32(1.0)
    to_feats = jnp.sum(embed, axis=1) / num_neigh  # mask.div(num_neigh) @ embed_matrix
    return to_feats

if __name__ == "__main__":
    import jax
    _d = setup_inputs()
    print(jax.jit(kernel)(*tuple(_d.values())))

</pallas_src>

<mosaic_0001>
#map = affine_map<(d0, d1) -> (0)>
#map1 = affine_map<(d0, d1) -> (0, 0)>
module attributes {stable_mosaic.version = 14 : i64} {
  func.func @agg(%arg0: i32, %arg1: i32, %arg2: memref<50000xi32, #tpu.memory_space<hbm>>, %arg3: memref<500000xi32, #tpu.memory_space<hbm>>, %arg4: memref<50000x128xf32, #tpu.memory_space<hbm>>, %arg5: memref<50000x128xf32, #tpu.memory_space<hbm>>, %arg6: memref<50000x64xbf16, #tpu.memory_space<vmem_shared>>, %arg7: memref<3x352xi32, #tpu.memory_space<vmem>>, %arg8: memref<2x352x64xbf16, #tpu.memory_space<vmem>>, %arg9: memref<2x56x64xf32, #tpu.memory_space<vmem>>, %arg10: memref<!tpu.dma_semaphore, #tpu.memory_space<semaphore_mem>>, %arg11: memref<!tpu.dma_semaphore, #tpu.memory_space<semaphore_mem>>, %arg12: memref<!tpu.dma_semaphore, #tpu.memory_space<semaphore_mem>>, %arg13: memref<!tpu.dma_semaphore, #tpu.memory_space<semaphore_mem>>, %arg14: memref<!tpu.dma_semaphore, #tpu.memory_space<semaphore_mem>>, %arg15: memref<!tpu.dma_semaphore, #tpu.memory_space<semaphore_mem>>, %arg16: memref<!tpu.dma_semaphore, #tpu.memory_space<semaphore_mem>>) attributes {dimension_semantics = [#tpu.dimension_semantics<core_parallel>, #tpu.dimension_semantics<subcore_parallel>], iteration_bounds = array<i64: 2, 16>, scalar_prefetch = 0 : i64, scratch_operands = 11 : i64, tpu.core_type = #tpu.core_type<sc_vector_subcore>, window_params = [{transform_indices = #map}, {transform_indices = #map}, {transform_indices = #map1}, {transform_indices = #map1}]} {
    %mul3A = arith.constant 64 : i32
    %mul3A_0 = arith.muli %arg0, %mul3A : i32
    %mul3A_1 = arith.constant 3125 : i32
    %mul3A_2 = arith.muli %arg1, %mul3A_1 : i32
    %add3A = arith.constant 0 : i32
    %add3A_3 = arith.addi %mul3A_2, %add3A : i32
    %mul3A_4 = arith.constant 3125 : i32
    %mul3A_5 = arith.muli %arg1, %mul3A_4 : i32
    %add3A_6 = arith.constant 3125 : i32
    %add3A_7 = arith.addi %mul3A_5, %add3A_6 : i32
    %sub3A = arith.constant 56 : i32
    %sub3A_8 = arith.subi %add3A_7, %sub3A : i32
    %min3A = arith.minsi %add3A_3, %sub3A_8 : i32
    %dma_start3A = arith.constant 0 : i32
    %dma_start3A_9 = arith.constant 0 : i32
    %dma_start3A_10 = arith.constant 0 : i32
    %dma_start3A_11 = tpu.memref_slice %arg9[%dma_start3A, %dma_start3A_9, %dma_start3A_10] : memref<2x56x64xf32, #tpu.memory_space<vmem>> -> memref<1x56x64xf32, #tpu.memory_space<vmem>>
    %dma_start3A_12 = tpu.memref_squeeze %dma_start3A_11 : memref<1x56x64xf32, #tpu.memory_space<vmem>> -> memref<56x64xf32, #tpu.memory_space<vmem>>
    %dma_start3A_13 = tpu.memref_slice %arg4[%min3A, %mul3A_0] : memref<50000x128xf32, #tpu.memory_space<hbm>> -> memref<56x64xf32, #tpu.memory_space<hbm>>
    %dma_start3A_14 = arith.constant 0 : i32
    %dma_start3A_15 = arith.constant 0 : i32
    %dma_start3A_16 = tpu.memref_slice %arg9[%dma_start3A, %dma_start3A_14, %dma_start3A_15] : memref<2x56x64xf32, #tpu.memory_space<vmem>> -> memref<1x56x64xf32, #tpu.memory_space<vmem>>
    %dma_start3A_17 = tpu.memref_squeeze %dma_start3A_16 : memref<1x56x64xf32, #tpu.memory_space<vmem>> -> memref<56x64xf32, #tpu.memory_space<vmem>>
    %dma_start3A_18 = tpu.memref_slice %arg4[%min3A, %mul3A_0] : memref<50000x128xf32, #tpu.memory_space<hbm>> -> memref<56x64xf32, #tpu.memory_space<hbm>>
    tpu.enqueue_dma source(%dma_start3A_18 : memref<56x64xf32, #tpu.memory_space<hbm>>) target(%dma_start3A_17 : memref<56x64xf32, #tpu.memory_space<vmem>>) target_semaphore(%arg10 : memref<!tpu.dma_semaphore, #tpu.memory_space<semaphore_mem>>)
    %scan3A = arith.constant 0 : i32
    %scan3A_19 = arith.constant 0 : i32
    %scan3A_20 = arith.constant 28 : i32
    %scan3A_21 = arith.addi %scan3A_19, %scan3A_20 : i32
    %scan3A_22 = arith.constant 1 : i32
    %scan3A_23 = scf.for %scan3A_245 = %scan3A_19 to %scan3A_21 step %scan3A_22 iter_args(%scan3A_246 = %scan3A) -> (i32)  : i32 {
      %mul3A_247 = arith.constant 2 : i32
      %mul3A_248 = arith.muli %mul3A_247, %scan3A_245 : i32
      %add3A_249 = arith.constant 0 : i32
      %add3A_250 = arith.addi %mul3A_248, %add3A_249 : i32
      %add3A_251 = arith.constant 1 : i32
      %add3A_252 = arith.addi %add3A_250, %add3A_251 : i32
      %lt3A = arith.constant 56 : i32
      %lt3A_253 = arith.cmpi slt, %add3A_252, %lt3A : i32
      %convert_element_type3A = arith.extui %lt3A_253 : i1 to i32
      %cond3A = arith.constant 0 : i32
      %cond3A_254 = arith.cmpi ne, %convert_element_type3A, %cond3A : i32
      scf.if %cond3A_254 {
        %add3A_398 = arith.constant 1 : i32
        %add3A_399 = arith.addi %add3A_250, %add3A_398 : i32
        %mul3A_400 = arith.constant 3125 : i32
        %mul3A_401 = arith.muli %arg1, %mul3A_400 : i32
        %mul3A_402 = arith.constant 56 : i32
        %mul3A_403 = arith.muli %add3A_399, %mul3A_402 : i32
        %add3A_404 = arith.addi %mul3A_401, %mul3A_403 : i32
        %mul3A_405 = arith.constant 3125 : i32
        %mul3A_406 = arith.muli %arg1, %mul3A_405 : i32
        %add3A_407 = arith.constant 3125 : i32
        %add3A_408 = arith.addi %mul3A_406, %add3A_407 : i32
        %sub3A_409 = arith.constant 56 : i32
        %sub3A_410 = arith.subi %add3A_408, %sub3A_409 : i32
        %min3A_411 = arith.minsi %add3A_404, %sub3A_410 : i32
        %dma_start3A_412 = arith.constant 1 : i32
        %dma_start3A_413 = arith.constant 0 : i32
        %dma_start3A_414 = arith.constant 0 : i32
        %dma_start3A_415 = tpu.memref_slice %arg9[%dma_start3A_412, %dma_start3A_413, %dma_start3A_414] : memref<2x56x64xf32, #tpu.memory_space<vmem>> -> memref<1x56x64xf32, #tpu.memory_space<vmem>>
        %dma_start3A_416 = tpu.memref_squeeze %dma_start3A_415 : memref<1x56x64xf32, #tpu.memory_space<vmem>> -> memref<56x64xf32, #tpu.memory_space<vmem>>
        %dma_start3A_417 = tpu.memref_slice %arg4[%min3A_411, %mul3A_0] : memref<50000x128xf32, #tpu.memory_space<hbm>> -> memref<56x64xf32, #tpu.memory_space<hbm>>
        %dma_start3A_418 = arith.constant 0 : i32
        %dma_start3A_419 = arith.constant 0 : i32
        %dma_start3A_420 = tpu.memref_slice %arg9[%dma_start3A_412, %dma_start3A_418, %dma_start3A_419] : memref<2x56x64xf32, #tpu.memory_space<vmem>> -> memref<1x56x64xf32, #tpu.memory_space<vmem>>
        %dma_start3A_421 = tpu.memref_squeeze %dma_start3A_420 : memref<1x56x64xf32, #tpu.memory_space<vmem>> -> memref<56x64xf32, #tpu.memory_space<vmem>>
        %dma_start3A_422 = tpu.memref_slice %arg4[%min3A_411, %mul3A_0] : memref<50000x128xf32, #tpu.memory_space<hbm>> -> memref<56x64xf32, #tpu.memory_space<hbm>>
        tpu.enqueue_dma source(%dma_start3A_422 : memref<56x64xf32, #tpu.memory_space<hbm>>) target(%dma_start3A_421 : memref<56x64xf32, #tpu.memory_space<vmem>>) target_semaphore(%arg11 : memref<!tpu.dma_semaphore, #tpu.memory_space<semaphore_mem>>)
      } else {
      }
      %mul3A_255 = arith.constant 3125 : i32
      %mul3A_256 = arith.muli %arg1, %mul3A_255 : i32
      %mul3A_257 = arith.constant 56 : i32
      %mul3A_258 = arith.muli %add3A_250, %mul3A_257 : i32
      %add3A_259 = arith.addi %mul3A_256, %mul3A_258 : i32
      %mul3A_260 = arith.constant 3125 : i32
      %mul3A_261 = arith.muli %arg1, %mul3A_260 : i32
      %add3A_262 = arith.constant 3125 : i32
      %add3A_263 = arith.addi %mul3A_261, %add3A_262 : i32
      %sub3A_264 = arith.constant 56 : i32
      %sub3A_265 = arith.subi %add3A_263, %sub3A_264 : i32
      %min3A_266 = arith.minsi %add3A_259, %sub3A_265 : i32
      %dma_wait3A_267 = arith.constant 0 : i32
      %dma_wait3A_268 = arith.constant 0 : i32
      %dma_wait3A_269 = arith.constant 0 : i32
      %dma_wait3A_270 = tpu.memref_slice %arg9[%dma_wait3A_267, %dma_wait3A_268, %dma_wait3A_269] : memref<2x56x64xf32, #tpu.memory_space<vmem>> -> memref<1x56x64xf32, #tpu.memory_space<vmem>>
      %dma_wait3A_271 = tpu.memref_squeeze %dma_wait3A_270 : memref<1x56x64xf32, #tpu.memory_space<vmem>> -> memref<56x64xf32, #tpu.memory_space<vmem>>
      %dma_wait3A_272 = tpu.memref_slice %arg4[%min3A_266, %mul3A_0] : memref<50000x128xf32, #tpu.memory_space<hbm>> -> memref<56x64xf32, #tpu.memory_space<hbm>>
      %dma_wait3A_273 = arith.constant 0 : i32
      %dma_wait3A_274 = arith.constant 0 : i32
      %dma_wait3A_275 = tpu.memref_slice %arg9[%dma_wait3A_267, %dma_wait3A_273, %dma_wait3A_274] : memref<2x56x64xf32, #tpu.memory_space<vmem>> -> memref<1x56x64xf32, #tpu.memory_space<vmem>>
      %dma_wait3A_276 = tpu.memref_squeeze %dma_wait3A_275 : memref<1x56x64xf32, #tpu.memory_space<vmem>> -> memref<56x64xf32, #tpu.memory_space<vmem>>
      %dma_wait3A_277 = tpu.memref_slice %arg4[%min3A_266, %mul3A_0] : memref<50000x128xf32, #tpu.memory_space<hbm>> -> memref<56x64xf32, #tpu.memory_space<hbm>>
      tpu.wait_dma2 semaphore(%arg10 : memref<!tpu.dma_semaphore, #tpu.memory_space<semaphore_mem>>) src(%dma_wait3A_277 : memref<56x64xf32, #tpu.memory_space<hbm>>) dst(%dma_wait3A_276 : memref<56x64xf32, #tpu.memory_space<vmem>>)
      %ge3A = arith.constant 2 : i32
      %ge3A_278 = arith.cmpi sge, %add3A_250, %ge3A : i32
      %convert_element_type3A_279 = arith.extui %ge3A_278 : i1 to i32
      %cond3A_280 = arith.constant 0 : i32
      %cond3A_281 = arith.cmpi ne, %convert_element_type3A_279, %cond3A_280 : i32
      scf.if %cond3A_281 {
        %sub3A_398 = arith.constant 2 : i32
        %sub3A_399 = arith.subi %add3A_250, %sub3A_398 : i32
        %mul3A_400 = arith.constant 3125 : i32
        %mul3A_401 = arith.muli %arg1, %mul3A_400 : i32
        %mul3A_402 = arith.constant 56 : i32
        %mul3A_403 = arith.muli %sub3A_399, %mul3A_402 : i32
        %add3A_404 = arith.addi %mul3A_401, %mul3A_403 : i32
        %mul3A_405 = arith.constant 3125 : i32
        %mul3A_406 = arith.muli %arg1, %mul3A_405 : i32
        %add3A_407 = arith.constant 3125 : i32
        %add3A_408 = arith.addi %mul3A_406, %add3A_407 : i32
        %sub3A_409 = arith.constant 56 : i32
        %sub3A_410 = arith.subi %add3A_408, %sub3A_409 : i32
        %min3A_411 = arith.minsi %add3A_404, %sub3A_410 : i32
        %dma_wait3A_412 = arith.constant 0 : i32
        %dma_wait3A_413 = arith.constant 0 : i32
        %dma_wait3A_414 = arith.constant 0 : i32
        %dma_wait3A_415 = tpu.memref_slice %arg8[%dma_wait3A_412, %dma_wait3A_413, %dma_wait3A_414] : memref<2x352x64xbf16, #tpu.memory_space<vmem>> -> memref<1x352x64xbf16, #tpu.memory_space<vmem>>
        %dma_wait3A_416 = tpu.memref_squeeze %dma_wait3A_415 : memref<1x352x64xbf16, #tpu.memory_space<vmem>> -> memref<352x64xbf16, #tpu.memory_space<vmem>>
        %dma_wait3A_417 = arith.constant 0 : i32
        %dma_wait3A_418 = arith.constant 0 : i32
        %dma_wait3A_419 = tpu.memref_slice %dma_wait3A_416[%dma_wait3A_417, %dma_wait3A_418] : memref<352x64xbf16, #tpu.memory_space<vmem>> -> memref<56x64xbf16, #tpu.memory_space<vmem>>
        %dma_wait3A_420 = arith.constant 0 : i32
        %dma_wait3A_421 = tpu.memref_slice %arg6[%min3A_411, %dma_wait3A_420] : memref<50000x64xbf16, #tpu.memory_space<vmem_shared>> -> memref<56x64xbf16, #tpu.memory_space<vmem_shared>>
        %dma_wait3A_422 = arith.constant 0 : i32
        %dma_wait3A_423 = tpu.memref_slice %arg6[%min3A_411, %dma_wait3A_422] : memref<50000x64xbf16, #tpu.memory_space<vmem_shared>> -> memref<56x64xbf16, #tpu.memory_space<vmem_shared>>
        %dma_wait3A_424 = arith.constant 0 : i32
        %dma_wait3A_425 = arith.constant 0 : i32
        %dma_wait3A_426 = tpu.memref_slice %arg8[%dma_wait3A_412, %dma_wait3A_424, %dma_wait3A_425] : memref<2x352x64xbf16, #tpu.memory_space<vmem>> -> memref<1x352x64xbf16, #tpu.memory_space<vmem>>
        %dma_wait3A_427 = tpu.memref_squeeze %dma_wait3A_426 : memref<1x352x64xbf16, #tpu.memory_space<vmem>> -> memref<352x64xbf16, #tpu.memory_space<vmem>>
        %dma_wait3A_428 = arith.constant 0 : i32
        %dma_wait3A_429 = arith.constant 0 : i32
        %dma_wait3A_430 = tpu.memref_slice %dma_wait3A_427[%dma_wait3A_428, %dma_wait3A_429] : memref<352x64xbf16, #tpu.memory_space<vmem>> -> memref<56x64xbf16, #tpu.memory_space<vmem>>
        tpu.wait_dma2 semaphore(%arg12 : memref<!tpu.dma_semaphore, #tpu.memory_space<semaphore_mem>>) src(%dma_wait3A_430 : memref<56x64xbf16, #tpu.memory_space<vmem>>) dst(%dma_wait3A_423 : memref<56x64xbf16, #tpu.memory_space<vmem_shared>>)
      } else {
      }
      %scan3A_282 = arith.constant 0 : i32
      %scan3A_283 = arith.constant 0 : i32
      %scan3A_284 = arith.constant 56 : i32
      %scan3A_285 = arith.addi %scan3A_283, %scan3A_284 : i32
      %scan3A_286 = arith.constant 1 : i32
      %scan3A_287 = scf.for %scan3A_398 = %scan3A_283 to %scan3A_285 step %scan3A_286 iter_args(%scan3A_399 = %scan3A_282) -> (i32)  : i32 {
        %get3A = arith.constant 0 : i32
        %get3A_400 = arith.index_cast %get3A : i32 to index
        %get3A_401 = arith.index_cast %scan3A_398 : i32 to index
        %get3A_402 = arith.constant 0 : index
        %get3A_403 = tpu.vector_load %arg9[%get3A_400, %get3A_401, %get3A_402] {strides = array<i32>} : memref<2x56x64xf32, #tpu.memory_space<vmem>>, vector<16xf32>,
        %get3A_404 = arith.constant 0 : i32
        %get3A_405 = arith.index_cast %get3A_404 : i32 to index
        %get3A_406 = arith.index_cast %scan3A_398 : i32 to index
        %get3A_407 = arith.constant 16 : index
        %get3A_408 = tpu.vector_load %arg9[%get3A_405, %get3A_406, %get3A_407] {strides = array<i32>} : memref<2x56x64xf32, #tpu.memory_space<vmem>>, vector<16xf32>,
        %pack3A = tpu.pack_subelements %get3A_403, %get3A_408 {pack_format = #tpu.pack_format<interleaved>, positions = array<i32: 0, 1>} : vector<16xf32>, vector<16xf32> -> vector<32xbf16>
        %swap3A = arith.constant 0 : i32
        %swap3A_409 = arith.index_cast %swap3A : i32 to index
        %swap3A_410 = arith.index_cast %scan3A_398 : i32 to index
        %swap3A_411 = arith.constant 0 : index
        %swap3A_412 = tpu.vector_load %arg8[%swap3A_409, %swap3A_410, %swap3A_411] {strides = array<i32>} : memref<2x352x64xbf16, #tpu.memory_space<vmem>>, vector<32xbf16>,
        tpu.vector_store %arg8[%swap3A_409, %swap3A_410, %swap3A_411], %pack3A {strides = array<i32>} : memref<2x352x64xbf16, #tpu.memory_space<vmem>>, vector<32xbf16>,
        %get3A_413 = arith.constant 0 : i32
        %get3A_414 = arith.index_cast %get3A_413 : i32 to index
        %get3A_415 = arith.index_cast %scan3A_398 : i32 to index
        %get3A_416 = arith.constant 32 : index
        %get3A_417 = tpu.vector_load %arg9[%get3A_414, %get3A_415, %get3A_416] {strides = array<i32>} : memref<2x56x64xf32, #tpu.memory_space<vmem>>, vector<16xf32>,
        %get3A_418 = arith.constant 0 : i32
        %get3A_419 = arith.index_cast %get3A_418 : i32 to index
        %get3A_420 = arith.index_cast %scan3A_398 : i32 to index
        %get3A_421 = arith.constant 48 : index
        %get3A_422 = tpu.vector_load %arg9[%get3A_419, %get3A_420, %get3A_421] {strides = array<i32>} : memref<2x56x64xf32, #tpu.memory_space<vmem>>, vector<16xf32>,
        %pack3A_423 = tpu.pack_subelements %get3A_417, %get3A_422 {pack_format = #tpu.pack_format<interleaved>, positions = array<i32: 0, 1>} : vector<16xf32>, vector<16xf32> -> vector<32xbf16>
        %swap3A_424 = arith.constant 0 : i32
        %swap3A_425 = arith.index_cast %swap3A_424 : i32 to index
        %swap3A_426 = arith.index_cast %scan3A_398 : i32 to index
        %swap3A_427 = arith.constant 32 : index
        %swap3A_428 = tpu.vector_load %arg8[%swap3A_425, %swap3A_426, %swap3A_427] {strides = array<i32>} : memref<2x352x64xbf16, #tpu.memory_space<vmem>>, vector<32xbf16>,
        tpu.vector_store %arg8[%swap3A_425, %swap3A_426, %swap3A_427], %pack3A_423 {strides = array<i32>} : memref<2x352x64xbf16, #tpu.memory_space<vmem>>, vector<32xbf16>,
        %scan3A_429 = arith.constant 0 : i32
        scf.yield %scan3A_429 : i32
      }
      %scan3A_288 = arith.constant 56 : i32
      %mul3A_289 = arith.constant 3125 : i32
      %mul3A_290 = arith.muli %arg1, %mul3A_289 : i32
      %mul3A_291 = arith.constant 56 : i32
      %mul3A_292 = arith.muli %add3A_250, %mul3A_291 : i32
      %add3A_293 = arith.addi %mul3A_290, %mul3A_292 : i32
      %mul3A_294 = arith.constant 3125 : i32
      %mul3A_295 = arith.muli %arg1, %mul3A_294 : i32
      %add3A_296 = arith.constant 3125 : i32
      %add3A_297 = arith.addi %mul3A_295, %add3A_296 : i32
      %sub3A_298 = arith.constant 56 : i32
      %sub3A_299 = arith.subi %add3A_297, %sub3A_298 : i32
      %min3A_300 = arith.minsi %add3A_293, %sub3A_299 : i32
      %dma_start3A_301 = arith.constant 0 : i32
      %dma_start3A_302 = arith.constant 0 : i32
      %dma_start3A_303 = arith.constant 0 : i32
      %dma_start3A_304 = tpu.memref_slice %arg8[%dma_start3A_301, %dma_start3A_302, %dma_start3A_303] : memref<2x352x64xbf16, #tpu.memory_space<vmem>> -> memref<1x352x64xbf16, #tpu.memory_space<vmem>>
      %dma_start3A_305 = tpu.memref_squeeze %dma_start3A_304 : memref<1x352x64xbf16, #tpu.memory_space<vmem>> -> memref<352x64xbf16, #tpu.memory_space<vmem>>
      %dma_start3A_306 = arith.constant 0 : i32
      %dma_start3A_307 = arith.constant 0 : i32
      %dma_start3A_308 = tpu.memref_slice %dma_start3A_305[%dma_start3A_306, %dma_start3A_307] : memref<352x64xbf16, #tpu.memory_space<vmem>> -> memref<56x64xbf16, #tpu.memory_space<vmem>>
      %dma_start3A_309 = arith.constant 0 : i32
      %dma_start3A_310 = tpu.memref_slice %arg6[%min3A_300, %dma_start3A_309] : memref<50000x64xbf16, #tpu.memory_space<vmem_shared>> -> memref<56x64xbf16, #tpu.memory_space<vmem_shared>>
      %dma_start3A_311 = arith.constant 0 : i32
      %dma_start3A_312 = tpu.memref_slice %arg6[%min3A_300, %dma_start3A_311] : memref<50000x64xbf16, #tpu.memory_space<vmem_shared>> -> memref<56x64xbf16, #tpu.memory_space<vmem_shared>>
      %dma_start3A_313 = arith.constant 0 : i32
      %dma_start3A_314 = arith.constant 0 : i32
      %dma_start3A_315 = tpu.memref_slice %arg8[%dma_start3A_301, %dma_start3A_313, %dma_start3A_314] : memref<2x352x64xbf16, #tpu.memory_space<vmem>> -> memref<1x352x64xbf16, #tpu.memory_space<vmem>>
      %dma_start3A_316 = tpu.memref_squeeze %dma_start3A_315 : memref<1x352x64xbf16, #tpu.memory_space<vmem>> -> memref<352x64xbf16, #tpu.memory_space<vmem>>
      %dma_start3A_317 = arith.constant 0 : i32
      %dma_start3A_318 = arith.constant 0 : i32
      %dma_start3A_319 = tpu.memref_slice %dma_start3A_316[%dma_start3A_317, %dma_start3A_318] : memref<352x64xbf16, #tpu.memory_space<vmem>> -> memref<56x64xbf16, #tpu.memory_space<vmem>>
      tpu.enqueue_dma source(%dma_start3A_319 : memref<56x64xbf16, #tpu.memory_space<vmem>>) target(%dma_start3A_312 : memref<56x64xbf16, #tpu.memory_space<vmem_shared>>) target_semaphore(%arg12 : memref<!tpu.dma_semaphore, #tpu.memory_space<semaphore_mem>>)
      %mul3A_320 = arith.constant 2 : i32
      %mul3A_321 = arith.muli %mul3A_320, %scan3A_245 : i32
      %add3A_322 = arith.constant 1 : i32
      %add3A_323 = arith.addi %mul3A_321, %add3A_322 : i32
      %add3A_324 = arith.constant 1 : i32
      %add3A_325 = arith.addi %add3A_323, %add3A_324 : i32
      %lt3A_326 = arith.constant 56 : i32
      %lt3A_327 = arith.cmpi slt, %add3A_325, %lt3A_326 : i32
      %convert_element_type3A_328 = arith.extui %lt3A_327 : i1 to i32
      %cond3A_329 = arith.constant 0 : i32
      %cond3A_330 = arith.cmpi ne, %convert_element_type3A_328, %cond3A_329 : i32
      scf.if %cond3A_330 {
        %add3A_398 = arith.constant 1 : i32
        %add3A_399 = arith.addi %add3A_323, %add3A_398 : i32
        %mul3A_400 = arith.constant 3125 : i32
        %mul3A_401 = arith.muli %arg1, %mul3A_400 : i32
        %mul3A_402 = arith.constant 56 : i32
        %mul3A_403 = arith.muli %add3A_399, %mul3A_402 : i32
        %add3A_404 = arith.addi %mul3A_401, %mul3A_403 : i32
        %mul3A_405 = arith.constant 3125 : i32
        %mul3A_406 = arith.muli %arg1, %mul3A_405 : i32
        %add3A_407 = arith.constant 3125 : i32
        %add3A_408 = arith.addi %mul3A_406, %add3A_407 : i32
        %sub3A_409 = arith.constant 56 : i32
        %sub3A_410 = arith.subi %add3A_408, %sub3A_409 : i32
        %min3A_411 = arith.minsi %add3A_404, %sub3A_410 : i32
        %dma_start3A_412 = arith.constant 0 : i32
        %dma_start3A_413 = arith.constant 0 : i32
        %dma_start3A_414 = arith.constant 0 : i32
        %dma_start3A_415 = tpu.memref_slice %arg9[%dma_start3A_412, %dma_start3A_413, %dma_start3A_414] : memref<2x56x64xf32, #tpu.memory_space<vmem>> -> memref<1x56x64xf32, #tpu.memory_space<vmem>>
        %dma_start3A_416 = tpu.memref_squeeze %dma_start3A_415 : memref<1x56x64xf32, #tpu.memory_space<vmem>> -> memref<56x64xf32, #tpu.memory_space<vmem>>
        %dma_start3A_417 = tpu.memref_slice %arg4[%min3A_411, %mul3A_0] : memref<50000x128xf32, #tpu.memory_space<hbm>> -> memref<56x64xf32, #tpu.memory_space<hbm>>
        %dma_start3A_418 = arith.constant 0 : i32
        %dma_start3A_419 = arith.constant 0 : i32
        %dma_start3A_420 = tpu.memref_slice %arg9[%dma_start3A_412, %dma_start3A_418, %dma_start3A_419] : memref<2x56x64xf32, #tpu.memory_space<vmem>> -> memref<1x56x64xf32, #tpu.memory_space<vmem>>
        %dma_start3A_421 = tpu.memref_squeeze %dma_start3A_420 : memref<1x56x64xf32, #tpu.memory_space<vmem>> -> memref<56x64xf32, #tpu.memory_space<vmem>>
        %dma_start3A_422 = tpu.memref_slice %arg4[%min3A_411, %mul3A_0] : memref<50000x128xf32, #tpu.memory_space<hbm>> -> memref<56x64xf32, #tpu.memory_space<hbm>>
        tpu.enqueue_dma source(%dma_start3A_422 : memref<56x64xf32, #tpu.memory_space<hbm>>) target(%dma_start3A_421 : memref<56x64xf32, #tpu.memory_space<vmem>>) target_semaphore(%arg10 : memref<!tpu.dma_semaphore, #tpu.memory_space<semaphore_mem>>)
      } else {
      }
      %mul3A_331 = arith.constant 3125 : i32
      %mul3A_332 = arith.muli %arg1, %mul3A_331 : i32
      %mul3A_333 = arith.constant 56 : i32
      %mul3A_334 = arith.muli %add3A_323, %mul3A_333 : i32
      %add3A_335 = arith.addi %mul3A_332, %mul3A_334 : i32
      %mul3A_336 = arith.constant 3125 : i32
      %mul3A_337 = arith.muli %arg1, %mul3A_336 : i32
      %add3A_338 = arith.constant 3125 : i32
      %add3A_339 = arith.addi %mul3A_337, %add3A_338 : i32
      %sub3A_340 = arith.constant 56 : i32
      %sub3A_341 = arith.subi %add3A_339, %sub3A_340 : i32
      %min3A_342 = arith.minsi %add3A_335, %sub3A_341 : i32
      %dma_wait3A_343 = arith.constant 1 : i32
      %dma_wait3A_344 = arith.constant 0 : i32
      %dma_wait3A_345 = arith.constant 0 : i32
      %dma_wait3A_346 = tpu.memref_slice %arg9[%dma_wait3A_343, %dma_wait3A_344, %dma_wait3A_345] : memref<2x56x64xf32, #tpu.memory_space<vmem>> -> memref<1x56x64xf32, #tpu.memory_space<vmem>>
      %dma_wait3A_347 = tpu.memref_squeeze %dma_wait3A_346 : memref<1x56x64xf32, #tpu.memory_space<vmem>> -> memref<56x64xf32, #tpu.memory_space<vmem>>
      %dma_wait3A_348 = tpu.memref_slice %arg4[%min3A_342, %mul3A_0] : memref<50000x128xf32, #tpu.memory_space<hbm>> -> memref<56x64xf32, #tpu.memory_space<hbm>>
      %dma_wait3A_349 = arith.constant 0 : i32
      %dma_wait3A_350 = arith.constant 0 : i32
      %dma_wait3A_351 = tpu.memref_slice %arg9[%dma_wait3A_343, %dma_wait3A_349, %dma_wait3A_350] : memref<2x56x64xf32, #tpu.memory_space<vmem>> -> memref<1x56x64xf32, #tpu.memory_space<vmem>>
      %dma_wait3A_352 = tpu.memref_squeeze %dma_wait3A_351 : memref<1x56x64xf32, #tpu.memory_space<vmem>> -> memref<56x64xf32, #tpu.memory_space<vmem>>
      %dma_wait3A_353 = tpu.memref_slice %arg4[%min3A_342, %mul3A_0] : memref<50000x128xf32, #tpu.memory_space<hbm>> -> memref<56x64xf32, #tpu.memory_space<hbm>>
      tpu.wait_dma2 semaphore(%arg11 : memref<!tpu.dma_semaphore, #tpu.memory_space<semaphore_mem>>) src(%dma_wait3A_353 : memref<56x64xf32, #tpu.memory_space<hbm>>) dst(%dma_wait3A_352 : memref<56x64xf32, #tpu.memory_space<vmem>>)
      %ge3A_354 = arith.constant 2 : i32
      %ge3A_355 = arith.cmpi sge, %add3A_323, %ge3A_354 : i32
      %convert_element_type3A_356 = arith.extui %ge3A_355 : i1 to i32
      %cond3A_357 = arith.constant 0 : i32
      %cond3A_358 = arith.cmpi ne, %convert_element_type3A_356, %cond3A_357 : i32
      scf.if %cond3A_358 {
        %sub3A_398 = arith.constant 2 : i32
        %sub3A_399 = arith.subi %add3A_323, %sub3A_398 : i32
        %mul3A_400 = arith.constant 3125 : i32
        %mul3A_401 = arith.muli %arg1, %mul3A_400 : i32
        %mul3A_402 = arith.constant 56 : i32
        %mul3A_403 = arith.muli %sub3A_399, %mul3A_402 : i32
        %add3A_404 = arith.addi %mul3A_401, %mul3A_403 : i32
        %mul3A_405 = arith.constant 3125 : i32
        %mul3A_406 = arith.muli %arg1, %mul3A_405 : i32
        %add3A_407 = arith.constant 3125 : i32
        %add3A_408 = arith.addi %mul3A_406, %add3A_407 : i32
        %sub3A_409 = arith.constant 56 : i32
        %sub3A_410 = arith.subi %add3A_408, %sub3A_409 : i32
        %min3A_411 = arith.minsi %add3A_404, %sub3A_410 : i32
        %dma_wait3A_412 = arith.constant 1 : i32
        %dma_wait3A_413 = arith.constant 0 : i32
        %dma_wait3A_414 = arith.constant 0 : i32
        %dma_wait3A_415 = tpu.memref_slice %arg8[%dma_wait3A_412, %dma_wait3A_413, %dma_wait3A_414] : memref<2x352x64xbf16, #tpu.memory_space<vmem>> -> memref<1x352x64xbf16, #tpu.memory_space<vmem>>
        %dma_wait3A_416 = tpu.memref_squeeze %dma_wait3A_415 : memref<1x352x64xbf16, #tpu.memory_space<vmem>> -> memref<352x64xbf16, #tpu.memory_space<vmem>>
        %dma_wait3A_417 = arith.constant 0 : i32
        %dma_wait3A_418 = arith.constant 0 : i32
        %dma_wait3A_419 = tpu.memref_slice %dma_wait3A_416[%dma_wait3A_417, %dma_wait3A_418] : memref<352x64xbf16, #tpu.memory_space<vmem>> -> memref<56x64xbf16, #tpu.memory_space<vmem>>
        %dma_wait3A_420 = arith.constant 0 : i32
        %dma_wait3A_421 = tpu.memref_slice %arg6[%min3A_411, %dma_wait3A_420] : memref<50000x64xbf16, #tpu.memory_space<vmem_shared>> -> memref<56x64xbf16, #tpu.memory_space<vmem_shared>>
        %dma_wait3A_422 = arith.constant 0 : i32
        %dma_wait3A_423 = tpu.memref_slice %arg6[%min3A_411, %dma_wait3A_422] : memref<50000x64xbf16, #tpu.memory_space<vmem_shared>> -> memref<56x64xbf16, #tpu.memory_space<vmem_shared>>
        %dma_wait3A_424 = arith.constant 0 : i32
        %dma_wait3A_425 = arith.constant 0 : i32
        %dma_wait3A_426 = tpu.memref_slice %arg8[%dma_wait3A_412, %dma_wait3A_424, %dma_wait3A_425] : memref<2x352x64xbf16, #tpu.memory_space<vmem>> -> memref<1x352x64xbf16, #tpu.memory_space<vmem>>
        %dma_wait3A_427 = tpu.memref_squeeze %dma_wait3A_426 : memref<1x352x64xbf16, #tpu.memory_space<vmem>> -> memref<352x64xbf16, #tpu.memory_space<vmem>>
        %dma_wait3A_428 = arith.constant 0 : i32
        %dma_wait3A_429 = arith.constant 0 : i32
        %dma_wait3A_430 = tpu.memref_slice %dma_wait3A_427[%dma_wait3A_428, %dma_wait3A_429] : memref<352x64xbf16, #tpu.memory_space<vmem>> -> memref<56x64xbf16, #tpu.memory_space<vmem>>
        tpu.wait_dma2 semaphore(%arg13 : memref<!tpu.dma_semaphore, #tpu.memory_space<semaphore_mem>>) src(%dma_wait3A_430 : memref<56x64xbf16, #tpu.memory_space<vmem>>) dst(%dma_wait3A_423 : memref<56x64xbf16, #tpu.memory_space<vmem_shared>>)
      } else {
      }
      %scan3A_359 = arith.constant 0 : i32
      %scan3A_360 = arith.constant 0 : i32
      %scan3A_361 = arith.constant 56 : i32
      %scan3A_362 = arith.addi %scan3A_360, %scan3A_361 : i32
      %scan3A_363 = arith.constant 1 : i32
      %scan3A_364 = scf.for %scan3A_398 = %scan3A_360 to %scan3A_362 step %scan3A_363 iter_args(%scan3A_399 = %scan3A_359) -> (i32)  : i32 {
        %get3A = arith.constant 1 : i32
        %get3A_400 = arith.index_cast %get3A : i32 to index
        %get3A_401 = arith.index_cast %scan3A_398 : i32 to index
        %get3A_402 = arith.constant 0 : index
        %get3A_403 = tpu.vector_load %arg9[%get3A_400, %get3A_401, %get3A_402] {strides = array<i32>} : memref<2x56x64xf32, #tpu.memory_space<vmem>>, vector<16xf32>,
        %get3A_404 = arith.constant 1 : i32
        %get3A_405 = arith.index_cast %get3A_404 : i32 to index
        %get3A_406 = arith.index_cast %scan3A_398 : i32 to index
        %get3A_407 = arith.constant 16 : index
        %get3A_408 = tpu.vector_load %arg9[%get3A_405, %get3A_406, %get3A_407] {strides = array<i32>} : memref<2x56x64xf32, #tpu.memory_space<vmem>>, vector<16xf32>,
        %pack3A = tpu.pack_subelements %get3A_403, %get3A_408 {pack_format = #tpu.pack_format<interleaved>, positions = array<i32: 0, 1>} : vector<16xf32>, vector<16xf32> -> vector<32xbf16>
        %swap3A = arith.constant 1 : i32
        %swap3A_409 = arith.index_cast %swap3A : i32 to index
        %swap3A_410 = arith.index_cast %scan3A_398 : i32 to index
        %swap3A_411 = arith.constant 0 : index
        %swap3A_412 = tpu.vector_load %arg8[%swap3A_409, %swap3A_410, %swap3A_411] {strides = array<i32>} : memref<2x352x64xbf16, #tpu.memory_space<vmem>>, vector<32xbf16>,
        tpu.vector_store %arg8[%swap3A_409, %swap3A_410, %swap3A_411], %pack3A {strides = array<i32>} : memref<2x352x64xbf16, #tpu.memory_space<vmem>>, vector<32xbf16>,
        %get3A_413 = arith.constant 1 : i32
        %get3A_414 = arith.index_cast %get3A_413 : i32 to index
        %get3A_415 = arith.index_cast %scan3A_398 : i32 to index
        %get3A_416 = arith.constant 32 : index
        %get3A_417 = tpu.vector_load %arg9[%get3A_414, %get3A_415, %get3A_416] {strides = array<i32>} : memref<2x56x64xf32, #tpu.memory_space<vmem>>, vector<16xf32>,
        %get3A_418 = arith.constant 1 : i32
        %get3A_419 = arith.index_cast %get3A_418 : i32 to index
        %get3A_420 = arith.index_cast %scan3A_398 : i32 to index
        %get3A_421 = arith.constant 48 : index
        %get3A_422 = tpu.vector_load %arg9[%get3A_419, %get3A_420, %get3A_421] {strides = array<i32>} : memref<2x56x64xf32, #tpu.memory_space<vmem>>, vector<16xf32>,
        %pack3A_423 = tpu.pack_subelements %get3A_417, %get3A_422 {pack_format = #tpu.pack_format<interleaved>, positions = array<i32: 0, 1>} : vector<16xf32>, vector<16xf32> -> vector<32xbf16>
        %swap3A_424 = arith.constant 1 : i32
        %swap3A_425 = arith.index_cast %swap3A_424 : i32 to index
        %swap3A_426 = arith.index_cast %scan3A_398 : i32 to index
        %swap3A_427 = arith.constant 32 : index
        %swap3A_428 = tpu.vector_load %arg8[%swap3A_425, %swap3A_426, %swap3A_427] {strides = array<i32>} : memref<2x352x64xbf16, #tpu.memory_space<vmem>>, vector<32xbf16>,
        tpu.vector_store %arg8[%swap3A_425, %swap3A_426, %swap3A_427], %pack3A_423 {strides = array<i32>} : memref<2x352x64xbf16, #tpu.memory_space<vmem>>, vector<32xbf16>,
        %scan3A_429 = arith.constant 0 : i32
        scf.yield %scan3A_429 : i32
      }
      %scan3A_365 = arith.constant 56 : i32
      %mul3A_366 = arith.constant 3125 : i32
      %mul3A_367 = arith.muli %arg1, %mul3A_366 : i32
      %mul3A_368 = arith.constant 56 : i32
      %mul3A_369 = arith.muli %add3A_323, %mul3A_368 : i32
      %add3A_370 = arith.addi %mul3A_367, %mul3A_369 : i32
      %mul3A_371 = arith.constant 3125 : i32
      %mul3A_372 = arith.muli %arg1, %mul3A_371 : i32
      %add3A_373 = arith.constant 3125 : i32
      %add3A_374 = arith.addi %mul3A_372, %add3A_373 : i32
      %sub3A_375 = arith.constant 56 : i32
      %sub3A_376 = arith.subi %add3A_374, %sub3A_375 : i32
      %min3A_377 = arith.minsi %add3A_370, %sub3A_376 : i32
      %dma_start3A_378 = arith.constant 1 : i32
      %dma_start3A_379 = arith.constant 0 : i32
      %dma_start3A_380 = arith.constant 0 : i32
      %dma_start3A_381 = tpu.memref_slice %arg8[%dma_start3A_378, %dma_start3A_379, %dma_start3A_380] : memref<2x352x64xbf16, #tpu.memory_space<vmem>> -> memref<1x352x64xbf16, #tpu.memory_space<vmem>>
      %dma_start3A_382 = tpu.memref_squeeze %dma_start3A_381 : memref<1x352x64xbf16, #tpu.memory_space<vmem>> -> memref<352x64xbf16, #tpu.memory_space<vmem>>
      %dma_start3A_383 = arith.constant 0 : i32
      %dma_start3A_384 = arith.constant 0 : i32
      %dma_start3A_385 = tpu.memref_slice %dma_start3A_382[%dma_start3A_383, %dma_start3A_384] : memref<352x64xbf16, #tpu.memory_space<vmem>> -> memref<56x64xbf16, #tpu.memory_space<vmem>>
      %dma_start3A_386 = arith.constant 0 : i32
      %dma_start3A_387 = tpu.memref_slice %arg6[%min3A_377, %dma_start3A_386] : memref<50000x64xbf16, #tpu.memory_space<vmem_shared>> -> memref<56x64xbf16, #tpu.memory_space<vmem_shared>>
      %dma_start3A_388 = arith.constant 0 : i32
      %dma_start3A_389 = tpu.memref_slice %arg6[%min3A_377, %dma_start3A_388] : memref<50000x64xbf16, #tpu.memory_space<vmem_shared>> -> memref<56x64xbf16, #tpu.memory_space<vmem_shared>>
      %dma_start3A_390 = arith.constant 0 : i32
      %dma_start3A_391 = arith.constant 0 : i32
      %dma_start3A_392 = tpu.memref_slice %arg8[%dma_start3A_378, %dma_start3A_390, %dma_start3A_391] : memref<2x352x64xbf16, #tpu.memory_space<vmem>> -> memref<1x352x64xbf16, #tpu.memory_space<vmem>>
      %dma_start3A_393 = tpu.memref_squeeze %dma_start3A_392 : memref<1x352x64xbf16, #tpu.memory_space<vmem>> -> memref<352x64xbf16, #tpu.memory_space<vmem>>
      %dma_start3A_394 = arith.constant 0 : i32
      %dma_start3A_395 = arith.constant 0 : i32
      %dma_start3A_396 = tpu.memref_slice %dma_start3A_393[%dma_start3A_394, %dma_start3A_395] : memref<352x64xbf16, #tpu.memory_space<vmem>> -> memref<56x64xbf16, #tpu.memory_space<vmem>>
      tpu.enqueue_dma source(%dma_start3A_396 : memref<56x64xbf16, #tpu.memory_space<vmem>>) target(%dma_start3A_389 : memref<56x64xbf16, #tpu.memory_space<vmem_shared>>) target_semaphore(%arg13 : memref<!tpu.dma_semaphore, #tpu.memory_space<semaphore_mem>>)
      %scan3A_397 = arith.constant 0 : i32
      scf.yield %scan3A_397 : i32
    }
    %scan3A_24 = arith.constant 28 : i32
    %mul3A_25 = arith.constant 3125 : i32
    %mul3A_26 = arith.muli %arg1, %mul3A_25 : i32
    %add3A_27 = arith.constant 3024 : i32
    %add3A_28 = arith.addi %mul3A_26, %add3A_27 : i32
    %mul3A_29 = arith.constant 3125 : i32
    %mul3A_30 = arith.muli %arg1, %mul3A_29 : i32
    %add3A_31 = arith.constant 3125 : i32
    %add3A_32 = arith.addi %mul3A_30, %add3A_31 : i32
    %sub3A_33 = arith.constant 56 : i32
    %sub3A_34 = arith.subi %add3A_32, %sub3A_33 : i32
    %min3A_35 = arith.minsi %add3A_28, %sub3A_34 : i32
    %dma_wait3A = arith.constant 0 : i32
    %dma_wait3A_36 = arith.constant 0 : i32
    %dma_wait3A_37 = arith.constant 0 : i32
    %dma_wait3A_38 = tpu.memref_slice %arg8[%dma_wait3A, %dma_wait3A_36, %dma_wait3A_37] : memref<2x352x64xbf16, #tpu.memory_space<vmem>> -> memref<1x352x64xbf16, #tpu.memory_space<vmem>>
    %dma_wait3A_39 = tpu.memref_squeeze %dma_wait3A_38 : memref<1x352x64xbf16, #tpu.memory_space<vmem>> -> memref<352x64xbf16, #tpu.memory_space<vmem>>
    %dma_wait3A_40 = arith.constant 0 : i32
    %dma_wait3A_41 = arith.constant 0 : i32
    %dma_wait3A_42 = tpu.memref_slice %dma_wait3A_39[%dma_wait3A_40, %dma_wait3A_41] : memref<352x64xbf16, #tpu.memory_space<vmem>> -> memref<56x64xbf16, #tpu.memory_space<vmem>>
    %dma_wait3A_43 = arith.constant 0 : i32
    %dma_wait3A_44 = tpu.memref_slice %arg6[%min3A_35, %dma_wait3A_43] : memref<50000x64xbf16, #tpu.memory_space<vmem_shared>> -> memref<56x64xbf16, #tpu.memory_space<vmem_shared>>
    %dma_wait3A_45 = arith.constant 0 : i32
    %dma_wait3A_46 = tpu.memref_slice %arg6[%min3A_35, %dma_wait3A_45] : memref<50000x64xbf16, #tpu.memory_space<vmem_shared>> -> memref<56x64xbf16, #tpu.memory_space<vmem_shared>>
    %dma_wait3A_47 = arith.constant 0 : i32
    %dma_wait3A_48 = arith.constant 0 : i32
    %dma_wait3A_49 = tpu.memref_slice %arg8[%dma_wait3A, %dma_wait3A_47, %dma_wait3A_48] : memref<2x352x64xbf16, #tpu.memory_space<vmem>> -> memref<1x352x64xbf16, #tpu.memory_space<vmem>>
    %dma_wait3A_50 = tpu.memref_squeeze %dma_wait3A_49 : memref<1x352x64xbf16, #tpu.memory_space<vmem>> -> memref<352x64xbf16, #tpu.memory_space<vmem>>
    %dma_wait3A_51 = arith.constant 0 : i32
    %dma_wait3A_52 = arith.constant 0 : i32
    %dma_wait3A_53 = tpu.memref_slice %dma_wait3A_50[%dma_wait3A_51, %dma_wait3A_52] : memref<352x64xbf16, #tpu.memory_space<vmem>> -> memref<56x64xbf16, #tpu.memory_space<vmem>>
    tpu.wait_dma2 semaphore(%arg12 : memref<!tpu.dma_semaphore, #tpu.memory_space<semaphore_mem>>) src(%dma_wait3A_53 : memref<56x64xbf16, #tpu.memory_space<vmem>>) dst(%dma_wait3A_46 : memref<56x64xbf16, #tpu.memory_space<vmem_shared>>)
    %mul3A_54 = arith.constant 3125 : i32
    %mul3A_55 = arith.muli %arg1, %mul3A_54 : i32
    %add3A_56 = arith.constant 3080 : i32
    %add3A_57 = arith.addi %mul3A_55, %add3A_56 : i32
    %mul3A_58 = arith.constant 3125 : i32
    %mul3A_59 = arith.muli %arg1, %mul3A_58 : i32
    %add3A_60 = arith.constant 3125 : i32
    %add3A_61 = arith.addi %mul3A_59, %add3A_60 : i32
    %sub3A_62 = arith.constant 56 : i32
    %sub3A_63 = arith.subi %add3A_61, %sub3A_62 : i32
    %min3A_64 = arith.minsi %add3A_57, %sub3A_63 : i32
    %dma_wait3A_65 = arith.constant 1 : i32
    %dma_wait3A_66 = arith.constant 0 : i32
    %dma_wait3A_67 = arith.constant 0 : i32
    %dma_wait3A_68 = tpu.memref_slice %arg8[%dma_wait3A_65, %dma_wait3A_66, %dma_wait3A_67] : memref<2x352x64xbf16, #tpu.memory_space<vmem>> -> memref<1x352x64xbf16, #tpu.memory_space<vmem>>
    %dma_wait3A_69 = tpu.memref_squeeze %dma_wait3A_68 : memref<1x352x64xbf16, #tpu.memory_space<vmem>> -> memref<352x64xbf16, #tpu.memory_space<vmem>>
    %dma_wait3A_70 = arith.constant 0 : i32
    %dma_wait3A_71 = arith.constant 0 : i32
    %dma_wait3A_72 = tpu.memref_slice %dma_wait3A_69[%dma_wait3A_70, %dma_wait3A_71] : memref<352x64xbf16, #tpu.memory_space<vmem>> -> memref<56x64xbf16, #tpu.memory_space<vmem>>
    %dma_wait3A_73 = arith.constant 0 : i32
    %dma_wait3A_74 = tpu.memref_slice %arg6[%min3A_64, %dma_wait3A_73] : memref<50000x64xbf16, #tpu.memory_space<vmem_shared>> -> memref<56x64xbf16, #tpu.memory_space<vmem_shared>>
    %dma_wait3A_75 = arith.constant 0 : i32
    %dma_wait3A_76 = tpu.memref_slice %arg6[%min3A_64, %dma_wait3A_75] : memref<50000x64xbf16, #tpu.memory_space<vmem_shared>> -> memref<56x64xbf16, #tpu.memory_space<vmem_shared>>
    %dma_wait3A_77 = arith.constant 0 : i32
    %dma_wait3A_78 = arith.constant 0 : i32
    %dma_wait3A_79 = tpu.memref_slice %arg8[%dma_wait3A_65, %dma_wait3A_77, %dma_wait3A_78] : memref<2x352x64xbf16, #tpu.memory_space<vmem>> -> memref<1x352x64xbf16, #tpu.memory_space<vmem>>
    %dma_wait3A_80 = tpu.memref_squeeze %dma_wait3A_79 : memref<1x352x64xbf16, #tpu.memory_space<vmem>> -> memref<352x64xbf16, #tpu.memory_space<vmem>>
    %dma_wait3A_81 = arith.constant 0 : i32
    %dma_wait3A_82 = arith.constant 0 : i32
    %dma_wait3A_83 = tpu.memref_slice %dma_wait3A_80[%dma_wait3A_81, %dma_wait3A_82] : memref<352x64xbf16, #tpu.memory_space<vmem>> -> memref<56x64xbf16, #tpu.memory_space<vmem>>
    tpu.wait_dma2 semaphore(%arg13 : memref<!tpu.dma_semaphore, #tpu.memory_space<semaphore_mem>>) src(%dma_wait3A_83 : memref<56x64xbf16, #tpu.memory_space<vmem>>) dst(%dma_wait3A_76 : memref<56x64xbf16, #tpu.memory_space<vmem_shared>>)
    %barrier3A = arith.constant 0 : index
    tpu.barrier barrier_id(%barrier3A)
    %mul3A_84 = arith.constant 3128 : i32
    %mul3A_85 = arith.muli %arg1, %mul3A_84 : i32
    %add3A_86 = arith.constant 0 : i32
    %add3A_87 = arith.addi %mul3A_85, %add3A_86 : i32
    %min3A_88 = arith.constant 49968 : i32
    %min3A_89 = arith.minsi %add3A_87, %min3A_88 : i32
    %mul3A_90 = arith.constant 10 : i32
    %mul3A_91 = arith.muli %min3A_89, %mul3A_90 : i32
    %dma_start3A_92 = arith.constant 0 : i32
    %dma_start3A_93 = arith.constant 0 : i32
    %dma_start3A_94 = tpu.memref_slice %arg7[%dma_start3A_92, %dma_start3A_93] : memref<3x352xi32, #tpu.memory_space<vmem>> -> memref<1x320xi32, #tpu.memory_space<vmem>>
    %dma_start3A_95 = tpu.memref_squeeze %dma_start3A_94 : memref<1x320xi32, #tpu.memory_space<vmem>> -> memref<320xi32, #tpu.memory_space<vmem>>
    %dma_start3A_96 = tpu.memref_slice %arg3[%mul3A_91] : memref<500000xi32, #tpu.memory_space<hbm>> -> memref<320xi32, #tpu.memory_space<hbm>>
    %dma_start3A_97 = arith.constant 0 : i32
    %dma_start3A_98 = tpu.memref_slice %arg7[%dma_start3A_92, %dma_start3A_97] : memref<3x352xi32, #tpu.memory_space<vmem>> -> memref<1x320xi32, #tpu.memory_space<vmem>>
    %dma_start3A_99 = tpu.memref_squeeze %dma_start3A_98 : memref<1x320xi32, #tpu.memory_space<vmem>> -> memref<320xi32, #tpu.memory_space<vmem>>
    %dma_start3A_100 = tpu.memref_slice %arg3[%mul3A_91] : memref<500000xi32, #tpu.memory_space<hbm>> -> memref<320xi32, #tpu.memory_space<hbm>>
    tpu.enqueue_dma source(%dma_start3A_100 : memref<320xi32, #tpu.memory_space<hbm>>) target(%dma_start3A_99 : memref<320xi32, #tpu.memory_space<vmem>>) target_semaphore(%arg14 : memref<!tpu.dma_semaphore, #tpu.memory_space<semaphore_mem>>)
    %dma_start3A_101 = arith.constant 0 : i32
    %dma_start3A_102 = arith.constant 320 : i32
    %dma_start3A_103 = tpu.memref_slice %arg7[%dma_start3A_101, %dma_start3A_102] : memref<3x352xi32, #tpu.memory_space<vmem>> -> memref<1x32xi32, #tpu.memory_space<vmem>>
    %dma_start3A_104 = tpu.memref_squeeze %dma_start3A_103 : memref<1x32xi32, #tpu.memory_space<vmem>> -> memref<32xi32, #tpu.memory_space<vmem>>
    %dma_start3A_105 = tpu.memref_slice %arg2[%min3A_89] : memref<50000xi32, #tpu.memory_space<hbm>> -> memref<32xi32, #tpu.memory_space<hbm>>
    %dma_start3A_106 = arith.constant 320 : i32
    %dma_start3A_107 = tpu.memref_slice %arg7[%dma_start3A_101, %dma_start3A_106] : memref<3x352xi32, #tpu.memory_space<vmem>> -> memref<1x32xi32, #tpu.memory_space<vmem>>
    %dma_start3A_108 = tpu.memref_squeeze %dma_start3A_107 : memref<1x32xi32, #tpu.memory_space<vmem>> -> memref<32xi32, #tpu.memory_space<vmem>>
    %dma_start3A_109 = tpu.memref_slice %arg2[%min3A_89] : memref<50000xi32, #tpu.memory_space<hbm>> -> memref<32xi32, #tpu.memory_space<hbm>>
    tpu.enqueue_dma source(%dma_start3A_109 : memref<32xi32, #tpu.memory_space<hbm>>) target(%dma_start3A_108 : memref<32xi32, #tpu.memory_space<vmem>>) target_semaphore(%arg14 : memref<!tpu.dma_semaphore, #tpu.memory_space<semaphore_mem>>)
    %mul3A_110 = arith.constant 3128 : i32
    %mul3A_111 = arith.muli %arg1, %mul3A_110 : i32
    %add3A_112 = arith.constant 0 : i32
    %add3A_113 = arith.addi %mul3A_111, %add3A_112 : i32
    %min3A_114 = arith.constant 49968 : i32
    %min3A_115 = arith.minsi %add3A_113, %min3A_114 : i32
    %mul3A_116 = arith.constant 10 : i32
    %mul3A_117 = arith.muli %min3A_115, %mul3A_116 : i32
    %dma_wait3A_118 = arith.constant 0 : i32
    %dma_wait3A_119 = arith.constant 0 : i32
    %dma_wait3A_120 = tpu.memref_slice %arg7[%dma_wait3A_118, %dma_wait3A_119] : memref<3x352xi32, #tpu.memory_space<vmem>> -> memref<1x320xi32, #tpu.memory_space<vmem>>
    %dma_wait3A_121 = tpu.memref_squeeze %dma_wait3A_120 : memref<1x320xi32, #tpu.memory_space<vmem>> -> memref<320xi32, #tpu.memory_space<vmem>>
    %dma_wait3A_122 = tpu.memref_slice %arg3[%mul3A_117] : memref<500000xi32, #tpu.memory_space<hbm>> -> memref<320xi32, #tpu.memory_space<hbm>>
    %dma_wait3A_123 = arith.constant 0 : i32
    %dma_wait3A_124 = tpu.memref_slice %arg7[%dma_wait3A_118, %dma_wait3A_123] : memref<3x352xi32, #tpu.memory_space<vmem>> -> memref<1x320xi32, #tpu.memory_space<vmem>>
    %dma_wait3A_125 = tpu.memref_squeeze %dma_wait3A_124 : memref<1x320xi32, #tpu.memory_space<vmem>> -> memref<320xi32, #tpu.memory_space<vmem>>
    %dma_wait3A_126 = tpu.memref_slice %arg3[%mul3A_117] : memref<500000xi32, #tpu.memory_space<hbm>> -> memref<320xi32, #tpu.memory_space<hbm>>
    tpu.wait_dma2 semaphore(%arg14 : memref<!tpu.dma_semaphore, #tpu.memory_space<semaphore_mem>>) src(%dma_wait3A_126 : memref<320xi32, #tpu.memory_space<hbm>>) dst(%dma_wait3A_125 : memref<320xi32, #tpu.memory_space<vmem>>)
    %dma_wait3A_127 = arith.constant 0 : i32
    %dma_wait3A_128 = arith.constant 320 : i32
    %dma_wait3A_129 = tpu.memref_slice %arg7[%dma_wait3A_127, %dma_wait3A_128] : memref<3x352xi32, #tpu.memory_space<vmem>> -> memref<1x32xi32, #tpu.memory_space<vmem>>
    %dma_wait3A_130 = tpu.memref_squeeze %dma_wait3A_129 : memref<1x32xi32, #tpu.memory_space<vmem>> -> memref<32xi32, #tpu.memory_space<vmem>>
    %dma_wait3A_131 = tpu.memref_slice %arg2[%min3A_115] : memref<50000xi32, #tpu.memory_space<hbm>> -> memref<32xi32, #tpu.memory_space<hbm>>
    %dma_wait3A_132 = arith.constant 320 : i32
    %dma_wait3A_133 = tpu.memref_slice %arg7[%dma_wait3A_127, %dma_wait3A_132] : memref<3x352xi32, #tpu.memory_space<vmem>> -> memref<1x32xi32, #tpu.memory_space<vmem>>
    %dma_wait3A_134 = tpu.memref_squeeze %dma_wait3A_133 : memref<1x32xi32, #tpu.memory_space<vmem>> -> memref<32xi32, #tpu.memory_space<vmem>>
    %dma_wait3A_135 = tpu.memref_slice %arg2[%min3A_115] : memref<50000xi32, #tpu.memory_space<hbm>> -> memref<32xi32, #tpu.memory_space<hbm>>
    tpu.wait_dma2 semaphore(%arg14 : memref<!tpu.dma_semaphore, #tpu.memory_space<semaphore_mem>>) src(%dma_wait3A_135 : memref<32xi32, #tpu.memory_space<hbm>>) dst(%dma_wait3A_134 : memref<32xi32, #tpu.memory_space<vmem>>)
    %dma_start3A_136 = arith.constant 0 : i32
    %dma_start3A_137 = arith.constant 0 : i32
    %dma_start3A_138 = arith.constant 0 : i32
    %dma_start3A_139 = arith.constant 0 : i32
    %dma_start3A_140 = tpu.memref_slice %arg8[%dma_start3A_137, %dma_start3A_138, %dma_start3A_139] : memref<2x352x64xbf16, #tpu.memory_space<vmem>> -> memref<1x352x64xbf16, #tpu.memory_space<vmem>>
    %dma_start3A_141 = tpu.memref_squeeze %dma_start3A_140 : memref<1x352x64xbf16, #tpu.memory_space<vmem>> -> memref<352x64xbf16, #tpu.memory_space<vmem>>
    %dma_start3A_142 = arith.constant 0 : i32
    %dma_start3A_143 = arith.constant 0 : i32
    %dma_start3A_144 = tpu.memref_slice %dma_start3A_141[%dma_start3A_142, %dma_start3A_143] : memref<352x64xbf16, #tpu.memory_space<vmem>> -> memref<320x64xbf16, #tpu.memory_space<vmem>>
    %dma_start3A_145 = arith.constant 0 : i32
    %dma_start3A_146 = tpu.memref_slice %arg7[%dma_start3A_136, %dma_start3A_145] : memref<3x352xi32, #tpu.memory_space<vmem>> -> memref<1x320xi32, #tpu.memory_space<vmem>>
    %dma_start3A_147 = tpu.memref_squeeze %dma_start3A_146 : memref<1x320xi32, #tpu.memory_space<vmem>> -> memref<320xi32, #tpu.memory_space<vmem>>
    %dma_start3A_148 = arith.constant 0 : i32
    %dma_start3A_149 = arith.constant 0 : i32
    %dma_start3A_150 = tpu.memref_slice %arg6[%dma_start3A_148, %dma_start3A_149] : memref<50000x64xbf16, #tpu.memory_space<vmem_shared>> -> memref<50000x64xbf16, #tpu.memory_space<vmem_shared>>
    tpu.enqueue_indirect_dma source(%dma_start3A_150 : memref<50000x64xbf16, #tpu.memory_space<vmem_shared>>) target(%dma_start3A_144 : memref<320x64xbf16, #tpu.memory_space<vmem>>) offsets(%dma_start3A_147 : memref<320xi32, #tpu.memory_space<vmem>>) semaphore(%arg10 : memref<!tpu.dma_semaphore, #tpu.memory_space<semaphore_mem>>)
    %dma_start3A_151 = arith.constant 0 : i32
    %dma_start3A_152 = arith.constant 0 : i32
    %dma_start3A_153 = arith.constant 0 : i32
    %dma_start3A_154 = arith.constant 0 : i32
    %dma_start3A_155 = tpu.memref_slice %arg8[%dma_start3A_152, %dma_start3A_153, %dma_start3A_154] : memref<2x352x64xbf16, #tpu.memory_space<vmem>> -> memref<1x352x64xbf16, #tpu.memory_space<vmem>>
    %dma_start3A_156 = tpu.memref_squeeze %dma_start3A_155 : memref<1x352x64xbf16, #tpu.memory_space<vmem>> -> memref<352x64xbf16, #tpu.memory_space<vmem>>
    %dma_start3A_157 = arith.constant 320 : i32
    %dma_start3A_158 = arith.constant 0 : i32
    %dma_start3A_159 = tpu.memref_slice %dma_start3A_156[%dma_start3A_157, %dma_start3A_158] : memref<352x64xbf16, #tpu.memory_space<vmem>> -> memref<32x64xbf16, #tpu.memory_space<vmem>>
    %dma_start3A_160 = arith.constant 320 : i32
    %dma_start3A_161 = tpu.memref_slice %arg7[%dma_start3A_151, %dma_start3A_160] : memref<3x352xi32, #tpu.memory_space<vmem>> -> memref<1x32xi32, #tpu.memory_space<vmem>>
    %dma_start3A_162 = tpu.memref_squeeze %dma_start3A_161 : memref<1x32xi32, #tpu.memory_space<vmem>> -> memref<32xi32, #tpu.memory_space<vmem>>
    %dma_start3A_163 = arith.constant 0 : i32
    %dma_start3A_164 = arith.constant 0 : i32
    %dma_start3A_165 = tpu.memref_slice %arg6[%dma_start3A_163, %dma_start3A_164] : memref<50000x64xbf16, #tpu.memory_space<vmem_shared>> -> memref<50000x64xbf16, #tpu.memory_space<vmem_shared>>
    tpu.enqueue_indirect_dma source(%dma_start3A_165 : memref<50000x64xbf16, #tpu.memory_space<vmem_shared>>) target(%dma_start3A_159 : memref<32x64xbf16, #tpu.memory_space<vmem>>) offsets(%dma_start3A_162 : memref<32xi32, #tpu.memory_space<vmem>>) semaphore(%arg10 : memref<!tpu.dma_semaphore, #tpu.memory_space<semaphore_mem>>)
    %mul3A_166 = arith.constant 3128 : i32
    %mul3A_167 = arith.muli %arg1, %mul3A_166 : i32
    %add3A_168 = arith.constant 32 : i32
    %add3A_169 = arith.addi %mul3A_167, %add3A_168 : i32
    %min3A_170 = arith.constant 49968 : i32
    %min3A_171 = arith.minsi %add3A_169, %min3A_170 : i32
    %mul3A_172 = arith.constant 10 : i32
    %mul3A_173 = arith.muli %min3A_171, %mul3A_172 : i32
    %dma_start3A_174 = arith.constant 1 : i32
    %dma_start3A_175 = arith.constant 0 : i32
    %dma_start3A_176 = tpu.memref_slice %arg7[%dma_start3A_174, %dma_start3A_175] : memref<3x352xi32, #tpu.memory_space<vmem>> -> memref<1x320xi32, #tpu.memory_space<vmem>>
    %dma_start3A_177 = tpu.memref_squeeze %dma_start3A_176 : memref<1x320xi32, #tpu.memory_space<vmem>> -> memref<320xi32, #tpu.memory_space<vmem>>
    %dma_start3A_178 = tpu.memref_slice %arg3[%mul3A_173] : memref<500000xi32, #tpu.memory_space<hbm>> -> memref<320xi32, #tpu.memory_space<hbm>>
    %dma_start3A_179 = arith.constant 0 : i32
    %dma_start3A_180 = tpu.memref_slice %arg7[%dma_start3A_174, %dma_start3A_179] : memref<3x352xi32, #tpu.memory_space<vmem>> -> memref<1x320xi32, #tpu.memory_space<vmem>>
    %dma_start3A_181 = tpu.memref_squeeze %dma_start3A_180 : memref<1x320xi32, #tpu.memory_space<vmem>> -> memref<320xi32, #tpu.memory_space<vmem>>
    %dma_start3A_182 = tpu.memref_slice %arg3[%mul3A_173] : memref<500000xi32, #tpu.memory_space<hbm>> -> memref<320xi32, #tpu.memory_space<hbm>>
    tpu.enqueue_dma source(%dma_start3A_182 : memref<320xi32, #tpu.memory_space<hbm>>) target(%dma_start3A_181 : memref<320xi32, #tpu.memory_space<vmem>>) target_semaphore(%arg15 : memref<!tpu.dma_semaphore, #tpu.memory_space<semaphore_mem>>)
    %dma_start3A_183 = arith.constant 1 : i32
    %dma_start3A_184 = arith.constant 320 : i32
    %dma_start3A_185 = tpu.memref_slice %arg7[%dma_start3A_183, %dma_start3A_184] : memref<3x352xi32, #tpu.memory_space<vmem>> -> memref<1x32xi32, #tpu.memory_space<vmem>>
    %dma_start3A_186 = tpu.memref_squeeze %dma_start3A_185 : memref<1x32xi32, #tpu.memory_space<vmem>> -> memref<32xi32, #tpu.memory_space<vmem>>
    %dma_start3A_187 = tpu.memref_slice %arg2[%min3A_171] : memref<50000xi32, #tpu.memory_space<hbm>> -> memref<32xi32, #tpu.memory_space<hbm>>
    %dma_start3A_188 = arith.constant 320 : i32
    %dma_start3A_189 = tpu.memref_slice %arg7[%dma_start3A_183, %dma_start3A_188] : memref<3x352xi32, #tpu.memory_space<vmem>> -> memref<1x32xi32, #tpu.memory_space<vmem>>
    %dma_start3A_190 = tpu.memref_squeeze %dma_start3A_189 : memref<1x32xi32, #tpu.memory_space<vmem>> -> memref<32xi32, #tpu.memory_space<vmem>>
    %dma_start3A_191 = tpu.memref_slice %arg2[%min3A_171] : memref<50000xi32, #tpu.memory_space<hbm>> -> memref<32xi32, #tpu.memory_space<hbm>>
    tpu.enqueue_dma source(%dma_start3A_191 : memref<32xi32, #tpu.memory_space<hbm>>) target(%dma_start3A_190 : memref<32xi32, #tpu.memory_space<vmem>>) target_semaphore(%arg15 : memref<!tpu.dma_semaphore, #tpu.memory_space<semaphore_mem>>)
    %scan3A_192 = arith.constant 0 : i32
    %scan3A_193 = arith.constant 0 : i32
    %scan3A_194 = arith.constant 17 : i32
    %scan3A_195 = arith.addi %scan3A_193, %scan3A_194 : i32
    %scan3A_196 = arith.constant 1 : i32
    %scan3A_197 = scf.for %scan3A_245 = %scan3A_193 to %scan3A_195 step %scan3A_196 iter_args(%scan3A_246 = %scan3A_192) -> (i32)  : i32 {
      %mul3A_247 = arith.constant 6 : i32
      %mul3A_248 = arith.muli %mul3A_247, %scan3A_245 : i32
      %add3A_249 = arith.constant 0 : i32
      %add3A_250 = arith.addi %mul3A_248, %add3A_249 : i32
      %add3A_251 = arith.constant 2 : i32
      %add3A_252 = arith.addi %add3A_250, %add3A_251 : i32
      %lt3A = arith.constant 102 : i32
      %lt3A_253 = arith.cmpi slt, %add3A_252, %lt3A : i32
      %convert_element_type3A = arith.extui %lt3A_253 : i1 to i32
      %cond3A = arith.constant 0 : i32
      %cond3A_254 = arith.cmpi ne, %convert_element_type3A, %cond3A : i32
      scf.if %cond3A_254 {
        %add3A_748 = arith.constant 2 : i32
        %add3A_749 = arith.addi %add3A_250, %add3A_748 : i32
        %mul3A_750 = arith.constant 3128 : i32
        %mul3A_751 = arith.muli %arg1, %mul3A_750 : i32
        %mul3A_752 = arith.constant 32 : i32
        %mul3A_753 = arith.muli %add3A_749, %mul3A_752 : i32
        %add3A_754 = arith.addi %mul3A_751, %mul3A_753 : i32
        %min3A_755 = arith.constant 49968 : i32
        %min3A_756 = arith.minsi %add3A_754, %min3A_755 : i32
        %mul3A_757 = arith.constant 10 : i32
        %mul3A_758 = arith.muli %min3A_756, %mul3A_757 : i32
        %dma_start3A_759 = arith.constant 2 : i32
        %dma_start3A_760 = arith.constant 0 : i32
        %dma_start3A_761 = tpu.memref_slice %arg7[%dma_start3A_759, %dma_start3A_760] : memref<3x352xi32, #tpu.memory_space<vmem>> -> memref<1x320xi32, #tpu.memory_space<vmem>>
        %dma_start3A_762 = tpu.memref_squeeze %dma_start3A_761 : memref<1x320xi32, #tpu.memory_space<vmem>> -> memref<320xi32, #tpu.memory_space<vmem>>
        %dma_start3A_763 = tpu.memref_slice %arg3[%mul3A_758] : memref<500000xi32, #tpu.memory_space<hbm>> -> memref<320xi32, #tpu.memory_space<hbm>>
        %dma_start3A_764 = arith.constant 0 : i32
        %dma_start3A_765 = tpu.memref_slice %arg7[%dma_start3A_759, %dma_start3A_764] : memref<3x352xi32, #tpu.memory_space<vmem>> -> memref<1x320xi32, #tpu.memory_space<vmem>>
        %dma_start3A_766 = tpu.memref_squeeze %dma_start3A_765 : memref<1x320xi32, #tpu.memory_space<vmem>> -> memref<320xi32, #tpu.memory_space<vmem>>
        %dma_start3A_767 = tpu.memref_slice %arg3[%mul3A_758] : memref<500000xi32, #tpu.memory_space<hbm>> -> memref<320xi32, #tpu.memory_space<hbm>>
        tpu.enqueue_dma source(%dma_start3A_767 : memref<320xi32, #tpu.memory_space<hbm>>) target(%dma_start3A_766 : memref<320xi32, #tpu.memory_space<vmem>>) target_semaphore(%arg16 : memref<!tpu.dma_semaphore, #tpu.memory_space<semaphore_mem>>)
        %dma_start3A_768 = arith.constant 2 : i32
        %dma_start3A_769 = arith.constant 320 : i32
        %dma_start3A_770 = tpu.memref_slice %arg7[%dma_start3A_768, %dma_start3A_769] : memref<3x352xi32, #tpu.memory_space<vmem>> -> memref<1x32xi32, #tpu.memory_space<vmem>>
        %dma_start3A_771 = tpu.memref_squeeze %dma_start3A_770 : memref<1x32xi32, #tpu.memory_space<vmem>> -> memref<32xi32, #tpu.memory_space<vmem>>
        %dma_start3A_772 = tpu.memref_slice %arg2[%min3A_756] : memref<50000xi32, #tpu.memory_space<hbm>> -> memref<32xi32, #tpu.memory_space<hbm>>
        %dma_start3A_773 = arith.constant 320 : i32
        %dma_start3A_774 = tpu.memref_slice %arg7[%dma_start3A_768, %dma_start3A_773] : memref<3x352xi32, #tpu.memory_space<vmem>> -> memref<1x32xi32, #tpu.memory_space<vmem>>
        %dma_start3A_775 = tpu.memref_squeeze %dma_start3A_774 : memref<1x32xi32, #tpu.memory_space<vmem>> -> memref<32xi32, #tpu.memory_space<vmem>>
        %dma_start3A_776 = tpu.memref_slice %arg2[%min3A_756] : memref<50000xi32, #tpu.memory_space<hbm>> -> memref<32xi32, #tpu.memory_space<hbm>>
        tpu.enqueue_dma source(%dma_start3A_776 : memref<32xi32, #tpu.memory_space<hbm>>) target(%dma_start3A_775 : memref<32xi32, #tpu.memory_space<vmem>>) target_semaphore(%arg16 : memref<!tpu.dma_semaphore, #tpu.memory_space<semaphore_mem>>)
      } else {
      }
      %add3A_255 = arith.constant 1 : i32
      %add3A_256 = arith.addi %add3A_250, %add3A_255 : i32
      %lt3A_257 = arith.constant 102 : i32
      %lt3A_258 = arith.cmpi slt, %add3A_256, %lt3A_257 : i32
      %convert_element_type3A_259 = arith.extui %lt3A_258 : i1 to i32
      %cond3A_260 = arith.constant 0 : i32
      %cond3A_261 = arith.cmpi ne, %convert_element_type3A_259, %cond3A_260 : i32
      scf.if %cond3A_261 {
        %add3A_748 = arith.constant 1 : i32
        %add3A_749 = arith.addi %add3A_250, %add3A_748 : i32
        %mul3A_750 = arith.constant 3128 : i32
        %mul3A_751 = arith.muli %arg1, %mul3A_750 : i32
        %mul3A_752 = arith.constant 32 : i32
        %mul3A_753 = arith.muli %add3A_749, %mul3A_752 : i32
        %add3A_754 = arith.addi %mul3A_751, %mul3A_753 : i32
        %min3A_755 = arith.constant 49968 : i32
        %min3A_756 = arith.minsi %add3A_754, %min3A_755 : i32
        %mul3A_757 = arith.constant 10 : i32
        %mul3A_758 = arith.muli %min3A_756, %mul3A_757 : i32
        %dma_wait3A_759 = arith.constant 1 : i32
        %dma_wait3A_760 = arith.constant 0 : i32
        %dma_wait3A_761 = tpu.memref_slice %arg7[%dma_wait3A_759, %dma_wait3A_760] : memref<3x352xi32, #tpu.memory_space<vmem>> -> memref<1x320xi32, #tpu.memory_space<vmem>>
        %dma_wait3A_762 = tpu.memref_squeeze %dma_wait3A_761 : memref<1x320xi32, #tpu.memory_space<vmem>> -> memref<320xi32, #tpu.memory_space<vmem>>
        %dma_wait3A_763 = tpu.memref_slice %arg3[%mul3A_758] : memref<500000xi32, #tpu.memory_space<hbm>> -> memref<320xi32, #tpu.memory_space<hbm>>
        %dma_wait3A_764 = arith.constant 0 : i32
        %dma_wait3A_765 = tpu.memref_slice %arg7[%dma_wait3A_759, %dma_wait3A_764] : memref<3x352xi32, #tpu.memory_space<vmem>> -> memref<1x320xi32, #tpu.memory_space<vmem>>
        %dma_wait3A_766 = tpu.memref_squeeze %dma_wait3A_765 : memref<1x320xi32, #tpu.memory_space<vmem>> -> memref<320xi32, #tpu.memory_space<vmem>>
        %dma_wait3A_767 = tpu.memref_slice %arg3[%mul3A_758] : memref<500000xi32, #tpu.memory_space<hbm>> -> memref<320xi32, #tpu.memory_space<hbm>>
        tpu.wait_dma2 semaphore(%arg15 : memref<!tpu.dma_semaphore, #tpu.memory_space<semaphore_mem>>) src(%dma_wait3A_767 : memref<320xi32, #tpu.memory_space<hbm>>) dst(%dma_wait3A_766 : memref<320xi32, #tpu.memory_space<vmem>>)
        %dma_wait3A_768 = arith.constant 1 : i32
        %dma_wait3A_769 = arith.constant 320 : i32
        %dma_wait3A_770 = tpu.memref_slice %arg7[%dma_wait3A_768, %dma_wait3A_769] : memref<3x352xi32, #tpu.memory_space<vmem>> -> memref<1x32xi32, #tpu.memory_space<vmem>>
        %dma_wait3A_771 = tpu.memref_squeeze %dma_wait3A_770 : memref<1x32xi32, #tpu.memory_space<vmem>> -> memref<32xi32, #tpu.memory_space<vmem>>
        %dma_wait3A_772 = tpu.memref_slice %arg2[%min3A_756] : memref<50000xi32, #tpu.memory_space<hbm>> -> memref<32xi32, #tpu.memory_space<hbm>>
        %dma_wait3A_773 = arith.constant 320 : i32
        %dma_wait3A_774 = tpu.memref_slice %arg7[%dma_wait3A_768, %dma_wait3A_773] : memref<3x352xi32, #tpu.memory_space<vmem>> -> memref<1x32xi32, #tpu.memory_space<vmem>>
        %dma_wait3A_775 = tpu.memref_squeeze %dma_wait3A_774 : memref<1x32xi32, #tpu.memory_space<vmem>> -> memref<32xi32, #tpu.memory_space<vmem>>
        %dma_wait3A_776 = tpu.memref_slice %arg2[%min3A_756] : memref<50000xi32, #tpu.memory_space<hbm>> -> memref<32xi32, #tpu.memory_space<hbm>>
        tpu.wait_dma2 semaphore(%arg15 : memref<!tpu.dma_semaphore, #tpu.memory_space<semaphore_mem>>) src(%dma_wait3A_776 : memref<32xi32, #tpu.memory_space<hbm>>) dst(%dma_wait3A_775 : memref<32xi32, #tpu.memory_space<vmem>>)
        %dma_start3A_777 = arith.constant 1 : i32
        %dma_start3A_778 = arith.constant 1 : i32
        %dma_start3A_779 = arith.constant 0 : i32
        %dma_start3A_780 = arith.constant 0 : i32
        %dma_start3A_781 = tpu.memref_slice %arg8[%dma_start3A_778, %dma_start3A_779, %dma_start3A_780] : memref<2x352x64xbf16, #tpu.memory_space<vmem>> -> memref<1x352x64xbf16, #tpu.memory_space<vmem>>
        %dma_start3A_782 = tpu.memref_squeeze %dma_start3A_781 : memref<1x352x64xbf16, #tpu.memory_space<vmem>> -> memref<352x64xbf16, #tpu.memory_space<vmem>>
        %dma_start3A_783 = arith.constant 0 : i32
        %dma_start3A_784 = arith.constant 0 : i32
        %dma_start3A_785 = tpu.memref_slice %dma_start3A_782[%dma_start3A_783, %dma_start3A_784] : memref<352x64xbf16, #tpu.memory_space<vmem>> -> memref<320x64xbf16, #tpu.memory_space<vmem>>
        %dma_start3A_786 = arith.constant 0 : i32
        %dma_start3A_787 = tpu.memref_slice %arg7[%dma_start3A_777, %dma_start3A_786] : memref<3x352xi32, #tpu.memory_space<vmem>> -> memref<1x320xi32, #tpu.memory_space<vmem>>
        %dma_start3A_788 = tpu.memref_squeeze %dma_start3A_787 : memref<1x320xi32, #tpu.memory_space<vmem>> -> memref<320xi32, #tpu.memory_space<vmem>>
        %dma_start3A_789 = arith.constant 0 : i32
        %dma_start3A_790 = arith.constant 0 : i32
        %dma_start3A_791 = tpu.memref_slice %arg6[%dma_start3A_789, %dma_start3A_790] : memref<50000x64xbf16, #tpu.memory_space<vmem_shared>> -> memref<50000x64xbf16, #tpu.memory_space<vmem_shared>>
        tpu.enqueue_indirect_dma source(%dma_start3A_791 : memref<50000x64xbf16, #tpu.memory_space<vmem_shared>>) target(%dma_start3A_785 : memref<320x64xbf16, #tpu.memory_space<vmem>>) offsets(%dma_start3A_788 : memref<320xi32, #tpu.memory_space<vmem>>) semaphore(%arg11 : memref<!tpu.dma_semaphore, #tpu.memory_space<semaphore_mem>>)
        %dma_start3A_792 = arith.constant 1 : i32
        %dma_start3A_793 = arith.constant 1 : i32
        %dma_start3A_794 = arith.constant 0 : i32
        %dma_start3A_795 = arith.constant 0 : i32
        %dma_start3A_796 = tpu.memref_slice %arg8[%dma_start3A_793, %dma_start3A_794, %dma_start3A_795] : memref<2x352x64xbf16, #tpu.memory_space<vmem>> -> memref<1x352x64xbf16, #tpu.memory_space<vmem>>
        %dma_start3A_797 = tpu.memref_squeeze %dma_start3A_796 : memref<1x352x64xbf16, #tpu.memory_space<vmem>> -> memref<352x64xbf16, #tpu.memory_space<vmem>>
        %dma_start3A_798 = arith.constant 320 : i32
        %dma_start3A_799 = arith.constant 0 : i32
        %dma_start3A_800 = tpu.memref_slice %dma_start3A_797[%dma_start3A_798, %dma_start3A_799] : memref<352x64xbf16, #tpu.memory_space<vmem>> -> memref<32x64xbf16, #tpu.memory_space<vmem>>
        %dma_start3A_801 = arith.constant 320 : i32
        %dma_start3A_802 = tpu.memref_slice %arg7[%dma_start3A_792, %dma_start3A_801] : memref<3x352xi32, #tpu.memory_space<vmem>> -> memref<1x32xi32, #tpu.memory_space<vmem>>
        %dma_start3A_803 = tpu.memref_squeeze %dma_start3A_802 : memref<1x32xi32, #tpu.memory_space<vmem>> -> memref<32xi32, #tpu.memory_space<vmem>>
        %dma_start3A_804 = arith.constant 0 : i32
        %dma_start3A_805 = arith.constant 0 : i32
        %dma_start3A_806 = tpu.memref_slice %arg6[%dma_start3A_804, %dma_start3A_805] : memref<50000x64xbf16, #tpu.memory_space<vmem_shared>> -> memref<50000x64xbf16, #tpu.memory_space<vmem_shared>>
        tpu.enqueue_indirect_dma source(%dma_start3A_806 : memref<50000x64xbf16, #tpu.memory_space<vmem_shared>>) target(%dma_start3A_800 : memref<32x64xbf16, #tpu.memory_space<vmem>>) offsets(%dma_start3A_803 : memref<32xi32, #tpu.memory_space<vmem>>) semaphore(%arg11 : memref<!tpu.dma_semaphore, #tpu.memory_space<semaphore_mem>>)
      } else {
      }
      %dma_wait3A_262 = arith.constant 0 : i32
      %dma_wait3A_263 = arith.constant 0 : i32
      %dma_wait3A_264 = arith.constant 0 : i32
      %dma_wait3A_265 = arith.constant 0 : i32
      %dma_wait3A_266 = tpu.memref_slice %arg8[%dma_wait3A_263, %dma_wait3A_264, %dma_wait3A_265] : memref<2x352x64xbf16, #tpu.memory_space<vmem>> -> memref<1x352x64xbf16, #tpu.memory_space<vmem>>
      %dma_wait3A_267 = tpu.memref_squeeze %dma_wait3A_266 : memref<1x352x64xbf16, #tpu.memory_space<vmem>> -> memref<352x64xbf16, #tpu.memory_space<vmem>>
      %dma_wait3A_268 = arith.constant 0 : i32
      %dma_wait3A_269 = arith.constant 0 : i32
      %dma_wait3A_270 = tpu.memref_slice %dma_wait3A_267[%dma_wait3A_268, %dma_wait3A_269] : memref<352x64xbf16, #tpu.memory_space<vmem>> -> memref<320x64xbf16, #tpu.memory_space<vmem>>
      %dma_wait3A_271 = arith.constant 0 : i32
      %dma_wait3A_272 = tpu.memref_slice %arg7[%dma_wait3A_262, %dma_wait3A_271] : memref<3x352xi32, #tpu.memory_space<vmem>> -> memref<1x320xi32, #tpu.memory_space<vmem>>
      %dma_wait3A_273 = tpu.memref_squeeze %dma_wait3A_272 : memref<1x320xi32, #tpu.memory_space<vmem>> -> memref<320xi32, #tpu.memory_space<vmem>>
      %dma_wait3A_274 = arith.constant 0 : i32
      %dma_wait3A_275 = arith.constant 0 : i32
      %dma_wait3A_276 = tpu.memref_slice %arg6[%dma_wait3A_274, %dma_wait3A_275] : memref<50000x64xbf16, #tpu.memory_space<vmem_shared>> -> memref<50000x64xbf16, #tpu.memory_space<vmem_shared>>
      tpu.wait_indirect_dma semaphore(%arg10 : memref<!tpu.dma_semaphore, #tpu.memory_space<semaphore_mem>>) src(%dma_wait3A_276 : memref<50000x64xbf16, #tpu.memory_space<vmem_shared>>) dst(%dma_wait3A_270 : memref<320x64xbf16, #tpu.memory_space<vmem>>)
      %dma_wait3A_277 = arith.constant 0 : i32
      %dma_wait3A_278 = arith.constant 0 : i32
      %dma_wait3A_279 = arith.constant 0 : i32
      %dma_wait3A_280 = arith.constant 0 : i32
      %dma_wait3A_281 = tpu.memref_slice %arg8[%dma_wait3A_278, %dma_wait3A_279, %dma_wait3A_280] : memref<2x352x64xbf16, #tpu.memory_space<vmem>> -> memref<1x352x64xbf16, #tpu.memory_space<vmem>>
      %dma_wait3A_282 = tpu.memref_squeeze %dma_wait3A_281 : memref<1x352x64xbf16, #tpu.memory_space<vmem>> -> memref<352x64xbf16, #tpu.memory_space<vmem>>
      %dma_wait3A_283 = arith.constant 320 : i32
      %dma_wait3A_284 = arith.constant 0 : i32
      %dma_wait3A_285 = tpu.memref_slice %dma_wait3A_282[%dma_wait3A_283, %dma_wait3A_284] : memref<352x64xbf16, #tpu.memory_space<vmem>> -> memref<32x64xbf16, #tpu.memory_space<vmem>>
      %dma_wait3A_286 = arith.constant 320 : i32
      %dma_wait3A_287 = tpu.memref_slice %arg7[%dma_wait3A_277, %dma_wait3A_286] : memref<3x352xi32, #tpu.memory_space<vmem>> -> memref<1x32xi32, #tpu.memory_space<vmem>>
      %dma_wait3A_288 = tpu.memref_squeeze %dma_wait3A_287 : memref<1x32xi32, #tpu.memory_space<vmem>> -> memref<32xi32, #tpu.memory_space<vmem>>
      %dma_wait3A_289 = arith.constant 0 : i32
      %dma_wait3A_290 = arith.constant 0 : i32
      %dma_wait3A_291 = tpu.memref_slice %arg6[%dma_wait3A_289, %dma_wait3A_290] : memref<50000x64xbf16, #tpu.memory_space<vmem_shared>> -> memref<50000x64xbf16, #tpu.memory_space<vmem_shared>>
      tpu.wait_indirect_dma semaphore(%arg10 : memref<!tpu.dma_semaphore, #tpu.memory_space<semaphore_mem>>) src(%dma_wait3A_291 : memref<50000x64xbf16, #tpu.memory_space<vmem_shared>>) dst(%dma_wait3A_285 : memref<32x64xbf16, #tpu.memory_space<vmem>>)
      %ge3A = arith.constant 2 : i32
      %ge3A_292 = arith.cmpi sge, %add3A_250, %ge3A : i32
      %convert_element_type3A_293 = arith.extui %ge3A_292 : i1 to i32
      %cond3A_294 = arith.constant 0 : i32
      %cond3A_295 = arith.cmpi ne, %convert_element_type3A_293, %cond3A_294 : i32
      scf.if %cond3A_295 {
        %sub3A_748 = arith.constant 2 : i32
        %sub3A_749 = arith.subi %add3A_250, %sub3A_748 : i32
        %mul3A_750 = arith.constant 3128 : i32
        %mul3A_751 = arith.muli %arg1, %mul3A_750 : i32
        %mul3A_752 = arith.constant 32 : i32
        %mul3A_753 = arith.muli %sub3A_749, %mul3A_752 : i32
        %add3A_754 = arith.addi %mul3A_751, %mul3A_753 : i32
        %min3A_755 = arith.constant 49968 : i32
        %min3A_756 = arith.minsi %add3A_754, %min3A_755 : i32
        %dma_wait3A_757 = arith.constant 0 : i32
        %dma_wait3A_758 = arith.constant 0 : i32
        %dma_wait3A_759 = arith.constant 0 : i32
        %dma_wait3A_760 = tpu.memref_slice %arg9[%dma_wait3A_757, %dma_wait3A_758, %dma_wait3A_759] : memref<2x56x64xf32, #tpu.memory_space<vmem>> -> memref<1x56x64xf32, #tpu.memory_space<vmem>>
        %dma_wait3A_761 = tpu.memref_squeeze %dma_wait3A_760 : memref<1x56x64xf32, #tpu.memory_space<vmem>> -> memref<56x64xf32, #tpu.memory_space<vmem>>
        %dma_wait3A_762 = arith.constant 0 : i32
        %dma_wait3A_763 = arith.constant 0 : i32
        %dma_wait3A_764 = tpu.memref_slice %dma_wait3A_761[%dma_wait3A_762, %dma_wait3A_763] : memref<56x64xf32, #tpu.memory_space<vmem>> -> memref<32x64xf32, #tpu.memory_space<vmem>>
        %dma_wait3A_765 = tpu.memref_slice %arg5[%min3A_756, %mul3A_0] : memref<50000x128xf32, #tpu.memory_space<hbm>> -> memref<32x64xf32, #tpu.memory_space<hbm>>
        %dma_wait3A_766 = tpu.memref_slice %arg5[%min3A_756, %mul3A_0] : memref<50000x128xf32, #tpu.memory_space<hbm>> -> memref<32x64xf32, #tpu.memory_space<hbm>>
        %dma_wait3A_767 = arith.constant 0 : i32
        %dma_wait3A_768 = arith.constant 0 : i32
        %dma_wait3A_769 = tpu.memref_slice %arg9[%dma_wait3A_757, %dma_wait3A_767, %dma_wait3A_768] : memref<2x56x64xf32, #tpu.memory_space<vmem>> -> memref<1x56x64xf32, #tpu.memory_space<vmem>>
        %dma_wait3A_770 = tpu.memref_squeeze %dma_wait3A_769 : memref<1x56x64xf32, #tpu.memory_space<vmem>> -> memref<56x64xf32, #tpu.memory_space<vmem>>
        %dma_wait3A_771 = arith.constant 0 : i32
        %dma_wait3A_772 = arith.constant 0 : i32
        %dma_wait3A_773 = tpu.memref_slice %dma_wait3A_770[%dma_wait3A_771, %dma_wait3A_772] : memref<56x64xf32, #tpu.memory_space<vmem>> -> memref<32x64xf32, #tpu.memory_space<vmem>>
        tpu.wait_dma2 semaphore(%arg12 : memref<!tpu.dma_semaphore, #tpu.memory_space<semaphore_mem>>) src(%dma_wait3A_773 : memref<32x64xf32, #tpu.memory_space<vmem>>) dst(%dma_wait3A_766 : memref<32x64xf32, #tpu.memory_space<hbm>>)
      } else {
      }
      %scan3A_296 = arith.constant 0 : i32
      %scan3A_297 = arith.constant 0 : i32
      %scan3A_298 = arith.constant 32 : i32
      %scan3A_299 = arith.addi %scan3A_297, %scan3A_298 : i32
      %scan3A_300 = arith.constant 1 : i32
      %scan3A_301 = scf.for %scan3A_748 = %scan3A_297 to %scan3A_299 step %scan3A_300 iter_args(%scan3A_749 = %scan3A_296) -> (i32)  : i32 {
        %mul3A_750 = arith.constant 10 : i32
        %mul3A_751 = arith.muli %scan3A_748, %mul3A_750 : i32
        %add3A_752 = arith.constant 320 : i32
        %add3A_753 = arith.addi %add3A_752, %scan3A_748 : i32
        %get3A = arith.constant 0 : i32
        %get3A_754 = arith.index_cast %get3A : i32 to index
        %get3A_755 = arith.index_cast %add3A_753 : i32 to index
        %get3A_756 = arith.constant 0 : index
        %get3A_757 = tpu.vector_load %arg8[%get3A_754, %get3A_755, %get3A_756] {strides = array<i32>} : memref<2x352x64xbf16, #tpu.memory_space<vmem>>, vector<32xbf16>,
        %add3A_758 = arith.constant 0 : i32
        %add3A_759 = arith.addi %mul3A_751, %add3A_758 : i32
        %get3A_760 = arith.constant 0 : i32
        %get3A_761 = arith.index_cast %get3A_760 : i32 to index
        %get3A_762 = arith.index_cast %add3A_759 : i32 to index
        %get3A_763 = arith.constant 0 : index
        %get3A_764 = tpu.vector_load %arg8[%get3A_761, %get3A_762, %get3A_763] {strides = array<i32>} : memref<2x352x64xbf16, #tpu.memory_space<vmem>>, vector<32xbf16>,
        %add3A_765 = arith.addf %get3A_757, %get3A_764 : vector<32xbf16>
        %add3A_766 = arith.constant 1 : i32
        %add3A_767 = arith.addi %mul3A_751, %add3A_766 : i32
        %get3A_768 = arith.constant 0 : i32
        %get3A_769 = arith.index_cast %get3A_768 : i32 to index
        %get3A_770 = arith.index_cast %add3A_767 : i32 to index
        %get3A_771 = arith.constant 0 : index
        %get3A_772 = tpu.vector_load %arg8[%get3A_769, %get3A_770, %get3A_771] {strides = array<i32>} : memref<2x352x64xbf16, #tpu.memory_space<vmem>>, vector<32xbf16>,
        %add3A_773 = arith.addf %add3A_765, %get3A_772 : vector<32xbf16>
        %add3A_774 = arith.constant 2 : i32
        %add3A_775 = arith.addi %mul3A_751, %add3A_774 : i32
        %get3A_776 = arith.constant 0 : i32
        %get3A_777 = arith.index_cast %get3A_776 : i32 to index
        %get3A_778 = arith.index_cast %add3A_775 : i32 to index
        %get3A_779 = arith.constant 0 : index
        %get3A_780 = tpu.vector_load %arg8[%get3A_777, %get3A_778, %get3A_779] {strides = array<i32>} : memref<2x352x64xbf16, #tpu.memory_space<vmem>>, vector<32xbf16>,
        %add3A_781 = arith.addf %add3A_773, %get3A_780 : vector<32xbf16>
        %add3A_782 = arith.constant 3 : i32
        %add3A_783 = arith.addi %mul3A_751, %add3A_782 : i32
        %get3A_784 = arith.constant 0 : i32
        %get3A_785 = arith.index_cast %get3A_784 : i32 to index
        %get3A_786 = arith.index_cast %add3A_783 : i32 to index
        %get3A_787 = arith.constant 0 : index
        %get3A_788 = tpu.vector_load %arg8[%get3A_785, %get3A_786, %get3A_787] {strides = array<i32>} : memref<2x352x64xbf16, #tpu.memory_space<vmem>>, vector<32xbf16>,
        %add3A_789 = arith.addf %add3A_781, %get3A_788 : vector<32xbf16>
        %add3A_790 = arith.constant 4 : i32
        %add3A_791 = arith.addi %mul3A_751, %add3A_790 : i32
        %get3A_792 = arith.constant 0 : i32
        %get3A_793 = arith.index_cast %get3A_792 : i32 to index
        %get3A_794 = arith.index_cast %add3A_791 : i32 to index
        %get3A_795 = arith.constant 0 : index
        %get3A_796 = tpu.vector_load %arg8[%get3A_793, %get3A_794, %get3A_795] {strides = array<i32>} : memref<2x352x64xbf16, #tpu.memory_space<vmem>>, vector<32xbf16>,
        %add3A_797 = arith.addf %add3A_789, %get3A_796 : vector<32xbf16>
        %add3A_798 = arith.constant 5 : i32
        %add3A_799 = arith.addi %mul3A_751, %add3A_798 : i32
        %get3A_800 = arith.constant 0 : i32
        %get3A_801 = arith.index_cast %get3A_800 : i32 to index
        %get3A_802 = arith.index_cast %add3A_799 : i32 to index
        %get3A_803 = arith.constant 0 : index
        %get3A_804 = tpu.vector_load %arg8[%get3A_801, %get3A_802, %get3A_803] {strides = array<i32>} : memref<2x352x64xbf16, #tpu.memory_space<vmem>>, vector<32xbf16>,
        %add3A_805 = arith.addf %add3A_797, %get3A_804 : vector<32xbf16>
        %add3A_806 = arith.constant 6 : i32
        %add3A_807 = arith.addi %mul3A_751, %add3A_806 : i32
        %get3A_808 = arith.constant 0 : i32
        %get3A_809 = arith.index_cast %get3A_808 : i32 to index
        %get3A_810 = arith.index_cast %add3A_807 : i32 to index
        %get3A_811 = arith.constant 0 : index
        %get3A_812 = tpu.vector_load %arg8[%get3A_809, %get3A_810, %get3A_811] {strides = array<i32>} : memref<2x352x64xbf16, #tpu.memory_space<vmem>>, vector<32xbf16>,
        %add3A_813 = arith.addf %add3A_805, %get3A_812 : vector<32xbf16>
        %add3A_814 = arith.constant 7 : i32
        %add3A_815 = arith.addi %mul3A_751, %add3A_814 : i32
        %get3A_816 = arith.constant 0 : i32
        %get3A_817 = arith.index_cast %get3A_816 : i32 to index
        %get3A_818 = arith.index_cast %add3A_815 : i32 to index
        %get3A_819 = arith.constant 0 : index
        %get3A_820 = tpu.vector_load %arg8[%get3A_817, %get3A_818, %get3A_819] {strides = array<i32>} : memref<2x352x64xbf16, #tpu.memory_space<vmem>>, vector<32xbf16>,
        %add3A_821 = arith.addf %add3A_813, %get3A_820 : vector<32xbf16>
        %add3A_822 = arith.constant 8 : i32
        %add3A_823 = arith.addi %mul3A_751, %add3A_822 : i32
        %get3A_824 = arith.constant 0 : i32
        %get3A_825 = arith.index_cast %get3A_824 : i32 to index
        %get3A_826 = arith.index_cast %add3A_823 : i32 to index
        %get3A_827 = arith.constant 0 : index
        %get3A_828 = tpu.vector_load %arg8[%get3A_825, %get3A_826, %get3A_827] {strides = array<i32>} : memref<2x352x64xbf16, #tpu.memory_space<vmem>>, vector<32xbf16>,
        %add3A_829 = arith.addf %add3A_821, %get3A_828 : vector<32xbf16>
        %add3A_830 = arith.constant 9 : i32
        %add3A_831 = arith.addi %mul3A_751, %add3A_830 : i32
        %get3A_832 = arith.constant 0 : i32
        %get3A_833 = arith.index_cast %get3A_832 : i32 to index
        %get3A_834 = arith.index_cast %add3A_831 : i32 to index
        %get3A_835 = arith.constant 0 : index
        %get3A_836 = tpu.vector_load %arg8[%get3A_833, %get3A_834, %get3A_835] {strides = array<i32>} : memref<2x352x64xbf16, #tpu.memory_space<vmem>>, vector<32xbf16>,
        %add3A_837 = arith.addf %add3A_829, %get3A_836 : vector<32xbf16>
        %unpack3A = tpu.unpack_subelements %add3A_837, 0 {pack_format = #tpu.pack_format<interleaved>} : vector<32xbf16> -> vector<16xf32>
        %unpack3A_838 = tpu.unpack_subelements %add3A_837, 1 {pack_format = #tpu.pack_format<interleaved>} : vector<32xbf16> -> vector<16xf32>
        %mul3A_839 = arith.constant 0.0909090936 : f32
        %mul3A_840 = vector.broadcast %mul3A_839 : f32 to vector<16xf32>
        %mul3A_841 = arith.mulf %unpack3A, %mul3A_840 : vector<16xf32>
        %swap3A = arith.constant 0 : i32
        %swap3A_842 = arith.index_cast %swap3A : i32 to index
        %swap3A_843 = arith.index_cast %scan3A_748 : i32 to index
        %swap3A_844 = arith.constant 0 : index
        %swap3A_845 = tpu.vector_load %arg9[%swap3A_842, %swap3A_843, %swap3A_844] {strides = array<i32>} : memref<2x56x64xf32, #tpu.memory_space<vmem>>, vector<16xf32>,
        tpu.vector_store %arg9[%swap3A_842, %swap3A_843, %swap3A_844], %mul3A_841 {strides = array<i32>} : memref<2x56x64xf32, #tpu.memory_space<vmem>>, vector<16xf32>,
        %mul3A_846 = arith.constant 0.0909090936 : f32
        %mul3A_847 = vector.broadcast %mul3A_846 : f32 to vector<16xf32>
        %mul3A_848 = arith.mulf %unpack3A_838, %mul3A_847 : vector<16xf32>
        %swap3A_849 = arith.constant 0 : i32
        %swap3A_850 = arith.index_cast %swap3A_849 : i32 to index
        %swap3A_851 = arith.index_cast %scan3A_748 : i32 to index
        %swap3A_852 = arith.constant 16 : index
        %swap3A_853 = tpu.vector_load %arg9[%swap3A_850, %swap3A_851, %swap3A_852] {strides = array<i32>} : memref<2x56x64xf32, #tpu.memory_space<vmem>>, vector<16xf32>,
        tpu.vector_store %arg9[%swap3A_850, %swap3A_851, %swap3A_852], %mul3A_848 {strides = array<i32>} : memref<2x56x64xf32, #tpu.memory_space<vmem>>, vector<16xf32>,
        %add3A_854 = arith.constant 320 : i32
        %add3A_855 = arith.addi %add3A_854, %scan3A_748 : i32
        %get3A_856 = arith.constant 0 : i32
        %get3A_857 = arith.index_cast %get3A_856 : i32 to index
        %get3A_858 = arith.index_cast %add3A_855 : i32 to index
        %get3A_859 = arith.constant 32 : index
        %get3A_860 = tpu.vector_load %arg8[%get3A_857, %get3A_858, %get3A_859] {strides = array<i32>} : memref<2x352x64xbf16, #tpu.memory_space<vmem>>, vector<32xbf16>,
        %add3A_861 = arith.constant 0 : i32
        %add3A_862 = arith.addi %mul3A_751, %add3A_861 : i32
        %get3A_863 = arith.constant 0 : i32
        %get3A_864 = arith.index_cast %get3A_863 : i32 to index
        %get3A_865 = arith.index_cast %add3A_862 : i32 to index
        %get3A_866 = arith.constant 32 : index
        %get3A_867 = tpu.vector_load %arg8[%get3A_864, %get3A_865, %get3A_866] {strides = array<i32>} : memref<2x352x64xbf16, #tpu.memory_space<vmem>>, vector<32xbf16>,
        %add3A_868 = arith.addf %get3A_860, %get3A_867 : vector<32xbf16>
        %add3A_869 = arith.constant 1 : i32
        %add3A_870 = arith.addi %mul3A_751, %add3A_869 : i32
        %get3A_871 = arith.constant 0 : i32
        %get3A_872 = arith.index_cast %get3A_871 : i32 to index
        %get3A_873 = arith.index_cast %add3A_870 : i32 to index
        %get3A_874 = arith.constant 32 : index
        %get3A_875 = tpu.vector_load %arg8[%get3A_872, %get3A_873, %get3A_874] {strides = array<i32>} : memref<2x352x64xbf16, #tpu.memory_space<vmem>>, vector<32xbf16>,
        %add3A_876 = arith.addf %add3A_868, %get3A_875 : vector<32xbf16>
        %add3A_877 = arith.constant 2 : i32
        %add3A_878 = arith.addi %mul3A_751, %add3A_877 : i32
        %get3A_879 = arith.constant 0 : i32
        %get3A_880 = arith.index_cast %get3A_879 : i32 to index
        %get3A_881 = arith.index_cast %add3A_878 : i32 to index
        %get3A_882 = arith.constant 32 : index
        %get3A_883 = tpu.vector_load %arg8[%get3A_880, %get3A_881, %get3A_882] {strides = array<i32>} : memref<2x352x64xbf16, #tpu.memory_space<vmem>>, vector<32xbf16>,
        %add3A_884 = arith.addf %add3A_876, %get3A_883 : vector<32xbf16>
        %add3A_885 = arith.constant 3 : i32
        %add3A_886 = arith.addi %mul3A_751, %add3A_885 : i32
        %get3A_887 = arith.constant 0 : i32
        %get3A_888 = arith.index_cast %get3A_887 : i32 to index
        %get3A_889 = arith.index_cast %add3A_886 : i32 to index
        %get3A_890 = arith.constant 32 : index
        %get3A_891 = tpu.vector_load %arg8[%get3A_888, %get3A_889, %get3A_890] {strides = array<i32>} : memref<2x352x64xbf16, #tpu.memory_space<vmem>>, vector<32xbf16>,
        %add3A_892 = arith.addf %add3A_884, %get3A_891 : vector<32xbf16>
        %add3A_893 = arith.constant 4 : i32
        %add3A_894 = arith.addi %mul3A_751, %add3A_893 : i32
        %get3A_895 = arith.constant 0 : i32
        %get3A_896 = arith.index_cast %get3A_895 : i32 to index
        %get3A_897 = arith.index_cast %add3A_894 : i32 to index
        %get3A_898 = arith.constant 32 : index
        %get3A_899 = tpu.vector_load %arg8[%get3A_896, %get3A_897, %get3A_898] {strides = array<i32>} : memref<2x352x64xbf16, #tpu.memory_space<vmem>>, vector<32xbf16>,
        %add3A_900 = arith.addf %add3A_892, %get3A_899 : vector<32xbf16>
        %add3A_901 = arith.constant 5 : i32
        %add3A_902 = arith.addi %mul3A_751, %add3A_901 : i32
        %get3A_903 = arith.constant 0 : i32
        %get3A_904 = arith.index_cast %get3A_903 : i32 to index
        %get3A_905 = arith.index_cast %add3A_902 : i32 to index
        %get3A_906 = arith.constant 32 : index
        %get3A_907 = tpu.vector_load %arg8[%get3A_904, %get3A_905, %get3A_906] {strides = array<i32>} : memref<2x352x64xbf16, #tpu.memory_space<vmem>>, vector<32xbf16>,
        %add3A_908 = arith.addf %add3A_900, %get3A_907 : vector<32xbf16>
        %add3A_909 = arith.constant 6 : i32
        %add3A_910 = arith.addi %mul3A_751, %add3A_909 : i32
        %get3A_911 = arith.constant 0 : i32
        %get3A_912 = arith.index_cast %get3A_911 : i32 to index
        %get3A_913 = arith.index_cast %add3A_910 : i32 to index
        %get3A_914 = arith.constant 32 : index
        %get3A_915 = tpu.vector_load %arg8[%get3A_912, %get3A_913, %get3A_914] {strides = array<i32>} : memref<2x352x64xbf16, #tpu.memory_space<vmem>>, vector<32xbf16>,
        %add3A_916 = arith.addf %add3A_908, %get3A_915 : vector<32xbf16>
        %add3A_917 = arith.constant 7 : i32
        %add3A_918 = arith.addi %mul3A_751, %add3A_917 : i32
        %get3A_919 = arith.constant 0 : i32
        %get3A_920 = arith.index_cast %get3A_919 : i32 to index
        %get3A_921 = arith.index_cast %add3A_918 : i32 to index
        %get3A_922 = arith.constant 32 : index
        %get3A_923 = tpu.vector_load %arg8[%get3A_920, %get3A_921, %get3A_922] {strides = array<i32>} : memref<2x352x64xbf16, #tpu.memory_space<vmem>>, vector<32xbf16>,
        %add3A_924 = arith.addf %add3A_916, %get3A_923 : vector<32xbf16>
        %add3A_925 = arith.constant 8 : i32
        %add3A_926 = arith.addi %mul3A_751, %add3A_925 : i32
        %get3A_927 = arith.constant 0 : i32
        %get3A_928 = arith.index_cast %get3A_927 : i32 to index
        %get3A_929 = arith.index_cast %add3A_926 : i32 to index
        %get3A_930 = arith.constant 32 : index
        %get3A_931 = tpu.vector_load %arg8[%get3A_928, %get3A_929, %get3A_930] {strides = array<i32>} : memref<2x352x64xbf16, #tpu.memory_space<vmem>>, vector<32xbf16>,
        %add3A_932 = arith.addf %add3A_924, %get3A_931 : vector<32xbf16>
        %add3A_933 = arith.constant 9 : i32
        %add3A_934 = arith.addi %mul3A_751, %add3A_933 : i32
        %get3A_935 = arith.constant 0 : i32
        %get3A_936 = arith.index_cast %get3A_935 : i32 to index
        %get3A_937 = arith.index_cast %add3A_934 : i32 to index
        %get3A_938 = arith.constant 32 : index
        %get3A_939 = tpu.vector_load %arg8[%get3A_936, %get3A_937, %get3A_938] {strides = array<i32>} : memref<2x352x64xbf16, #tpu.memory_space<vmem>>, vector<32xbf16>,
        %add3A_940 = arith.addf %add3A_932, %get3A_939 : vector<32xbf16>
        %unpack3A_941 = tpu.unpack_subelements %add3A_940, 0 {pack_format = #tpu.pack_format<interleaved>} : vector<32xbf16> -> vector<16xf32>
        %unpack3A_942 = tpu.unpack_subelements %add3A_940, 1 {pack_format = #tpu.pack_format<interleaved>} : vector<32xbf16> -> vector<16xf32>
        %mul3A_943 = arith.constant 0.0909090936 : f32
        %mul3A_944 = vector.broadcast %mul3A_943 : f32 to vector<16xf32>
        %mul3A_945 = arith.mulf %unpack3A_941, %mul3A_944 : vector<16xf32>
        %swap3A_946 = arith.constant 0 : i32
        %swap3A_947 = arith.index_cast %swap3A_946 : i32 to index
        %swap3A_948 = arith.index_cast %scan3A_748 : i32 to index
        %swap3A_949 = arith.constant 32 : index
        %swap3A_950 = tpu.vector_load %arg9[%swap3A_947, %swap3A_948, %swap3A_949] {strides = array<i32>} : memref<2x56x64xf32, #tpu.memory_space<vmem>>, vector<16xf32>,
        tpu.vector_store %arg9[%swap3A_947, %swap3A_948, %swap3A_949], %mul3A_945 {strides = array<i32>} : memref<2x56x64xf32, #tpu.memory_space<vmem>>, vector<16xf32>,
        %mul3A_951 = arith.constant 0.0909090936 : f32
        %mul3A_952 = vector.broadcast %mul3A_951 : f32 to vector<16xf32>
        %mul3A_953 = arith.mulf %unpack3A_942, %mul3A_952 : vector<16xf32>
        %swap3A_954 = arith.constant 0 : i32
        %swap3A_955 = arith.index_cast %swap3A_954 : i32 to index
        %swap3A_956 = arith.index_cast %scan3A_748 : i32 to index
        %swap3A_957 = arith.constant 48 : index
        %swap3A_958 = tpu.vector_load %arg9[%swap3A_955, %swap3A_956, %swap3A_957] {strides = array<i32>} : memref<2x56x64xf32, #tpu.memory_space<vmem>>, vector<16xf32>,
        tpu.vector_store %arg9[%swap3A_955, %swap3A_956, %swap3A_957], %mul3A_953 {strides = array<i32>} : memref<2x56x64xf32, #tpu.memory_space<vmem>>, vector<16xf32>,
        %scan3A_959 = arith.constant 0 : i32
        scf.yield %scan3A_959 : i32
      }
      %scan3A_302 = arith.constant 32 : i32
      %mul3A_303 = arith.constant 3128 : i32
      %mul3A_304 = arith.muli %arg1, %mul3A_303 : i32
      %mul3A_305 = arith.constant 32 : i32
      %mul3A_306 = arith.muli %add3A_250, %mul3A_305 : i32
      %add3A_307 = arith.addi %mul3A_304, %mul3A_306 : i32
      %min3A_308 = arith.constant 49968 : i32
      %min3A_309 = arith.minsi %add3A_307, %min3A_308 : i32
      %dma_start3A_310 = arith.constant 0 : i32
      %dma_start3A_311 = arith.constant 0 : i32
      %dma_start3A_312 = arith.constant 0 : i32
      %dma_start3A_313 = tpu.memref_slice %arg9[%dma_start3A_310, %dma_start3A_311, %dma_start3A_312] : memref<2x56x64xf32, #tpu.memory_space<vmem>> -> memref<1x56x64xf32, #tpu.memory_space<vmem>>
      %dma_start3A_314 = tpu.memref_squeeze %dma_start3A_313 : memref<1x56x64xf32, #tpu.memory_space<vmem>> -> memref<56x64xf32, #tpu.memory_space<vmem>>
      %dma_start3A_315 = arith.constant 0 : i32
      %dma_start3A_316 = arith.constant 0 : i32
      %dma_start3A_317 = tpu.memref_slice %dma_start3A_314[%dma_start3A_315, %dma_start3A_316] : memref<56x64xf32, #tpu.memory_space<vmem>> -> memref<32x64xf32, #tpu.memory_space<vmem>>
      %dma_start3A_318 = tpu.memref_slice %arg5[%min3A_309, %mul3A_0] : memref<50000x128xf32, #tpu.memory_space<hbm>> -> memref<32x64xf32, #tpu.memory_space<hbm>>
      %dma_start3A_319 = tpu.memref_slice %arg5[%min3A_309, %mul3A_0] : memref<50000x128xf32, #tpu.memory_space<hbm>> -> memref<32x64xf32, #tpu.memory_space<hbm>>
      %dma_start3A_320 = arith.constant 0 : i32
      %dma_start3A_321 = arith.constant 0 : i32
      %dma_start3A_322 = tpu.memref_slice %arg9[%dma_start3A_310, %dma_start3A_320, %dma_start3A_321] : memref<2x56x64xf32, #tpu.memory_space<vmem>> -> memref<1x56x64xf32, #tpu.memory_space<vmem>>
      %dma_start3A_323 = tpu.memref_squeeze %dma_start3A_322 : memref<1x56x64xf32, #tpu.memory_space<vmem>> -> memref<56x64xf32, #tpu.memory_space<vmem>>
      %dma_start3A_324 = arith.constant 0 : i32
      %dma_start3A_325 = arith.constant 0 : i32
      %dma_start3A_326 = tpu.memref_slice %dma_start3A_323[%dma_start3A_324, %dma_start3A_325] : memref<56x64xf32, #tpu.memory_space<vmem>> -> memref<32x64xf32, #tpu.memory_space<vmem>>
      tpu.enqueue_dma source(%dma_start3A_326 : memref<32x64xf32, #tpu.memory_space<vmem>>) target(%dma_start3A_319 : memref<32x64xf32, #tpu.memory_space<hbm>>) target_semaphore(%arg12 : memref<!tpu.dma_semaphore, #tpu.memory_space<semaphore_mem>>)
      %mul3A_327 = arith.constant 6 : i32
      %mul3A_328 = arith.muli %mul3A_327, %scan3A_245 : i32
      %add3A_329 = arith.constant 1 : i32
      %add3A_330 = arith.addi %mul3A_328, %add3A_329 : i32
      %add3A_331 = arith.constant 2 : i32
      %add3A_332 = arith.addi %add3A_330, %add3A_331 : i32
      %lt3A_333 = arith.constant 102 : i32
      %lt3A_334 = arith.cmpi slt, %add3A_332, %lt3A_333 : i32
      %convert_element_type3A_335 = arith.extui %lt3A_334 : i1 to i32
      %cond3A_336 = arith.constant 0 : i32
      %cond3A_337 = arith.cmpi ne, %convert_element_type3A_335, %cond3A_336 : i32
      scf.if %cond3A_337 {
        %add3A_748 = arith.constant 2 : i32
        %add3A_749 = arith.addi %add3A_330, %add3A_748 : i32
        %mul3A_750 = arith.constant 3128 : i32
        %mul3A_751 = arith.muli %arg1, %mul3A_750 : i32
        %mul3A_752 = arith.constant 32 : i32
        %mul3A_753 = arith.muli %add3A_749, %mul3A_752 : i32
        %add3A_754 = arith.addi %mul3A_751, %mul3A_753 : i32
        %min3A_755 = arith.constant 49968 : i32
        %min3A_756 = arith.minsi %add3A_754, %min3A_755 : i32
        %mul3A_757 = arith.constant 10 : i32
        %mul3A_758 = arith.muli %min3A_756, %mul3A_757 : i32
        %dma_start3A_759 = arith.constant 0 : i32
        %dma_start3A_760 = arith.constant 0 : i32
        %dma_start3A_761 = tpu.memref_slice %arg7[%dma_start3A_759, %dma_start3A_760] : memref<3x352xi32, #tpu.memory_space<vmem>> -> memref<1x320xi32, #tpu.memory_space<vmem>>
        %dma_start3A_762 = tpu.memref_squeeze %dma_start3A_761 : memref<1x320xi32, #tpu.memory_space<vmem>> -> memref<320xi32, #tpu.memory_space<vmem>>
        %dma_start3A_763 = tpu.memref_slice %arg3[%mul3A_758] : memref<500000xi32, #tpu.memory_space<hbm>> -> memref<320xi32, #tpu.memory_space<hbm>>
        %dma_start3A_764 = arith.constant 0 : i32
        %dma_start3A_765 = tpu.memref_slice %arg7[%dma_start3A_759, %dma_start3A_764] : memref<3x352xi32, #tpu.memory_space<vmem>> -> memref<1x320xi32, #tpu.memory_space<vmem>>
        %dma_start3A_766 = tpu.memref_squeeze %dma_start3A_765 : memref<1x320xi32, #tpu.memory_space<vmem>> -> memref<320xi32, #tpu.memory_space<vmem>>
        %dma_start3A_767 = tpu.memref_slice %arg3[%mul3A_758] : memref<500000xi32, #tpu.memory_space<hbm>> -> memref<320xi32, #tpu.memory_space<hbm>>
        tpu.enqueue_dma source(%dma_start3A_767 : memref<320xi32, #tpu.memory_space<hbm>>) target(%dma_start3A_766 : memref<320xi32, #tpu.memory_space<vmem>>) target_semaphore(%arg14 : memref<!tpu.dma_semaphore, #tpu.memory_space<semaphore_mem>>)
        %dma_start3A_768 = arith.constant 0 : i32
        %dma_start3A_769 = arith.constant 320 : i32
        %dma_start3A_770 = tpu.memref_slice %arg7[%dma_start3A_768, %dma_start3A_769] : memref<3x352xi32, #tpu.memory_space<vmem>> -> memref<1x32xi32, #tpu.memory_space<vmem>>
        %dma_start3A_771 = tpu.memref_squeeze %dma_start3A_770 : memref<1x32xi32, #tpu.memory_space<vmem>> -> memref<32xi32, #tpu.memory_space<vmem>>
        %dma_start3A_772 = tpu.memref_slice %arg2[%min3A_756] : memref<50000xi32, #tpu.memory_space<hbm>> -> memref<32xi32, #tpu.memory_space<hbm>>
        %dma_start3A_773 = arith.constant 320 : i32
        %dma_start3A_774 = tpu.memref_slice %arg7[%dma_start3A_768, %dma_start3A_773] : memref<3x352xi32, #tpu.memory_space<vmem>> -> memref<1x32xi32, #tpu.memory_space<vmem>>
        %dma_start3A_775 = tpu.memref_squeeze %dma_start3A_774 : memref<1x32xi32, #tpu.memory_space<vmem>> -> memref<32xi32, #tpu.memory_space<vmem>>
        %dma_start3A_776 = tpu.memref_slice %arg2[%min3A_756] : memref<50000xi32, #tpu.memory_space<hbm>> -> memref<32xi32, #tpu.memory_space<hbm>>
        tpu.enqueue_dma source(%dma_start3A_776 : memref<32xi32, #tpu.memory_space<hbm>>) target(%dma_start3A_775 : memref<32xi32, #tpu.memory_space<vmem>>) target_semaphore(%arg14 : memref<!tpu.dma_semaphore, #tpu.memory_space<semaphore_mem>>)
      } else {
      }
      %add3A_338 = arith.constant 1 : i32
      %add3A_339 = arith.addi %add3A_330, %add3A_338 : i32
      %lt3A_340 = arith.constant 102 : i32
      %lt3A_341 = arith.cmpi slt, %add3A_339, %lt3A_340 : i32
      %convert_element_type3A_342 = arith.extui %lt3A_341 : i1 to i32
      %cond3A_343 = arith.constant 0 : i32
      %cond3A_344 = arith.cmpi ne, %convert_element_type3A_342, %cond3A_343 : i32
      scf.if %cond3A_344 {
        %add3A_748 = arith.constant 1 : i32
        %add3A_749 = arith.addi %add3A_330, %add3A_748 : i32
        %mul3A_750 = arith.constant 3128 : i32
        %mul3A_751 = arith.muli %arg1, %mul3A_750 : i32
        %mul3A_752 = arith.constant 32 : i32
        %mul3A_753 = arith.muli %add3A_749, %mul3A_752 : i32
        %add3A_754 = arith.addi %mul3A_751, %mul3A_753 : i32
        %min3A_755 = arith.constant 49968 : i32
        %min3A_756 = arith.minsi %add3A_754, %min3A_755 : i32
        %mul3A_757 = arith.constant 10 : i32
        %mul3A_758 = arith.muli %min3A_756, %mul3A_757 : i32
        %dma_wait3A_759 = arith.constant 2 : i32
        %dma_wait3A_760 = arith.constant 0 : i32
        %dma_wait3A_761 = tpu.memref_slice %arg7[%dma_wait3A_759, %dma_wait3A_760] : memref<3x352xi32, #tpu.memory_space<vmem>> -> memref<1x320xi32, #tpu.memory_space<vmem>>
        %dma_wait3A_762 = tpu.memref_squeeze %dma_wait3A_761 : memref<1x320xi32, #tpu.memory_space<vmem>> -> memref<320xi32, #tpu.memory_space<vmem>>
        %dma_wait3A_763 = tpu.memref_slice %arg3[%mul3A_758] : memref<500000xi32, #tpu.memory_space<hbm>> -> memref<320xi32, #tpu.memory_space<hbm>>
        %dma_wait3A_764 = arith.constant 0 : i32
        %dma_wait3A_765 = tpu.memref_slice %arg7[%dma_wait3A_759, %dma_wait3A_764] : memref<3x352xi32, #tpu.memory_space<vmem>> -> memref<1x320xi32, #tpu.memory_space<vmem>>
        %dma_wait3A_766 = tpu.memref_squeeze %dma_wait3A_765 : memref<1x320xi32, #tpu.memory_space<vmem>> -> memref<320xi32, #tpu.memory_space<vmem>>
        %dma_wait3A_767 = tpu.memref_slice %arg3[%mul3A_758] : memref<500000xi32, #tpu.memory_space<hbm>> -> memref<320xi32, #tpu.memory_space<hbm>>
        tpu.wait_dma2 semaphore(%arg16 : memref<!tpu.dma_semaphore, #tpu.memory_space<semaphore_mem>>) src(%dma_wait3A_767 : memref<320xi32, #tpu.memory_space<hbm>>) dst(%dma_wait3A_766 : memref<320xi32, #tpu.memory_space<vmem>>)
        %dma_wait3A_768 = arith.constant 2 : i32
        %dma_wait3A_769 = arith.constant 320 : i32
        %dma_wait3A_770 = tpu.memref_slice %arg7[%dma_wait3A_768, %dma_wait3A_769] : memref<3x352xi32, #tpu.memory_space<vmem>> -> memref<1x32xi32, #tpu.memory_space<vmem>>
        %dma_wait3A_771 = tpu.memref_squeeze %dma_wait3A_770 : memref<1x32xi32, #tpu.memory_space<vmem>> -> memref<32xi32, #tpu.memory_space<vmem>>
        %dma_wait3A_772 = tpu.memref_slice %arg2[%min3A_756] : memref<50000xi32, #tpu.memory_space<hbm>> -> memref<32xi32, #tpu.memory_space<hbm>>
        %dma_wait3A_773 = arith.constant 320 : i32
        %dma_wait3A_774 = tpu.memref_slice %arg7[%dma_wait3A_768, %dma_wait3A_773] : memref<3x352xi32, #tpu.memory_space<vmem>> -> memref<1x32xi32, #tpu.memory_space<vmem>>
        %dma_wait3A_775 = tpu.memref_squeeze %dma_wait3A_774 : memref<1x32xi32, #tpu.memory_space<vmem>> -> memref<32xi32, #tpu.memory_space<vmem>>
        %dma_wait3A_776 = tpu.memref_slice %arg2[%min3A_756] : memref<50000xi32, #tpu.memory_space<hbm>> -> memref<32xi32, #tpu.memory_space<hbm>>
        tpu.wait_dma2 semaphore(%arg16 : memref<!tpu.dma_semaphore, #tpu.memory_space<semaphore_mem>>) src(%dma_wait3A_776 : memref<32xi32, #tpu.memory_space<hbm>>) dst(%dma_wait3A_775 : memref<32xi32, #tpu.memory_space<vmem>>)
        %dma_start3A_777 = arith.constant 2 : i32
        %dma_start3A_778 = arith.constant 0 : i32
        %dma_start3A_779 = arith.constant 0 : i32
        %dma_start3A_780 = arith.constant 0 : i32
        %dma_start3A_781 = tpu.memref_slice %arg8[%dma_start3A_778, %dma_start3A_779, %dma_start3A_780] : memref<2x352x64xbf16, #tpu.memory_space<vmem>> -> memref<1x352x64xbf16, #tpu.memory_space<vmem>>
        %dma_start3A_782 = tpu.memref_squeeze %dma_start3A_781 : memref<1x352x64xbf16, #tpu.memory_space<vmem>> -> memref<352x64xbf16, #tpu.memory_space<vmem>>
        %dma_start3A_783 = arith.constant 0 : i32
        %dma_start3A_784 = arith.constant 0 : i32
        %dma_start3A_785 = tpu.memref_slice %dma_start3A_782[%dma_start3A_783, %dma_start3A_784] : memref<352x64xbf16, #tpu.memory_space<vmem>> -> memref<320x64xbf16, #tpu.memory_space<vmem>>
        %dma_start3A_786 = arith.constant 0 : i32
        %dma_start3A_787 = tpu.memref_slice %arg7[%dma_start3A_777, %dma_start3A_786] : memref<3x352xi32, #tpu.memory_space<vmem>> -> memref<1x320xi32, #tpu.memory_space<vmem>>
        %dma_start3A_788 = tpu.memref_squeeze %dma_start3A_787 : memref<1x320xi32, #tpu.memory_space<vmem>> -> memref<320xi32, #tpu.memory_space<vmem>>
        %dma_start3A_789 = arith.constant 0 : i32
        %dma_start3A_790 = arith.constant 0 : i32
        %dma_start3A_791 = tpu.memref_slice %arg6[%dma_start3A_789, %dma_start3A_790] : memref<50000x64xbf16, #tpu.memory_space<vmem_shared>> -> memref<50000x64xbf16, #tpu.memory_space<vmem_shared>>
        tpu.enqueue_indirect_dma source(%dma_start3A_791 : memref<50000x64xbf16, #tpu.memory_space<vmem_shared>>) target(%dma_start3A_785 : memref<320x64xbf16, #tpu.memory_space<vmem>>) offsets(%dma_start3A_788 : memref<320xi32, #tpu.memory_space<vmem>>) semaphore(%arg10 : memref<!tpu.dma_semaphore, #tpu.memory_space<semaphore_mem>>)
        %dma_start3A_792 = arith.constant 2 : i32
        %dma_start3A_793 = arith.constant 0 : i32
        %dma_start3A_794 = arith.constant 0 : i32
        %dma_start3A_795 = arith.constant 0 : i32
        %dma_start3A_796 = tpu.memref_slice %arg8[%dma_start3A_793, %dma_start3A_794, %dma_start3A_795] : memref<2x352x64xbf16, #tpu.memory_space<vmem>> -> memref<1x352x64xbf16, #tpu.memory_space<vmem>>
        %dma_start3A_797 = tpu.memref_squeeze %dma_start3A_796 : memref<1x352x64xbf16, #tpu.memory_space<vmem>> -> memref<352x64xbf16, #tpu.memory_space<vmem>>
        %dma_start3A_798 = arith.constant 320 : i32
        %dma_start3A_799 = arith.constant 0 : i32
        %dma_start3A_800 = tpu.memref_slice %dma_start3A_797[%dma_start3A_798, %dma_start3A_799] : memref<352x64xbf16, #tpu.memory_space<vmem>> -> memref<32x64xbf16, #tpu.memory_space<vmem>>
        %dma_start3A_801 = arith.constant 320 : i32
        %dma_start3A_802 = tpu.memref_slice %arg7[%dma_start3A_792, %dma_start3A_801] : memref<3x352xi32, #tpu.memory_space<vmem>> -> memref<1x32xi32, #tpu.memory_space<vmem>>
        %dma_start3A_803 = tpu.memref_squeeze %dma_start3A_802 : memref<1x32xi32, #tpu.memory_space<vmem>> -> memref<32xi32, #tpu.memory_space<vmem>>
        %dma_start3A_804 = arith.constant 0 : i32
        %dma_start3A_805 = arith.constant 0 : i32
        %dma_start3A_806 = tpu.memref_slice %arg6[%dma_start3A_804, %dma_start3A_805] : memref<50000x64xbf16, #tpu.memory_space<vmem_shared>> -> memref<50000x64xbf16, #tpu.memory_space<vmem_shared>>
        tpu.enqueue_indirect_dma source(%dma_start3A_806 : memref<50000x64xbf16, #tpu.memory_space<vmem_shared>>) target(%dma_start3A_800 : memref<32x64xbf16, #tpu.memory_space<vmem>>) offsets(%dma_start3A_803 : memref<32xi32, #tpu.memory_space<vmem>>) semaphore(%arg10 : memref<!tpu.dma_semaphore, #tpu.memory_space<semaphore_mem>>)
      } else {
      }
      %dma_wait3A_345 = arith.constant 1 : i32
      %dma_wait3A_346 = arith.constant 1 : i32
      %dma_wait3A_347 = arith.constant 0 : i32
      %dma_wait3A_348 = arith.constant 0 : i32
      %dma_wait3A_349 = tpu.memref_slice %arg8[%dma_wait3A_346, %dma_wait3A_347, %dma_wait3A_348] : memref<2x352x64xbf16, #tpu.memory_space<vmem>> -> memref<1x352x64xbf16, #tpu.memory_space<vmem>>
      %dma_wait3A_350 = tpu.memref_squeeze %dma_wait3A_349 : memref<1x352x64xbf16, #tpu.memory_space<vmem>> -> memref<352x64xbf16, #tpu.memory_space<vmem>>
      %dma_wait3A_351 = arith.constant 0 : i32
      %dma_wait3A_352 = arith.constant 0 : i32
      %dma_wait3A_353 = tpu.memref_slice %dma_wait3A_350[%dma_wait3A_351, %dma_wait3A_352] : memref<352x64xbf16, #tpu.memory_space<vmem>> -> memref<320x64xbf16, #tpu.memory_space<vmem>>
      %dma_wait3A_354 = arith.constant 0 : i32
      %dma_wait3A_355 = tpu.memref_slice %arg7[%dma_wait3A_345, %dma_wait3A_354] : memref<3x352xi32, #tpu.memory_space<vmem>> -> memref<1x320xi32, #tpu.memory_space<vmem>>
      %dma_wait3A_356 = tpu.memref_squeeze %dma_wait3A_355 : memref<1x320xi32, #tpu.memory_space<vmem>> -> memref<320xi32, #tpu.memory_space<vmem>>
      %dma_wait3A_357 = arith.constant 0 : i32
      %dma_wait3A_358 = arith.constant 0 : i32
      %dma_wait3A_359 = tpu.memref_slice %arg6[%dma_wait3A_357, %dma_wait3A_358] : memref<50000x64xbf16, #tpu.memory_space<vmem_shared>> -> memref<50000x64xbf16, #tpu.memory_space<vmem_shared>>
      tpu.wait_indirect_dma semaphore(%arg11 : memref<!tpu.dma_semaphore, #tpu.memory_space<semaphore_mem>>) src(%dma_wait3A_359 : memref<50000x64xbf16, #tpu.memory_space<vmem_shared>>) dst(%dma_wait3A_353 : memref<320x64xbf16, #tpu.memory_space<vmem>>)
      %dma_wait3A_360 = arith.constant 1 : i32
      %dma_wait3A_361 = arith.constant 1 : i32
      %dma_wait3A_362 = arith.constant 0 : i32
      %dma_wait3A_363 = arith.constant 0 : i32
      %dma_wait3A_364 = tpu.memref_slice %arg8[%dma_wait3A_361, %dma_wait3A_362, %dma_wait3A_363] : memref<2x352x64xbf16, #tpu.memory_space<vmem>> -> memref<1x352x64xbf16, #tpu.memory_space<vmem>>
      %dma_wait3A_365 = tpu.memref_squeeze %dma_wait3A_364 : memref<1x352x64xbf16, #tpu.memory_space<vmem>> -> memref<352x64xbf16, #tpu.memory_space<vmem>>
      %dma_wait3A_366 = arith.constant 320 : i32
      %dma_wait3A_367 = arith.constant 0 : i32
      %dma_wait3A_368 = tpu.memref_slice %dma_wait3A_365[%dma_wait3A_366, %dma_wait3A_367] : memref<352x64xbf16, #tpu.memory_space<vmem>> -> memref<32x64xbf16, #tpu.memory_space<vmem>>
      %dma_wait3A_369 = arith.constant 320 : i32
      %dma_wait3A_370 = tpu.memref_slice %arg7[%dma_wait3A_360, %dma_wait3A_369] : memref<3x352xi32, #tpu.memory_space<vmem>> -> memref<1x32xi32, #tpu.memory_space<vmem>>
      %dma_wait3A_371 = tpu.memref_squeeze %dma_wait3A_370 : memref<1x32xi32, #tpu.memory_space<vmem>> -> memref<32xi32, #tpu.memory_space<vmem>>
      %dma_wait3A_372 = arith.constant 0 : i32
      %dma_wait3A_373 = arith.constant 0 : i32
      %dma_wait3A_374 = tpu.memref_slice %arg6[%dma_wait3A_372, %dma_wait3A_373] : memref<50000x64xbf16, #tpu.memory_space<vmem_shared>> -> memref<50000x64xbf16, #tpu.memory_space<vmem_shared>>
      tpu.wait_indirect_dma semaphore(%arg11 : memref<!tpu.dma_semaphore, #tpu.memory_space<semaphore_mem>>) src(%dma_wait3A_374 : memref<50000x64xbf16, #tpu.memory_space<vmem_shared>>) dst(%dma_wait3A_368 : memref<32x64xbf16, #tpu.memory_space<vmem>>)
      %ge3A_375 = arith.constant 2 : i32
      %ge3A_376 = arith.cmpi sge, %add3A_330, %ge3A_375 : i32
      %convert_element_type3A_377 = arith.extui %ge3A_376 : i1 to i32
      %cond3A_378 = arith.constant 0 : i32
      %cond3A_379 = arith.cmpi ne, %convert_element_type3A_377, %cond3A_378 : i32
      scf.if %cond3A_379 {
        %sub3A_748 = arith.constant 2 : i32
        %sub3A_749 = arith.subi %add3A_330, %sub3A_748 : i32
        %mul3A_750 = arith.constant 3128 : i32
        %mul3A_751 = arith.muli %arg1, %mul3A_750 : i32
        %mul3A_752 = arith.constant 32 : i32
        %mul3A_753 = arith.muli %sub3A_749, %mul3A_752 : i32
        %add3A_754 = arith.addi %mul3A_751, %mul3A_753 : i32
        %min3A_755 = arith.constant 49968 : i32
        %min3A_756 = arith.minsi %add3A_754, %min3A_755 : i32
        %dma_wait3A_757 = arith.constant 1 : i32
        %dma_wait3A_758 = arith.constant 0 : i32
        %dma_wait3A_759 = arith.constant 0 : i32
        %dma_wait3A_760 = tpu.memref_slice %arg9[%dma_wait3A_757, %dma_wait3A_758, %dma_wait3A_759] : memref<2x56x64xf32, #tpu.memory_space<vmem>> -> memref<1x56x64xf32, #tpu.memory_space<vmem>>
        %dma_wait3A_761 = tpu.memref_squeeze %dma_wait3A_760 : memref<1x56x64xf32, #tpu.memory_space<vmem>> -> memref<56x64xf32, #tpu.memory_space<vmem>>
        %dma_wait3A_762 = arith.constant 0 : i32
        %dma_wait3A_763 = arith.constant 0 : i32
        %dma_wait3A_764 = tpu.memref_slice %dma_wait3A_761[%dma_wait3A_762, %dma_wait3A_763] : memref<56x64xf32, #tpu.memory_space<vmem>> -> memref<32x64xf32, #tpu.memory_space<vmem>>
        %dma_wait3A_765 = tpu.memref_slice %arg5[%min3A_756, %mul3A_0] : memref<50000x128xf32, #tpu.memory_space<hbm>> -> memref<32x64xf32, #tpu.memory_space<hbm>>
        %dma_wait3A_766 = tpu.memref_slice %arg5[%min3A_756, %mul3A_0] : memref<50000x128xf32, #tpu.memory_space<hbm>> -> memref<32x64xf32, #tpu.memory_space<hbm>>
        %dma_wait3A_767 = arith.constant 0 : i32
        %dma_wait3A_768 = arith.constant 0 : i32
        %dma_wait3A_769 = tpu.memref_slice %arg9[%dma_wait3A_757, %dma_wait3A_767, %dma_wait3A_768] : memref<2x56x64xf32, #tpu.memory_space<vmem>> -> memref<1x56x64xf32, #tpu.memory_space<vmem>>
        %dma_wait3A_770 = tpu.memref_squeeze %dma_wait3A_769 : memref<1x56x64xf32, #tpu.memory_space<vmem>> -> memref<56x64xf32, #tpu.memory_space<vmem>>
        %dma_wait3A_771 = arith.constant 0 : i32
        %dma_wait3A_772 = arith.constant 0 : i32
        %dma_wait3A_773 = tpu.memref_slice %dma_wait3A_770[%dma_wait3A_771, %dma_wait3A_772] : memref<56x64xf32, #tpu.memory_space<vmem>> -> memref<32x64xf32, #tpu.memory_space<vmem>>
        tpu.wait_dma2 semaphore(%arg13 : memref<!tpu.dma_semaphore, #tpu.memory_space<semaphore_mem>>) src(%dma_wait3A_773 : memref<32x64xf32, #tpu.memory_space<vmem>>) dst(%dma_wait3A_766 : memref<32x64xf32, #tpu.memory_space<hbm>>)
      } else {
      }
      %scan3A_380 = arith.constant 0 : i32
      %scan3A_381 = arith.constant 0 : i32
      %scan3A_382 = arith.constant 32 : i32
      %scan3A_383 = arith.addi %scan3A_381, %scan3A_382 : i32
      %scan3A_384 = arith.constant 1 : i32
      %scan3A_385 = scf.for %scan3A_748 = %scan3A_381 to %scan3A_383 step %scan3A_384 iter_args(%scan3A_749 = %scan3A_380) -> (i32)  : i32 {
        %mul3A_750 = arith.constant 10 : i32
        %mul3A_751 = arith.muli %scan3A_748, %mul3A_750 : i32
        %add3A_752 = arith.constant 320 : i32
        %add3A_753 = arith.addi %add3A_752, %scan3A_748 : i32
        %get3A = arith.constant 1 : i32
        %get3A_754 = arith.index_cast %get3A : i32 to index
        %get3A_755 = arith.index_cast %add3A_753 : i32 to index
        %get3A_756 = arith.constant 0 : index
        %get3A_757 = tpu.vector_load %arg8[%get3A_754, %get3A_755, %get3A_756] {strides = array<i32>} : memref<2x352x64xbf16, #tpu.memory_space<vmem>>, vector<32xbf16>,
        %add3A_758 = arith.constant 0 : i32
        %add3A_759 = arith.addi %mul3A_751, %add3A_758 : i32
        %get3A_760 = arith.constant 1 : i32
        %get3A_761 = arith.index_cast %get3A_760 : i32 to index
        %get3A_762 = arith.index_cast %add3A_759 : i32 to index
        %get3A_763 = arith.constant 0 : index
        %get3A_764 = tpu.vector_load %arg8[%get3A_761, %get3A_762, %get3A_763] {strides = array<i32>} : memref<2x352x64xbf16, #tpu.memory_space<vmem>>, vector<32xbf16>,
        %add3A_765 = arith.addf %get3A_757, %get3A_764 : vector<32xbf16>
        %add3A_766 = arith.constant 1 : i32
        %add3A_767 = arith.addi %mul3A_751, %add3A_766 : i32
        %get3A_768 = arith.constant 1 : i32
        %get3A_769 = arith.index_cast %get3A_768 : i32 to index
        %get3A_770 = arith.index_cast %add3A_767 : i32 to index
        %get3A_771 = arith.constant 0 : index
        %get3A_772 = tpu.vector_load %arg8[%get3A_769, %get3A_770, %get3A_771] {strides = array<i32>} : memref<2x352x64xbf16, #tpu.memory_space<vmem>>, vector<32xbf16>,
        %add3A_773 = arith.addf %add3A_765, %get3A_772 : vector<32xbf16>
        %add3A_774 = arith.constant 2 : i32
        %add3A_775 = arith.addi %mul3A_751, %add3A_774 : i32
        %get3A_776 = arith.constant 1 : i32
        %get3A_777 = arith.index_cast %get3A_776 : i32 to index
        %get3A_778 = arith.index_cast %add3A_775 : i32 to index
        %get3A_779 = arith.constant 0 : index
        %get3A_780 = tpu.vector_load %arg8[%get3A_777, %get3A_778, %get3A_779] {strides = array<i32>} : memref<2x352x64xbf16, #tpu.memory_space<vmem>>, vector<32xbf16>,
        %add3A_781 = arith.addf %add3A_773, %get3A_780 : vector<32xbf16>
        %add3A_782 = arith.constant 3 : i32
        %add3A_783 = arith.addi %mul3A_751, %add3A_782 : i32
        %get3A_784 = arith.constant 1 : i32
        %get3A_785 = arith.index_cast %get3A_784 : i32 to index
        %get3A_786 = arith.index_cast %add3A_783 : i32 to index
        %get3A_787 = arith.constant 0 : index
        %get3A_788 = tpu.vector_load %arg8[%get3A_785, %get3A_786, %get3A_787] {strides = array<i32>} : memref<2x352x64xbf16, #tpu.memory_space<vmem>>, vector<32xbf16>,
        %add3A_789 = arith.addf %add3A_781, %get3A_788 : vector<32xbf16>
        %add3A_790 = arith.constant 4 : i32
        %add3A_791 = arith.addi %mul3A_751, %add3A_790 : i32
        %get3A_792 = arith.constant 1 : i32
        %get3A_793 = arith.index_cast %get3A_792 : i32 to index
        %get3A_794 = arith.index_cast %add3A_791 : i32 to index
        %get3A_795 = arith.constant 0 : index
        %get3A_796 = tpu.vector_load %arg8[%get3A_793, %get3A_794, %get3A_795] {strides = array<i32>} : memref<2x352x64xbf16, #tpu.memory_space<vmem>>, vector<32xbf16>,
        %add3A_797 = arith.addf %add3A_789, %get3A_796 : vector<32xbf16>
        %add3A_798 = arith.constant 5 : i32
        %add3A_799 = arith.addi %mul3A_751, %add3A_798 : i32
        %get3A_800 = arith.constant 1 : i32
        %get3A_801 = arith.index_cast %get3A_800 : i32 to index
        %get3A_802 = arith.index_cast %add3A_799 : i32 to index
        %get3A_803 = arith.constant 0 : index
        %get3A_804 = tpu.vector_load %arg8[%get3A_801, %get3A_802, %get3A_803] {strides = array<i32>} : memref<2x352x64xbf16, #tpu.memory_space<vmem>>, vector<32xbf16>,
        %add3A_805 = arith.addf %add3A_797, %get3A_804 : vector<32xbf16>
        %add3A_806 = arith.constant 6 : i32
        %add3A_807 = arith.addi %mul3A_751, %add3A_806 : i32
        %get3A_808 = arith.constant 1 : i32
        %get3A_809 = arith.index_cast %get3A_808 : i32 to index
        %get3A_810 = arith.index_cast %add3A_807 : i32 to index
        %get3A_811 = arith.constant 0 : index
        %get3A_812 = tpu.vector_load %arg8[%get3A_809, %get3A_810, %get3A_811] {strides = array<i32>} : memref<2x352x64xbf16, #tpu.memory_space<vmem>>, vector<32xbf16>,
        %add3A_813 = arith.addf %add3A_805, %get3A_812 : vector<32xbf16>
        %add3A_814 = arith.constant 7 : i32
        %add3A_815 = arith.addi %mul3A_751, %add3A_814 : i32
        %get3A_816 = arith.constant 1 : i32
        %get3A_817 = arith.index_cast %get3A_816 : i32 to index
        %get3A_818 = arith.index_cast %add3A_815 : i32 to index
        %get3A_819 = arith.constant 0 : index
        %get3A_820 = tpu.vector_load %arg8[%get3A_817, %get3A_818, %get3A_819] {strides = array<i32>} : memref<2x352x64xbf16, #tpu.memory_space<vmem>>, vector<32xbf16>,
        %add3A_821 = arith.addf %add3A_813, %get3A_820 : vector<32xbf16>
        %add3A_822 = arith.constant 8 : i32
        %add3A_823 = arith.addi %mul3A_751, %add3A_822 : i32
        %get3A_824 = arith.constant 1 : i32
        %get3A_825 = arith.index_cast %get3A_824 : i32 to index
        %get3A_826 = arith.index_cast %add3A_823 : i32 to index
        %get3A_827 = arith.constant 0 : index
        %get3A_828 = tpu.vector_load %arg8[%get3A_825, %get3A_826, %get3A_827] {strides = array<i32>} : memref<2x352x64xbf16, #tpu.memory_space<vmem>>, vector<32xbf16>,
        %add3A_829 = arith.addf %add3A_821, %get3A_828 : vector<32xbf16>
        %add3A_830 = arith.constant 9 : i32
        %add3A_831 = arith.addi %mul3A_751, %add3A_830 : i32
        %get3A_832 = arith.constant 1 : i32
        %get3A_833 = arith.index_cast %get3A_832 : i32 to index
        %get3A_834 = arith.index_cast %add3A_831 : i32 to index
        %get3A_835 = arith.constant 0 : index
        %get3A_836 = tpu.vector_load %arg8[%get3A_833, %get3A_834, %get3A_835] {strides = array<i32>} : memref<2x352x64xbf16, #tpu.memory_space<vmem>>, vector<32xbf16>,
        %add3A_837 = arith.addf %add3A_829, %get3A_836 : vector<32xbf16>
        %unpack3A = tpu.unpack_subelements %add3A_837, 0 {pack_format = #tpu.pack_format<interleaved>} : vector<32xbf16> -> vector<16xf32>
        %unpack3A_838 = tpu.unpack_subelements %add3A_837, 1 {pack_format = #tpu.pack_format<interleaved>} : vector<32xbf16> -> vector<16xf32>
        %mul3A_839 = arith.constant 0.0909090936 : f32
        %mul3A_840 = vector.broadcast %mul3A_839 : f32 to vector<16xf32>
        %mul3A_841 = arith.mulf %unpack3A, %mul3A_840 : vector<16xf32>
        %swap3A = arith.constant 1 : i32
        %swap3A_842 = arith.index_cast %swap3A : i32 to index
        %swap3A_843 = arith.index_cast %scan3A_748 : i32 to index
        %swap3A_844 = arith.constant 0 : index
        %swap3A_845 = tpu.vector_load %arg9[%swap3A_842, %swap3A_843, %swap3A_844] {strides = array<i32>} : memref<2x56x64xf32, #tpu.memory_space<vmem>>, vector<16xf32>,
        tpu.vector_store %arg9[%swap3A_842, %swap3A_843, %swap3A_844], %mul3A_841 {strides = array<i32>} : memref<2x56x64xf32, #tpu.memory_space<vmem>>, vector<16xf32>,
        %mul3A_846 = arith.constant 0.0909090936 : f32
        %mul3A_847 = vector.broadcast %mul3A_846 : f32 to vector<16xf32>
        %mul3A_848 = arith.mulf %unpack3A_838, %mul3A_847 : vector<16xf32>
        %swap3A_849 = arith.constant 1 : i32
        %swap3A_850 = arith.index_cast %swap3A_849 : i32 to index
        %swap3A_851 = arith.index_cast %scan3A_748 : i32 to index
        %swap3A_852 = arith.constant 16 : index
        %swap3A_853 = tpu.vector_load %arg9[%swap3A_850, %swap3A_851, %swap3A_852] {strides = array<i32>} : memref<2x56x64xf32, #tpu.memory_space<vmem>>, vector<16xf32>,
        tpu.vector_store %arg9[%swap3A_850, %swap3A_851, %swap3A_852], %mul3A_848 {strides = array<i32>} : memref<2x56x64xf32, #tpu.memory_space<vmem>>, vector<16xf32>,
        %add3A_854 = arith.constant 320 : i32
        %add3A_855 = arith.addi %add3A_854, %scan3A_748 : i32
        %get3A_856 = arith.constant 1 : i32
        %get3A_857 = arith.index_cast %get3A_856 : i32 to index
        %get3A_858 = arith.index_cast %add3A_855 : i32 to index
        %get3A_859 = arith.constant 32 : index
        %get3A_860 = tpu.vector_load %arg8[%get3A_857, %get3A_858, %get3A_859] {strides = array<i32>} : memref<2x352x64xbf16, #tpu.memory_space<vmem>>, vector<32xbf16>,
        %add3A_861 = arith.constant 0 : i32
        %add3A_862 = arith.addi %mul3A_751, %add3A_861 : i32
        %get3A_863 = arith.constant 1 : i32
        %get3A_864 = arith.index_cast %get3A_863 : i32 to index
        %get3A_865 = arith.index_cast %add3A_862 : i32 to index
        %get3A_866 = arith.constant 32 : index
        %get3A_867 = tpu.vector_load %arg8[%get3A_864, %get3A_865, %get3A_866] {strides = array<i32>} : memref<2x352x64xbf16, #tpu.memory_space<vmem>>, vector<32xbf16>,
        %add3A_868 = arith.addf %get3A_860, %get3A_867 : vector<32xbf16>
        %add3A_869 = arith.constant 1 : i32
        %add3A_870 = arith.addi %mul3A_751, %add3A_869 : i32
        %get3A_871 = arith.constant 1 : i32
        %get3A_872 = arith.index_cast %get3A_871 : i32 to index
        %get3A_873 = arith.index_cast %add3A_870 : i32 to index
        %get3A_874 = arith.constant 32 : index
        %get3A_875 = tpu.vector_load %arg8[%get3A_872, %get3A_873, %get3A_874] {strides = array<i32>} : memref<2x352x64xbf16, #tpu.memory_space<vmem>>, vector<32xbf16>,
        %add3A_876 = arith.addf %add3A_868, %get3A_875 : vector<32xbf16>
        %add3A_877 = arith.constant 2 : i32
        %add3A_878 = arith.addi %mul3A_751, %add3A_877 : i32
        %get3A_879 = arith.constant 1 : i32
        %get3A_880 = arith.index_cast %get3A_879 : i32 to index
        %get3A_881 = arith.index_cast %add3A_878 : i32 to index
        %get3A_882 = arith.constant 32 : index
        %get3A_883 = tpu.vector_load %arg8[%get3A_880, %get3A_881, %get3A_882] {strides = array<i32>} : memref<2x352x64xbf16, #tpu.memory_space<vmem>>, vector<32xbf16>,
        %add3A_884 = arith.addf %add3A_876, %get3A_883 : vector<32xbf16>
        %add3A_885 = arith.constant 3 : i32
        %add3A_886 = arith.addi %mul3A_751, %add3A_885 : i32
        %get3A_887 = arith.constant 1 : i32
        %get3A_888 = arith.index_cast %get3A_887 : i32 to index
        %get3A_889 = arith.index_cast %add3A_886 : i32 to index
        %get3A_890 = arith.constant 32 : index
        %get3A_891 = tpu.vector_load %arg8[%get3A_888, %get3A_889, %get3A_890] {strides = array<i32>} : memref<2x352x64xbf16, #tpu.memory_space<vmem>>, vector<32xbf16>,
        %add3A_892 = arith.addf %add3A_884, %get3A_891 : vector<32xbf16>
        %add3A_893 = arith.constant 4 : i32
        %add3A_894 = arith.addi %mul3A_751, %add3A_893 : i32
        %get3A_895 = arith.constant 1 : i32
        %get3A_896 = arith.index_cast %get3A_895 : i32 to index
        %get3A_897 = arith.index_cast %add3A_894 : i32 to index
        %get3A_898 = arith.constant 32 : index
        %get3A_899 = tpu.vector_load %arg8[%get3A_896, %get3A_897, %get3A_898] {strides = array<i32>} : memref<2x352x64xbf16, #tpu.memory_space<vmem>>, vector<32xbf16>,
        %add3A_900 = arith.addf %add3A_892, %get3A_899 : vector<32xbf16>
        %add3A_901 = arith.constant 5 : i32
        %add3A_902 = arith.addi %mul3A_751, %add3A_901 : i32
        %get3A_903 = arith.constant 1 : i32
        %get3A_904 = arith.index_cast %get3A_903 : i32 to index
        %get3A_905 = arith.index_cast %add3A_902 : i32 to index
        %get3A_906 = arith.constant 32 : index
        %get3A_907 = tpu.vector_load %arg8[%get3A_904, %get3A_905, %get3A_906] {strides = array<i32>} : memref<2x352x64xbf16, #tpu.memory_space<vmem>>, vector<32xbf16>,
        %add3A_908 = arith.addf %add3A_900, %get3A_907 : vector<32xbf16>
        %add3A_909 = arith.constant 6 : i32
        %add3A_910 = arith.addi %mul3A_751, %add3A_909 : i32
        %get3A_911 = arith.constant 1 : i32
        %get3A_912 = arith.index_cast %get3A_911 : i32 to index
        %get3A_913 = arith.index_cast %add3A_910 : i32 to index
        %get3A_914 = arith.constant 32 : index
        %get3A_915 = tpu.vector_load %arg8[%get3A_912, %get3A_913, %get3A_914] {strides = array<i32>} : memref<2x352x64xbf16, #tpu.memory_space<vmem>>, vector<32xbf16>,
        %add3A_916 = arith.addf %add3A_908, %get3A_915 : vector<32xbf16>
        %add3A_917 = arith.constant 7 : i32
        %add3A_918 = arith.addi %mul3A_751, %add3A_917 : i32
        %get3A_919 = arith.constant 1 : i32
        %get3A_920 = arith.index_cast %get3A_919 : i32 to index
        %get3A_921 = arith.index_cast %add3A_918 : i32 to index
        %get3A_922 = arith.constant 32 : index
        %get3A_923 = tpu.vector_load %arg8[%get3A_920, %get3A_921, %get3A_922] {strides = array<i32>} : memref<2x352x64xbf16, #tpu.memory_space<vmem>>, vector<32xbf16>,
        %add3A_924 = arith.addf %add3A_916, %get3A_923 : vector<32xbf16>
        %add3A_925 = arith.constant 8 : i32
        %add3A_926 = arith.addi %mul3A_751, %add3A_925 : i32
        %get3A_927 = arith.constant 1 : i32
        %get3A_928 = arith.index_cast %get3A_927 : i32 to index
        %get3A_929 = arith.index_cast %add3A_926 : i32 to index
        %get3A_930 = arith.constant 32 : index
        %get3A_931 = tpu.vector_load %arg8[%get3A_928, %get3A_929, %get3A_930] {strides = array<i32>} : memref<2x352x64xbf16, #tpu.memory_space<vmem>>, vector<32xbf16>,
        %add3A_932 = arith.addf %add3A_924, %get3A_931 : vector<32xbf16>
        %add3A_933 = arith.constant 9 : i32
        %add3A_934 = arith.addi %mul3A_751, %add3A_933 : i32
        %get3A_935 = arith.constant 1 : i32
        %get3A_936 = arith.index_cast %get3A_935 : i32 to index
        %get3A_937 = arith.index_cast %add3A_934 : i32 to index
        %get3A_938 = arith.constant 32 : index
        %get3A_939 = tpu.vector_load %arg8[%get3A_936, %get3A_937, %get3A_938] {strides = array<i32>} : memref<2x352x64xbf16, #tpu.memory_space<vmem>>, vector<32xbf16>,
        %add3A_940 = arith.addf %add3A_932, %get3A_939 : vector<32xbf16>
        %unpack3A_941 = tpu.unpack_subelements %add3A_940, 0 {pack_format = #tpu.pack_format<interleaved>} : vector<32xbf16> -> vector<16xf32>
        %unpack3A_942 = tpu.unpack_subelements %add3A_940, 1 {pack_format = #tpu.pack_format<interleaved>} : vector<32xbf16> -> vector<16xf32>
        %mul3A_943 = arith.constant 0.0909090936 : f32
        %mul3A_944 = vector.broadcast %mul3A_943 : f32 to vector<16xf32>
        %mul3A_945 = arith.mulf %unpack3A_941, %mul3A_944 : vector<16xf32>
        %swap3A_946 = arith.constant 1 : i32
        %swap3A_947 = arith.index_cast %swap3A_946 : i32 to index
        %swap3A_948 = arith.index_cast %scan3A_748 : i32 to index
        %swap3A_949 = arith.constant 32 : index
        %swap3A_950 = tpu.vector_load %arg9[%swap3A_947, %swap3A_948, %swap3A_949] {strides = array<i32>} : memref<2x56x64xf32, #tpu.memory_space<vmem>>, vector<16xf32>,
        tpu.vector_store %arg9[%swap3A_947, %swap3A_948, %swap3A_949], %mul3A_945 {strides = array<i32>} : memref<2x56x64xf32, #tpu.memory_space<vmem>>, vector<16xf32>,
        %mul3A_951 = arith.constant 0.0909090936 : f32
        %mul3A_952 = vector.broadcast %mul3A_951 : f32 to vector<16xf32>
        %mul3A_953 = arith.mulf %unpack3A_942, %mul3A_952 : vector<16xf32>
        %swap3A_954 = arith.constant 1 : i32
        %swap3A_955 = arith.index_cast %swap3A_954 : i32 to index
        %swap3A_956 = arith.index_cast %scan3A_748 : i32 to index
        %swap3A_957 = arith.constant 48 : index
        %swap3A_958 = tpu.vector_load %arg9[%swap3A_955, %swap3A_956, %swap3A_957] {strides = array<i32>} : memref<2x56x64xf32, #tpu.memory_space<vmem>>, vector<16xf32>,
        tpu.vector_store %arg9[%swap3A_955, %swap3A_956, %swap3A_957], %mul3A_953 {strides = array<i32>} : memref<2x56x64xf32, #tpu.memory_space<vmem>>, vector<16xf32>,
        %scan3A_959 = arith.constant 0 : i32
        scf.yield %scan3A_959 : i32
      }
      %scan3A_386 = arith.constant 32 : i32
      %mul3A_387 = arith.constant 3128 : i32
      %mul3A_388 = arith.muli %arg1, %mul3A_387 : i32
      %mul3A_389 = arith.constant 32 : i32
      %mul3A_390 = arith.muli %add3A_330, %mul3A_389 : i32
      %add3A_391 = arith.addi %mul3A_388, %mul3A_390 : i32
      %min3A_392 = arith.constant 49968 : i32
      %min3A_393 = arith.minsi %add3A_391, %min3A_392 : i32
      %dma_start3A_394 = arith.constant 1 : i32
      %dma_start3A_395 = arith.constant 0 : i32
      %dma_start3A_396 = arith.constant 0 : i32
      %dma_start3A_397 = tpu.memref_slice %arg9[%dma_start3A_394, %dma_start3A_395, %dma_start3A_396] : memref<2x56x64xf32, #tpu.memory_space<vmem>> -> memref<1x56x64xf32, #tpu.memory_space<vmem>>
      %dma_start3A_398 = tpu.memref_squeeze %dma_start3A_397 : memref<1x56x64xf32, #tpu.memory_space<vmem>> -> memref<56x64xf32, #tpu.memory_space<vmem>>
      %dma_start3A_399 = arith.constant 0 : i32
      %dma_start3A_400 = arith.constant 0 : i32
      %dma_start3A_401 = tpu.memref_slice %dma_start3A_398[%dma_start3A_399, %dma_start3A_400] : memref<56x64xf32, #tpu.memory_space<vmem>> -> memref<32x64xf32, #tpu.memory_space<vmem>>
      %dma_start3A_402 = tpu.memref_slice %arg5[%min3A_393, %mul3A_0] : memref<50000x128xf32, #tpu.memory_space<hbm>> -> memref<32x64xf32, #tpu.memory_space<hbm>>
      %dma_start3A_403 = tpu.memref_slice %arg5[%min3A_393, %mul3A_0] : memref<50000x128xf32, #tpu.memory_space<hbm>> -> memref<32x64xf32, #tpu.memory_space<hbm>>
      %dma_start3A_404 = arith.constant 0 : i32
      %dma_start3A_405 = arith.constant 0 : i32
      %dma_start3A_406 = tpu.memref_slice %arg9[%dma_start3A_394, %dma_start3A_404, %dma_start3A_405] : memref<2x56x64xf32, #tpu.memory_space<vmem>> -> memref<1x56x64xf32, #tpu.memory_space<vmem>>
      %dma_start3A_407 = tpu.memref_squeeze %dma_start3A_406 : memref<1x56x64xf32, #tpu.memory_space<vmem>> -> memref<56x64xf32, #tpu.memory_space<vmem>>
      %dma_start3A_408 = arith.constant 0 : i32
      %dma_start3A_409 = arith.constant 0 : i32
      %dma_start3A_410 = tpu.memref_slice %dma_start3A_407[%dma_start3A_408, %dma_start3A_409] : memref<56x64xf32, #tpu.memory_space<vmem>> -> memref<32x64xf32, #tpu.memory_space<vmem>>
      tpu.enqueue_dma source(%dma_start3A_410 : memref<32x64xf32, #tpu.memory_space<vmem>>) target(%dma_start3A_403 : memref<32x64xf32, #tpu.memory_space<hbm>>) target_semaphore(%arg13 : memref<!tpu.dma_semaphore, #tpu.memory_space<semaphore_mem>>)
      %mul3A_411 = arith.constant 6 : i32
      %mul3A_412 = arith.muli %mul3A_411, %scan3A_245 : i32
      %add3A_413 = arith.constant 2 : i32
      %add3A_414 = arith.addi %mul3A_412, %add3A_413 : i32
      %add3A_415 = arith.constant 2 : i32
      %add3A_416 = arith.addi %add3A_414, %add3A_415 : i32
      %lt3A_417 = arith.constant 102 : i32
      %lt3A_418 = arith.cmpi slt, %add3A_416, %lt3A_417 : i32
      %convert_element_type3A_419 = arith.extui %lt3A_418 : i1 to i32
      %cond3A_420 = arith.constant 0 : i32
      %cond3A_421 = arith.cmpi ne, %convert_element_type3A_419, %cond3A_420 : i32
      scf.if %cond3A_421 {
        %add3A_748 = arith.constant 2 : i32
        %add3A_749 = arith.addi %add3A_414, %add3A_748 : i32
        %mul3A_750 = arith.constant 3128 : i32
        %mul3A_751 = arith.muli %arg1, %mul3A_750 : i32
        %mul3A_752 = arith.constant 32 : i32
        %mul3A_753 = arith.muli %add3A_749, %mul3A_752 : i32
        %add3A_754 = arith.addi %mul3A_751, %mul3A_753 : i32
        %min3A_755 = arith.constant 49968 : i32
        %min3A_756 = arith.minsi %add3A_754, %min3A_755 : i32
        %mul3A_757 = arith.constant 10 : i32
        %mul3A_758 = arith.muli %min3A_756, %mul3A_757 : i32
        %dma_start3A_759 = arith.constant 1 : i32
        %dma_start3A_760 = arith.constant 0 : i32
        %dma_start3A_761 = tpu.memref_slice %arg7[%dma_start3A_759, %dma_start3A_760] : memref<3x352xi32, #tpu.memory_space<vmem>> -> memref<1x320xi32, #tpu.memory_space<vmem>>
        %dma_start3A_762 = tpu.memref_squeeze %dma_start3A_761 : memref<1x320xi32, #tpu.memory_space<vmem>> -> memref<320xi32, #tpu.memory_space<vmem>>
        %dma_start3A_763 = tpu.memref_slice %arg3[%mul3A_758] : memref<500000xi32, #tpu.memory_space<hbm>> -> memref<320xi32, #tpu.memory_space<hbm>>
        %dma_start3A_764 = arith.constant 0 : i32
        %dma_start3A_765 = tpu.memref_slice %arg7[%dma_start3A_759, %dma_start3A_764] : memref<3x352xi32, #tpu.memory_space<vmem>> -> memref<1x320xi32, #tpu.memory_space<vmem>>
        %dma_start3A_766 = tpu.memref_squeeze %dma_start3A_765 : memref<1x320xi32, #tpu.memory_space<vmem>> -> memref<320xi32, #tpu.memory_space<vmem>>
        %dma_start3A_767 = tpu.memref_slice %arg3[%mul3A_758] : memref<500000xi32, #tpu.memory_space<hbm>> -> memref<320xi32, #tpu.memory_space<hbm>>
        tpu.enqueue_dma source(%dma_start3A_767 : memref<320xi32, #tpu.memory_space<hbm>>) target(%dma_start3A_766 : memref<320xi32, #tpu.memory_space<vmem>>) target_semaphore(%arg15 : memref<!tpu.dma_semaphore, #tpu.memory_space<semaphore_mem>>)
        %dma_start3A_768 = arith.constant 1 : i32
        %dma_start3A_769 = arith.constant 320 : i32
        %dma_start3A_770 = tpu.memref_slice %arg7[%dma_start3A_768, %dma_start3A_769] : memref<3x352xi32, #tpu.memory_space<vmem>> -> memref<1x32xi32, #tpu.memory_space<vmem>>
        %dma_start3A_771 = tpu.memref_squeeze %dma_start3A_770 : memref<1x32xi32, #tpu.memory_space<vmem>> -> memref<32xi32, #tpu.memory_space<vmem>>
        %dma_start3A_772 = tpu.memref_slice %arg2[%min3A_756] : memref<50000xi32, #tpu.memory_space<hbm>> -> memref<32xi32, #tpu.memory_space<hbm>>
        %dma_start3A_773 = arith.constant 320 : i32
        %dma_start3A_774 = tpu.memref_slice %arg7[%dma_start3A_768, %dma_start3A_773] : memref<3x352xi32, #tpu.memory_space<vmem>> -> memref<1x32xi32, #tpu.memory_space<vmem>>
        %dma_start3A_775 = tpu.memref_squeeze %dma_start3A_774 : memref<1x32xi32, #tpu.memory_space<vmem>> -> memref<32xi32, #tpu.memory_space<vmem>>
        %dma_start3A_776 = tpu.memref_slice %arg2[%min3A_756] : memref<50000xi32, #tpu.memory_space<hbm>> -> memref<32xi32, #tpu.memory_space<hbm>>
        tpu.enqueue_dma source(%dma_start3A_776 : memref<32xi32, #tpu.memory_space<hbm>>) target(%dma_start3A_775 : memref<32xi32, #tpu.memory_space<vmem>>) target_semaphore(%arg15 : memref<!tpu.dma_semaphore, #tpu.memory_space<semaphore_mem>>)
      } else {
      }
      %add3A_422 = arith.constant 1 : i32
      %add3A_423 = arith.addi %add3A_414, %add3A_422 : i32
      %lt3A_424 = arith.constant 102 : i32
      %lt3A_425 = arith.cmpi slt, %add3A_423, %lt3A_424 : i32
      %convert_element_type3A_426 = arith.extui %lt3A_425 : i1 to i32
      %cond3A_427 = arith.constant 0 : i32
      %cond3A_428 = arith.cmpi ne, %convert_element_type3A_426, %cond3A_427 : i32
      scf.if %cond3A_428 {
        %add3A_748 = arith.constant 1 : i32
        %add3A_749 = arith.addi %add3A_414, %add3A_748 : i32
        %mul3A_750 = arith.constant 3128 : i32
        %mul3A_751 = arith.muli %arg1, %mul3A_750 : i32
        %mul3A_752 = arith.constant 32 : i32
        %mul3A_753 = arith.muli %add3A_749, %mul3A_752 : i32
        %add3A_754 = arith.addi %mul3A_751, %mul3A_753 : i32
        %min3A_755 = arith.constant 49968 : i32
        %min3A_756 = arith.minsi %add3A_754, %min3A_755 : i32
        %mul3A_757 = arith.constant 10 : i32
        %mul3A_758 = arith.muli %min3A_756, %mul3A_757 : i32
        %dma_wait3A_759 = arith.constant 0 : i32
        %dma_wait3A_760 = arith.constant 0 : i32
        %dma_wait3A_761 = tpu.memref_slice %arg7[%dma_wait3A_759, %dma_wait3A_760] : memref<3x352xi32, #tpu.memory_space<vmem>> -> memref<1x320xi32, #tpu.memory_space<vmem>>
        %dma_wait3A_762 = tpu.memref_squeeze %dma_wait3A_761 : memref<1x320xi32, #tpu.memory_space<vmem>> -> memref<320xi32, #tpu.memory_space<vmem>>
        %dma_wait3A_763 = tpu.memref_slice %arg3[%mul3A_758] : memref<500000xi32, #tpu.memory_space<hbm>> -> memref<320xi32, #tpu.memory_space<hbm>>
        %dma_wait3A_764 = arith.constant 0 : i32
        %dma_wait3A_765 = tpu.memref_slice %arg7[%dma_wait3A_759, %dma_wait3A_764] : memref<3x352xi32, #tpu.memory_space<vmem>> -> memref<1x320xi32, #tpu.memory_space<vmem>>
        %dma_wait3A_766 = tpu.memref_squeeze %dma_wait3A_765 : memref<1x320xi32, #tpu.memory_space<vmem>> -> memref<320xi32, #tpu.memory_space<vmem>>
        %dma_wait3A_767 = tpu.memref_slice %arg3[%mul3A_758] : memref<500000xi32, #tpu.memory_space<hbm>> -> memref<320xi32, #tpu.memory_space<hbm>>
        tpu.wait_dma2 semaphore(%arg14 : memref<!tpu.dma_semaphore, #tpu.memory_space<semaphore_mem>>) src(%dma_wait3A_767 : memref<320xi32, #tpu.memory_space<hbm>>) dst(%dma_wait3A_766 : memref<320xi32, #tpu.memory_space<vmem>>)
        %dma_wait3A_768 = arith.constant 0 : i32
        %dma_wait3A_769 = arith.constant 320 : i32
        %dma_wait3A_770 = tpu.memref_slice %arg7[%dma_wait3A_768, %dma_wait3A_769] : memref<3x352xi32, #tpu.memory_space<vmem>> -> memref<1x32xi32, #tpu.memory_space<vmem>>
        %dma_wait3A_771 = tpu.memref_squeeze %dma_wait3A_770 : memref<1x32xi32, #tpu.memory_space<vmem>> -> memref<32xi32, #tpu.memory_space<vmem>>
        %dma_wait3A_772 = tpu.memref_slice %arg2[%min3A_756] : memref<50000xi32, #tpu.memory_space<hbm>> -> memref<32xi32, #tpu.memory_space<hbm>>
        %dma_wait3A_773 = arith.constant 320 : i32
        %dma_wait3A_774 = tpu.memref_slice %arg7[%dma_wait3A_768, %dma_wait3A_773] : memref<3x352xi32, #tpu.memory_space<vmem>> -> memref<1x32xi32, #tpu.memory_space<vmem>>
        %dma_wait3A_775 = tpu.memref_squeeze %dma_wait3A_774 : memref<1x32xi32, #tpu.memory_space<vmem>> -> memref<32xi32, #tpu.memory_space<vmem>>
        %dma_wait3A_776 = tpu.memref_slice %arg2[%min3A_756] : memref<50000xi32, #tpu.memory_space<hbm>> -> memref<32xi32, #tpu.memory_space<hbm>>
        tpu.wait_dma2 semaphore(%arg14 : memref<!tpu.dma_semaphore, #tpu.memory_space<semaphore_mem>>) src(%dma_wait3A_776 : memref<32xi32, #tpu.memory_space<hbm>>) dst(%dma_wait3A_775 : memref<32xi32, #tpu.memory_space<vmem>>)
        %dma_start3A_777 = arith.constant 0 : i32
        %dma_start3A_778 = arith.constant 1 : i32
        %dma_start3A_779 = arith.constant 0 : i32
        %dma_start3A_780 = arith.constant 0 : i32
        %dma_start3A_781 = tpu.memref_slice %arg8[%dma_start3A_778, %dma_start3A_779, %dma_start3A_780] : memref<2x352x64xbf16, #tpu.memory_space<vmem>> -> memref<1x352x64xbf16, #tpu.memory_space<vmem>>
        %dma_start3A_782 = tpu.memref_squeeze %dma_start3A_781 : memref<1x352x64xbf16, #tpu.memory_space<vmem>> -> memref<352x64xbf16, #tpu.memory_space<vmem>>
        %dma_start3A_783 = arith.constant 0 : i32
        %dma_start3A_784 = arith.constant 0 : i32
        %dma_start3A_785 = tpu.memref_slice %dma_start3A_782[%dma_start3A_783, %dma_start3A_784] : memref<352x64xbf16, #tpu.memory_space<vmem>> -> memref<320x64xbf16, #tpu.memory_space<vmem>>
        %dma_start3A_786 = arith.constant 0 : i32
        %dma_start3A_787 = tpu.memref_slice %arg7[%dma_start3A_777, %dma_start3A_786] : memref<3x352xi32, #tpu.memory_space<vmem>> -> memref<1x320xi32, #tpu.memory_space<vmem>>
        %dma_start3A_788 = tpu.memref_squeeze %dma_start3A_787 : memref<1x320xi32, #tpu.memory_space<vmem>> -> memref<320xi32, #tpu.memory_space<vmem>>
        %dma_start3A_789 = arith.constant 0 : i32
        %dma_start3A_790 = arith.constant 0 : i32
        %dma_start3A_791 = tpu.memref_slice %arg6[%dma_start3A_789, %dma_start3A_790] : memref<50000x64xbf16, #tpu.memory_space<vmem_shared>> -> memref<50000x64xbf16, #tpu.memory_space<vmem_shared>>
        tpu.enqueue_indirect_dma source(%dma_start3A_791 : memref<50000x64xbf16, #tpu.memory_space<vmem_shared>>) target(%dma_start3A_785 : memref<320x64xbf16, #tpu.memory_space<vmem>>) offsets(%dma_start3A_788 : memref<320xi32, #tpu.memory_space<vmem>>) semaphore(%arg11 : memref<!tpu.dma_semaphore, #tpu.memory_space<semaphore_mem>>)
        %dma_start3A_792 = arith.constant 0 : i32
        %dma_start3A_793 = arith.constant 1 : i32
        %dma_start3A_794 = arith.constant 0 : i32
        %dma_start3A_795 = arith.constant 0 : i32
        %dma_start3A_796 = tpu.memref_slice %arg8[%dma_start3A_793, %dma_start3A_794, %dma_start3A_795] : memref<2x352x64xbf16, #tpu.memory_space<vmem>> -> memref<1x352x64xbf16, #tpu.memory_space<vmem>>
        %dma_start3A_797 = tpu.memref_squeeze %dma_start3A_796 : memref<1x352x64xbf16, #tpu.memory_space<vmem>> -> memref<352x64xbf16, #tpu.memory_space<vmem>>
        %dma_start3A_798 = arith.constant 320 : i32
        %dma_start3A_799 = arith.constant 0 : i32
        %dma_start3A_800 = tpu.memref_slice %dma_start3A_797[%dma_start3A_798, %dma_start3A_799] : memref<352x64xbf16, #tpu.memory_space<vmem>> -> memref<32x64xbf16, #tpu.memory_space<vmem>>
        %dma_start3A_801 = arith.constant 320 : i32
        %dma_start3A_802 = tpu.memref_slice %arg7[%dma_start3A_792, %dma_start3A_801] : memref<3x352xi32, #tpu.memory_space<vmem>> -> memref<1x32xi32, #tpu.memory_space<vmem>>
        %dma_start3A_803 = tpu.memref_squeeze %dma_start3A_802 : memref<1x32xi32, #tpu.memory_space<vmem>> -> memref<32xi32, #tpu.memory_space<vmem>>
        %dma_start3A_804 = arith.constant 0 : i32
        %dma_start3A_805 = arith.constant 0 : i32
        %dma_start3A_806 = tpu.memref_slice %arg6[%dma_start3A_804, %dma_start3A_805] : memref<50000x64xbf16, #tpu.memory_space<vmem_shared>> -> memref<50000x64xbf16, #tpu.memory_space<vmem_shared>>
        tpu.enqueue_indirect_dma source(%dma_start3A_806 : memref<50000x64xbf16, #tpu.memory_space<vmem_shared>>) target(%dma_start3A_800 : memref<32x64xbf16, #tpu.memory_space<vmem>>) offsets(%dma_start3A_803 : memref<32xi32, #tpu.memory_space<vmem>>) semaphore(%arg11 : memref<!tpu.dma_semaphore, #tpu.memory_space<semaphore_mem>>)
      } else {
      }
      %dma_wait3A_429 = arith.constant 2 : i32
      %dma_wait3A_430 = arith.constant 0 : i32
      %dma_wait3A_431 = arith.constant 0 : i32
      %dma_wait3A_432 = arith.constant 0 : i32
      %dma_wait3A_433 = tpu.memref_slice %arg8[%dma_wait3A_430, %dma_wait3A_431, %dma_wait3A_432] : memref<2x352x64xbf16, #tpu.memory_space<vmem>> -> memref<1x352x64xbf16, #tpu.memory_space<vmem>>
      %dma_wait3A_434 = tpu.memref_squeeze %dma_wait3A_433 : memref<1x352x64xbf16, #tpu.memory_space<vmem>> -> memref<352x64xbf16, #tpu.memory_space<vmem>>
      %dma_wait3A_435 = arith.constant 0 : i32
      %dma_wait3A_436 = arith.constant 0 : i32
      %dma_wait3A_437 = tpu.memref_slice %dma_wait3A_434[%dma_wait3A_435, %dma_wait3A_436] : memref<352x64xbf16, #tpu.memory_space<vmem>> -> memref<320x64xbf16, #tpu.memory_space<vmem>>
      %dma_wait3A_438 = arith.constant 0 : i32
      %dma_wait3A_439 = tpu.memref_slice %arg7[%dma_wait3A_429, %dma_wait3A_438] : memref<3x352xi32, #tpu.memory_space<vmem>> -> memref<1x320xi32, #tpu.memory_space<vmem>>
      %dma_wait3A_440 = tpu.memref_squeeze %dma_wait3A_439 : memref<1x320xi32, #tpu.memory_space<vmem>> -> memref<320xi32, #tpu.memory_space<vmem>>
      %dma_wait3A_441 = arith.constant 0 : i32
      %dma_wait3A_442 = arith.constant 0 : i32
      %dma_wait3A_443 = tpu.memref_slice %arg6[%dma_wait3A_441, %dma_wait3A_442] : memref<50000x64xbf16, #tpu.memory_space<vmem_shared>> -> memref<50000x64xbf16, #tpu.memory_space<vmem_shared>>
      tpu.wait_indirect_dma semaphore(%arg10 : memref<!tpu.dma_semaphore, #tpu.memory_space<semaphore_mem>>) src(%dma_wait3A_443 : memref<50000x64xbf16, #tpu.memory_space<vmem_shared>>) dst(%dma_wait3A_437 : memref<320x64xbf16, #tpu.memory_space<vmem>>)
      %dma_wait3A_444 = arith.constant 2 : i32
      %dma_wait3A_445 = arith.constant 0 : i32
      %dma_wait3A_446 = arith.constant 0 : i32
      %dma_wait3A_447 = arith.constant 0 : i32
      %dma_wait3A_448 = tpu.memref_slice %arg8[%dma_wait3A_445, %dma_wait3A_446, %dma_wait3A_447] : memref<2x352x64xbf16, #tpu.memory_space<vmem>> -> memref<1x352x64xbf16, #tpu.memory_space<vmem>>
      %dma_wait3A_449 = tpu.memref_squeeze %dma_wait3A_448 : memref<1x352x64xbf16, #tpu.memory_space<vmem>> -> memref<352x64xbf16, #tpu.memory_space<vmem>>
      %dma_wait3A_450 = arith.constant 320 : i32
      %dma_wait3A_451 = arith.constant 0 : i32
      %dma_wait3A_452 = tpu.memref_slice %dma_wait3A_449[%dma_wait3A_450, %dma_wait3A_451] : memref<352x64xbf16, #tpu.memory_space<vmem>> -> memref<32x64xbf16, #tpu.memory_space<vmem>>
      %dma_wait3A_453 = arith.constant 320 : i32
      %dma_wait3A_454 = tpu.memref_slice %arg7[%dma_wait3A_444, %dma_wait3A_453] : memref<3x352xi32, #tpu.memory_space<vmem>> -> memref<1x32xi32, #tpu.memory_space<vmem>>
      %dma_wait3A_455 = tpu.memref_squeeze %dma_wait3A_454 : memref<1x32xi32, #tpu.memory_space<vmem>> -> memref<32xi32, #tpu.memory_space<vmem>>
      %dma_wait3A_456 = arith.constant 0 : i32
      %dma_wait3A_457 = arith.constant 0 : i32
      %dma_wait3A_458 = tpu.memref_slice %arg6[%dma_wait3A_456, %dma_wait3A_457] : memref<50000x64xbf16, #tpu.memory_space<vmem_shared>> -> memref<50000x64xbf16, #tpu.memory_space<vmem_shared>>
      tpu.wait_indirect_dma semaphore(%arg10 : memref<!tpu.dma_semaphore, #tpu.memory_space<semaphore_mem>>) src(%dma_wait3A_458 : memref<50000x64xbf16, #tpu.memory_space<vmem_shared>>) dst(%dma_wait3A_452 : memref<32x64xbf16, #tpu.memory_space<vmem>>)
      %ge3A_459 = arith.constant 2 : i32
      %ge3A_460 = arith.cmpi sge, %add3A_414, %ge3A_459 : i32
      %convert_element_type3A_461 = arith.extui %ge3A_460 : i1 to i32
      %cond3A_462 = arith.constant 0 : i32
      %cond3A_463 = arith.cmpi ne, %convert_element_type3A_461, %cond3A_462 : i32
      scf.if %cond3A_463 {
        %sub3A_748 = arith.constant 2 : i32
        %sub3A_749 = arith.subi %add3A_414, %sub3A_748 : i32
        %mul3A_750 = arith.constant 3128 : i32
        %mul3A_751 = arith.muli %arg1, %mul3A_750 : i32
        %mul3A_752 = arith.constant 32 : i32
        %mul3A_753 = arith.muli %sub3A_749, %mul3A_752 : i32
        %add3A_754 = arith.addi %mul3A_751, %mul3A_753 : i32
        %min3A_755 = arith.constant 49968 : i32
        %min3A_756 = arith.minsi %add3A_754, %min3A_755 : i32
        %dma_wait3A_757 = arith.constant 0 : i32
        %dma_wait3A_758 = arith.constant 0 : i32
        %dma_wait3A_759 = arith.constant 0 : i32
        %dma_wait3A_760 = tpu.memref_slice %arg9[%dma_wait3A_757, %dma_wait3A_758, %dma_wait3A_759] : memref<2x56x64xf32, #tpu.memory_space<vmem>> -> memref<1x56x64xf32, #tpu.memory_space<vmem>>
        %dma_wait3A_761 = tpu.memref_squeeze %dma_wait3A_760 : memref<1x56x64xf32, #tpu.memory_space<vmem>> -> memref<56x64xf32, #tpu.memory_space<vmem>>
        %dma_wait3A_762 = arith.constant 0 : i32
        %dma_wait3A_763 = arith.constant 0 : i32
        %dma_wait3A_764 = tpu.memref_slice %dma_wait3A_761[%dma_wait3A_762, %dma_wait3A_763] : memref<56x64xf32, #tpu.memory_space<vmem>> -> memref<32x64xf32, #tpu.memory_space<vmem>>
        %dma_wait3A_765 = tpu.memref_slice %arg5[%min3A_756, %mul3A_0] : memref<50000x128xf32, #tpu.memory_space<hbm>> -> memref<32x64xf32, #tpu.memory_space<hbm>>
        %dma_wait3A_766 = tpu.memref_slice %arg5[%min3A_756, %mul3A_0] : memref<50000x128xf32, #tpu.memory_space<hbm>> -> memref<32x64xf32, #tpu.memory_space<hbm>>
        %dma_wait3A_767 = arith.constant 0 : i32
        %dma_wait3A_768 = arith.constant 0 : i32
        %dma_wait3A_769 = tpu.memref_slice %arg9[%dma_wait3A_757, %dma_wait3A_767, %dma_wait3A_768] : memref<2x56x64xf32, #tpu.memory_space<vmem>> -> memref<1x56x64xf32, #tpu.memory_space<vmem>>
        %dma_wait3A_770 = tpu.memref_squeeze %dma_wait3A_769 : memref<1x56x64xf32, #tpu.memory_space<vmem>> -> memref<56x64xf32, #tpu.memory_space<vmem>>
        %dma_wait3A_771 = arith.constant 0 : i32
        %dma_wait3A_772 = arith.constant 0 : i32
        %dma_wait3A_773 = tpu.memref_slice %dma_wait3A_770[%dma_wait3A_771, %dma_wait3A_772] : memref<56x64xf32, #tpu.memory_space<vmem>> -> memref<32x64xf32, #tpu.memory_space<vmem>>
        tpu.wait_dma2 semaphore(%arg12 : memref<!tpu.dma_semaphore, #tpu.memory_space<semaphore_mem>>) src(%dma_wait3A_773 : memref<32x64xf32, #tpu.memory_space<vmem>>) dst(%dma_wait3A_766 : memref<32x64xf32, #tpu.memory_space<hbm>>)
      } else {
      }
      %scan3A_464 = arith.constant 0 : i32
      %scan3A_465 = arith.constant 0 : i32
      %scan3A_466 = arith.constant 32 : i32
      %scan3A_467 = arith.addi %scan3A_465, %scan3A_466 : i32
      %scan3A_468 = arith.constant 1 : i32
      %scan3A_469 = scf.for %scan3A_748 = %scan3A_465 to %scan3A_467 step %scan3A_468 iter_args(%scan3A_749 = %scan3A_464) -> (i32)  : i32 {
        %mul3A_750 = arith.constant 10 : i32
        %mul3A_751 = arith.muli %scan3A_748, %mul3A_750 : i32
        %add3A_752 = arith.constant 320 : i32
        %add3A_753 = arith.addi %add3A_752, %scan3A_748 : i32
        %get3A = arith.constant 0 : i32
        %get3A_754 = arith.index_cast %get3A : i32 to index
        %get3A_755 = arith.index_cast %add3A_753 : i32 to index
        %get3A_756 = arith.constant 0 : index
        %get3A_757 = tpu.vector_load %arg8[%get3A_754, %get3A_755, %get3A_756] {strides = array<i32>} : memref<2x352x64xbf16, #tpu.memory_space<vmem>>, vector<32xbf16>,
        %add3A_758 = arith.constant 0 : i32
        %add3A_759 = arith.addi %mul3A_751, %add3A_758 : i32
        %get3A_760 = arith.constant 0 : i32
        %get3A_761 = arith.index_cast %get3A_760 : i32 to index
        %get3A_762 = arith.index_cast %add3A_759 : i32 to index
        %get3A_763 = arith.constant 0 : index
        %get3A_764 = tpu.vector_load %arg8[%get3A_761, %get3A_762, %get3A_763] {strides = array<i32>} : memref<2x352x64xbf16, #tpu.memory_space<vmem>>, vector<32xbf16>,
        %add3A_765 = arith.addf %get3A_757, %get3A_764 : vector<32xbf16>
        %add3A_766 = arith.constant 1 : i32
        %add3A_767 = arith.addi %mul3A_751, %add3A_766 : i32
        %get3A_768 = arith.constant 0 : i32
        %get3A_769 = arith.index_cast %get3A_768 : i32 to index
        %get3A_770 = arith.index_cast %add3A_767 : i32 to index
        %get3A_771 = arith.constant 0 : index
        %get3A_772 = tpu.vector_load %arg8[%get3A_769, %get3A_770, %get3A_771] {strides = array<i32>} : memref<2x352x64xbf16, #tpu.memory_space<vmem>>, vector<32xbf16>,
        %add3A_773 = arith.addf %add3A_765, %get3A_772 : vector<32xbf16>
        %add3A_774 = arith.constant 2 : i32
        %add3A_775 = arith.addi %mul3A_751, %add3A_774 : i32
        %get3A_776 = arith.constant 0 : i32
        %get3A_777 = arith.index_cast %get3A_776 : i32 to index
        %get3A_778 = arith.index_cast %add3A_775 : i32 to index
        %get3A_779 = arith.constant 0 : index
        %get3A_780 = tpu.vector_load %arg8[%get3A_777, %get3A_778, %get3A_779] {strides = array<i32>} : memref<2x352x64xbf16, #tpu.memory_space<vmem>>, vector<32xbf16>,
        %add3A_781 = arith.addf %add3A_773, %get3A_780 : vector<32xbf16>
        %add3A_782 = arith.constant 3 : i32
        %add3A_783 = arith.addi %mul3A_751, %add3A_782 : i32
        %get3A_784 = arith.constant 0 : i32
        %get3A_785 = arith.index_cast %get3A_784 : i32 to index
        %get3A_786 = arith.index_cast %add3A_783 : i32 to index
        %get3A_787 = arith.constant 0 : index
        %get3A_788 = tpu.vector_load %arg8[%get3A_785, %get3A_786, %get3A_787] {strides = array<i32>} : memref<2x352x64xbf16, #tpu.memory_space<vmem>>, vector<32xbf16>,
        %add3A_789 = arith.addf %add3A_781, %get3A_788 : vector<32xbf16>
        %add3A_790 = arith.constant 4 : i32
        %add3A_791 = arith.addi %mul3A_751, %add3A_790 : i32
        %get3A_792 = arith.constant 0 : i32
        %get3A_793 = arith.index_cast %get3A_792 : i32 to index
        %get3A_794 = arith.index_cast %add3A_791 : i32 to index
        %get3A_795 = arith.constant 0 : index
        %get3A_796 = tpu.vector_load %arg8[%get3A_793, %get3A_794, %get3A_795] {strides = array<i32>} : memref<2x352x64xbf16, #tpu.memory_space<vmem>>, vector<32xbf16>,
        %add3A_797 = arith.addf %add3A_789, %get3A_796 : vector<32xbf16>
        %add3A_798 = arith.constant 5 : i32
        %add3A_799 = arith.addi %mul3A_751, %add3A_798 : i32
        %get3A_800 = arith.constant 0 : i32
        %get3A_801 = arith.index_cast %get3A_800 : i32 to index
        %get3A_802 = arith.index_cast %add3A_799 : i32 to index
        %get3A_803 = arith.constant 0 : index
        %get3A_804 = tpu.vector_load %arg8[%get3A_801, %get3A_802, %get3A_803] {strides = array<i32>} : memref<2x352x64xbf16, #tpu.memory_space<vmem>>, vector<32xbf16>,
        %add3A_805 = arith.addf %add3A_797, %get3A_804 : vector<32xbf16>
        %add3A_806 = arith.constant 6 : i32
        %add3A_807 = arith.addi %mul3A_751, %add3A_806 : i32
        %get3A_808 = arith.constant 0 : i32
        %get3A_809 = arith.index_cast %get3A_808 : i32 to index
        %get3A_810 = arith.index_cast %add3A_807 : i32 to index
        %get3A_811 = arith.constant 0 : index
        %get3A_812 = tpu.vector_load %arg8[%get3A_809, %get3A_810, %get3A_811] {strides = array<i32>} : memref<2x352x64xbf16, #tpu.memory_space<vmem>>, vector<32xbf16>,
        %add3A_813 = arith.addf %add3A_805, %get3A_812 : vector<32xbf16>
        %add3A_814 = arith.constant 7 : i32
        %add3A_815 = arith.addi %mul3A_751, %add3A_814 : i32
        %get3A_816 = arith.constant 0 : i32
        %get3A_817 = arith.index_cast %get3A_816 : i32 to index
        %get3A_818 = arith.index_cast %add3A_815 : i32 to index
        %get3A_819 = arith.constant 0 : index
        %get3A_820 = tpu.vector_load %arg8[%get3A_817, %get3A_818, %get3A_819] {strides = array<i32>} : memref<2x352x64xbf16, #tpu.memory_space<vmem>>, vector<32xbf16>,
        %add3A_821 = arith.addf %add3A_813, %get3A_820 : vector<32xbf16>
        %add3A_822 = arith.constant 8 : i32
        %add3A_823 = arith.addi %mul3A_751, %add3A_822 : i32
        %get3A_824 = arith.constant 0 : i32
        %get3A_825 = arith.index_cast %get3A_824 : i32 to index
        %get3A_826 = arith.index_cast %add3A_823 : i32 to index
        %get3A_827 = arith.constant 0 : index
        %get3A_828 = tpu.vector_load %arg8[%get3A_825, %get3A_826, %get3A_827] {strides = array<i32>} : memref<2x352x64xbf16, #tpu.memory_space<vmem>>, vector<32xbf16>,
        %add3A_829 = arith.addf %add3A_821, %get3A_828 : vector<32xbf16>
        %add3A_830 = arith.constant 9 : i32
        %add3A_831 = arith.addi %mul3A_751, %add3A_830 : i32
        %get3A_832 = arith.constant 0 : i32
        %get3A_833 = arith.index_cast %get3A_832 : i32 to index
        %get3A_834 = arith.index_cast %add3A_831 : i32 to index
        %get3A_835 = arith.constant 0 : index
        %get3A_836 = tpu.vector_load %arg8[%get3A_833, %get3A_834, %get3A_835] {strides = array<i32>} : memref<2x352x64xbf16, #tpu.memory_space<vmem>>, vector<32xbf16>,
        %add3A_837 = arith.addf %add3A_829, %get3A_836 : vector<32xbf16>
        %unpack3A = tpu.unpack_subelements %add3A_837, 0 {pack_format = #tpu.pack_format<interleaved>} : vector<32xbf16> -> vector<16xf32>
        %unpack3A_838 = tpu.unpack_subelements %add3A_837, 1 {pack_format = #tpu.pack_format<interleaved>} : vector<32xbf16> -> vector<16xf32>
        %mul3A_839 = arith.constant 0.0909090936 : f32
        %mul3A_840 = vector.broadcast %mul3A_839 : f32 to vector<16xf32>
        %mul3A_841 = arith.mulf %unpack3A, %mul3A_840 : vector<16xf32>
        %swap3A = arith.constant 0 : i32
        %swap3A_842 = arith.index_cast %swap3A : i32 to index
        %swap3A_843 = arith.index_cast %scan3A_748 : i32 to index
        %swap3A_844 = arith.constant 0 : index
        %swap3A_845 = tpu.vector_load %arg9[%swap3A_842, %swap3A_843, %swap3A_844] {strides = array<i32>} : memref<2x56x64xf32, #tpu.memory_space<vmem>>, vector<16xf32>,
        tpu.vector_store %arg9[%swap3A_842, %swap3A_843, %swap3A_844], %mul3A_841 {strides = array<i32>} : memref<2x56x64xf32, #tpu.memory_space<vmem>>, vector<16xf32>,
        %mul3A_846 = arith.constant 0.0909090936 : f32
        %mul3A_847 = vector.broadcast %mul3A_846 : f32 to vector<16xf32>
        %mul3A_848 = arith.mulf %unpack3A_838, %mul3A_847 : vector<16xf32>
        %swap3A_849 = arith.constant 0 : i32
        %swap3A_850 = arith.index_cast %swap3A_849 : i32 to index
        %swap3A_851 = arith.index_cast %scan3A_748 : i32 to index
        %swap3A_852 = arith.constant 16 : index
        %swap3A_853 = tpu.vector_load %arg9[%swap3A_850, %swap3A_851, %swap3A_852] {strides = array<i32>} : memref<2x56x64xf32, #tpu.memory_space<vmem>>, vector<16xf32>,
        tpu.vector_store %arg9[%swap3A_850, %swap3A_851, %swap3A_852], %mul3A_848 {strides = array<i32>} : memref<2x56x64xf32, #tpu.memory_space<vmem>>, vector<16xf32>,
        %add3A_854 = arith.constant 320 : i32
        %add3A_855 = arith.addi %add3A_854, %scan3A_748 : i32
        %get3A_856 = arith.constant 0 : i32
        %get3A_857 = arith.index_cast %get3A_856 : i32 to index
        %get3A_858 = arith.index_cast %add3A_855 : i32 to index
        %get3A_859 = arith.constant 32 : index
        %get3A_860 = tpu.vector_load %arg8[%get3A_857, %get3A_858, %get3A_859] {strides = array<i32>} : memref<2x352x64xbf16, #tpu.memory_space<vmem>>, vector<32xbf16>,
        %add3A_861 = arith.constant 0 : i32
        %add3A_862 = arith.addi %mul3A_751, %add3A_861 : i32
        %get3A_863 = arith.constant 0 : i32
        %get3A_864 = arith.index_cast %get3A_863 : i32 to index
        %get3A_865 = arith.index_cast %add3A_862 : i32 to index
        %get3A_866 = arith.constant 32 : index
        %get3A_867 = tpu.vector_load %arg8[%get3A_864, %get3A_865, %get3A_866] {strides = array<i32>} : memref<2x352x64xbf16, #tpu.memory_space<vmem>>, vector<32xbf16>,
        %add3A_868 = arith.addf %get3A_860, %get3A_867 : vector<32xbf16>
        %add3A_869 = arith.constant 1 : i32
        %add3A_870 = arith.addi %mul3A_751, %add3A_869 : i32
        %get3A_871 = arith.constant 0 : i32
        %get3A_872 = arith.index_cast %get3A_871 : i32 to index
        %get3A_873 = arith.index_cast %add3A_870 : i32 to index
        %get3A_874 = arith.constant 32 : index
        %get3A_875 = tpu.vector_load %arg8[%get3A_872, %get3A_873, %get3A_874] {strides = array<i32>} : memref<2x352x64xbf16, #tpu.memory_space<vmem>>, vector<32xbf16>,
        %add3A_876 = arith.addf %add3A_868, %get3A_875 : vector<32xbf16>
        %add3A_877 = arith.constant 2 : i32
        %add3A_878 = arith.addi %mul3A_751, %add3A_877 : i32
        %get3A_879 = arith.constant 0 : i32
        %get3A_880 = arith.index_cast %get3A_879 : i32 to index
        %get3A_881 = arith.index_cast %add3A_878 : i32 to index
        %get3A_882 = arith.constant 32 : index
        %get3A_883 = tpu.vector_load %arg8[%get3A_880, %get3A_881, %get3A_882] {strides = array<i32>} : memref<2x352x64xbf16, #tpu.memory_space<vmem>>, vector<32xbf16>,
        %add3A_884 = arith.addf %add3A_876, %get3A_883 : vector<32xbf16>
        %add3A_885 = arith.constant 3 : i32
        %add3A_886 = arith.addi %mul3A_751, %add3A_885 : i32
        %get3A_887 = arith.constant 0 : i32
        %get3A_888 = arith.index_cast %get3A_887 : i32 to index
        %get3A_889 = arith.index_cast %add3A_886 : i32 to index
        %get3A_890 = arith.constant 32 : index
        %get3A_891 = tpu.vector_load %arg8[%get3A_888, %get3A_889, %get3A_890] {strides = array<i32>} : memref<2x352x64xbf16, #tpu.memory_space<vmem>>, vector<32xbf16>,
        %add3A_892 = arith.addf %add3A_884, %get3A_891 : vector<32xbf16>
        %add3A_893 = arith.constant 4 : i32
        %add3A_894 = arith.addi %mul3A_751, %add3A_893 : i32
        %get3A_895 = arith.constant 0 : i32
        %get3A_896 = arith.index_cast %get3A_895 : i32 to index
        %get3A_897 = arith.index_cast %add3A_894 : i32 to index
        %get3A_898 = arith.constant 32 : index
        %get3A_899 = tpu.vector_load %arg8[%get3A_896, %get3A_897, %get3A_898] {strides = array<i32>} : memref<2x352x64xbf16, #tpu.memory_space<vmem>>, vector<32xbf16>,
        %add3A_900 = arith.addf %add3A_892, %get3A_899 : vector<32xbf16>
        %add3A_901 = arith.constant 5 : i32
        %add3A_902 = arith.addi %mul3A_751, %add3A_901 : i32
        %get3A_903 = arith.constant 0 : i32
        %get3A_904 = arith.index_cast %get3A_903 : i32 to index
        %get3A_905 = arith.index_cast %add3A_902 : i32 to index
        %get3A_906 = arith.constant 32 : index
        %get3A_907 = tpu.vector_load %arg8[%get3A_904, %get3A_905, %get3A_906] {strides = array<i32>} : memref<2x352x64xbf16, #tpu.memory_space<vmem>>, vector<32xbf16>,
        %add3A_908 = arith.addf %add3A_900, %get3A_907 : vector<32xbf16>
        %add3A_909 = arith.constant 6 : i32
        %add3A_910 = arith.addi %mul3A_751, %add3A_909 : i32
        %get3A_911 = arith.constant 0 : i32
        %get3A_912 = arith.index_cast %get3A_911 : i32 to index
        %get3A_913 = arith.index_cast %add3A_910 : i32 to index
        %get3A_914 = arith.constant 32 : index
        %get3A_915 = tpu.vector_load %arg8[%get3A_912, %get3A_913, %get3A_914] {strides = array<i32>} : memref<2x352x64xbf16, #tpu.memory_space<vmem>>, vector<32xbf16>,
        %add3A_916 = arith.addf %add3A_908, %get3A_915 : vector<32xbf16>
        %add3A_917 = arith.constant 7 : i32
        %add3A_918 = arith.addi %mul3A_751, %add3A_917 : i32
        %get3A_919 = arith.constant 0 : i32
        %get3A_920 = arith.index_cast %get3A_919 : i32 to index
        %get3A_921 = arith.index_cast %add3A_918 : i32 to index
        %get3A_922 = arith.constant 32 : index
        %get3A_923 = tpu.vector_load %arg8[%get3A_920, %get3A_921, %get3A_922] {strides = array<i32>} : memref<2x352x64xbf16, #tpu.memory_space<vmem>>, vector<32xbf16>,
        %add3A_924 = arith.addf %add3A_916, %get3A_923 : vector<32xbf16>
        %add3A_925 = arith.constant 8 : i32
        %add3A_926 = arith.addi %mul3A_751, %add3A_925 : i32
        %get3A_927 = arith.constant 0 : i32
        %get3A_928 = arith.index_cast %get3A_927 : i32 to index
        %get3A_929 = arith.index_cast %add3A_926 : i32 to index
        %get3A_930 = arith.constant 32 : index
        %get3A_931 = tpu.vector_load %arg8[%get3A_928, %get3A_929, %get3A_930] {strides = array<i32>} : memref<2x352x64xbf16, #tpu.memory_space<vmem>>, vector<32xbf16>,
        %add3A_932 = arith.addf %add3A_924, %get3A_931 : vector<32xbf16>
        %add3A_933 = arith.constant 9 : i32
        %add3A_934 = arith.addi %mul3A_751, %add3A_933 : i32
        %get3A_935 = arith.constant 0 : i32
        %get3A_936 = arith.index_cast %get3A_935 : i32 to index
        %get3A_937 = arith.index_cast %add3A_934 : i32 to index
        %get3A_938 = arith.constant 32 : index
        %get3A_939 = tpu.vector_load %arg8[%get3A_936, %get3A_937, %get3A_938] {strides = array<i32>} : memref<2x352x64xbf16, #tpu.memory_space<vmem>>, vector<32xbf16>,
        %add3A_940 = arith.addf %add3A_932, %get3A_939 : vector<32xbf16>
        %unpack3A_941 = tpu.unpack_subelements %add3A_940, 0 {pack_format = #tpu.pack_format<interleaved>} : vector<32xbf16> -> vector<16xf32>
        %unpack3A_942 = tpu.unpack_subelements %add3A_940, 1 {pack_format = #tpu.pack_format<interleaved>} : vector<32xbf16> -> vector<16xf32>
        %mul3A_943 = arith.constant 0.0909090936 : f32
        %mul3A_944 = vector.broadcast %mul3A_943 : f32 to vector<16xf32>
        %mul3A_945 = arith.mulf %unpack3A_941, %mul3A_944 : vector<16xf32>
        %swap3A_946 = arith.constant 0 : i32
        %swap3A_947 = arith.index_cast %swap3A_946 : i32 to index
        %swap3A_948 = arith.index_cast %scan3A_748 : i32 to index
        %swap3A_949 = arith.constant 32 : index
        %swap3A_950 = tpu.vector_load %arg9[%swap3A_947, %swap3A_948, %swap3A_949] {strides = array<i32>} : memref<2x56x64xf32, #tpu.memory_space<vmem>>, vector<16xf32>,
        tpu.vector_store %arg9[%swap3A_947, %swap3A_948, %swap3A_949], %mul3A_945 {strides = array<i32>} : memref<2x56x64xf32, #tpu.memory_space<vmem>>, vector<16xf32>,
        %mul3A_951 = arith.constant 0.0909090936 : f32
        %mul3A_952 = vector.broadcast %mul3A_951 : f32 to vector<16xf32>
        %mul3A_953 = arith.mulf %unpack3A_942, %mul3A_952 : vector<16xf32>
        %swap3A_954 = arith.constant 0 : i32
        %swap3A_955 = arith.index_cast %swap3A_954 : i32 to index
        %swap3A_956 = arith.index_cast %scan3A_748 : i32 to index
        %swap3A_957 = arith.constant 48 : index
        %swap3A_958 = tpu.vector_load %arg9[%swap3A_955, %swap3A_956, %swap3A_957] {strides = array<i32>} : memref<2x56x64xf32, #tpu.memory_space<vmem>>, vector<16xf32>,
        tpu.vector_store %arg9[%swap3A_955, %swap3A_956, %swap3A_957], %mul3A_953 {strides = array<i32>} : memref<2x56x64xf32, #tpu.memory_space<vmem>>, vector<16xf32>,
        %scan3A_959 = arith.constant 0 : i32
        scf.yield %scan3A_959 : i32
      }
      %scan3A_470 = arith.constant 32 : i32
      %mul3A_471 = arith.constant 3128 : i32
      %mul3A_472 = arith.muli %arg1, %mul3A_471 : i32
      %mul3A_473 = arith.constant 32 : i32
      %mul3A_474 = arith.muli %add3A_414, %mul3A_473 : i32
      %add3A_475 = arith.addi %mul3A_472, %mul3A_474 : i32
      %min3A_476 = arith.constant 49968 : i32
      %min3A_477 = arith.minsi %add3A_475, %min3A_476 : i32
      %dma_start3A_478 = arith.constant 0 : i32
      %dma_start3A_479 = arith.constant 0 : i32
      %dma_start3A_480 = arith.constant 0 : i32
      %dma_start3A_481 = tpu.memref_slice %arg9[%dma_start3A_478, %dma_start3A_479, %dma_start3A_480] : memref<2x56x64xf32, #tpu.memory_space<vmem>> -> memref<1x56x64xf32, #tpu.memory_space<vmem>>
      %dma_start3A_482 = tpu.memref_squeeze %dma_start3A_481 : memref<1x56x64xf32, #tpu.memory_space<vmem>> -> memref<56x64xf32, #tpu.memory_space<vmem>>
      %dma_start3A_483 = arith.constant 0 : i32
      %dma_start3A_484 = arith.constant 0 : i32
      %dma_start3A_485 = tpu.memref_slice %dma_start3A_482[%dma_start3A_483, %dma_start3A_484] : memref<56x64xf32, #tpu.memory_space<vmem>> -> memref<32x64xf32, #tpu.memory_space<vmem>>
      %dma_start3A_486 = tpu.memref_slice %arg5[%min3A_477, %mul3A_0] : memref<50000x128xf32, #tpu.memory_space<hbm>> -> memref<32x64xf32, #tpu.memory_space<hbm>>
      %dma_start3A_487 = tpu.memref_slice %arg5[%min3A_477, %mul3A_0] : memref<50000x128xf32, #tpu.memory_space<hbm>> -> memref<32x64xf32, #tpu.memory_space<hbm>>
      %dma_start3A_488 = arith.constant 0 : i32
      %dma_start3A_489 = arith.constant 0 : i32
      %dma_start3A_490 = tpu.memref_slice %arg9[%dma_start3A_478, %dma_start3A_488, %dma_start3A_489] : memref<2x56x64xf32, #tpu.memory_space<vmem>> -> memref<1x56x64xf32, #tpu.memory_space<vmem>>
      %dma_start3A_491 = tpu.memref_squeeze %dma_start3A_490 : memref<1x56x64xf32, #tpu.memory_space<vmem>> -> memref<56x64xf32, #tpu.memory_space<vmem>>
      %dma_start3A_492 = arith.constant 0 : i32
      %dma_start3A_493 = arith.constant 0 : i32
      %dma_start3A_494 = tpu.memref_slice %dma_start3A_491[%dma_start3A_492, %dma_start3A_493] : memref<56x64xf32, #tpu.memory_space<vmem>> -> memref<32x64xf32, #tpu.memory_space<vmem>>
      tpu.enqueue_dma source(%dma_start3A_494 : memref<32x64xf32, #tpu.memory_space<vmem>>) target(%dma_start3A_487 : memref<32x64xf32, #tpu.memory_space<hbm>>) target_semaphore(%arg12 : memref<!tpu.dma_semaphore, #tpu.memory_space<semaphore_mem>>)
      %mul3A_495 = arith.constant 6 : i32
      %mul3A_496 = arith.muli %mul3A_495, %scan3A_245 : i32
      %add3A_497 = arith.constant 3 : i32
      %add3A_498 = arith.addi %mul3A_496, %add3A_497 : i32
      %add3A_499 = arith.constant 2 : i32
      %add3A_500 = arith.addi %add3A_498, %add3A_499 : i32
      %lt3A_501 = arith.constant 102 : i32
      %lt3A_502 = arith.cmpi slt, %add3A_500, %lt3A_501 : i32
      %convert_element_type3A_503 = arith.extui %lt3A_502 : i1 to i32
      %cond3A_504 = arith.constant 0 : i32
      %cond3A_505 = arith.cmpi ne, %convert_element_type3A_503, %cond3A_504 : i32
      scf.if %cond3A_505 {
        %add3A_748 = arith.constant 2 : i32
        %add3A_749 = arith.addi %add3A_498, %add3A_748 : i32
        %mul3A_750 = arith.constant 3128 : i32
        %mul3A_751 = arith.muli %arg1, %mul3A_750 : i32
        %mul3A_752 = arith.constant 32 : i32
        %mul3A_753 = arith.muli %add3A_749, %mul3A_752 : i32
        %add3A_754 = arith.addi %mul3A_751, %mul3A_753 : i32
        %min3A_755 = arith.constant 49968 : i32
        %min3A_756 = arith.minsi %add3A_754, %min3A_755 : i32
        %mul3A_757 = arith.constant 10 : i32
        %mul3A_758 = arith.muli %min3A_756, %mul3A_757 : i32
        %dma_start3A_759 = arith.constant 2 : i32
        %dma_start3A_760 = arith.constant 0 : i32
        %dma_start3A_761 = tpu.memref_slice %arg7[%dma_start3A_759, %dma_start3A_760] : memref<3x352xi32, #tpu.memory_space<vmem>> -> memref<1x320xi32, #tpu.memory_space<vmem>>
        %dma_start3A_762 = tpu.memref_squeeze %dma_start3A_761 : memref<1x320xi32, #tpu.memory_space<vmem>> -> memref<320xi32, #tpu.memory_space<vmem>>
        %dma_start3A_763 = tpu.memref_slice %arg3[%mul3A_758] : memref<500000xi32, #tpu.memory_space<hbm>> -> memref<320xi32, #tpu.memory_space<hbm>>
        %dma_start3A_764 = arith.constant 0 : i32
        %dma_start3A_765 = tpu.memref_slice %arg7[%dma_start3A_759, %dma_start3A_764] : memref<3x352xi32, #tpu.memory_space<vmem>> -> memref<1x320xi32, #tpu.memory_space<vmem>>
        %dma_start3A_766 = tpu.memref_squeeze %dma_start3A_765 : memref<1x320xi32, #tpu.memory_space<vmem>> -> memref<320xi32, #tpu.memory_space<vmem>>
        %dma_start3A_767 = tpu.memref_slice %arg3[%mul3A_758] : memref<500000xi32, #tpu.memory_space<hbm>> -> memref<320xi32, #tpu.memory_space<hbm>>
        tpu.enqueue_dma source(%dma_start3A_767 : memref<320xi32, #tpu.memory_space<hbm>>) target(%dma_start3A_766 : memref<320xi32, #tpu.memory_space<vmem>>) target_semaphore(%arg16 : memref<!tpu.dma_semaphore, #tpu.memory_space<semaphore_mem>>)
        %dma_start3A_768 = arith.constant 2 : i32
        %dma_start3A_769 = arith.constant 320 : i32
        %dma_start3A_770 = tpu.memref_slice %arg7[%dma_start3A_768, %dma_start3A_769] : memref<3x352xi32, #tpu.memory_space<vmem>> -> memref<1x32xi32, #tpu.memory_space<vmem>>
        %dma_start3A_771 = tpu.memref_squeeze %dma_start3A_770 : memref<1x32xi32, #tpu.memory_space<vmem>> -> memref<32xi32, #tpu.memory_space<vmem>>
        %dma_start3A_772 = tpu.memref_slice %arg2[%min3A_756] : memref<50000xi32, #tpu.memory_space<hbm>> -> memref<32xi32, #tpu.memory_space<hbm>>
        %dma_start3A_773 = arith.constant 320 : i32
        %dma_start3A_774 = tpu.memref_slice %arg7[%dma_start3A_768, %dma_start3A_773] : memref<3x352xi32, #tpu.memory_space<vmem>> -> memref<1x32xi32, #tpu.memory_space<vmem>>
        %dma_start3A_775 = tpu.memref_squeeze %dma_start3A_774 : memref<1x32xi32, #tpu.memory_space<vmem>> -> memref<32xi32, #tpu.memory_space<vmem>>
        %dma_start3A_776 = tpu.memref_slice %arg2[%min3A_756] : memref<50000xi32, #tpu.memory_space<hbm>> -> memref<32xi32, #tpu.memory_space<hbm>>
        tpu.enqueue_dma source(%dma_start3A_776 : memref<32xi32, #tpu.memory_space<hbm>>) target(%dma_start3A_775 : memref<32xi32, #tpu.memory_space<vmem>>) target_semaphore(%arg16 : memref<!tpu.dma_semaphore, #tpu.memory_space<semaphore_mem>>)
      } else {
      }
      %add3A_506 = arith.constant 1 : i32
      %add3A_507 = arith.addi %add3A_498, %add3A_506 : i32
      %lt3A_508 = arith.constant 102 : i32
      %lt3A_509 = arith.cmpi slt, %add3A_507, %lt3A_508 : i32
      %convert_element_type3A_510 = arith.extui %lt3A_509 : i1 to i32
      %cond3A_511 = arith.constant 0 : i32
      %cond3A_512 = arith.cmpi ne, %convert_element_type3A_510, %cond3A_511 : i32
      scf.if %cond3A_512 {
        %add3A_748 = arith.constant 1 : i32
        %add3A_749 = arith.addi %add3A_498, %add3A_748 : i32
        %mul3A_750 = arith.constant 3128 : i32
        %mul3A_751 = arith.muli %arg1, %mul3A_750 : i32
        %mul3A_752 = arith.constant 32 : i32
        %mul3A_753 = arith.muli %add3A_749, %mul3A_752 : i32
        %add3A_754 = arith.addi %mul3A_751, %mul3A_753 : i32
        %min3A_755 = arith.constant 49968 : i32
        %min3A_756 = arith.minsi %add3A_754, %min3A_755 : i32
        %mul3A_757 = arith.constant 10 : i32
        %mul3A_758 = arith.muli %min3A_756, %mul3A_757 : i32
        %dma_wait3A_759 = arith.constant 1 : i32
        %dma_wait3A_760 = arith.constant 0 : i32
        %dma_wait3A_761 = tpu.memref_slice %arg7[%dma_wait3A_759, %dma_wait3A_760] : memref<3x352xi32, #tpu.memory_space<vmem>> -> memref<1x320xi32, #tpu.memory_space<vmem>>
        %dma_wait3A_762 = tpu.memref_squeeze %dma_wait3A_761 : memref<1x320xi32, #tpu.memory_space<vmem>> -> memref<320xi32, #tpu.memory_space<vmem>>
        %dma_wait3A_763 = tpu.memref_slice %arg3[%mul3A_758] : memref<500000xi32, #tpu.memory_space<hbm>> -> memref<320xi32, #tpu.memory_space<hbm>>
        %dma_wait3A_764 = arith.constant 0 : i32
        %dma_wait3A_765 = tpu.memref_slice %arg7[%dma_wait3A_759, %dma_wait3A_764] : memref<3x352xi32, #tpu.memory_space<vmem>> -> memref<1x320xi32, #tpu.memory_space<vmem>>
        %dma_wait3A_766 = tpu.memref_squeeze %dma_wait3A_765 : memref<1x320xi32, #tpu.memory_space<vmem>> -> memref<320xi32, #tpu.memory_space<vmem>>
        %dma_wait3A_767 = tpu.memref_slice %arg3[%mul3A_758] : memref<500000xi32, #tpu.memory_space<hbm>> -> memref<320xi32, #tpu.memory_space<hbm>>
        tpu.wait_dma2 semaphore(%arg15 : memref<!tpu.dma_semaphore, #tpu.memory_space<semaphore_mem>>) src(%dma_wait3A_767 : memref<320xi32, #tpu.memory_space<hbm>>) dst(%dma_wait3A_766 : memref<320xi32, #tpu.memory_space<vmem>>)
        %dma_wait3A_768 = arith.constant 1 : i32
        %dma_wait3A_769 = arith.constant 320 : i32
        %dma_wait3A_770 = tpu.memref_slice %arg7[%dma_wait3A_768, %dma_wait3A_769] : memref<3x352xi32, #tpu.memory_space<vmem>> -> memref<1x32xi32, #tpu.memory_space<vmem>>
        %dma_wait3A_771 = tpu.memref_squeeze %dma_wait3A_770 : memref<1x32xi32, #tpu.memory_space<vmem>> -> memref<32xi32, #tpu.memory_space<vmem>>
        %dma_wait3A_772 = tpu.memref_slice %arg2[%min3A_756] : memref<50000xi32, #tpu.memory_space<hbm>> -> memref<32xi32, #tpu.memory_space<hbm>>
        %dma_wait3A_773 = arith.constant 320 : i32
        %dma_wait3A_774 = tpu.memref_slice %arg7[%dma_wait3A_768, %dma_wait3A_773] : memref<3x352xi32, #tpu.memory_space<vmem>> -> memref<1x32xi32, #tpu.memory_space<vmem>>
        %dma_wait3A_775 = tpu.memref_squeeze %dma_wait3A_774 : memref<1x32xi32, #tpu.memory_space<vmem>> -> memref<32xi32, #tpu.memory_space<vmem>>
        %dma_wait3A_776 = tpu.memref_slice %arg2[%min3A_756] : memref<50000xi32, #tpu.memory_space<hbm>> -> memref<32xi32, #tpu.memory_space<hbm>>
        tpu.wait_dma2 semaphore(%arg15 : memref<!tpu.dma_semaphore, #tpu.memory_space<semaphore_mem>>) src(%dma_wait3A_776 : memref<32xi32, #tpu.memory_space<hbm>>) dst(%dma_wait3A_775 : memref<32xi32, #tpu.memory_space<vmem>>)
        %dma_start3A_777 = arith.constant 1 : i32
        %dma_start3A_778 = arith.constant 0 : i32
        %dma_start3A_779 = arith.constant 0 : i32
        %dma_start3A_780 = arith.constant 0 : i32
        %dma_start3A_781 = tpu.memref_slice %arg8[%dma_start3A_778, %dma_start3A_779, %dma_start3A_780] : memref<2x352x64xbf16, #tpu.memory_space<vmem>> -> memref<1x352x64xbf16, #tpu.memory_space<vmem>>
        %dma_start3A_782 = tpu.memref_squeeze %dma_start3A_781 : memref<1x352x64xbf16, #tpu.memory_space<vmem>> -> memref<352x64xbf16, #tpu.memory_space<vmem>>
        %dma_start3A_783 = arith.constant 0 : i32
        %dma_start3A_784 = arith.constant 0 : i32
        %dma_start3A_785 = tpu.memref_slice %dma_start3A_782[%dma_start3A_783, %dma_start3A_784] : memref<352x64xbf16, #tpu.memory_space<vmem>> -> memref<320x64xbf16, #tpu.memory_space<vmem>>
        %dma_start3A_786 = arith.constant 0 : i32
        %dma_start3A_787 = tpu.memref_slice %arg7[%dma_start3A_777, %dma_start3A_786] : memref<3x352xi32, #tpu.memory_space<vmem>> -> memref<1x320xi32, #tpu.memory_space<vmem>>
        %dma_start3A_788 = tpu.memref_squeeze %dma_start3A_787 : memref<1x320xi32, #tpu.memory_space<vmem>> -> memref<320xi32, #tpu.memory_space<vmem>>
        %dma_start3A_789 = arith.constant 0 : i32
        %dma_start3A_790 = arith.constant 0 : i32
        %dma_start3A_791 = tpu.memref_slice %arg6[%dma_start3A_789, %dma_start3A_790] : memref<50000x64xbf16, #tpu.memory_space<vmem_shared>> -> memref<50000x64xbf16, #tpu.memory_space<vmem_shared>>
        tpu.enqueue_indirect_dma source(%dma_start3A_791 : memref<50000x64xbf16, #tpu.memory_space<vmem_shared>>) target(%dma_start3A_785 : memref<320x64xbf16, #tpu.memory_space<vmem>>) offsets(%dma_start3A_788 : memref<320xi32, #tpu.memory_space<vmem>>) semaphore(%arg10 : memref<!tpu.dma_semaphore, #tpu.memory_space<semaphore_mem>>)
        %dma_start3A_792 = arith.constant 1 : i32
        %dma_start3A_793 = arith.constant 0 : i32
        %dma_start3A_794 = arith.constant 0 : i32
        %dma_start3A_795 = arith.constant 0 : i32
        %dma_start3A_796 = tpu.memref_slice %arg8[%dma_start3A_793, %dma_start3A_794, %dma_start3A_795] : memref<2x352x64xbf16, #tpu.memory_space<vmem>> -> memref<1x352x64xbf16, #tpu.memory_space<vmem>>
        %dma_start3A_797 = tpu.memref_squeeze %dma_start3A_796 : memref<1x352x64xbf16, #tpu.memory_space<vmem>> -> memref<352x64xbf16, #tpu.memory_space<vmem>>
        %dma_start3A_798 = arith.constant 320 : i32
        %dma_start3A_799 = arith.constant 0 : i32
        %dma_start3A_800 = tpu.memref_slice %dma_start3A_797[%dma_start3A_798, %dma_start3A_799] : memref<352x64xbf16, #tpu.memory_space<vmem>> -> memref<32x64xbf16, #tpu.memory_space<vmem>>
        %dma_start3A_801 = arith.constant 320 : i32
        %dma_start3A_802 = tpu.memref_slice %arg7[%dma_start3A_792, %dma_start3A_801] : memref<3x352xi32, #tpu.memory_space<vmem>> -> memref<1x32xi32, #tpu.memory_space<vmem>>
        %dma_start3A_803 = tpu.memref_squeeze %dma_start3A_802 : memref<1x32xi32, #tpu.memory_space<vmem>> -> memref<32xi32, #tpu.memory_space<vmem>>
        %dma_start3A_804 = arith.constant 0 : i32
        %dma_start3A_805 = arith.constant 0 : i32
        %dma_start3A_806 = tpu.memref_slice %arg6[%dma_start3A_804, %dma_start3A_805] : memref<50000x64xbf16, #tpu.memory_space<vmem_shared>> -> memref<50000x64xbf16, #tpu.memory_space<vmem_shared>>
        tpu.enqueue_indirect_dma source(%dma_start3A_806 : memref<50000x64xbf16, #tpu.memory_space<vmem_shared>>) target(%dma_start3A_800 : memref<32x64xbf16, #tpu.memory_space<vmem>>) offsets(%dma_start3A_803 : memref<32xi32, #tpu.memory_space<vmem>>) semaphore(%arg10 : memref<!tpu.dma_semaphore, #tpu.memory_space<semaphore_mem>>)
      } else {
      }
      %dma_wait3A_513 = arith.constant 0 : i32
      %dma_wait3A_514 = arith.constant 1 : i32
      %dma_wait3A_515 = arith.constant 0 : i32
      %dma_wait3A_516 = arith.constant 0 : i32
      %dma_wait3A_517 = tpu.memref_slice %arg8[%dma_wait3A_514, %dma_wait3A_515, %dma_wait3A_516] : memref<2x352x64xbf16, #tpu.memory_space<vmem>> -> memref<1x352x64xbf16, #tpu.memory_space<vmem>>
      %dma_wait3A_518 = tpu.memref_squeeze %dma_wait3A_517 : memref<1x352x64xbf16, #tpu.memory_space<vmem>> -> memref<352x64xbf16, #tpu.memory_space<vmem>>
      %dma_wait3A_519 = arith.constant 0 : i32
      %dma_wait3A_520 = arith.constant 0 : i32
      %dma_wait3A_521 = tpu.memref_slice %dma_wait3A_518[%dma_wait3A_519, %dma_wait3A_520] : memref<352x64xbf16, #tpu.memory_space<vmem>> -> memref<320x64xbf16, #tpu.memory_space<vmem>>
      %dma_wait3A_522 = arith.constant 0 : i32
      %dma_wait3A_523 = tpu.memref_slice %arg7[%dma_wait3A_513, %dma_wait3A_522] : memref<3x352xi32, #tpu.memory_space<vmem>> -> memref<1x320xi32, #tpu.memory_space<vmem>>
      %dma_wait3A_524 = tpu.memref_squeeze %dma_wait3A_523 : memref<1x320xi32, #tpu.memory_space<vmem>> -> memref<320xi32, #tpu.memory_space<vmem>>
      %dma_wait3A_525 = arith.constant 0 : i32
      %dma_wait3A_526 = arith.constant 0 : i32
      %dma_wait3A_527 = tpu.memref_slice %arg6[%dma_wait3A_525, %dma_wait3A_526] : memref<50000x64xbf16, #tpu.memory_space<vmem_shared>> -> memref<50000x64xbf16, #tpu.memory_space<vmem_shared>>
      tpu.wait_indirect_dma semaphore(%arg11 : memref<!tpu.dma_semaphore, #tpu.memory_space<semaphore_mem>>) src(%dma_wait3A_527 : memref<50000x64xbf16, #tpu.memory_space<vmem_shared>>) dst(%dma_wait3A_521 : memref<320x64xbf16, #tpu.memory_space<vmem>>)
      %dma_wait3A_528 = arith.constant 0 : i32
      %dma_wait3A_529 = arith.constant 1 : i32
      %dma_wait3A_530 = arith.constant 0 : i32
      %dma_wait3A_531 = arith.constant 0 : i32
      %dma_wait3A_532 = tpu.memref_slice %arg8[%dma_wait3A_529, %dma_wait3A_530, %dma_wait3A_531] : memref<2x352x64xbf16, #tpu.memory_space<vmem>> -> memref<1x352x64xbf16, #tpu.memory_space<vmem>>
      %dma_wait3A_533 = tpu.memref_squeeze %dma_wait3A_532 : memref<1x352x64xbf16, #tpu.memory_space<vmem>> -> memref<352x64xbf16, #tpu.memory_space<vmem>>
      %dma_wait3A_534 = arith.constant 320 : i32
      %dma_wait3A_535 = arith.constant 0 : i32
      %dma_wait3A_536 = tpu.memref_slice %dma_wait3A_533[%dma_wait3A_534, %dma_wait3A_535] : memref<352x64xbf16, #tpu.memory_space<vmem>> -> memref<32x64xbf16, #tpu.memory_space<vmem>>
      %dma_wait3A_537 = arith.constant 320 : i32
      %dma_wait3A_538 = tpu.memref_slice %arg7[%dma_wait3A_528, %dma_wait3A_537] : memref<3x352xi32, #tpu.memory_space<vmem>> -> memref<1x32xi32, #tpu.memory_space<vmem>>
      %dma_wait3A_539 = tpu.memref_squeeze %dma_wait3A_538 : memref<1x32xi32, #tpu.memory_space<vmem>> -> memref<32xi32, #tpu.memory_space<vmem>>
      %dma_wait3A_540 = arith.constant 0 : i32
      %dma_wait3A_541 = arith.constant 0 : i32
      %dma_wait3A_542 = tpu.memref_slice %arg6[%dma_wait3A_540, %dma_wait3A_541] : memref<50000x64xbf16, #tpu.memory_space<vmem_shared>> -> memref<50000x64xbf16, #tpu.memory_space<vmem_shared>>
      tpu.wait_indirect_dma semaphore(%arg11 : memref<!tpu.dma_semaphore, #tpu.memory_space<semaphore_mem>>) src(%dma_wait3A_542 : memref<50000x64xbf16, #tpu.memory_space<vmem_shared>>) dst(%dma_wait3A_536 : memref<32x64xbf16, #tpu.memory_space<vmem>>)
      %ge3A_543 = arith.constant 2 : i32
      %ge3A_544 = arith.cmpi sge, %add3A_498, %ge3A_543 : i32
      %convert_element_type3A_545 = arith.extui %ge3A_544 : i1 to i32
      %cond3A_546 = arith.constant 0 : i32
      %cond3A_547 = arith.cmpi ne, %convert_element_type3A_545, %cond3A_546 : i32
      scf.if %cond3A_547 {
        %sub3A_748 = arith.constant 2 : i32
        %sub3A_749 = arith.subi %add3A_498, %sub3A_748 : i32
        %mul3A_750 = arith.constant 3128 : i32
        %mul3A_751 = arith.muli %arg1, %mul3A_750 : i32
        %mul3A_752 = arith.constant 32 : i32
        %mul3A_753 = arith.muli %sub3A_749, %mul3A_752 : i32
        %add3A_754 = arith.addi %mul3A_751, %mul3A_753 : i32
        %min3A_755 = arith.constant 49968 : i32
        %min3A_756 = arith.minsi %add3A_754, %min3A_755 : i32
        %dma_wait3A_757 = arith.constant 1 : i32
        %dma_wait3A_758 = arith.constant 0 : i32
        %dma_wait3A_759 = arith.constant 0 : i32
        %dma_wait3A_760 = tpu.memref_slice %arg9[%dma_wait3A_757, %dma_wait3A_758, %dma_wait3A_759] : memref<2x56x64xf32, #tpu.memory_space<vmem>> -> memref<1x56x64xf32, #tpu.memory_space<vmem>>
        %dma_wait3A_761 = tpu.memref_squeeze %dma_wait3A_760 : memref<1x56x64xf32, #tpu.memory_space<vmem>> -> memref<56x64xf32, #tpu.memory_space<vmem>>
        %dma_wait3A_762 = arith.constant 0 : i32
        %dma_wait3A_763 = arith.constant 0 : i32
        %dma_wait3A_764 = tpu.memref_slice %dma_wait3A_761[%dma_wait3A_762, %dma_wait3A_763] : memref<56x64xf32, #tpu.memory_space<vmem>> -> memref<32x64xf32, #tpu.memory_space<vmem>>
        %dma_wait3A_765 = tpu.memref_slice %arg5[%min3A_756, %mul3A_0] : memref<50000x128xf32, #tpu.memory_space<hbm>> -> memref<32x64xf32, #tpu.memory_space<hbm>>
        %dma_wait3A_766 = tpu.memref_slice %arg5[%min3A_756, %mul3A_0] : memref<50000x128xf32, #tpu.memory_space<hbm>> -> memref<32x64xf32, #tpu.memory_space<hbm>>
        %dma_wait3A_767 = arith.constant 0 : i32
        %dma_wait3A_768 = arith.constant 0 : i32
        %dma_wait3A_769 = tpu.memref_slice %arg9[%dma_wait3A_757, %dma_wait3A_767, %dma_wait3A_768] : memref<2x56x64xf32, #tpu.memory_space<vmem>> -> memref<1x56x64xf32, #tpu.memory_space<vmem>>
        %dma_wait3A_770 = tpu.memref_squeeze %dma_wait3A_769 : memref<1x56x64xf32, #tpu.memory_space<vmem>> -> memref<56x64xf32, #tpu.memory_space<vmem>>
        %dma_wait3A_771 = arith.constant 0 : i32
        %dma_wait3A_772 = arith.constant 0 : i32
        %dma_wait3A_773 = tpu.memref_slice %dma_wait3A_770[%dma_wait3A_771, %dma_wait3A_772] : memref<56x64xf32, #tpu.memory_space<vmem>> -> memref<32x64xf32, #tpu.memory_space<vmem>>
        tpu.wait_dma2 semaphore(%arg13 : memref<!tpu.dma_semaphore, #tpu.memory_space<semaphore_mem>>) src(%dma_wait3A_773 : memref<32x64xf32, #tpu.memory_space<vmem>>) dst(%dma_wait3A_766 : memref<32x64xf32, #tpu.memory_space<hbm>>)
      } else {
      }
      %scan3A_548 = arith.constant 0 : i32
      %scan3A_549 = arith.constant 0 : i32
      %scan3A_550 = arith.constant 32 : i32
      %scan3A_551 = arith.addi %scan3A_549, %scan3A_550 : i32
      %scan3A_552 = arith.constant 1 : i32
      %scan3A_553 = scf.for %scan3A_748 = %scan3A_549 to %scan3A_551 step %scan3A_552 iter_args(%scan3A_749 = %scan3A_548) -> (i32)  : i32 {
        %mul3A_750 = arith.constant 10 : i32
        %mul3A_751 = arith.muli %scan3A_748, %mul3A_750 : i32
        %add3A_752 = arith.constant 320 : i32
        %add3A_753 = arith.addi %add3A_752, %scan3A_748 : i32
        %get3A = arith.constant 1 : i32
        %get3A_754 = arith.index_cast %get3A : i32 to index
        %get3A_755 = arith.index_cast %add3A_753 : i32 to index
        %get3A_756 = arith.constant 0 : index
        %get3A_757 = tpu.vector_load %arg8[%get3A_754, %get3A_755, %get3A_756] {strides = array<i32>} : memref<2x352x64xbf16, #tpu.memory_space<vmem>>, vector<32xbf16>,
        %add3A_758 = arith.constant 0 : i32
        %add3A_759 = arith.addi %mul3A_751, %add3A_758 : i32
        %get3A_760 = arith.constant 1 : i32
        %get3A_761 = arith.index_cast %get3A_760 : i32 to index
        %get3A_762 = arith.index_cast %add3A_759 : i32 to index
        %get3A_763 = arith.constant 0 : index
        %get3A_764 = tpu.vector_load %arg8[%get3A_761, %get3A_762, %get3A_763] {strides = array<i32>} : memref<2x352x64xbf16, #tpu.memory_space<vmem>>, vector<32xbf16>,
        %add3A_765 = arith.addf %get3A_757, %get3A_764 : vector<32xbf16>
        %add3A_766 = arith.constant 1 : i32
        %add3A_767 = arith.addi %mul3A_751, %add3A_766 : i32
        %get3A_768 = arith.constant 1 : i32
        %get3A_769 = arith.index_cast %get3A_768 : i32 to index
        %get3A_770 = arith.index_cast %add3A_767 : i32 to index
        %get3A_771 = arith.constant 0 : index
        %get3A_772 = tpu.vector_load %arg8[%get3A_769, %get3A_770, %get3A_771] {strides = array<i32>} : memref<2x352x64xbf16, #tpu.memory_space<vmem>>, vector<32xbf16>,
        %add3A_773 = arith.addf %add3A_765, %get3A_772 : vector<32xbf16>
        %add3A_774 = arith.constant 2 : i32
        %add3A_775 = arith.addi %mul3A_751, %add3A_774 : i32
        %get3A_776 = arith.constant 1 : i32
        %get3A_777 = arith.index_cast %get3A_776 : i32 to index
        %get3A_778 = arith.index_cast %add3A_775 : i32 to index
        %get3A_779 = arith.constant 0 : index
        %get3A_780 = tpu.vector_load %arg8[%get3A_777, %get3A_778, %get3A_779] {strides = array<i32>} : memref<2x352x64xbf16, #tpu.memory_space<vmem>>, vector<32xbf16>,
        %add3A_781 = arith.addf %add3A_773, %get3A_780 : vector<32xbf16>
        %add3A_782 = arith.constant 3 : i32
        %add3A_783 = arith.addi %mul3A_751, %add3A_782 : i32
        %get3A_784 = arith.constant 1 : i32
        %get3A_785 = arith.index_cast %get3A_784 : i32 to index
        %get3A_786 = arith.index_cast %add3A_783 : i32 to index
        %get3A_787 = arith.constant 0 : index
        %get3A_788 = tpu.vector_load %arg8[%get3A_785, %get3A_786, %get3A_787] {strides = array<i32>} : memref<2x352x64xbf16, #tpu.memory_space<vmem>>, vector<32xbf16>,
        %add3A_789 = arith.addf %add3A_781, %get3A_788 : vector<32xbf16>
        %add3A_790 = arith.constant 4 : i32
        %add3A_791 = arith.addi %mul3A_751, %add3A_790 : i32
        %get3A_792 = arith.constant 1 : i32
        %get3A_793 = arith.index_cast %get3A_792 : i32 to index
        %get3A_794 = arith.index_cast %add3A_791 : i32 to index
        %get3A_795 = arith.constant 0 : index
        %get3A_796 = tpu.vector_load %arg8[%get3A_793, %get3A_794, %get3A_795] {strides = array<i32>} : memref<2x352x64xbf16, #tpu.memory_space<vmem>>, vector<32xbf16>,
        %add3A_797 = arith.addf %add3A_789, %get3A_796 : vector<32xbf16>
        %add3A_798 = arith.constant 5 : i32
        %add3A_799 = arith.addi %mul3A_751, %add3A_798 : i32
        %get3A_800 = arith.constant 1 : i32
        %get3A_801 = arith.index_cast %get3A_800 : i32 to index
        %get3A_802 = arith.index_cast %add3A_799 : i32 to index
        %get3A_803 = arith.constant 0 : index
        %get3A_804 = tpu.vector_load %arg8[%get3A_801, %get3A_802, %get3A_803] {strides = array<i32>} : memref<2x352x64xbf16, #tpu.memory_space<vmem>>, vector<32xbf16>,
        %add3A_805 = arith.addf %add3A_797, %get3A_804 : vector<32xbf16>
        %add3A_806 = arith.constant 6 : i32
        %add3A_807 = arith.addi %mul3A_751, %add3A_806 : i32
        %get3A_808 = arith.constant 1 : i32
        %get3A_809 = arith.index_cast %get3A_808 : i32 to index
        %get3A_810 = arith.index_cast %add3A_807 : i32 to index
        %get3A_811 = arith.constant 0 : index
        %get3A_812 = tpu.vector_load %arg8[%get3A_809, %get3A_810, %get3A_811] {strides = array<i32>} : memref<2x352x64xbf16, #tpu.memory_space<vmem>>, vector<32xbf16>,
        %add3A_813 = arith.addf %add3A_805, %get3A_812 : vector<32xbf16>
        %add3A_814 = arith.constant 7 : i32
        %add3A_815 = arith.addi %mul3A_751, %add3A_814 : i32
        %get3A_816 = arith.constant 1 : i32
        %get3A_817 = arith.index_cast %get3A_816 : i32 to index
        %get3A_818 = arith.index_cast %add3A_815 : i32 to index
        %get3A_819 = arith.constant 0 : index
        %get3A_820 = tpu.vector_load %arg8[%get3A_817, %get3A_818, %get3A_819] {strides = array<i32>} : memref<2x352x64xbf16, #tpu.memory_space<vmem>>, vector<32xbf16>,
        %add3A_821 = arith.addf %add3A_813, %get3A_820 : vector<32xbf16>
        %add3A_822 = arith.constant 8 : i32
        %add3A_823 = arith.addi %mul3A_751, %add3A_822 : i32
        %get3A_824 = arith.constant 1 : i32
        %get3A_825 = arith.index_cast %get3A_824 : i32 to index
        %get3A_826 = arith.index_cast %add3A_823 : i32 to index
        %get3A_827 = arith.constant 0 : index
        %get3A_828 = tpu.vector_load %arg8[%get3A_825, %get3A_826, %get3A_827] {strides = array<i32>} : memref<2x352x64xbf16, #tpu.memory_space<vmem>>, vector<32xbf16>,
        %add3A_829 = arith.addf %add3A_821, %get3A_828 : vector<32xbf16>
        %add3A_830 = arith.constant 9 : i32
        %add3A_831 = arith.addi %mul3A_751, %add3A_830 : i32
        %get3A_832 = arith.constant 1 : i32
        %get3A_833 = arith.index_cast %get3A_832 : i32 to index
        %get3A_834 = arith.index_cast %add3A_831 : i32 to index
        %get3A_835 = arith.constant 0 : index
        %get3A_836 = tpu.vector_load %arg8[%get3A_833, %get3A_834, %get3A_835] {strides = array<i32>} : memref<2x352x64xbf16, #tpu.memory_space<vmem>>, vector<32xbf16>,
        %add3A_837 = arith.addf %add3A_829, %get3A_836 : vector<32xbf16>
        %unpack3A = tpu.unpack_subelements %add3A_837, 0 {pack_format = #tpu.pack_format<interleaved>} : vector<32xbf16> -> vector<16xf32>
        %unpack3A_838 = tpu.unpack_subelements %add3A_837, 1 {pack_format = #tpu.pack_format<interleaved>} : vector<32xbf16> -> vector<16xf32>
        %mul3A_839 = arith.constant 0.0909090936 : f32
        %mul3A_840 = vector.broadcast %mul3A_839 : f32 to vector<16xf32>
        %mul3A_841 = arith.mulf %unpack3A, %mul3A_840 : vector<16xf32>
        %swap3A = arith.constant 1 : i32
        %swap3A_842 = arith.index_cast %swap3A : i32 to index
        %swap3A_843 = arith.index_cast %scan3A_748 : i32 to index
        %swap3A_844 = arith.constant 0 : index
        %swap3A_845 = tpu.vector_load %arg9[%swap3A_842, %swap3A_843, %swap3A_844] {strides = array<i32>} : memref<2x56x64xf32, #tpu.memory_space<vmem>>, vector<16xf32>,
        tpu.vector_store %arg9[%swap3A_842, %swap3A_843, %swap3A_844], %mul3A_841 {strides = array<i32>} : memref<2x56x64xf32, #tpu.memory_space<vmem>>, vector<16xf32>,
        %mul3A_846 = arith.constant 0.0909090936 : f32
        %mul3A_847 = vector.broadcast %mul3A_846 : f32 to vector<16xf32>
        %mul3A_848 = arith.mulf %unpack3A_838, %mul3A_847 : vector<16xf32>
        %swap3A_849 = arith.constant 1 : i32
        %swap3A_850 = arith.index_cast %swap3A_849 : i32 to index
        %swap3A_851 = arith.index_cast %scan3A_748 : i32 to index
        %swap3A_852 = arith.constant 16 : index
        %swap3A_853 = tpu.vector_load %arg9[%swap3A_850, %swap3A_851, %swap3A_852] {strides = array<i32>} : memref<2x56x64xf32, #tpu.memory_space<vmem>>, vector<16xf32>,
        tpu.vector_store %arg9[%swap3A_850, %swap3A_851, %swap3A_852], %mul3A_848 {strides = array<i32>} : memref<2x56x64xf32, #tpu.memory_space<vmem>>, vector<16xf32>,
        %add3A_854 = arith.constant 320 : i32
        %add3A_855 = arith.addi %add3A_854, %scan3A_748 : i32
        %get3A_856 = arith.constant 1 : i32
        %get3A_857 = arith.index_cast %get3A_856 : i32 to index
        %get3A_858 = arith.index_cast %add3A_855 : i32 to index
        %get3A_859 = arith.constant 32 : index
        %get3A_860 = tpu.vector_load %arg8[%get3A_857, %get3A_858, %get3A_859] {strides = array<i32>} : memref<2x352x64xbf16, #tpu.memory_space<vmem>>, vector<32xbf16>,
        %add3A_861 = arith.constant 0 : i32
        %add3A_862 = arith.addi %mul3A_751, %add3A_861 : i32
        %get3A_863 = arith.constant 1 : i32
        %get3A_864 = arith.index_cast %get3A_863 : i32 to index
        %get3A_865 = arith.index_cast %add3A_862 : i32 to index
        %get3A_866 = arith.constant 32 : index
        %get3A_867 = tpu.vector_load %arg8[%get3A_864, %get3A_865, %get3A_866] {strides = array<i32>} : memref<2x352x64xbf16, #tpu.memory_space<vmem>>, vector<32xbf16>,
        %add3A_868 = arith.addf %get3A_860, %get3A_867 : vector<32xbf16>
        %add3A_869 = arith.constant 1 : i32
        %add3A_870 = arith.addi %mul3A_751, %add3A_869 : i32
        %get3A_871 = arith.constant 1 : i32
        %get3A_872 = arith.index_cast %get3A_871 : i32 to index
        %get3A_873 = arith.index_cast %add3A_870 : i32 to index
        %get3A_874 = arith.constant 32 : index
        %get3A_875 = tpu.vector_load %arg8[%get3A_872, %get3A_873, %get3A_874] {strides = array<i32>} : memref<2x352x64xbf16, #tpu.memory_space<vmem>>, vector<32xbf16>,
        %add3A_876 = arith.addf %add3A_868, %get3A_875 : vector<32xbf16>
        %add3A_877 = arith.constant 2 : i32
        %add3A_878 = arith.addi %mul3A_751, %add3A_877 : i32
        %get3A_879 = arith.constant 1 : i32
        %get3A_880 = arith.index_cast %get3A_879 : i32 to index
        %get3A_881 = arith.index_cast %add3A_878 : i32 to index
        %get3A_882 = arith.constant 32 : index
        %get3A_883 = tpu.vector_load %arg8[%get3A_880, %get3A_881, %get3A_882] {strides = array<i32>} : memref<2x352x64xbf16, #tpu.memory_space<vmem>>, vector<32xbf16>,
        %add3A_884 = arith.addf %add3A_876, %get3A_883 : vector<32xbf16>
        %add3A_885 = arith.constant 3 : i32
        %add3A_886 = arith.addi %mul3A_751, %add3A_885 : i32
        %get3A_887 = arith.constant 1 : i32
        %get3A_888 = arith.index_cast %get3A_887 : i32 to index
        %get3A_889 = arith.index_cast %add3A_886 : i32 to index
        %get3A_890 = arith.constant 32 : index
        %get3A_891 = tpu.vector_load %arg8[%get3A_888, %get3A_889, %get3A_890] {strides = array<i32>} : memref<2x352x64xbf16, #tpu.memory_space<vmem>>, vector<32xbf16>,
        %add3A_892 = arith.addf %add3A_884, %get3A_891 : vector<32xbf16>
        %add3A_893 = arith.constant 4 : i32
        %add3A_894 = arith.addi %mul3A_751, %add3A_893 : i32
        %get3A_895 = arith.constant 1 : i32
        %get3A_896 = arith.index_cast %get3A_895 : i32 to index
        %get3A_897 = arith.index_cast %add3A_894 : i32 to index
        %get3A_898 = arith.constant 32 : index
        %get3A_899 = tpu.vector_load %arg8[%get3A_896, %get3A_897, %get3A_898] {strides = array<i32>} : memref<2x352x64xbf16, #tpu.memory_space<vmem>>, vector<32xbf16>,
        %add3A_900 = arith.addf %add3A_892, %get3A_899 : vector<32xbf16>
        %add3A_901 = arith.constant 5 : i32
        %add3A_902 = arith.addi %mul3A_751, %add3A_901 : i32
        %get3A_903 = arith.constant 1 : i32
        %get3A_904 = arith.index_cast %get3A_903 : i32 to index
        %get3A_905 = arith.index_cast %add3A_902 : i32 to index
        %get3A_906 = arith.constant 32 : index
        %get3A_907 = tpu.vector_load %arg8[%get3A_904, %get3A_905, %get3A_906] {strides = array<i32>} : memref<2x352x64xbf16, #tpu.memory_space<vmem>>, vector<32xbf16>,
        %add3A_908 = arith.addf %add3A_900, %get3A_907 : vector<32xbf16>
        %add3A_909 = arith.constant 6 : i32
        %add3A_910 = arith.addi %mul3A_751, %add3A_909 : i32
        %get3A_911 = arith.constant 1 : i32
        %get3A_912 = arith.index_cast %get3A_911 : i32 to index
        %get3A_913 = arith.index_cast %add3A_910 : i32 to index
        %get3A_914 = arith.constant 32 : index
        %get3A_915 = tpu.vector_load %arg8[%get3A_912, %get3A_913, %get3A_914] {strides = array<i32>} : memref<2x352x64xbf16, #tpu.memory_space<vmem>>, vector<32xbf16>,
        %add3A_916 = arith.addf %add3A_908, %get3A_915 : vector<32xbf16>
        %add3A_917 = arith.constant 7 : i32
        %add3A_918 = arith.addi %mul3A_751, %add3A_917 : i32
        %get3A_919 = arith.constant 1 : i32
        %get3A_920 = arith.index_cast %get3A_919 : i32 to index
        %get3A_921 = arith.index_cast %add3A_918 : i32 to index
        %get3A_922 = arith.constant 32 : index
        %get3A_923 = tpu.vector_load %arg8[%get3A_920, %get3A_921, %get3A_922] {strides = array<i32>} : memref<2x352x64xbf16, #tpu.memory_space<vmem>>, vector<32xbf16>,
        %add3A_924 = arith.addf %add3A_916, %get3A_923 : vector<32xbf16>
        %add3A_925 = arith.constant 8 : i32
        %add3A_926 = arith.addi %mul3A_751, %add3A_925 : i32
        %get3A_927 = arith.constant 1 : i32
        %get3A_928 = arith.index_cast %get3A_927 : i32 to index
        %get3A_929 = arith.index_cast %add3A_926 : i32 to index
        %get3A_930 = arith.constant 32 : index
        %get3A_931 = tpu.vector_load %arg8[%get3A_928, %get3A_929, %get3A_930] {strides = array<i32>} : memref<2x352x64xbf16, #tpu.memory_space<vmem>>, vector<32xbf16>,
        %add3A_932 = arith.addf %add3A_924, %get3A_931 : vector<32xbf16>
        %add3A_933 = arith.constant 9 : i32
        %add3A_934 = arith.addi %mul3A_751, %add3A_933 : i32
        %get3A_935 = arith.constant 1 : i32
        %get3A_936 = arith.index_cast %get3A_935 : i32 to index
        %get3A_937 = arith.index_cast %add3A_934 : i32 to index
        %get3A_938 = arith.constant 32 : index
        %get3A_939 = tpu.vector_load %arg8[%get3A_936, %get3A_937, %get3A_938] {strides = array<i32>} : memref<2x352x64xbf16, #tpu.memory_space<vmem>>, vector<32xbf16>,
        %add3A_940 = arith.addf %add3A_932, %get3A_939 : vector<32xbf16>
        %unpack3A_941 = tpu.unpack_subelements %add3A_940, 0 {pack_format = #tpu.pack_format<interleaved>} : vector<32xbf16> -> vector<16xf32>
        %unpack3A_942 = tpu.unpack_subelements %add3A_940, 1 {pack_format = #tpu.pack_format<interleaved>} : vector<32xbf16> -> vector<16xf32>
        %mul3A_943 = arith.constant 0.0909090936 : f32
        %mul3A_944 = vector.broadcast %mul3A_943 : f32 to vector<16xf32>
        %mul3A_945 = arith.mulf %unpack3A_941, %mul3A_944 : vector<16xf32>
        %swap3A_946 = arith.constant 1 : i32
        %swap3A_947 = arith.index_cast %swap3A_946 : i32 to index
        %swap3A_948 = arith.index_cast %scan3A_748 : i32 to index
        %swap3A_949 = arith.constant 32 : index
        %swap3A_950 = tpu.vector_load %arg9[%swap3A_947, %swap3A_948, %swap3A_949] {strides = array<i32>} : memref<2x56x64xf32, #tpu.memory_space<vmem>>, vector<16xf32>,
        tpu.vector_store %arg9[%swap3A_947, %swap3A_948, %swap3A_949], %mul3A_945 {strides = array<i32>} : memref<2x56x64xf32, #tpu.memory_space<vmem>>, vector<16xf32>,
        %mul3A_951 = arith.constant 0.0909090936 : f32
        %mul3A_952 = vector.broadcast %mul3A_951 : f32 to vector<16xf32>
        %mul3A_953 = arith.mulf %unpack3A_942, %mul3A_952 : vector<16xf32>
        %swap3A_954 = arith.constant 1 : i32
        %swap3A_955 = arith.index_cast %swap3A_954 : i32 to index
        %swap3A_956 = arith.index_cast %scan3A_748 : i32 to index
        %swap3A_957 = arith.constant 48 : index
        %swap3A_958 = tpu.vector_load %arg9[%swap3A_955, %swap3A_956, %swap3A_957] {strides = array<i32>} : memref<2x56x64xf32, #tpu.memory_space<vmem>>, vector<16xf32>,
        tpu.vector_store %arg9[%swap3A_955, %swap3A_956, %swap3A_957], %mul3A_953 {strides = array<i32>} : memref<2x56x64xf32, #tpu.memory_space<vmem>>, vector<16xf32>,
        %scan3A_959 = arith.constant 0 : i32
        scf.yield %scan3A_959 : i32
      }
      %scan3A_554 = arith.constant 32 : i32
      %mul3A_555 = arith.constant 3128 : i32
      %mul3A_556 = arith.muli %arg1, %mul3A_555 : i32
      %mul3A_557 = arith.constant 32 : i32
      %mul3A_558 = arith.muli %add3A_498, %mul3A_557 : i32
      %add3A_559 = arith.addi %mul3A_556, %mul3A_558 : i32
      %min3A_560 = arith.constant 49968 : i32
      %min3A_561 = arith.minsi %add3A_559, %min3A_560 : i32
      %dma_start3A_562 = arith.constant 1 : i32
      %dma_start3A_563 = arith.constant 0 : i32
      %dma_start3A_564 = arith.constant 0 : i32
      %dma_start3A_565 = tpu.memref_slice %arg9[%dma_start3A_562, %dma_start3A_563, %dma_start3A_564] : memref<2x56x64xf32, #tpu.memory_space<vmem>> -> memref<1x56x64xf32, #tpu.memory_space<vmem>>
      %dma_start3A_566 = tpu.memref_squeeze %dma_start3A_565 : memref<1x56x64xf32, #tpu.memory_space<vmem>> -> memref<56x64xf32, #tpu.memory_space<vmem>>
      %dma_start3A_567 = arith.constant 0 : i32
      %dma_start3A_568 = arith.constant 0 : i32
      %dma_start3A_569 = tpu.memref_slice %dma_start3A_566[%dma_start3A_567, %dma_start3A_568] : memref<56x64xf32, #tpu.memory_space<vmem>> -> memref<32x64xf32, #tpu.memory_space<vmem>>
      %dma_start3A_570 = tpu.memref_slice %arg5[%min3A_561, %mul3A_0] : memref<50000x128xf32, #tpu.memory_space<hbm>> -> memref<32x64xf32, #tpu.memory_space<hbm>>
      %dma_start3A_571 = tpu.memref_slice %arg5[%min3A_561, %mul3A_0] : memref<50000x128xf32, #tpu.memory_space<hbm>> -> memref<32x64xf32, #tpu.memory_space<hbm>>
      %dma_start3A_572 = arith.constant 0 : i32
      %dma_start3A_573 = arith.constant 0 : i32
      %dma_start3A_574 = tpu.memref_slice %arg9[%dma_start3A_562, %dma_start3A_572, %dma_start3A_573] : memref<2x56x64xf32, #tpu.memory_space<vmem>> -> memref<1x56x64xf32, #tpu.memory_space<vmem>>
      %dma_start3A_575 = tpu.memref_squeeze %dma_start3A_574 : memref<1x56x64xf32, #tpu.memory_space<vmem>> -> memref<56x64xf32, #tpu.memory_space<vmem>>
      %dma_start3A_576 = arith.constant 0 : i32
      %dma_start3A_577 = arith.constant 0 : i32
      %dma_start3A_578 = tpu.memref_slice %dma_start3A_575[%dma_start3A_576, %dma_start3A_577] : memref<56x64xf32, #tpu.memory_space<vmem>> -> memref<32x64xf32, #tpu.memory_space<vmem>>
      tpu.enqueue_dma source(%dma_start3A_578 : memref<32x64xf32, #tpu.memory_space<vmem>>) target(%dma_start3A_571 : memref<32x64xf32, #tpu.memory_space<hbm>>) target_semaphore(%arg13 : memref<!tpu.dma_semaphore, #tpu.memory_space<semaphore_mem>>)
      %mul3A_579 = arith.constant 6 : i32
      %mul3A_580 = arith.muli %mul3A_579, %scan3A_245 : i32
      %add3A_581 = arith.constant 4 : i32
      %add3A_582 = arith.addi %mul3A_580, %add3A_581 : i32
      %add3A_583 = arith.constant 2 : i32
      %add3A_584 = arith.addi %add3A_582, %add3A_583 : i32
      %lt3A_585 = arith.constant 102 : i32
      %lt3A_586 = arith.cmpi slt, %add3A_584, %lt3A_585 : i32
      %convert_element_type3A_587 = arith.extui %lt3A_586 : i1 to i32
      %cond3A_588 = arith.constant 0 : i32
      %cond3A_589 = arith.cmpi ne, %convert_element_type3A_587, %cond3A_588 : i32
      scf.if %cond3A_589 {
        %add3A_748 = arith.constant 2 : i32
        %add3A_749 = arith.addi %add3A_582, %add3A_748 : i32
        %mul3A_750 = arith.constant 3128 : i32
        %mul3A_751 = arith.muli %arg1, %mul3A_750 : i32
        %mul3A_752 = arith.constant 32 : i32
        %mul3A_753 = arith.muli %add3A_749, %mul3A_752 : i32
        %add3A_754 = arith.addi %mul3A_751, %mul3A_753 : i32
        %min3A_755 = arith.constant 49968 : i32
        %min3A_756 = arith.minsi %add3A_754, %min3A_755 : i32
        %mul3A_757 = arith.constant 10 : i32
        %mul3A_758 = arith.muli %min3A_756, %mul3A_757 : i32
        %dma_start3A_759 = arith.constant 0 : i32
        %dma_start3A_760 = arith.constant 0 : i32
        %dma_start3A_761 = tpu.memref_slice %arg7[%dma_start3A_759, %dma_start3A_760] : memref<3x352xi32, #tpu.memory_space<vmem>> -> memref<1x320xi32, #tpu.memory_space<vmem>>
        %dma_start3A_762 = tpu.memref_squeeze %dma_start3A_761 : memref<1x320xi32, #tpu.memory_space<vmem>> -> memref<320xi32, #tpu.memory_space<vmem>>
        %dma_start3A_763 = tpu.memref_slice %arg3[%mul3A_758] : memref<500000xi32, #tpu.memory_space<hbm>> -> memref<320xi32, #tpu.memory_space<hbm>>
        %dma_start3A_764 = arith.constant 0 : i32
        %dma_start3A_765 = tpu.memref_slice %arg7[%dma_start3A_759, %dma_start3A_764] : memref<3x352xi32, #tpu.memory_space<vmem>> -> memref<1x320xi32, #tpu.memory_space<vmem>>
        %dma_start3A_766 = tpu.memref_squeeze %dma_start3A_765 : memref<1x320xi32, #tpu.memory_space<vmem>> -> memref<320xi32, #tpu.memory_space<vmem>>
        %dma_start3A_767 = tpu.memref_slice %arg3[%mul3A_758] : memref<500000xi32, #tpu.memory_space<hbm>> -> memref<320xi32, #tpu.memory_space<hbm>>
        tpu.enqueue_dma source(%dma_start3A_767 : memref<320xi32, #tpu.memory_space<hbm>>) target(%dma_start3A_766 : memref<320xi32, #tpu.memory_space<vmem>>) target_semaphore(%arg14 : memref<!tpu.dma_semaphore, #tpu.memory_space<semaphore_mem>>)
        %dma_start3A_768 = arith.constant 0 : i32
        %dma_start3A_769 = arith.constant 320 : i32
        %dma_start3A_770 = tpu.memref_slice %arg7[%dma_start3A_768, %dma_start3A_769] : memref<3x352xi32, #tpu.memory_space<vmem>> -> memref<1x32xi32, #tpu.memory_space<vmem>>
        %dma_start3A_771 = tpu.memref_squeeze %dma_start3A_770 : memref<1x32xi32, #tpu.memory_space<vmem>> -> memref<32xi32, #tpu.memory_space<vmem>>
        %dma_start3A_772 = tpu.memref_slice %arg2[%min3A_756] : memref<50000xi32, #tpu.memory_space<hbm>> -> memref<32xi32, #tpu.memory_space<hbm>>
        %dma_start3A_773 = arith.constant 320 : i32
        %dma_start3A_774 = tpu.memref_slice %arg7[%dma_start3A_768, %dma_start3A_773] : memref<3x352xi32, #tpu.memory_space<vmem>> -> memref<1x32xi32, #tpu.memory_space<vmem>>
        %dma_start3A_775 = tpu.memref_squeeze %dma_start3A_774 : memref<1x32xi32, #tpu.memory_space<vmem>> -> memref<32xi32, #tpu.memory_space<vmem>>
        %dma_start3A_776 = tpu.memref_slice %arg2[%min3A_756] : memref<50000xi32, #tpu.memory_space<hbm>> -> memref<32xi32, #tpu.memory_space<hbm>>
        tpu.enqueue_dma source(%dma_start3A_776 : memref<32xi32, #tpu.memory_space<hbm>>) target(%dma_start3A_775 : memref<32xi32, #tpu.memory_space<vmem>>) target_semaphore(%arg14 : memref<!tpu.dma_semaphore, #tpu.memory_space<semaphore_mem>>)
      } else {
      }
      %add3A_590 = arith.constant 1 : i32
      %add3A_591 = arith.addi %add3A_582, %add3A_590 : i32
      %lt3A_592 = arith.constant 102 : i32
      %lt3A_593 = arith.cmpi slt, %add3A_591, %lt3A_592 : i32
      %convert_element_type3A_594 = arith.extui %lt3A_593 : i1 to i32
      %cond3A_595 = arith.constant 0 : i32
      %cond3A_596 = arith.cmpi ne, %convert_element_type3A_594, %cond3A_595 : i32
      scf.if %cond3A_596 {
        %add3A_748 = arith.constant 1 : i32
        %add3A_749 = arith.addi %add3A_582, %add3A_748 : i32
        %mul3A_750 = arith.constant 3128 : i32
        %mul3A_751 = arith.muli %arg1, %mul3A_750 : i32
        %mul3A_752 = arith.constant 32 : i32
        %mul3A_753 = arith.muli %add3A_749, %mul3A_752 : i32
        %add3A_754 = arith.addi %mul3A_751, %mul3A_753 : i32
        %min3A_755 = arith.constant 49968 : i32
        %min3A_756 = arith.minsi %add3A_754, %min3A_755 : i32
        %mul3A_757 = arith.constant 10 : i32
        %mul3A_758 = arith.muli %min3A_756, %mul3A_757 : i32
        %dma_wait3A_759 = arith.constant 2 : i32
        %dma_wait3A_760 = arith.constant 0 : i32
        %dma_wait3A_761 = tpu.memref_slice %arg7[%dma_wait3A_759, %dma_wait3A_760] : memref<3x352xi32, #tpu.memory_space<vmem>> -> memref<1x320xi32, #tpu.memory_space<vmem>>
        %dma_wait3A_762 = tpu.memref_squeeze %dma_wait3A_761 : memref<1x320xi32, #tpu.memory_space<vmem>> -> memref<320xi32, #tpu.memory_space<vmem>>
        %dma_wait3A_763 = tpu.memref_slice %arg3[%mul3A_758] : memref<500000xi32, #tpu.memory_space<hbm>> -> memref<320xi32, #tpu.memory_space<hbm>>
        %dma_wait3A_764 = arith.constant 0 : i32
        %dma_wait3A_765 = tpu.memref_slice %arg7[%dma_wait3A_759, %dma_wait3A_764] : memref<3x352xi32, #tpu.memory_space<vmem>> -> memref<1x320xi32, #tpu.memory_space<vmem>>
        %dma_wait3A_766 = tpu.memref_squeeze %dma_wait3A_765 : memref<1x320xi32, #tpu.memory_space<vmem>> -> memref<320xi32, #tpu.memory_space<vmem>>
        %dma_wait3A_767 = tpu.memref_slice %arg3[%mul3A_758] : memref<500000xi32, #tpu.memory_space<hbm>> -> memref<320xi32, #tpu.memory_space<hbm>>
        tpu.wait_dma2 semaphore(%arg16 : memref<!tpu.dma_semaphore, #tpu.memory_space<semaphore_mem>>) src(%dma_wait3A_767 : memref<320xi32, #tpu.memory_space<hbm>>) dst(%dma_wait3A_766 : memref<320xi32, #tpu.memory_space<vmem>>)
        %dma_wait3A_768 = arith.constant 2 : i32
        %dma_wait3A_769 = arith.constant 320 : i32
        %dma_wait3A_770 = tpu.memref_slice %arg7[%dma_wait3A_768, %dma_wait3A_769] : memref<3x352xi32, #tpu.memory_space<vmem>> -> memref<1x32xi32, #tpu.memory_space<vmem>>
        %dma_wait3A_771 = tpu.memref_squeeze %dma_wait3A_770 : memref<1x32xi32, #tpu.memory_space<vmem>> -> memref<32xi32, #tpu.memory_space<vmem>>
        %dma_wait3A_772 = tpu.memref_slice %arg2[%min3A_756] : memref<50000xi32, #tpu.memory_space<hbm>> -> memref<32xi32, #tpu.memory_space<hbm>>
        %dma_wait3A_773 = arith.constant 320 : i32
        %dma_wait3A_774 = tpu.memref_slice %arg7[%dma_wait3A_768, %dma_wait3A_773] : memref<3x352xi32, #tpu.memory_space<vmem>> -> memref<1x32xi32, #tpu.memory_space<vmem>>
        %dma_wait3A_775 = tpu.memref_squeeze %dma_wait3A_774 : memref<1x32xi32, #tpu.memory_space<vmem>> -> memref<32xi32, #tpu.memory_space<vmem>>
        %dma_wait3A_776 = tpu.memref_slice %arg2[%min3A_756] : memref<50000xi32, #tpu.memory_space<hbm>> -> memref<32xi32, #tpu.memory_space<hbm>>
        tpu.wait_dma2 semaphore(%arg16 : memref<!tpu.dma_semaphore, #tpu.memory_space<semaphore_mem>>) src(%dma_wait3A_776 : memref<32xi32, #tpu.memory_space<hbm>>) dst(%dma_wait3A_775 : memref<32xi32, #tpu.memory_space<vmem>>)
        %dma_start3A_777 = arith.constant 2 : i32
        %dma_start3A_778 = arith.constant 1 : i32
        %dma_start3A_779 = arith.constant 0 : i32
        %dma_start3A_780 = arith.constant 0 : i32
        %dma_start3A_781 = tpu.memref_slice %arg8[%dma_start3A_778, %dma_start3A_779, %dma_start3A_780] : memref<2x352x64xbf16, #tpu.memory_space<vmem>> -> memref<1x352x64xbf16, #tpu.memory_space<vmem>>
        %dma_start3A_782 = tpu.memref_squeeze %dma_start3A_781 : memref<1x352x64xbf16, #tpu.memory_space<vmem>> -> memref<352x64xbf16, #tpu.memory_space<vmem>>
        %dma_start3A_783 = arith.constant 0 : i32
        %dma_start3A_784 = arith.constant 0 : i32
        %dma_start3A_785 = tpu.memref_slice %dma_start3A_782[%dma_start3A_783, %dma_start3A_784] : memref<352x64xbf16, #tpu.memory_space<vmem>> -> memref<320x64xbf16, #tpu.memory_space<vmem>>
        %dma_start3A_786 = arith.constant 0 : i32
        %dma_start3A_787 = tpu.memref_slice %arg7[%dma_start3A_777, %dma_start3A_786] : memref<3x352xi32, #tpu.memory_space<vmem>> -> memref<1x320xi32, #tpu.memory_space<vmem>>
        %dma_start3A_788 = tpu.memref_squeeze %dma_start3A_787 : memref<1x320xi32, #tpu.memory_space<vmem>> -> memref<320xi32, #tpu.memory_space<vmem>>
        %dma_start3A_789 = arith.constant 0 : i32
        %dma_start3A_790 = arith.constant 0 : i32
        %dma_start3A_791 = tpu.memref_slice %arg6[%dma_start3A_789, %dma_start3A_790] : memref<50000x64xbf16, #tpu.memory_space<vmem_shared>> -> memref<50000x64xbf16, #tpu.memory_space<vmem_shared>>
        tpu.enqueue_indirect_dma source(%dma_start3A_791 : memref<50000x64xbf16, #tpu.memory_space<vmem_shared>>) target(%dma_start3A_785 : memref<320x64xbf16, #tpu.memory_space<vmem>>) offsets(%dma_start3A_788 : memref<320xi32, #tpu.memory_space<vmem>>) semaphore(%arg11 : memref<!tpu.dma_semaphore, #tpu.memory_space<semaphore_mem>>)
        %dma_start3A_792 = arith.constant 2 : i32
        %dma_start3A_793 = arith.constant 1 : i32
        %dma_start3A_794 = arith.constant 0 : i32
        %dma_start3A_795 = arith.constant 0 : i32
        %dma_start3A_796 = tpu.memref_slice %arg8[%dma_start3A_793, %dma_start3A_794, %dma_start3A_795] : memref<2x352x64xbf16, #tpu.memory_space<vmem>> -> memref<1x352x64xbf16, #tpu.memory_space<vmem>>
        %dma_start3A_797 = tpu.memref_squeeze %dma_start3A_796 : memref<1x352x64xbf16, #tpu.memory_space<vmem>> -> memref<352x64xbf16, #tpu.memory_space<vmem>>
        %dma_start3A_798 = arith.constant 320 : i32
        %dma_start3A_799 = arith.constant 0 : i32
        %dma_start3A_800 = tpu.memref_slice %dma_start3A_797[%dma_start3A_798, %dma_start3A_799] : memref<352x64xbf16, #tpu.memory_space<vmem>> -> memref<32x64xbf16, #tpu.memory_space<vmem>>
        %dma_start3A_801 = arith.constant 320 : i32
        %dma_start3A_802 = tpu.memref_slice %arg7[%dma_start3A_792, %dma_start3A_801] : memref<3x352xi32, #tpu.memory_space<vmem>> -> memref<1x32xi32, #tpu.memory_space<vmem>>
        %dma_start3A_803 = tpu.memref_squeeze %dma_start3A_802 : memref<1x32xi32, #tpu.memory_space<vmem>> -> memref<32xi32, #tpu.memory_space<vmem>>
        %dma_start3A_804 = arith.constant 0 : i32
        %dma_start3A_805 = arith.constant 0 : i32
        %dma_start3A_806 = tpu.memref_slice %arg6[%dma_start3A_804, %dma_start3A_805] : memref<50000x64xbf16, #tpu.memory_space<vmem_shared>> -> memref<50000x64xbf16, #tpu.memory_space<vmem_shared>>
        tpu.enqueue_indirect_dma source(%dma_start3A_806 : memref<50000x64xbf16, #tpu.memory_space<vmem_shared>>) target(%dma_start3A_800 : memref<32x64xbf16, #tpu.memory_space<vmem>>) offsets(%dma_start3A_803 : memref<32xi32, #tpu.memory_space<vmem>>) semaphore(%arg11 : memref<!tpu.dma_semaphore, #tpu.memory_space<semaphore_mem>>)
      } else {
      }
      %dma_wait3A_597 = arith.constant 1 : i32
      %dma_wait3A_598 = arith.constant 0 : i32
      %dma_wait3A_599 = arith.constant 0 : i32
      %dma_wait3A_600 = arith.constant 0 : i32
      %dma_wait3A_601 = tpu.memref_slice %arg8[%dma_wait3A_598, %dma_wait3A_599, %dma_wait3A_600] : memref<2x352x64xbf16, #tpu.memory_space<vmem>> -> memref<1x352x64xbf16, #tpu.memory_space<vmem>>
      %dma_wait3A_602 = tpu.memref_squeeze %dma_wait3A_601 : memref<1x352x64xbf16, #tpu.memory_space<vmem>> -> memref<352x64xbf16, #tpu.memory_space<vmem>>
      %dma_wait3A_603 = arith.constant 0 : i32
      %dma_wait3A_604 = arith.constant 0 : i32
      %dma_wait3A_605 = tpu.memref_slice %dma_wait3A_602[%dma_wait3A_603, %dma_wait3A_604] : memref<352x64xbf16, #tpu.memory_space<vmem>> -> memref<320x64xbf16, #tpu.memory_space<vmem>>
      %dma_wait3A_606 = arith.constant 0 : i32
      %dma_wait3A_607 = tpu.memref_slice %arg7[%dma_wait3A_597, %dma_wait3A_606] : memref<3x352xi32, #tpu.memory_space<vmem>> -> memref<1x320xi32, #tpu.memory_space<vmem>>
      %dma_wait3A_608 = tpu.memref_squeeze %dma_wait3A_607 : memref<1x320xi32, #tpu.memory_space<vmem>> -> memref<320xi32, #tpu.memory_space<vmem>>
      %dma_wait3A_609 = arith.constant 0 : i32
      %dma_wait3A_610 = arith.constant 0 : i32
      %dma_wait3A_611 = tpu.memref_slice %arg6[%dma_wait3A_609, %dma_wait3A_610] : memref<50000x64xbf16, #tpu.memory_space<vmem_shared>> -> memref<50000x64xbf16, #tpu.memory_space<vmem_shared>>
      tpu.wait_indirect_dma semaphore(%arg10 : memref<!tpu.dma_semaphore, #tpu.memory_space<semaphore_mem>>) src(%dma_wait3A_611 : memref<50000x64xbf16, #tpu.memory_space<vmem_shared>>) dst(%dma_wait3A_605 : memref<320x64xbf16, #tpu.memory_space<vmem>>)
      %dma_wait3A_612 = arith.constant 1 : i32
      %dma_wait3A_613 = arith.constant 0 : i32
      %dma_wait3A_614 = arith.constant 0 : i32
      %dma_wait3A_615 = arith.constant 0 : i32
      %dma_wait3A_616 = tpu.memref_slice %arg8[%dma_wait3A_613, %dma_wait3A_614, %dma_wait3A_615] : memref<2x352x64xbf16, #tpu.memory_space<vmem>> -> memref<1x352x64xbf16, #tpu.memory_space<vmem>>
      %dma_wait3A_617 = tpu.memref_squeeze %dma_wait3A_616 : memref<1x352x64xbf16, #tpu.memory_space<vmem>> -> memref<352x64xbf16, #tpu.memory_space<vmem>>
      %dma_wait3A_618 = arith.constant 320 : i32
      %dma_wait3A_619 = arith.constant 0 : i32
      %dma_wait3A_620 = tpu.memref_slice %dma_wait3A_617[%dma_wait3A_618, %dma_wait3A_619] : memref<352x64xbf16, #tpu.memory_space<vmem>> -> memref<32x64xbf16, #tpu.memory_space<vmem>>
      %dma_wait3A_621 = arith.constant 320 : i32
      %dma_wait3A_622 = tpu.memref_slice %arg7[%dma_wait3A_612, %dma_wait3A_621] : memref<3x352xi32, #tpu.memory_space<vmem>> -> memref<1x32xi32, #tpu.memory_space<vmem>>
      %dma_wait3A_623 = tpu.memref_squeeze %dma_wait3A_622 : memref<1x32xi32, #tpu.memory_space<vmem>> -> memref<32xi32, #tpu.memory_space<vmem>>
      %dma_wait3A_624 = arith.constant 0 : i32
      %dma_wait3A_625 = arith.constant 0 : i32
      %dma_wait3A_626 = tpu.memref_slice %arg6[%dma_wait3A_624, %dma_wait3A_625] : memref<50000x64xbf16, #tpu.memory_space<vmem_shared>> -> memref<50000x64xbf16, #tpu.memory_space<vmem_shared>>
      tpu.wait_indirect_dma semaphore(%arg10 : memref<!tpu.dma_semaphore, #tpu.memory_space<semaphore_mem>>) src(%dma_wait3A_626 : memref<50000x64xbf16, #tpu.memory_space<vmem_shared>>) dst(%dma_wait3A_620 : memref<32x64xbf16, #tpu.memory_space<vmem>>)
      %ge3A_627 = arith.constant 2 : i32
      %ge3A_628 = arith.cmpi sge, %add3A_582, %ge3A_627 : i32
      %convert_element_type3A_629 = arith.extui %ge3A_628 : i1 to i32
      %cond3A_630 = arith.constant 0 : i32
      %cond3A_631 = arith.cmpi ne, %convert_element_type3A_629, %cond3A_630 : i32
      scf.if %cond3A_631 {
        %sub3A_748 = arith.constant 2 : i32
        %sub3A_749 = arith.subi %add3A_582, %sub3A_748 : i32
        %mul3A_750 = arith.constant 3128 : i32
        %mul3A_751 = arith.muli %arg1, %mul3A_750 : i32
        %mul3A_752 = arith.constant 32 : i32
        %mul3A_753 = arith.muli %sub3A_749, %mul3A_752 : i32
        %add3A_754 = arith.addi %mul3A_751, %mul3A_753 : i32
        %min3A_755 = arith.constant 49968 : i32
        %min3A_756 = arith.minsi %add3A_754, %min3A_755 : i32
        %dma_wait3A_757 = arith.constant 0 : i32
        %dma_wait3A_758 = arith.constant 0 : i32
        %dma_wait3A_759 = arith.constant 0 : i32
        %dma_wait3A_760 = tpu.memref_slice %arg9[%dma_wait3A_757, %dma_wait3A_758, %dma_wait3A_759] : memref<2x56x64xf32, #tpu.memory_space<vmem>> -> memref<1x56x64xf32, #tpu.memory_space<vmem>>
        %dma_wait3A_761 = tpu.memref_squeeze %dma_wait3A_760 : memref<1x56x64xf32, #tpu.memory_space<vmem>> -> memref<56x64xf32, #tpu.memory_space<vmem>>
        %dma_wait3A_762 = arith.constant 0 : i32
        %dma_wait3A_763 = arith.constant 0 : i32
        %dma_wait3A_764 = tpu.memref_slice %dma_wait3A_761[%dma_wait3A_762, %dma_wait3A_763] : memref<56x64xf32, #tpu.memory_space<vmem>> -> memref<32x64xf32, #tpu.memory_space<vmem>>
        %dma_wait3A_765 = tpu.memref_slice %arg5[%min3A_756, %mul3A_0] : memref<50000x128xf32, #tpu.memory_space<hbm>> -> memref<32x64xf32, #tpu.memory_space<hbm>>
        %dma_wait3A_766 = tpu.memref_slice %arg5[%min3A_756, %mul3A_0] : memref<50000x128xf32, #tpu.memory_space<hbm>> -> memref<32x64xf32, #tpu.memory_space<hbm>>
        %dma_wait3A_767 = arith.constant 0 : i32
        %dma_wait3A_768 = arith.constant 0 : i32
        %dma_wait3A_769 = tpu.memref_slice %arg9[%dma_wait3A_757, %dma_wait3A_767, %dma_wait3A_768] : memref<2x56x64xf32, #tpu.memory_space<vmem>> -> memref<1x56x64xf32, #tpu.memory_space<vmem>>
        %dma_wait3A_770 = tpu.memref_squeeze %dma_wait3A_769 : memref<1x56x64xf32, #tpu.memory_space<vmem>> -> memref<56x64xf32, #tpu.memory_space<vmem>>
        %dma_wait3A_771 = arith.constant 0 : i32
        %dma_wait3A_772 = arith.constant 0 : i32
        %dma_wait3A_773 = tpu.memref_slice %dma_wait3A_770[%dma_wait3A_771, %dma_wait3A_772] : memref<56x64xf32, #tpu.memory_space<vmem>> -> memref<32x64xf32, #tpu.memory_space<vmem>>
        tpu.wait_dma2 semaphore(%arg12 : memref<!tpu.dma_semaphore, #tpu.memory_space<semaphore_mem>>) src(%dma_wait3A_773 : memref<32x64xf32, #tpu.memory_space<vmem>>) dst(%dma_wait3A_766 : memref<32x64xf32, #tpu.memory_space<hbm>>)
      } else {
      }
      %scan3A_632 = arith.constant 0 : i32
      %scan3A_633 = arith.constant 0 : i32
      %scan3A_634 = arith.constant 32 : i32
      %scan3A_635 = arith.addi %scan3A_633, %scan3A_634 : i32
      %scan3A_636 = arith.constant 1 : i32
      %scan3A_637 = scf.for %scan3A_748 = %scan3A_633 to %scan3A_635 step %scan3A_636 iter_args(%scan3A_749 = %scan3A_632) -> (i32)  : i32 {
        %mul3A_750 = arith.constant 10 : i32
        %mul3A_751 = arith.muli %scan3A_748, %mul3A_750 : i32
        %add3A_752 = arith.constant 320 : i32
        %add3A_753 = arith.addi %add3A_752, %scan3A_748 : i32
        %get3A = arith.constant 0 : i32
        %get3A_754 = arith.index_cast %get3A : i32 to index
        %get3A_755 = arith.index_cast %add3A_753 : i32 to index
        %get3A_756 = arith.constant 0 : index
        %get3A_757 = tpu.vector_load %arg8[%get3A_754, %get3A_755, %get3A_756] {strides = array<i32>} : memref<2x352x64xbf16, #tpu.memory_space<vmem>>, vector<32xbf16>,
        %add3A_758 = arith.constant 0 : i32
        %add3A_759 = arith.addi %mul3A_751, %add3A_758 : i32
        %get3A_760 = arith.constant 0 : i32
        %get3A_761 = arith.index_cast %get3A_760 : i32 to index
        %get3A_762 = arith.index_cast %add3A_759 : i32 to index
        %get3A_763 = arith.constant 0 : index
        %get3A_764 = tpu.vector_load %arg8[%get3A_761, %get3A_762, %get3A_763] {strides = array<i32>} : memref<2x352x64xbf16, #tpu.memory_space<vmem>>, vector<32xbf16>,
        %add3A_765 = arith.addf %get3A_757, %get3A_764 : vector<32xbf16>
        %add3A_766 = arith.constant 1 : i32
        %add3A_767 = arith.addi %mul3A_751, %add3A_766 : i32
        %get3A_768 = arith.constant 0 : i32
        %get3A_769 = arith.index_cast %get3A_768 : i32 to index
        %get3A_770 = arith.index_cast %add3A_767 : i32 to index
        %get3A_771 = arith.constant 0 : index
        %get3A_772 = tpu.vector_load %arg8[%get3A_769, %get3A_770, %get3A_771] {strides = array<i32>} : memref<2x352x64xbf16, #tpu.memory_space<vmem>>, vector<32xbf16>,
        %add3A_773 = arith.addf %add3A_765, %get3A_772 : vector<32xbf16>
        %add3A_774 = arith.constant 2 : i32
        %add3A_775 = arith.addi %mul3A_751, %add3A_774 : i32
        %get3A_776 = arith.constant 0 : i32
        %get3A_777 = arith.index_cast %get3A_776 : i32 to index
        %get3A_778 = arith.index_cast %add3A_775 : i32 to index
        %get3A_779 = arith.constant 0 : index
        %get3A_780 = tpu.vector_load %arg8[%get3A_777, %get3A_778, %get3A_779] {strides = array<i32>} : memref<2x352x64xbf16, #tpu.memory_space<vmem>>, vector<32xbf16>,
        %add3A_781 = arith.addf %add3A_773, %get3A_780 : vector<32xbf16>
        %add3A_782 = arith.constant 3 : i32
        %add3A_783 = arith.addi %mul3A_751, %add3A_782 : i32
        %get3A_784 = arith.constant 0 : i32
        %get3A_785 = arith.index_cast %get3A_784 : i32 to index
        %get3A_786 = arith.index_cast %add3A_783 : i32 to index
        %get3A_787 = arith.constant 0 : index
        %get3A_788 = tpu.vector_load %arg8[%get3A_785, %get3A_786, %get3A_787] {strides = array<i32>} : memref<2x352x64xbf16, #tpu.memory_space<vmem>>, vector<32xbf16>,
        %add3A_789 = arith.addf %add3A_781, %get3A_788 : vector<32xbf16>
        %add3A_790 = arith.constant 4 : i32
        %add3A_791 = arith.addi %mul3A_751, %add3A_790 : i32
        %get3A_792 = arith.constant 0 : i32
        %get3A_793 = arith.index_cast %get3A_792 : i32 to index
        %get3A_794 = arith.index_cast %add3A_791 : i32 to index
        %get3A_795 = arith.constant 0 : index
        %get3A_796 = tpu.vector_load %arg8[%get3A_793, %get3A_794, %get3A_795] {strides = array<i32>} : memref<2x352x64xbf16, #tpu.memory_space<vmem>>, vector<32xbf16>,
        %add3A_797 = arith.addf %add3A_789, %get3A_796 : vector<32xbf16>
        %add3A_798 = arith.constant 5 : i32
        %add3A_799 = arith.addi %mul3A_751, %add3A_798 : i32
        %get3A_800 = arith.constant 0 : i32
        %get3A_801 = arith.index_cast %get3A_800 : i32 to index
        %get3A_802 = arith.index_cast %add3A_799 : i32 to index
        %get3A_803 = arith.constant 0 : index
        %get3A_804 = tpu.vector_load %arg8[%get3A_801, %get3A_802, %get3A_803] {strides = array<i32>} : memref<2x352x64xbf16, #tpu.memory_space<vmem>>, vector<32xbf16>,
        %add3A_805 = arith.addf %add3A_797, %get3A_804 : vector<32xbf16>
        %add3A_806 = arith.constant 6 : i32
        %add3A_807 = arith.addi %mul3A_751, %add3A_806 : i32
        %get3A_808 = arith.constant 0 : i32
        %get3A_809 = arith.index_cast %get3A_808 : i32 to index
        %get3A_810 = arith.index_cast %add3A_807 : i32 to index
        %get3A_811 = arith.constant 0 : index
        %get3A_812 = tpu.vector_load %arg8[%get3A_809, %get3A_810, %get3A_811] {strides = array<i32>} : memref<2x352x64xbf16, #tpu.memory_space<vmem>>, vector<32xbf16>,
        %add3A_813 = arith.addf %add3A_805, %get3A_812 : vector<32xbf16>
        %add3A_814 = arith.constant 7 : i32
        %add3A_815 = arith.addi %mul3A_751, %add3A_814 : i32
        %get3A_816 = arith.constant 0 : i32
        %get3A_817 = arith.index_cast %get3A_816 : i32 to index
        %get3A_818 = arith.index_cast %add3A_815 : i32 to index
        %get3A_819 = arith.constant 0 : index
        %get3A_820 = tpu.vector_load %arg8[%get3A_817, %get3A_818, %get3A_819] {strides = array<i32>} : memref<2x352x64xbf16, #tpu.memory_space<vmem>>, vector<32xbf16>,
        %add3A_821 = arith.addf %add3A_813, %get3A_820 : vector<32xbf16>
        %add3A_822 = arith.constant 8 : i32
        %add3A_823 = arith.addi %mul3A_751, %add3A_822 : i32
        %get3A_824 = arith.constant 0 : i32
        %get3A_825 = arith.index_cast %get3A_824 : i32 to index
        %get3A_826 = arith.index_cast %add3A_823 : i32 to index
        %get3A_827 = arith.constant 0 : index
        %get3A_828 = tpu.vector_load %arg8[%get3A_825, %get3A_826, %get3A_827] {strides = array<i32>} : memref<2x352x64xbf16, #tpu.memory_space<vmem>>, vector<32xbf16>,
        %add3A_829 = arith.addf %add3A_821, %get3A_828 : vector<32xbf16>
        %add3A_830 = arith.constant 9 : i32
        %add3A_831 = arith.addi %mul3A_751, %add3A_830 : i32
        %get3A_832 = arith.constant 0 : i32
        %get3A_833 = arith.index_cast %get3A_832 : i32 to index
        %get3A_834 = arith.index_cast %add3A_831 : i32 to index
        %get3A_835 = arith.constant 0 : index
        %get3A_836 = tpu.vector_load %arg8[%get3A_833, %get3A_834, %get3A_835] {strides = array<i32>} : memref<2x352x64xbf16, #tpu.memory_space<vmem>>, vector<32xbf16>,
        %add3A_837 = arith.addf %add3A_829, %get3A_836 : vector<32xbf16>
        %unpack3A = tpu.unpack_subelements %add3A_837, 0 {pack_format = #tpu.pack_format<interleaved>} : vector<32xbf16> -> vector<16xf32>
        %unpack3A_838 = tpu.unpack_subelements %add3A_837, 1 {pack_format = #tpu.pack_format<interleaved>} : vector<32xbf16> -> vector<16xf32>
        %mul3A_839 = arith.constant 0.0909090936 : f32
        %mul3A_840 = vector.broadcast %mul3A_839 : f32 to vector<16xf32>
        %mul3A_841 = arith.mulf %unpack3A, %mul3A_840 : vector<16xf32>
        %swap3A = arith.constant 0 : i32
        %swap3A_842 = arith.index_cast %swap3A : i32 to index
        %swap3A_843 = arith.index_cast %scan3A_748 : i32 to index
        %swap3A_844 = arith.constant 0 : index
        %swap3A_845 = tpu.vector_load %arg9[%swap3A_842, %swap3A_843, %swap3A_844] {strides = array<i32>} : memref<2x56x64xf32, #tpu.memory_space<vmem>>, vector<16xf32>,
        tpu.vector_store %arg9[%swap3A_842, %swap3A_843, %swap3A_844], %mul3A_841 {strides = array<i32>} : memref<2x56x64xf32, #tpu.memory_space<vmem>>, vector<16xf32>,
        %mul3A_846 = arith.constant 0.0909090936 : f32
        %mul3A_847 = vector.broadcast %mul3A_846 : f32 to vector<16xf32>
        %mul3A_848 = arith.mulf %unpack3A_838, %mul3A_847 : vector<16xf32>
        %swap3A_849 = arith.constant 0 : i32
        %swap3A_850 = arith.index_cast %swap3A_849 : i32 to index
        %swap3A_851 = arith.index_cast %scan3A_748 : i32 to index
        %swap3A_852 = arith.constant 16 : index
        %swap3A_853 = tpu.vector_load %arg9[%swap3A_850, %swap3A_851, %swap3A_852] {strides = array<i32>} : memref<2x56x64xf32, #tpu.memory_space<vmem>>, vector<16xf32>,
        tpu.vector_store %arg9[%swap3A_850, %swap3A_851, %swap3A_852], %mul3A_848 {strides = array<i32>} : memref<2x56x64xf32, #tpu.memory_space<vmem>>, vector<16xf32>,
        %add3A_854 = arith.constant 320 : i32
        %add3A_855 = arith.addi %add3A_854, %scan3A_748 : i32
        %get3A_856 = arith.constant 0 : i32
        %get3A_857 = arith.index_cast %get3A_856 : i32 to index
        %get3A_858 = arith.index_cast %add3A_855 : i32 to index
        %get3A_859 = arith.constant 32 : index
        %get3A_860 = tpu.vector_load %arg8[%get3A_857, %get3A_858, %get3A_859] {strides = array<i32>} : memref<2x352x64xbf16, #tpu.memory_space<vmem>>, vector<32xbf16>,
        %add3A_861 = arith.constant 0 : i32
        %add3A_862 = arith.addi %mul3A_751, %add3A_861 : i32
        %get3A_863 = arith.constant 0 : i32
        %get3A_864 = arith.index_cast %get3A_863 : i32 to index
        %get3A_865 = arith.index_cast %add3A_862 : i32 to index
        %get3A_866 = arith.constant 32 : index
        %get3A_867 = tpu.vector_load %arg8[%get3A_864, %get3A_865, %get3A_866] {strides = array<i32>} : memref<2x352x64xbf16, #tpu.memory_space<vmem>>, vector<32xbf16>,
        %add3A_868 = arith.addf %get3A_860, %get3A_867 : vector<32xbf16>
        %add3A_869 = arith.constant 1 : i32
        %add3A_870 = arith.addi %mul3A_751, %add3A_869 : i32
        %get3A_871 = arith.constant 0 : i32
        %get3A_872 = arith.index_cast %get3A_871 : i32 to index
        %get3A_873 = arith.index_cast %add3A_870 : i32 to index
        %get3A_874 = arith.constant 32 : index
        %get3A_875 = tpu.vector_load %arg8[%get3A_872, %get3A_873, %get3A_874] {strides = array<i32>} : memref<2x352x64xbf16, #tpu.memory_space<vmem>>, vector<32xbf16>,
        %add3A_876 = arith.addf %add3A_868, %get3A_875 : vector<32xbf16>
        %add3A_877 = arith.constant 2 : i32
        %add3A_878 = arith.addi %mul3A_751, %add3A_877 : i32
        %get3A_879 = arith.constant 0 : i32
        %get3A_880 = arith.index_cast %get3A_879 : i32 to index
        %get3A_881 = arith.index_cast %add3A_878 : i32 to index
        %get3A_882 = arith.constant 32 : index
        %get3A_883 = tpu.vector_load %arg8[%get3A_880, %get3A_881, %get3A_882] {strides = array<i32>} : memref<2x352x64xbf16, #tpu.memory_space<vmem>>, vector<32xbf16>,
        %add3A_884 = arith.addf %add3A_876, %get3A_883 : vector<32xbf16>
        %add3A_885 = arith.constant 3 : i32
        %add3A_886 = arith.addi %mul3A_751, %add3A_885 : i32
        %get3A_887 = arith.constant 0 : i32
        %get3A_888 = arith.index_cast %get3A_887 : i32 to index
        %get3A_889 = arith.index_cast %add3A_886 : i32 to index
        %get3A_890 = arith.constant 32 : index
        %get3A_891 = tpu.vector_load %arg8[%get3A_888, %get3A_889, %get3A_890] {strides = array<i32>} : memref<2x352x64xbf16, #tpu.memory_space<vmem>>, vector<32xbf16>,
        %add3A_892 = arith.addf %add3A_884, %get3A_891 : vector<32xbf16>
        %add3A_893 = arith.constant 4 : i32
        %add3A_894 = arith.addi %mul3A_751, %add3A_893 : i32
        %get3A_895 = arith.constant 0 : i32
        %get3A_896 = arith.index_cast %get3A_895 : i32 to index
        %get3A_897 = arith.index_cast %add3A_894 : i32 to index
        %get3A_898 = arith.constant 32 : index
        %get3A_899 = tpu.vector_load %arg8[%get3A_896, %get3A_897, %get3A_898] {strides = array<i32>} : memref<2x352x64xbf16, #tpu.memory_space<vmem>>, vector<32xbf16>,
        %add3A_900 = arith.addf %add3A_892, %get3A_899 : vector<32xbf16>
        %add3A_901 = arith.constant 5 : i32
        %add3A_902 = arith.addi %mul3A_751, %add3A_901 : i32
        %get3A_903 = arith.constant 0 : i32
        %get3A_904 = arith.index_cast %get3A_903 : i32 to index
        %get3A_905 = arith.index_cast %add3A_902 : i32 to index
        %get3A_906 = arith.constant 32 : index
        %get3A_907 = tpu.vector_load %arg8[%get3A_904, %get3A_905, %get3A_906] {strides = array<i32>} : memref<2x352x64xbf16, #tpu.memory_space<vmem>>, vector<32xbf16>,
        %add3A_908 = arith.addf %add3A_900, %get3A_907 : vector<32xbf16>
        %add3A_909 = arith.constant 6 : i32
        %add3A_910 = arith.addi %mul3A_751, %add3A_909 : i32
        %get3A_911 = arith.constant 0 : i32
        %get3A_912 = arith.index_cast %get3A_911 : i32 to index
        %get3A_913 = arith.index_cast %add3A_910 : i32 to index
        %get3A_914 = arith.constant 32 : index
        %get3A_915 = tpu.vector_load %arg8[%get3A_912, %get3A_913, %get3A_914] {strides = array<i32>} : memref<2x352x64xbf16, #tpu.memory_space<vmem>>, vector<32xbf16>,
        %add3A_916 = arith.addf %add3A_908, %get3A_915 : vector<32xbf16>
        %add3A_917 = arith.constant 7 : i32
        %add3A_918 = arith.addi %mul3A_751, %add3A_917 : i32
        %get3A_919 = arith.constant 0 : i32
        %get3A_920 = arith.index_cast %get3A_919 : i32 to index
        %get3A_921 = arith.index_cast %add3A_918 : i32 to index
        %get3A_922 = arith.constant 32 : index
        %get3A_923 = tpu.vector_load %arg8[%get3A_920, %get3A_921, %get3A_922] {strides = array<i32>} : memref<2x352x64xbf16, #tpu.memory_space<vmem>>, vector<32xbf16>,
        %add3A_924 = arith.addf %add3A_916, %get3A_923 : vector<32xbf16>
        %add3A_925 = arith.constant 8 : i32
        %add3A_926 = arith.addi %mul3A_751, %add3A_925 : i32
        %get3A_927 = arith.constant 0 : i32
        %get3A_928 = arith.index_cast %get3A_927 : i32 to index
        %get3A_929 = arith.index_cast %add3A_926 : i32 to index
        %get3A_930 = arith.constant 32 : index
        %get3A_931 = tpu.vector_load %arg8[%get3A_928, %get3A_929, %get3A_930] {strides = array<i32>} : memref<2x352x64xbf16, #tpu.memory_space<vmem>>, vector<32xbf16>,
        %add3A_932 = arith.addf %add3A_924, %get3A_931 : vector<32xbf16>
        %add3A_933 = arith.constant 9 : i32
        %add3A_934 = arith.addi %mul3A_751, %add3A_933 : i32
        %get3A_935 = arith.constant 0 : i32
        %get3A_936 = arith.index_cast %get3A_935 : i32 to index
        %get3A_937 = arith.index_cast %add3A_934 : i32 to index
        %get3A_938 = arith.constant 32 : index
        %get3A_939 = tpu.vector_load %arg8[%get3A_936, %get3A_937, %get3A_938] {strides = array<i32>} : memref<2x352x64xbf16, #tpu.memory_space<vmem>>, vector<32xbf16>,
        %add3A_940 = arith.addf %add3A_932, %get3A_939 : vector<32xbf16>
        %unpack3A_941 = tpu.unpack_subelements %add3A_940, 0 {pack_format = #tpu.pack_format<interleaved>} : vector<32xbf16> -> vector<16xf32>
        %unpack3A_942 = tpu.unpack_subelements %add3A_940, 1 {pack_format = #tpu.pack_format<interleaved>} : vector<32xbf16> -> vector<16xf32>
        %mul3A_943 = arith.constant 0.0909090936 : f32
        %mul3A_944 = vector.broadcast %mul3A_943 : f32 to vector<16xf32>
        %mul3A_945 = arith.mulf %unpack3A_941, %mul3A_944 : vector<16xf32>
        %swap3A_946 = arith.constant 0 : i32
        %swap3A_947 = arith.index_cast %swap3A_946 : i32 to index
        %swap3A_948 = arith.index_cast %scan3A_748 : i32 to index
        %swap3A_949 = arith.constant 32 : index
        %swap3A_950 = tpu.vector_load %arg9[%swap3A_947, %swap3A_948, %swap3A_949] {strides = array<i32>} : memref<2x56x64xf32, #tpu.memory_space<vmem>>, vector<16xf32>,
        tpu.vector_store %arg9[%swap3A_947, %swap3A_948, %swap3A_949], %mul3A_945 {strides = array<i32>} : memref<2x56x64xf32, #tpu.memory_space<vmem>>, vector<16xf32>,
        %mul3A_951 = arith.constant 0.0909090936 : f32
        %mul3A_952 = vector.broadcast %mul3A_951 : f32 to vector<16xf32>
        %mul3A_953 = arith.mulf %unpack3A_942, %mul3A_952 : vector<16xf32>
        %swap3A_954 = arith.constant 0 : i32
        %swap3A_955 = arith.index_cast %swap3A_954 : i32 to index
        %swap3A_956 = arith.index_cast %scan3A_748 : i32 to index
        %swap3A_957 = arith.constant 48 : index
        %swap3A_958 = tpu.vector_load %arg9[%swap3A_955, %swap3A_956, %swap3A_957] {strides = array<i32>} : memref<2x56x64xf32, #tpu.memory_space<vmem>>, vector<16xf32>,
        tpu.vector_store %arg9[%swap3A_955, %swap3A_956, %swap3A_957], %mul3A_953 {strides = array<i32>} : memref<2x56x64xf32, #tpu.memory_space<vmem>>, vector<16xf32>,
        %scan3A_959 = arith.constant 0 : i32
        scf.yield %scan3A_959 : i32
      }
      %scan3A_638 = arith.constant 32 : i32
      %mul3A_639 = arith.constant 3128 : i32
      %mul3A_640 = arith.muli %arg1, %mul3A_639 : i32
      %mul3A_641 = arith.constant 32 : i32
      %mul3A_642 = arith.muli %add3A_582, %mul3A_641 : i32
      %add3A_643 = arith.addi %mul3A_640, %mul3A_642 : i32
      %min3A_644 = arith.constant 49968 : i32
      %min3A_645 = arith.minsi %add3A_643, %min3A_644 : i32
      %dma_start3A_646 = arith.constant 0 : i32
      %dma_start3A_647 = arith.constant 0 : i32
      %dma_start3A_648 = arith.constant 0 : i32
      %dma_start3A_649 = tpu.memref_slice %arg9[%dma_start3A_646, %dma_start3A_647, %dma_start3A_648] : memref<2x56x64xf32, #tpu.memory_space<vmem>> -> memref<1x56x64xf32, #tpu.memory_space<vmem>>
      %dma_start3A_650 = tpu.memref_squeeze %dma_start3A_649 : memref<1x56x64xf32, #tpu.memory_space<vmem>> -> memref<56x64xf32, #tpu.memory_space<vmem>>
      %dma_start3A_651 = arith.constant 0 : i32
      %dma_start3A_652 = arith.constant 0 : i32
      %dma_start3A_653 = tpu.memref_slice %dma_start3A_650[%dma_start3A_651, %dma_start3A_652] : memref<56x64xf32, #tpu.memory_space<vmem>> -> memref<32x64xf32, #tpu.memory_space<vmem>>
      %dma_start3A_654 = tpu.memref_slice %arg5[%min3A_645, %mul3A_0] : memref<50000x128xf32, #tpu.memory_space<hbm>> -> memref<32x64xf32, #tpu.memory_space<hbm>>
      %dma_start3A_655 = tpu.memref_slice %arg5[%min3A_645, %mul3A_0] : memref<50000x128xf32, #tpu.memory_space<hbm>> -> memref<32x64xf32, #tpu.memory_space<hbm>>
      %dma_start3A_656 = arith.constant 0 : i32
      %dma_start3A_657 = arith.constant 0 : i32
      %dma_start3A_658 = tpu.memref_slice %arg9[%dma_start3A_646, %dma_start3A_656, %dma_start3A_657] : memref<2x56x64xf32, #tpu.memory_space<vmem>> -> memref<1x56x64xf32, #tpu.memory_space<vmem>>
      %dma_start3A_659 = tpu.memref_squeeze %dma_start3A_658 : memref<1x56x64xf32, #tpu.memory_space<vmem>> -> memref<56x64xf32, #tpu.memory_space<vmem>>
      %dma_start3A_660 = arith.constant 0 : i32
      %dma_start3A_661 = arith.constant 0 : i32
      %dma_start3A_662 = tpu.memref_slice %dma_start3A_659[%dma_start3A_660, %dma_start3A_661] : memref<56x64xf32, #tpu.memory_space<vmem>> -> memref<32x64xf32, #tpu.memory_space<vmem>>
      tpu.enqueue_dma source(%dma_start3A_662 : memref<32x64xf32, #tpu.memory_space<vmem>>) target(%dma_start3A_655 : memref<32x64xf32, #tpu.memory_space<hbm>>) target_semaphore(%arg12 : memref<!tpu.dma_semaphore, #tpu.memory_space<semaphore_mem>>)
      %mul3A_663 = arith.constant 6 : i32
      %mul3A_664 = arith.muli %mul3A_663, %scan3A_245 : i32
      %add3A_665 = arith.constant 5 : i32
      %add3A_666 = arith.addi %mul3A_664, %add3A_665 : i32
      %add3A_667 = arith.constant 2 : i32
      %add3A_668 = arith.addi %add3A_666, %add3A_667 : i32
      %lt3A_669 = arith.constant 102 : i32
      %lt3A_670 = arith.cmpi slt, %add3A_668, %lt3A_669 : i32
      %convert_element_type3A_671 = arith.extui %lt3A_670 : i1 to i32
      %cond3A_672 = arith.constant 0 : i32
      %cond3A_673 = arith.cmpi ne, %convert_element_type3A_671, %cond3A_672 : i32
      scf.if %cond3A_673 {
        %add3A_748 = arith.constant 2 : i32
        %add3A_749 = arith.addi %add3A_666, %add3A_748 : i32
        %mul3A_750 = arith.constant 3128 : i32
        %mul3A_751 = arith.muli %arg1, %mul3A_750 : i32
        %mul3A_752 = arith.constant 32 : i32
        %mul3A_753 = arith.muli %add3A_749, %mul3A_752 : i32
        %add3A_754 = arith.addi %mul3A_751, %mul3A_753 : i32
        %min3A_755 = arith.constant 49968 : i32
        %min3A_756 = arith.minsi %add3A_754, %min3A_755 : i32
        %mul3A_757 = arith.constant 10 : i32
        %mul3A_758 = arith.muli %min3A_756, %mul3A_757 : i32
        %dma_start3A_759 = arith.constant 1 : i32
        %dma_start3A_760 = arith.constant 0 : i32
        %dma_start3A_761 = tpu.memref_slice %arg7[%dma_start3A_759, %dma_start3A_760] : memref<3x352xi32, #tpu.memory_space<vmem>> -> memref<1x320xi32, #tpu.memory_space<vmem>>
        %dma_start3A_762 = tpu.memref_squeeze %dma_start3A_761 : memref<1x320xi32, #tpu.memory_space<vmem>> -> memref<320xi32, #tpu.memory_space<vmem>>
        %dma_start3A_763 = tpu.memref_slice %arg3[%mul3A_758] : memref<500000xi32, #tpu.memory_space<hbm>> -> memref<320xi32, #tpu.memory_space<hbm>>
        %dma_start3A_764 = arith.constant 0 : i32
        %dma_start3A_765 = tpu.memref_slice %arg7[%dma_start3A_759, %dma_start3A_764] : memref<3x352xi32, #tpu.memory_space<vmem>> -> memref<1x320xi32, #tpu.memory_space<vmem>>
        %dma_start3A_766 = tpu.memref_squeeze %dma_start3A_765 : memref<1x320xi32, #tpu.memory_space<vmem>> -> memref<320xi32, #tpu.memory_space<vmem>>
        %dma_start3A_767 = tpu.memref_slice %arg3[%mul3A_758] : memref<500000xi32, #tpu.memory_space<hbm>> -> memref<320xi32, #tpu.memory_space<hbm>>
        tpu.enqueue_dma source(%dma_start3A_767 : memref<320xi32, #tpu.memory_space<hbm>>) target(%dma_start3A_766 : memref<320xi32, #tpu.memory_space<vmem>>) target_semaphore(%arg15 : memref<!tpu.dma_semaphore, #tpu.memory_space<semaphore_mem>>)
        %dma_start3A_768 = arith.constant 1 : i32
        %dma_start3A_769 = arith.constant 320 : i32
        %dma_start3A_770 = tpu.memref_slice %arg7[%dma_start3A_768, %dma_start3A_769] : memref<3x352xi32, #tpu.memory_space<vmem>> -> memref<1x32xi32, #tpu.memory_space<vmem>>
        %dma_start3A_771 = tpu.memref_squeeze %dma_start3A_770 : memref<1x32xi32, #tpu.memory_space<vmem>> -> memref<32xi32, #tpu.memory_space<vmem>>
        %dma_start3A_772 = tpu.memref_slice %arg2[%min3A_756] : memref<50000xi32, #tpu.memory_space<hbm>> -> memref<32xi32, #tpu.memory_space<hbm>>
        %dma_start3A_773 = arith.constant 320 : i32
        %dma_start3A_774 = tpu.memref_slice %arg7[%dma_start3A_768, %dma_start3A_773] : memref<3x352xi32, #tpu.memory_space<vmem>> -> memref<1x32xi32, #tpu.memory_space<vmem>>
        %dma_start3A_775 = tpu.memref_squeeze %dma_start3A_774 : memref<1x32xi32, #tpu.memory_space<vmem>> -> memref<32xi32, #tpu.memory_space<vmem>>
        %dma_start3A_776 = tpu.memref_slice %arg2[%min3A_756] : memref<50000xi32, #tpu.memory_space<hbm>> -> memref<32xi32, #tpu.memory_space<hbm>>
        tpu.enqueue_dma source(%dma_start3A_776 : memref<32xi32, #tpu.memory_space<hbm>>) target(%dma_start3A_775 : memref<32xi32, #tpu.memory_space<vmem>>) target_semaphore(%arg15 : memref<!tpu.dma_semaphore, #tpu.memory_space<semaphore_mem>>)
      } else {
      }
      %add3A_674 = arith.constant 1 : i32
      %add3A_675 = arith.addi %add3A_666, %add3A_674 : i32
      %lt3A_676 = arith.constant 102 : i32
      %lt3A_677 = arith.cmpi slt, %add3A_675, %lt3A_676 : i32
      %convert_element_type3A_678 = arith.extui %lt3A_677 : i1 to i32
      %cond3A_679 = arith.constant 0 : i32
      %cond3A_680 = arith.cmpi ne, %convert_element_type3A_678, %cond3A_679 : i32
      scf.if %cond3A_680 {
        %add3A_748 = arith.constant 1 : i32
        %add3A_749 = arith.addi %add3A_666, %add3A_748 : i32
        %mul3A_750 = arith.constant 3128 : i32
        %mul3A_751 = arith.muli %arg1, %mul3A_750 : i32
        %mul3A_752 = arith.constant 32 : i32
        %mul3A_753 = arith.muli %add3A_749, %mul3A_752 : i32
        %add3A_754 = arith.addi %mul3A_751, %mul3A_753 : i32
        %min3A_755 = arith.constant 49968 : i32
        %min3A_756 = arith.minsi %add3A_754, %min3A_755 : i32
        %mul3A_757 = arith.constant 10 : i32
        %mul3A_758 = arith.muli %min3A_756, %mul3A_757 : i32
        %dma_wait3A_759 = arith.constant 0 : i32
        %dma_wait3A_760 = arith.constant 0 : i32
        %dma_wait3A_761 = tpu.memref_slice %arg7[%dma_wait3A_759, %dma_wait3A_760] : memref<3x352xi32, #tpu.memory_space<vmem>> -> memref<1x320xi32, #tpu.memory_space<vmem>>
        %dma_wait3A_762 = tpu.memref_squeeze %dma_wait3A_761 : memref<1x320xi32, #tpu.memory_space<vmem>> -> memref<320xi32, #tpu.memory_space<vmem>>
        %dma_wait3A_763 = tpu.memref_slice %arg3[%mul3A_758] : memref<500000xi32, #tpu.memory_space<hbm>> -> memref<320xi32, #tpu.memory_space<hbm>>
        %dma_wait3A_764 = arith.constant 0 : i32
        %dma_wait3A_765 = tpu.memref_slice %arg7[%dma_wait3A_759, %dma_wait3A_764] : memref<3x352xi32, #tpu.memory_space<vmem>> -> memref<1x320xi32, #tpu.memory_space<vmem>>
        %dma_wait3A_766 = tpu.memref_squeeze %dma_wait3A_765 : memref<1x320xi32, #tpu.memory_space<vmem>> -> memref<320xi32, #tpu.memory_space<vmem>>
        %dma_wait3A_767 = tpu.memref_slice %arg3[%mul3A_758] : memref<500000xi32, #tpu.memory_space<hbm>> -> memref<320xi32, #tpu.memory_space<hbm>>
        tpu.wait_dma2 semaphore(%arg14 : memref<!tpu.dma_semaphore, #tpu.memory_space<semaphore_mem>>) src(%dma_wait3A_767 : memref<320xi32, #tpu.memory_space<hbm>>) dst(%dma_wait3A_766 : memref<320xi32, #tpu.memory_space<vmem>>)
        %dma_wait3A_768 = arith.constant 0 : i32
        %dma_wait3A_769 = arith.constant 320 : i32
        %dma_wait3A_770 = tpu.memref_slice %arg7[%dma_wait3A_768, %dma_wait3A_769] : memref<3x352xi32, #tpu.memory_space<vmem>> -> memref<1x32xi32, #tpu.memory_space<vmem>>
        %dma_wait3A_771 = tpu.memref_squeeze %dma_wait3A_770 : memref<1x32xi32, #tpu.memory_space<vmem>> -> memref<32xi32, #tpu.memory_space<vmem>>
        %dma_wait3A_772 = tpu.memref_slice %arg2[%min3A_756] : memref<50000xi32, #tpu.memory_space<hbm>> -> memref<32xi32, #tpu.memory_space<hbm>>
        %dma_wait3A_773 = arith.constant 320 : i32
        %dma_wait3A_774 = tpu.memref_slice %arg7[%dma_wait3A_768, %dma_wait3A_773] : memref<3x352xi32, #tpu.memory_space<vmem>> -> memref<1x32xi32, #tpu.memory_space<vmem>>
        %dma_wait3A_775 = tpu.memref_squeeze %dma_wait3A_774 : memref<1x32xi32, #tpu.memory_space<vmem>> -> memref<32xi32, #tpu.memory_space<vmem>>
        %dma_wait3A_776 = tpu.memref_slice %arg2[%min3A_756] : memref<50000xi32, #tpu.memory_space<hbm>> -> memref<32xi32, #tpu.memory_space<hbm>>
        tpu.wait_dma2 semaphore(%arg14 : memref<!tpu.dma_semaphore, #tpu.memory_space<semaphore_mem>>) src(%dma_wait3A_776 : memref<32xi32, #tpu.memory_space<hbm>>) dst(%dma_wait3A_775 : memref<32xi32, #tpu.memory_space<vmem>>)
        %dma_start3A_777 = arith.constant 0 : i32
        %dma_start3A_778 = arith.constant 0 : i32
        %dma_start3A_779 = arith.constant 0 : i32
        %dma_start3A_780 = arith.constant 0 : i32
        %dma_start3A_781 = tpu.memref_slice %arg8[%dma_start3A_778, %dma_start3A_779, %dma_start3A_780] : memref<2x352x64xbf16, #tpu.memory_space<vmem>> -> memref<1x352x64xbf16, #tpu.memory_space<vmem>>
        %dma_start3A_782 = tpu.memref_squeeze %dma_start3A_781 : memref<1x352x64xbf16, #tpu.memory_space<vmem>> -> memref<352x64xbf16, #tpu.memory_space<vmem>>
        %dma_start3A_783 = arith.constant 0 : i32
        %dma_start3A_784 = arith.constant 0 : i32
        %dma_start3A_785 = tpu.memref_slice %dma_start3A_782[%dma_start3A_783, %dma_start3A_784] : memref<352x64xbf16, #tpu.memory_space<vmem>> -> memref<320x64xbf16, #tpu.memory_space<vmem>>
        %dma_start3A_786 = arith.constant 0 : i32
        %dma_start3A_787 = tpu.memref_slice %arg7[%dma_start3A_777, %dma_start3A_786] : memref<3x352xi32, #tpu.memory_space<vmem>> -> memref<1x320xi32, #tpu.memory_space<vmem>>
        %dma_start3A_788 = tpu.memref_squeeze %dma_start3A_787 : memref<1x320xi32, #tpu.memory_space<vmem>> -> memref<320xi32, #tpu.memory_space<vmem>>
        %dma_start3A_789 = arith.constant 0 : i32
        %dma_start3A_790 = arith.constant 0 : i32
        %dma_start3A_791 = tpu.memref_slice %arg6[%dma_start3A_789, %dma_start3A_790] : memref<50000x64xbf16, #tpu.memory_space<vmem_shared>> -> memref<50000x64xbf16, #tpu.memory_space<vmem_shared>>
        tpu.enqueue_indirect_dma source(%dma_start3A_791 : memref<50000x64xbf16, #tpu.memory_space<vmem_shared>>) target(%dma_start3A_785 : memref<320x64xbf16, #tpu.memory_space<vmem>>) offsets(%dma_start3A_788 : memref<320xi32, #tpu.memory_space<vmem>>) semaphore(%arg10 : memref<!tpu.dma_semaphore, #tpu.memory_space<semaphore_mem>>)
        %dma_start3A_792 = arith.constant 0 : i32
        %dma_start3A_793 = arith.constant 0 : i32
        %dma_start3A_794 = arith.constant 0 : i32
        %dma_start3A_795 = arith.constant 0 : i32
        %dma_start3A_796 = tpu.memref_slice %arg8[%dma_start3A_793, %dma_start3A_794, %dma_start3A_795] : memref<2x352x64xbf16, #tpu.memory_space<vmem>> -> memref<1x352x64xbf16, #tpu.memory_space<vmem>>
        %dma_start3A_797 = tpu.memref_squeeze %dma_start3A_796 : memref<1x352x64xbf16, #tpu.memory_space<vmem>> -> memref<352x64xbf16, #tpu.memory_space<vmem>>
        %dma_start3A_798 = arith.constant 320 : i32
        %dma_start3A_799 = arith.constant 0 : i32
        %dma_start3A_800 = tpu.memref_slice %dma_start3A_797[%dma_start3A_798, %dma_start3A_799] : memref<352x64xbf16, #tpu.memory_space<vmem>> -> memref<32x64xbf16, #tpu.memory_space<vmem>>
        %dma_start3A_801 = arith.constant 320 : i32
        %dma_start3A_802 = tpu.memref_slice %arg7[%dma_start3A_792, %dma_start3A_801] : memref<3x352xi32, #tpu.memory_space<vmem>> -> memref<1x32xi32, #tpu.memory_space<vmem>>
        %dma_start3A_803 = tpu.memref_squeeze %dma_start3A_802 : memref<1x32xi32, #tpu.memory_space<vmem>> -> memref<32xi32, #tpu.memory_space<vmem>>
        %dma_start3A_804 = arith.constant 0 : i32
        %dma_start3A_805 = arith.constant 0 : i32
        %dma_start3A_806 = tpu.memref_slice %arg6[%dma_start3A_804, %dma_start3A_805] : memref<50000x64xbf16, #tpu.memory_space<vmem_shared>> -> memref<50000x64xbf16, #tpu.memory_space<vmem_shared>>
        tpu.enqueue_indirect_dma source(%dma_start3A_806 : memref<50000x64xbf16, #tpu.memory_space<vmem_shared>>) target(%dma_start3A_800 : memref<32x64xbf16, #tpu.memory_space<vmem>>) offsets(%dma_start3A_803 : memref<32xi32, #tpu.memory_space<vmem>>) semaphore(%arg10 : memref<!tpu.dma_semaphore, #tpu.memory_space<semaphore_mem>>)
      } else {
      }
      %dma_wait3A_681 = arith.constant 2 : i32
      %dma_wait3A_682 = arith.constant 1 : i32
      %dma_wait3A_683 = arith.constant 0 : i32
      %dma_wait3A_684 = arith.constant 0 : i32
      %dma_wait3A_685 = tpu.memref_slice %arg8[%dma_wait3A_682, %dma_wait3A_683, %dma_wait3A_684] : memref<2x352x64xbf16, #tpu.memory_space<vmem>> -> memref<1x352x64xbf16, #tpu.memory_space<vmem>>
      %dma_wait3A_686 = tpu.memref_squeeze %dma_wait3A_685 : memref<1x352x64xbf16, #tpu.memory_space<vmem>> -> memref<352x64xbf16, #tpu.memory_space<vmem>>
      %dma_wait3A_687 = arith.constant 0 : i32
      %dma_wait3A_688 = arith.constant 0 : i32
      %dma_wait3A_689 = tpu.memref_slice %dma_wait3A_686[%dma_wait3A_687, %dma_wait3A_688] : memref<352x64xbf16, #tpu.memory_space<vmem>> -> memref<320x64xbf16, #tpu.memory_space<vmem>>
      %dma_wait3A_690 = arith.constant 0 : i32
      %dma_wait3A_691 = tpu.memref_slice %arg7[%dma_wait3A_681, %dma_wait3A_690] : memref<3x352xi32, #tpu.memory_space<vmem>> -> memref<1x320xi32, #tpu.memory_space<vmem>>
      %dma_wait3A_692 = tpu.memref_squeeze %dma_wait3A_691 : memref<1x320xi32, #tpu.memory_space<vmem>> -> memref<320xi32, #tpu.memory_space<vmem>>
      %dma_wait3A_693 = arith.constant 0 : i32
      %dma_wait3A_694 = arith.constant 0 : i32
      %dma_wait3A_695 = tpu.memref_slice %arg6[%dma_wait3A_693, %dma_wait3A_694] : memref<50000x64xbf16, #tpu.memory_space<vmem_shared>> -> memref<50000x64xbf16, #tpu.memory_space<vmem_shared>>
      tpu.wait_indirect_dma semaphore(%arg11 : memref<!tpu.dma_semaphore, #tpu.memory_space<semaphore_mem>>) src(%dma_wait3A_695 : memref<50000x64xbf16, #tpu.memory_space<vmem_shared>>) dst(%dma_wait3A_689 : memref<320x64xbf16, #tpu.memory_space<vmem>>)
      %dma_wait3A_696 = arith.constant 2 : i32
      %dma_wait3A_697 = arith.constant 1 : i32
      %dma_wait3A_698 = arith.constant 0 : i32
      %dma_wait3A_699 = arith.constant 0 : i32
      %dma_wait3A_700 = tpu.memref_slice %arg8[%dma_wait3A_697, %dma_wait3A_698, %dma_wait3A_699] : memref<2x352x64xbf16, #tpu.memory_space<vmem>> -> memref<1x352x64xbf16, #tpu.memory_space<vmem>>
      %dma_wait3A_701 = tpu.memref_squeeze %dma_wait3A_700 : memref<1x352x64xbf16, #tpu.memory_space<vmem>> -> memref<352x64xbf16, #tpu.memory_space<vmem>>
      %dma_wait3A_702 = arith.constant 320 : i32
      %dma_wait3A_703 = arith.constant 0 : i32
      %dma_wait3A_704 = tpu.memref_slice %dma_wait3A_701[%dma_wait3A_702, %dma_wait3A_703] : memref<352x64xbf16, #tpu.memory_space<vmem>> -> memref<32x64xbf16, #tpu.memory_space<vmem>>
      %dma_wait3A_705 = arith.constant 320 : i32
      %dma_wait3A_706 = tpu.memref_slice %arg7[%dma_wait3A_696, %dma_wait3A_705] : memref<3x352xi32, #tpu.memory_space<vmem>> -> memref<1x32xi32, #tpu.memory_space<vmem>>
      %dma_wait3A_707 = tpu.memref_squeeze %dma_wait3A_706 : memref<1x32xi32, #tpu.memory_space<vmem>> -> memref<32xi32, #tpu.memory_space<vmem>>
      %dma_wait3A_708 = arith.constant 0 : i32
      %dma_wait3A_709 = arith.constant 0 : i32
      %dma_wait3A_710 = tpu.memref_slice %arg6[%dma_wait3A_708, %dma_wait3A_709] : memref<50000x64xbf16, #tpu.memory_space<vmem_shared>> -> memref<50000x64xbf16, #tpu.memory_space<vmem_shared>>
      tpu.wait_indirect_dma semaphore(%arg11 : memref<!tpu.dma_semaphore, #tpu.memory_space<semaphore_mem>>) src(%dma_wait3A_710 : memref<50000x64xbf16, #tpu.memory_space<vmem_shared>>) dst(%dma_wait3A_704 : memref<32x64xbf16, #tpu.memory_space<vmem>>)
      %ge3A_711 = arith.constant 2 : i32
      %ge3A_712 = arith.cmpi sge, %add3A_666, %ge3A_711 : i32
      %convert_element_type3A_713 = arith.extui %ge3A_712 : i1 to i32
      %cond3A_714 = arith.constant 0 : i32
      %cond3A_715 = arith.cmpi ne, %convert_element_type3A_713, %cond3A_714 : i32
      scf.if %cond3A_715 {
        %sub3A_748 = arith.constant 2 : i32
        %sub3A_749 = arith.subi %add3A_666, %sub3A_748 : i32
        %mul3A_750 = arith.constant 3128 : i32
        %mul3A_751 = arith.muli %arg1, %mul3A_750 : i32
        %mul3A_752 = arith.constant 32 : i32
        %mul3A_753 = arith.muli %sub3A_749, %mul3A_752 : i32
        %add3A_754 = arith.addi %mul3A_751, %mul3A_753 : i32
        %min3A_755 = arith.constant 49968 : i32
        %min3A_756 = arith.minsi %add3A_754, %min3A_755 : i32
        %dma_wait3A_757 = arith.constant 1 : i32
        %dma_wait3A_758 = arith.constant 0 : i32
        %dma_wait3A_759 = arith.constant 0 : i32
        %dma_wait3A_760 = tpu.memref_slice %arg9[%dma_wait3A_757, %dma_wait3A_758, %dma_wait3A_759] : memref<2x56x64xf32, #tpu.memory_space<vmem>> -> memref<1x56x64xf32, #tpu.memory_space<vmem>>
        %dma_wait3A_761 = tpu.memref_squeeze %dma_wait3A_760 : memref<1x56x64xf32, #tpu.memory_space<vmem>> -> memref<56x64xf32, #tpu.memory_space<vmem>>
        %dma_wait3A_762 = arith.constant 0 : i32
        %dma_wait3A_763 = arith.constant 0 : i32
        %dma_wait3A_764 = tpu.memref_slice %dma_wait3A_761[%dma_wait3A_762, %dma_wait3A_763] : memref<56x64xf32, #tpu.memory_space<vmem>> -> memref<32x64xf32, #tpu.memory_space<vmem>>
        %dma_wait3A_765 = tpu.memref_slice %arg5[%min3A_756, %mul3A_0] : memref<50000x128xf32, #tpu.memory_space<hbm>> -> memref<32x64xf32, #tpu.memory_space<hbm>>
        %dma_wait3A_766 = tpu.memref_slice %arg5[%min3A_756, %mul3A_0] : memref<50000x128xf32, #tpu.memory_space<hbm>> -> memref<32x64xf32, #tpu.memory_space<hbm>>
        %dma_wait3A_767 = arith.constant 0 : i32
        %dma_wait3A_768 = arith.constant 0 : i32
        %dma_wait3A_769 = tpu.memref_slice %arg9[%dma_wait3A_757, %dma_wait3A_767, %dma_wait3A_768] : memref<2x56x64xf32, #tpu.memory_space<vmem>> -> memref<1x56x64xf32, #tpu.memory_space<vmem>>
        %dma_wait3A_770 = tpu.memref_squeeze %dma_wait3A_769 : memref<1x56x64xf32, #tpu.memory_space<vmem>> -> memref<56x64xf32, #tpu.memory_space<vmem>>
        %dma_wait3A_771 = arith.constant 0 : i32
        %dma_wait3A_772 = arith.constant 0 : i32
        %dma_wait3A_773 = tpu.memref_slice %dma_wait3A_770[%dma_wait3A_771, %dma_wait3A_772] : memref<56x64xf32, #tpu.memory_space<vmem>> -> memref<32x64xf32, #tpu.memory_space<vmem>>
        tpu.wait_dma2 semaphore(%arg13 : memref<!tpu.dma_semaphore, #tpu.memory_space<semaphore_mem>>) src(%dma_wait3A_773 : memref<32x64xf32, #tpu.memory_space<vmem>>) dst(%dma_wait3A_766 : memref<32x64xf32, #tpu.memory_space<hbm>>)
      } else {
      }
      %scan3A_716 = arith.constant 0 : i32
      %scan3A_717 = arith.constant 0 : i32
      %scan3A_718 = arith.constant 32 : i32
      %scan3A_719 = arith.addi %scan3A_717, %scan3A_718 : i32
      %scan3A_720 = arith.constant 1 : i32
      %scan3A_721 = scf.for %scan3A_748 = %scan3A_717 to %scan3A_719 step %scan3A_720 iter_args(%scan3A_749 = %scan3A_716) -> (i32)  : i32 {
        %mul3A_750 = arith.constant 10 : i32
        %mul3A_751 = arith.muli %scan3A_748, %mul3A_750 : i32
        %add3A_752 = arith.constant 320 : i32
        %add3A_753 = arith.addi %add3A_752, %scan3A_748 : i32
        %get3A = arith.constant 1 : i32
        %get3A_754 = arith.index_cast %get3A : i32 to index
        %get3A_755 = arith.index_cast %add3A_753 : i32 to index
        %get3A_756 = arith.constant 0 : index
        %get3A_757 = tpu.vector_load %arg8[%get3A_754, %get3A_755, %get3A_756] {strides = array<i32>} : memref<2x352x64xbf16, #tpu.memory_space<vmem>>, vector<32xbf16>,
        %add3A_758 = arith.constant 0 : i32
        %add3A_759 = arith.addi %mul3A_751, %add3A_758 : i32
        %get3A_760 = arith.constant 1 : i32
        %get3A_761 = arith.index_cast %get3A_760 : i32 to index
        %get3A_762 = arith.index_cast %add3A_759 : i32 to index
        %get3A_763 = arith.constant 0 : index
        %get3A_764 = tpu.vector_load %arg8[%get3A_761, %get3A_762, %get3A_763] {strides = array<i32>} : memref<2x352x64xbf16, #tpu.memory_space<vmem>>, vector<32xbf16>,
        %add3A_765 = arith.addf %get3A_757, %get3A_764 : vector<32xbf16>
        %add3A_766 = arith.constant 1 : i32
        %add3A_767 = arith.addi %mul3A_751, %add3A_766 : i32
        %get3A_768 = arith.constant 1 : i32
        %get3A_769 = arith.index_cast %get3A_768 : i32 to index
        %get3A_770 = arith.index_cast %add3A_767 : i32 to index
        %get3A_771 = arith.constant 0 : index
        %get3A_772 = tpu.vector_load %arg8[%get3A_769, %get3A_770, %get3A_771] {strides = array<i32>} : memref<2x352x64xbf16, #tpu.memory_space<vmem>>, vector<32xbf16>,
        %add3A_773 = arith.addf %add3A_765, %get3A_772 : vector<32xbf16>
        %add3A_774 = arith.constant 2 : i32
        %add3A_775 = arith.addi %mul3A_751, %add3A_774 : i32
        %get3A_776 = arith.constant 1 : i32
        %get3A_777 = arith.index_cast %get3A_776 : i32 to index
        %get3A_778 = arith.index_cast %add3A_775 : i32 to index
        %get3A_779 = arith.constant 0 : index
        %get3A_780 = tpu.vector_load %arg8[%get3A_777, %get3A_778, %get3A_779] {strides = array<i32>} : memref<2x352x64xbf16, #tpu.memory_space<vmem>>, vector<32xbf16>,
        %add3A_781 = arith.addf %add3A_773, %get3A_780 : vector<32xbf16>
        %add3A_782 = arith.constant 3 : i32
        %add3A_783 = arith.addi %mul3A_751, %add3A_782 : i32
        %get3A_784 = arith.constant 1 : i32
        %get3A_785 = arith.index_cast %get3A_784 : i32 to index
        %get3A_786 = arith.index_cast %add3A_783 : i32 to index
        %get3A_787 = arith.constant 0 : index
        %get3A_788 = tpu.vector_load %arg8[%get3A_785, %get3A_786, %get3A_787] {strides = array<i32>} : memref<2x352x64xbf16, #tpu.memory_space<vmem>>, vector<32xbf16>,
        %add3A_789 = arith.addf %add3A_781, %get3A_788 : vector<32xbf16>
        %add3A_790 = arith.constant 4 : i32
        %add3A_791 = arith.addi %mul3A_751, %add3A_790 : i32
        %get3A_792 = arith.constant 1 : i32
        %get3A_793 = arith.index_cast %get3A_792 : i32 to index
        %get3A_794 = arith.index_cast %add3A_791 : i32 to index
        %get3A_795 = arith.constant 0 : index
        %get3A_796 = tpu.vector_load %arg8[%get3A_793, %get3A_794, %get3A_795] {strides = array<i32>} : memref<2x352x64xbf16, #tpu.memory_space<vmem>>, vector<32xbf16>,
        %add3A_797 = arith.addf %add3A_789, %get3A_796 : vector<32xbf16>
        %add3A_798 = arith.constant 5 : i32
        %add3A_799 = arith.addi %mul3A_751, %add3A_798 : i32
        %get3A_800 = arith.constant 1 : i32
        %get3A_801 = arith.index_cast %get3A_800 : i32 to index
        %get3A_802 = arith.index_cast %add3A_799 : i32 to index
        %get3A_803 = arith.constant 0 : index
        %get3A_804 = tpu.vector_load %arg8[%get3A_801, %get3A_802, %get3A_803] {strides = array<i32>} : memref<2x352x64xbf16, #tpu.memory_space<vmem>>, vector<32xbf16>,
        %add3A_805 = arith.addf %add3A_797, %get3A_804 : vector<32xbf16>
        %add3A_806 = arith.constant 6 : i32
        %add3A_807 = arith.addi %mul3A_751, %add3A_806 : i32
        %get3A_808 = arith.constant 1 : i32
        %get3A_809 = arith.index_cast %get3A_808 : i32 to index
        %get3A_810 = arith.index_cast %add3A_807 : i32 to index
        %get3A_811 = arith.constant 0 : index
        %get3A_812 = tpu.vector_load %arg8[%get3A_809, %get3A_810, %get3A_811] {strides = array<i32>} : memref<2x352x64xbf16, #tpu.memory_space<vmem>>, vector<32xbf16>,
        %add3A_813 = arith.addf %add3A_805, %get3A_812 : vector<32xbf16>
        %add3A_814 = arith.constant 7 : i32
        %add3A_815 = arith.addi %mul3A_751, %add3A_814 : i32
        %get3A_816 = arith.constant 1 : i32
        %get3A_817 = arith.index_cast %get3A_816 : i32 to index
        %get3A_818 = arith.index_cast %add3A_815 : i32 to index
        %get3A_819 = arith.constant 0 : index
        %get3A_820 = tpu.vector_load %arg8[%get3A_817, %get3A_818, %get3A_819] {strides = array<i32>} : memref<2x352x64xbf16, #tpu.memory_space<vmem>>, vector<32xbf16>,
        %add3A_821 = arith.addf %add3A_813, %get3A_820 : vector<32xbf16>
        %add3A_822 = arith.constant 8 : i32
        %add3A_823 = arith.addi %mul3A_751, %add3A_822 : i32
        %get3A_824 = arith.constant 1 : i32
        %get3A_825 = arith.index_cast %get3A_824 : i32 to index
        %get3A_826 = arith.index_cast %add3A_823 : i32 to index
        %get3A_827 = arith.constant 0 : index
        %get3A_828 = tpu.vector_load %arg8[%get3A_825, %get3A_826, %get3A_827] {strides = array<i32>} : memref<2x352x64xbf16, #tpu.memory_space<vmem>>, vector<32xbf16>,
        %add3A_829 = arith.addf %add3A_821, %get3A_828 : vector<32xbf16>
        %add3A_830 = arith.constant 9 : i32
        %add3A_831 = arith.addi %mul3A_751, %add3A_830 : i32
        %get3A_832 = arith.constant 1 : i32
        %get3A_833 = arith.index_cast %get3A_832 : i32 to index
        %get3A_834 = arith.index_cast %add3A_831 : i32 to index
        %get3A_835 = arith.constant 0 : index
        %get3A_836 = tpu.vector_load %arg8[%get3A_833, %get3A_834, %get3A_835] {strides = array<i32>} : memref<2x352x64xbf16, #tpu.memory_space<vmem>>, vector<32xbf16>,
        %add3A_837 = arith.addf %add3A_829, %get3A_836 : vector<32xbf16>
        %unpack3A = tpu.unpack_subelements %add3A_837, 0 {pack_format = #tpu.pack_format<interleaved>} : vector<32xbf16> -> vector<16xf32>
        %unpack3A_838 = tpu.unpack_subelements %add3A_837, 1 {pack_format = #tpu.pack_format<interleaved>} : vector<32xbf16> -> vector<16xf32>
        %mul3A_839 = arith.constant 0.0909090936 : f32
        %mul3A_840 = vector.broadcast %mul3A_839 : f32 to vector<16xf32>
        %mul3A_841 = arith.mulf %unpack3A, %mul3A_840 : vector<16xf32>
        %swap3A = arith.constant 1 : i32
        %swap3A_842 = arith.index_cast %swap3A : i32 to index
        %swap3A_843 = arith.index_cast %scan3A_748 : i32 to index
        %swap3A_844 = arith.constant 0 : index
        %swap3A_845 = tpu.vector_load %arg9[%swap3A_842, %swap3A_843, %swap3A_844] {strides = array<i32>} : memref<2x56x64xf32, #tpu.memory_space<vmem>>, vector<16xf32>,
        tpu.vector_store %arg9[%swap3A_842, %swap3A_843, %swap3A_844], %mul3A_841 {strides = array<i32>} : memref<2x56x64xf32, #tpu.memory_space<vmem>>, vector<16xf32>,
        %mul3A_846 = arith.constant 0.0909090936 : f32
        %mul3A_847 = vector.broadcast %mul3A_846 : f32 to vector<16xf32>
        %mul3A_848 = arith.mulf %unpack3A_838, %mul3A_847 : vector<16xf32>
        %swap3A_849 = arith.constant 1 : i32
        %swap3A_850 = arith.index_cast %swap3A_849 : i32 to index
        %swap3A_851 = arith.index_cast %scan3A_748 : i32 to index
        %swap3A_852 = arith.constant 16 : index
        %swap3A_853 = tpu.vector_load %arg9[%swap3A_850, %swap3A_851, %swap3A_852] {strides = array<i32>} : memref<2x56x64xf32, #tpu.memory_space<vmem>>, vector<16xf32>,
        tpu.vector_store %arg9[%swap3A_850, %swap3A_851, %swap3A_852], %mul3A_848 {strides = array<i32>} : memref<2x56x64xf32, #tpu.memory_space<vmem>>, vector<16xf32>,
        %add3A_854 = arith.constant 320 : i32
        %add3A_855 = arith.addi %add3A_854, %scan3A_748 : i32
        %get3A_856 = arith.constant 1 : i32
        %get3A_857 = arith.index_cast %get3A_856 : i32 to index
        %get3A_858 = arith.index_cast %add3A_855 : i32 to index
        %get3A_859 = arith.constant 32 : index
        %get3A_860 = tpu.vector_load %arg8[%get3A_857, %get3A_858, %get3A_859] {strides = array<i32>} : memref<2x352x64xbf16, #tpu.memory_space<vmem>>, vector<32xbf16>,
        %add3A_861 = arith.constant 0 : i32
        %add3A_862 = arith.addi %mul3A_751, %add3A_861 : i32
        %get3A_863 = arith.constant 1 : i32
        %get3A_864 = arith.index_cast %get3A_863 : i32 to index
        %get3A_865 = arith.index_cast %add3A_862 : i32 to index
        %get3A_866 = arith.constant 32 : index
        %get3A_867 = tpu.vector_load %arg8[%get3A_864, %get3A_865, %get3A_866] {strides = array<i32>} : memref<2x352x64xbf16, #tpu.memory_space<vmem>>, vector<32xbf16>,
        %add3A_868 = arith.addf %get3A_860, %get3A_867 : vector<32xbf16>
        %add3A_869 = arith.constant 1 : i32
        %add3A_870 = arith.addi %mul3A_751, %add3A_869 : i32
        %get3A_871 = arith.constant 1 : i32
        %get3A_872 = arith.index_cast %get3A_871 : i32 to index
        %get3A_873 = arith.index_cast %add3A_870 : i32 to index
        %get3A_874 = arith.constant 32 : index
        %get3A_875 = tpu.vector_load %arg8[%get3A_872, %get3A_873, %get3A_874] {strides = array<i32>} : memref<2x352x64xbf16, #tpu.memory_space<vmem>>, vector<32xbf16>,
        %add3A_876 = arith.addf %add3A_868, %get3A_875 : vector<32xbf16>
        %add3A_877 = arith.constant 2 : i32
        %add3A_878 = arith.addi %mul3A_751, %add3A_877 : i32
        %get3A_879 = arith.constant 1 : i32
        %get3A_880 = arith.index_cast %get3A_879 : i32 to index
        %get3A_881 = arith.index_cast %add3A_878 : i32 to index
        %get3A_882 = arith.constant 32 : index
        %get3A_883 = tpu.vector_load %arg8[%get3A_880, %get3A_881, %get3A_882] {strides = array<i32>} : memref<2x352x64xbf16, #tpu.memory_space<vmem>>, vector<32xbf16>,
        %add3A_884 = arith.addf %add3A_876, %get3A_883 : vector<32xbf16>
        %add3A_885 = arith.constant 3 : i32
        %add3A_886 = arith.addi %mul3A_751, %add3A_885 : i32
        %get3A_887 = arith.constant 1 : i32
        %get3A_888 = arith.index_cast %get3A_887 : i32 to index
        %get3A_889 = arith.index_cast %add3A_886 : i32 to index
        %get3A_890 = arith.constant 32 : index
        %get3A_891 = tpu.vector_load %arg8[%get3A_888, %get3A_889, %get3A_890] {strides = array<i32>} : memref<2x352x64xbf16, #tpu.memory_space<vmem>>, vector<32xbf16>,
        %add3A_892 = arith.addf %add3A_884, %get3A_891 : vector<32xbf16>
        %add3A_893 = arith.constant 4 : i32
        %add3A_894 = arith.addi %mul3A_751, %add3A_893 : i32
        %get3A_895 = arith.constant 1 : i32
        %get3A_896 = arith.index_cast %get3A_895 : i32 to index
        %get3A_897 = arith.index_cast %add3A_894 : i32 to index
        %get3A_898 = arith.constant 32 : index
        %get3A_899 = tpu.vector_load %arg8[%get3A_896, %get3A_897, %get3A_898] {strides = array<i32>} : memref<2x352x64xbf16, #tpu.memory_space<vmem>>, vector<32xbf16>,
        %add3A_900 = arith.addf %add3A_892, %get3A_899 : vector<32xbf16>
        %add3A_901 = arith.constant 5 : i32
        %add3A_902 = arith.addi %mul3A_751, %add3A_901 : i32
        %get3A_903 = arith.constant 1 : i32
        %get3A_904 = arith.index_cast %get3A_903 : i32 to index
        %get3A_905 = arith.index_cast %add3A_902 : i32 to index
        %get3A_906 = arith.constant 32 : index
        %get3A_907 = tpu.vector_load %arg8[%get3A_904, %get3A_905, %get3A_906] {strides = array<i32>} : memref<2x352x64xbf16, #tpu.memory_space<vmem>>, vector<32xbf16>,
        %add3A_908 = arith.addf %add3A_900, %get3A_907 : vector<32xbf16>
        %add3A_909 = arith.constant 6 : i32
        %add3A_910 = arith.addi %mul3A_751, %add3A_909 : i32
        %get3A_911 = arith.constant 1 : i32
        %get3A_912 = arith.index_cast %get3A_911 : i32 to index
        %get3A_913 = arith.index_cast %add3A_910 : i32 to index
        %get3A_914 = arith.constant 32 : index
        %get3A_915 = tpu.vector_load %arg8[%get3A_912, %get3A_913, %get3A_914] {strides = array<i32>} : memref<2x352x64xbf16, #tpu.memory_space<vmem>>, vector<32xbf16>,
        %add3A_916 = arith.addf %add3A_908, %get3A_915 : vector<32xbf16>
        %add3A_917 = arith.constant 7 : i32
        %add3A_918 = arith.addi %mul3A_751, %add3A_917 : i32
        %get3A_919 = arith.constant 1 : i32
        %get3A_920 = arith.index_cast %get3A_919 : i32 to index
        %get3A_921 = arith.index_cast %add3A_918 : i32 to index
        %get3A_922 = arith.constant 32 : index
        %get3A_923 = tpu.vector_load %arg8[%get3A_920, %get3A_921, %get3A_922] {strides = array<i32>} : memref<2x352x64xbf16, #tpu.memory_space<vmem>>, vector<32xbf16>,
        %add3A_924 = arith.addf %add3A_916, %get3A_923 : vector<32xbf16>
        %add3A_925 = arith.constant 8 : i32
        %add3A_926 = arith.addi %mul3A_751, %add3A_925 : i32
        %get3A_927 = arith.constant 1 : i32
        %get3A_928 = arith.index_cast %get3A_927 : i32 to index
        %get3A_929 = arith.index_cast %add3A_926 : i32 to index
        %get3A_930 = arith.constant 32 : index
        %get3A_931 = tpu.vector_load %arg8[%get3A_928, %get3A_929, %get3A_930] {strides = array<i32>} : memref<2x352x64xbf16, #tpu.memory_space<vmem>>, vector<32xbf16>,
        %add3A_932 = arith.addf %add3A_924, %get3A_931 : vector<32xbf16>
        %add3A_933 = arith.constant 9 : i32
        %add3A_934 = arith.addi %mul3A_751, %add3A_933 : i32
        %get3A_935 = arith.constant 1 : i32
        %get3A_936 = arith.index_cast %get3A_935 : i32 to index
        %get3A_937 = arith.index_cast %add3A_934 : i32 to index
        %get3A_938 = arith.constant 32 : index
        %get3A_939 = tpu.vector_load %arg8[%get3A_936, %get3A_937, %get3A_938] {strides = array<i32>} : memref<2x352x64xbf16, #tpu.memory_space<vmem>>, vector<32xbf16>,
        %add3A_940 = arith.addf %add3A_932, %get3A_939 : vector<32xbf16>
        %unpack3A_941 = tpu.unpack_subelements %add3A_940, 0 {pack_format = #tpu.pack_format<interleaved>} : vector<32xbf16> -> vector<16xf32>
        %unpack3A_942 = tpu.unpack_subelements %add3A_940, 1 {pack_format = #tpu.pack_format<interleaved>} : vector<32xbf16> -> vector<16xf32>
        %mul3A_943 = arith.constant 0.0909090936 : f32
        %mul3A_944 = vector.broadcast %mul3A_943 : f32 to vector<16xf32>
        %mul3A_945 = arith.mulf %unpack3A_941, %mul3A_944 : vector<16xf32>
        %swap3A_946 = arith.constant 1 : i32
        %swap3A_947 = arith.index_cast %swap3A_946 : i32 to index
        %swap3A_948 = arith.index_cast %scan3A_748 : i32 to index
        %swap3A_949 = arith.constant 32 : index
        %swap3A_950 = tpu.vector_load %arg9[%swap3A_947, %swap3A_948, %swap3A_949] {strides = array<i32>} : memref<2x56x64xf32, #tpu.memory_space<vmem>>, vector<16xf32>,
        tpu.vector_store %arg9[%swap3A_947, %swap3A_948, %swap3A_949], %mul3A_945 {strides = array<i32>} : memref<2x56x64xf32, #tpu.memory_space<vmem>>, vector<16xf32>,
        %mul3A_951 = arith.constant 0.0909090936 : f32
        %mul3A_952 = vector.broadcast %mul3A_951 : f32 to vector<16xf32>
        %mul3A_953 = arith.mulf %unpack3A_942, %mul3A_952 : vector<16xf32>
        %swap3A_954 = arith.constant 1 : i32
        %swap3A_955 = arith.index_cast %swap3A_954 : i32 to index
        %swap3A_956 = arith.index_cast %scan3A_748 : i32 to index
        %swap3A_957 = arith.constant 48 : index
        %swap3A_958 = tpu.vector_load %arg9[%swap3A_955, %swap3A_956, %swap3A_957] {strides = array<i32>} : memref<2x56x64xf32, #tpu.memory_space<vmem>>, vector<16xf32>,
        tpu.vector_store %arg9[%swap3A_955, %swap3A_956, %swap3A_957], %mul3A_953 {strides = array<i32>} : memref<2x56x64xf32, #tpu.memory_space<vmem>>, vector<16xf32>,
        %scan3A_959 = arith.constant 0 : i32
        scf.yield %scan3A_959 : i32
      }
      %scan3A_722 = arith.constant 32 : i32
      %mul3A_723 = arith.constant 3128 : i32
      %mul3A_724 = arith.muli %arg1, %mul3A_723 : i32
      %mul3A_725 = arith.constant 32 : i32
      %mul3A_726 = arith.muli %add3A_666, %mul3A_725 : i32
      %add3A_727 = arith.addi %mul3A_724, %mul3A_726 : i32
      %min3A_728 = arith.constant 49968 : i32
      %min3A_729 = arith.minsi %add3A_727, %min3A_728 : i32
      %dma_start3A_730 = arith.constant 1 : i32
      %dma_start3A_731 = arith.constant 0 : i32
      %dma_start3A_732 = arith.constant 0 : i32
      %dma_start3A_733 = tpu.memref_slice %arg9[%dma_start3A_730, %dma_start3A_731, %dma_start3A_732] : memref<2x56x64xf32, #tpu.memory_space<vmem>> -> memref<1x56x64xf32, #tpu.memory_space<vmem>>
      %dma_start3A_734 = tpu.memref_squeeze %dma_start3A_733 : memref<1x56x64xf32, #tpu.memory_space<vmem>> -> memref<56x64xf32, #tpu.memory_space<vmem>>
      %dma_start3A_735 = arith.constant 0 : i32
      %dma_start3A_736 = arith.constant 0 : i32
      %dma_start3A_737 = tpu.memref_slice %dma_start3A_734[%dma_start3A_735, %dma_start3A_736] : memref<56x64xf32, #tpu.memory_space<vmem>> -> memref<32x64xf32, #tpu.memory_space<vmem>>
      %dma_start3A_738 = tpu.memref_slice %arg5[%min3A_729, %mul3A_0] : memref<50000x128xf32, #tpu.memory_space<hbm>> -> memref<32x64xf32, #tpu.memory_space<hbm>>
      %dma_start3A_739 = tpu.memref_slice %arg5[%min3A_729, %mul3A_0] : memref<50000x128xf32, #tpu.memory_space<hbm>> -> memref<32x64xf32, #tpu.memory_space<hbm>>
      %dma_start3A_740 = arith.constant 0 : i32
      %dma_start3A_741 = arith.constant 0 : i32
      %dma_start3A_742 = tpu.memref_slice %arg9[%dma_start3A_730, %dma_start3A_740, %dma_start3A_741] : memref<2x56x64xf32, #tpu.memory_space<vmem>> -> memref<1x56x64xf32, #tpu.memory_space<vmem>>
      %dma_start3A_743 = tpu.memref_squeeze %dma_start3A_742 : memref<1x56x64xf32, #tpu.memory_space<vmem>> -> memref<56x64xf32, #tpu.memory_space<vmem>>
      %dma_start3A_744 = arith.constant 0 : i32
      %dma_start3A_745 = arith.constant 0 : i32
      %dma_start3A_746 = tpu.memref_slice %dma_start3A_743[%dma_start3A_744, %dma_start3A_745] : memref<56x64xf32, #tpu.memory_space<vmem>> -> memref<32x64xf32, #tpu.memory_space<vmem>>
      tpu.enqueue_dma source(%dma_start3A_746 : memref<32x64xf32, #tpu.memory_space<vmem>>) target(%dma_start3A_739 : memref<32x64xf32, #tpu.memory_space<hbm>>) target_semaphore(%arg13 : memref<!tpu.dma_semaphore, #tpu.memory_space<semaphore_mem>>)
      %scan3A_747 = arith.constant 0 : i32
      scf.yield %scan3A_747 : i32
    }
    %scan3A_198 = arith.constant 17 : i32
    %mul3A_199 = arith.constant 3128 : i32
    %mul3A_200 = arith.muli %arg1, %mul3A_199 : i32
    %add3A_201 = arith.constant 3200 : i32
    %add3A_202 = arith.addi %mul3A_200, %add3A_201 : i32
    %min3A_203 = arith.constant 49968 : i32
    %min3A_204 = arith.minsi %add3A_202, %min3A_203 : i32
    %dma_wait3A_205 = arith.constant 0 : i32
    %dma_wait3A_206 = arith.constant 0 : i32
    %dma_wait3A_207 = arith.constant 0 : i32
    %dma_wait3A_208 = tpu.memref_slice %arg9[%dma_wait3A_205, %dma_wait3A_206, %dma_wait3A_207] : memref<2x56x64xf32, #tpu.memory_space<vmem>> -> memref<1x56x64xf32, #tpu.memory_space<vmem>>
    %dma_wait3A_209 = tpu.memref_squeeze %dma_wait3A_208 : memref<1x56x64xf32, #tpu.memory_space<vmem>> -> memref<56x64xf32, #tpu.memory_space<vmem>>
    %dma_wait3A_210 = arith.constant 0 : i32
    %dma_wait3A_211 = arith.constant 0 : i32
    %dma_wait3A_212 = tpu.memref_slice %dma_wait3A_209[%dma_wait3A_210, %dma_wait3A_211] : memref<56x64xf32, #tpu.memory_space<vmem>> -> memref<32x64xf32, #tpu.memory_space<vmem>>
    %dma_wait3A_213 = tpu.memref_slice %arg5[%min3A_204, %mul3A_0] : memref<50000x128xf32, #tpu.memory_space<hbm>> -> memref<32x64xf32, #tpu.memory_space<hbm>>
    %dma_wait3A_214 = tpu.memref_slice %arg5[%min3A_204, %mul3A_0] : memref<50000x128xf32, #tpu.memory_space<hbm>> -> memref<32x64xf32, #tpu.memory_space<hbm>>
    %dma_wait3A_215 = arith.constant 0 : i32
    %dma_wait3A_216 = arith.constant 0 : i32
    %dma_wait3A_217 = tpu.memref_slice %arg9[%dma_wait3A_205, %dma_wait3A_215, %dma_wait3A_216] : memref<2x56x64xf32, #tpu.memory_space<vmem>> -> memref<1x56x64xf32, #tpu.memory_space<vmem>>
    %dma_wait3A_218 = tpu.memref_squeeze %dma_wait3A_217 : memref<1x56x64xf32, #tpu.memory_space<vmem>> -> memref<56x64xf32, #tpu.memory_space<vmem>>
    %dma_wait3A_219 = arith.constant 0 : i32
    %dma_wait3A_220 = arith.constant 0 : i32
    %dma_wait3A_221 = tpu.memref_slice %dma_wait3A_218[%dma_wait3A_219, %dma_wait3A_220] : memref<56x64xf32, #tpu.memory_space<vmem>> -> memref<32x64xf32, #tpu.memory_space<vmem>>
    tpu.wait_dma2 semaphore(%arg12 : memref<!tpu.dma_semaphore, #tpu.memory_space<semaphore_mem>>) src(%dma_wait3A_221 : memref<32x64xf32, #tpu.memory_space<vmem>>) dst(%dma_wait3A_214 : memref<32x64xf32, #tpu.memory_space<hbm>>)
    %mul3A_222 = arith.constant 3128 : i32
    %mul3A_223 = arith.muli %arg1, %mul3A_222 : i32
    %add3A_224 = arith.constant 3232 : i32
    %add3A_225 = arith.addi %mul3A_223, %add3A_224 : i32
    %min3A_226 = arith.constant 49968 : i32
    %min3A_227 = arith.minsi %add3A_225, %min3A_226 : i32
    %dma_wait3A_228 = arith.constant 1 : i32
    %dma_wait3A_229 = arith.constant 0 : i32
    %dma_wait3A_230 = arith.constant 0 : i32
    %dma_wait3A_231 = tpu.memref_slice %arg9[%dma_wait3A_228, %dma_wait3A_229, %dma_wait3A_230] : memref<2x56x64xf32, #tpu.memory_space<vmem>> -> memref<1x56x64xf32, #tpu.memory_space<vmem>>
    %dma_wait3A_232 = tpu.memref_squeeze %dma_wait3A_231 : memref<1x56x64xf32, #tpu.memory_space<vmem>> -> memref<56x64xf32, #tpu.memory_space<vmem>>
    %dma_wait3A_233 = arith.constant 0 : i32
    %dma_wait3A_234 = arith.constant 0 : i32
    %dma_wait3A_235 = tpu.memref_slice %dma_wait3A_232[%dma_wait3A_233, %dma_wait3A_234] : memref<56x64xf32, #tpu.memory_space<vmem>> -> memref<32x64xf32, #tpu.memory_space<vmem>>
    %dma_wait3A_236 = tpu.memref_slice %arg5[%min3A_227, %mul3A_0] : memref<50000x128xf32, #tpu.memory_space<hbm>> -> memref<32x64xf32, #tpu.memory_space<hbm>>
    %dma_wait3A_237 = tpu.memref_slice %arg5[%min3A_227, %mul3A_0] : memref<50000x128xf32, #tpu.memory_space<hbm>> -> memref<32x64xf32, #tpu.memory_space<hbm>>
    %dma_wait3A_238 = arith.constant 0 : i32
    %dma_wait3A_239 = arith.constant 0 : i32
    %dma_wait3A_240 = tpu.memref_slice %arg9[%dma_wait3A_228, %dma_wait3A_238, %dma_wait3A_239] : memref<2x56x64xf32, #tpu.memory_space<vmem>> -> memref<1x56x64xf32, #tpu.memory_space<vmem>>
    %dma_wait3A_241 = tpu.memref_squeeze %dma_wait3A_240 : memref<1x56x64xf32, #tpu.memory_space<vmem>> -> memref<56x64xf32, #tpu.memory_space<vmem>>
    %dma_wait3A_242 = arith.constant 0 : i32
    %dma_wait3A_243 = arith.constant 0 : i32
    %dma_wait3A_244 = tpu.memref_slice %dma_wait3A_241[%dma_wait3A_242, %dma_wait3A_243] : memref<56x64xf32, #tpu.memory_space<vmem>> -> memref<32x64xf32, #tpu.memory_space<vmem>>
    tpu.wait_dma2 semaphore(%arg13 : memref<!tpu.dma_semaphore, #tpu.memory_space<semaphore_mem>>) src(%dma_wait3A_244 : memref<32x64xf32, #tpu.memory_space<vmem>>) dst(%dma_wait3A_237 : memref<32x64xf32, #tpu.memory_space<hbm>>)
    return
  }
}

</mosaic_0001>

<sc_bundles>
// kernel: kernel.3.cloned.1.call-start
scs
__scs_entry_jumppad:
0x0: {  	(pc) =	sbr.rel $0x88, $3  }
0x1: {  	(tag) =	ssettag $0x0;
	lr =	simm.s32 $0x1  }
0x2: {  	[smem:$0x3F9E] =	sst lr;
	_ =	strace $0xD0000000  }
0x3: {  	_ = 	snop  }
0x4: {  	_ = 	snop  }
0x5: {  	_ = 	snop  }
0x6: {  	_ = 	snop  }
0x7: {  	_ = 	snop  }
__scs_overlays_trampoline_lowered:
0x8: {  	[smem:$0x3FAD] =	sst s0  }
0x9: {  	[smem:$0x3FAE] =	sst s1  }
0xa: {  	[smem:$0x3FAF] =	sst s2  }
0xb: {  	[smem:$0x3FB0] =	sst s3  }
0xc: {  	[smem:$0x3FB1] =	sst s4  }
0xd: {  	[smem:$0x3FB2] =	sst s5  }
0xe: {  	[smem:$0x3FB3] =	sst s6  }
0xf: {  	[smem:$0x3FB4] =	sst s7  }
0x10: {  	[smem:$0x3FB5] =	sst s8  }
0x11: {  	[smem:$0x3FB6] =	sst s9;
	s0 =	simm.s32 @!p0 $0x0  }
0x12: {  	s1 =	sld [smem:$0x3F9C];
	s0 =	simm.s32 @p0 $0x1  }
0x13: {  	[smem:$0x3FB7] =	sst s0;
	s0 =	simm.s32 @!p1 $0x0  }
0x14: {  	s2 =	sld [smem:$0x3F9B];
	s0 =	simm.s32 @p1 $0x1  }
0x15: {  	[smem:$0x3FB8] =	sst s0;
	s0 =	simm.s32 @!p2 $0x0  }
0x16: {  	s3 =	sld [smem:$0x3FDB];
	s0 =	simm.s32 @p2 $0x1  }
0x17: {  	s4 =	simm.s32 $0x1BF5;
	[smem:$0x3FBA] =	sst s0  }
0x18: {  	s0 =	sld [smem:$0x3F9D];
	_ =	swait.ge [sflag:s4], $0x0  }
0x19: {  	s7 =	sld [smem:$0x3F9E]  }
0x1a: {  	s8 =	sadd.s32 $0xFFFFE003, lr  }
0x1b: {  	s9 =	sadd.s32 $0xFFFFFEF7, lr;
	s5 =	simm.s32 $0xFFFFFFFF;
	p2 =	slt.u32 s8, $0xFFFFF086  }
0x1c: {  	p1 =	slt.u32 s9, $0xF7A;
	s5 =	simm.s32 @!p2 $0x0  }
0x1d: {  	s5 =	simm.s32 @p1 $0x1;
	p0 =	seq.s32 s7, s2  }
0x1e: {  	s7 =	smul.u32 @!p0 $0xF7A, s2;
	p2 =	seq.s32 @!p0 s5, $0x0  }
0x1f: {  	s9 =	smul.u32 $0xF7A, s1;
	s8 =	simm.s32 @!p0 $0x1BF5;
	p2 =	por !p2, p0  }
0x20: {  	[sflag:s8] =	ssyncset.s32 @!p0 $0xFFFFF086;
	s6 =	sadd.s32 @!p0 s3, s7;
	s7 =	simm.s32 @!p0 $0x108  }
0x21: {  	s3 =	sadd.s32 s3, s9;
	s6 =	sadd.s32 @!p0 $0x88, s6;
	s7 =	simm.s32 @p2 $0x1082  }
0x22: {  	[simem:s7], [sflag:s8] =	dma.local @!p0 [hbm:s6], $0xF7A  }
0x23: {  	s9 =	sor.u32 $0xD0000000, s2;
	s6 =	simm.s32 $0x108;
	_ =	swait.ge @!p0 [sflag:s8], $0x0  }
0x24: {  	s3 =	sadd.s32 $0x88, s3;
	s6 =	simm.s32 @!p1 $0x1082;
	[sflag:s4] =	ssyncset.s32 $0xFFFFF086  }
0x25: {  	[simem:s6], [sflag:s4] =	dma.local [hbm:s3], $0xF7A  }
0x26: {  	[smem:$0x3F9E] =	sst s1;
	(tag) =	ssettag s2;
	_ =	strace s9  }
0x27: {  	s1 =	sld [smem:$0x3FAE]  }
0x28: {  	s2 =	sld [smem:$0x3FAF]  }
0x29: {  	s4 =	sld [smem:$0x3FB1]  }
0x2a: {  	p0 =	seq.s32 s5, $0x0;
	s5 =	sld [smem:$0x3FB2]  }
0x2b: {  	s6 =	sld [smem:$0x3FB3]  }
0x2c: {  	s7 =	sld [smem:$0x3FB4]  }
0x2d: {  	s3 =	simm.s32 $0x108;
	s8 =	sld [smem:$0x3FB5]  }
0x2e: {  	s3 =	simm.s32 @!p0 $0x1082;
	s9 =	sld [smem:$0x3FB6]  }
0x2f: {  	lr =	sadd.s32 s0, s3;
	s0 =	sld [smem:$0x3FAD]  }
0x30: {  	s3 =	sld [smem:$0x3FB0]  }
0x31: {  	[smem:$0x3FB9] =	sst s10  }
0x32: {  	s10 =	sld [smem:$0x3FB7];
	_ =	sdelay $0x3  }
0x33: {  	p0 =	seq.s32 s10, $0x1;
	s10 =	sld [smem:$0x3FB9];
	_ =	sdelay $0x3  }
0x34: {  	[smem:$0x3FB9] =	sst s10  }
0x35: {  	s10 =	sld [smem:$0x3FB8];
	_ =	sdelay $0x3  }
0x36: {  	p1 =	seq.s32 s10, $0x1;
	s10 =	sld [smem:$0x3FB9];
	_ =	sdelay $0x3  }
0x37: {  	[smem:$0x3FB9] =	sst s10  }
0x38: {  	s10 =	sld [smem:$0x3FBA]  }
0x39: {  	_ = 	snop;
	(pc) =	sbr.ind lr, $3  }
0x3a: {  	_ = 	snop  }
0x3b: {  	_ = 	snop  }
0x3c: {  	p2 =	seq.s32 s10, $0x1;
	s10 =	sld [smem:$0x3FB9]  }
0x3d: {  	_ =	shalt  }
0x3e: {  	_ =	shalt  }
0x3f: {  	_ =	shalt  }
0x40: {  	_ =	shalt  }
0x41: {  	_ =	shalt  }
0x42: {  	_ =	shalt  }
0x43: {  	_ =	shalt  }
0x44: {  	_ =	shalt  }
0x45: {  	_ =	shalt  }
0x46: {  	_ =	shalt  }
0x47: {  	_ =	shalt  }
0x48: {  	_ =	shalt  }
0x49: {  	_ =	shalt  }
0x4a: {  	_ =	shalt  }
0x4b: {  	_ =	shalt  }
0x4c: {  	_ =	shalt  }
0x4d: {  	_ =	shalt  }
0x4e: {  	_ =	shalt  }
0x4f: {  	_ =	shalt  }
0x50: {  	_ =	shalt  }
0x51: {  	_ =	shalt  }
0x52: {  	_ =	shalt  }
0x53: {  	_ =	shalt  }
0x54: {  	_ =	shalt  }
0x55: {  	_ =	shalt  }
0x56: {  	_ =	shalt  }
0x57: {  	_ =	shalt  }
0x58: {  	_ =	shalt  }
0x59: {  	_ =	shalt  }
0x5a: {  	_ =	shalt  }
0x5b: {  	_ =	shalt  }
0x5c: {  	_ =	shalt  }
0x5d: {  	_ =	shalt  }
0x5e: {  	_ =	shalt  }
0x5f: {  	_ =	shalt  }
0x60: {  	_ =	shalt  }
0x61: {  	_ =	shalt  }
0x62: {  	_ =	shalt  }
0x63: {  	_ =	shalt  }
0x64: {  	_ =	shalt  }
0x65: {  	_ =	shalt  }
0x66: {  	_ =	shalt  }
0x67: {  	_ =	shalt  }
0x68: {  	_ =	shalt  }
0x69: {  	_ =	shalt  }
0x6a: {  	_ =	shalt  }
0x6b: {  	_ =	shalt  }
0x6c: {  	_ =	shalt  }
0x6d: {  	_ =	shalt  }
0x6e: {  	_ =	shalt  }
0x6f: {  	_ =	shalt  }
0x70: {  	_ =	shalt  }
0x71: {  	_ =	shalt  }
0x72: {  	_ =	shalt  }
0x73: {  	_ =	shalt  }
0x74: {  	_ =	shalt  }
0x75: {  	_ =	shalt  }
0x76: {  	_ =	shalt  }
0x77: {  	_ =	shalt  }
0x78: {  	_ =	shalt  }
0x79: {  	_ =	shalt  }
0x7a: {  	_ =	shalt  }
0x7b: {  	_ =	shalt  }
0x7c: {  	_ =	shalt  }
0x7d: {  	_ =	shalt  }
0x7e: {  	_ =	shalt  }
0x7f: {  	_ =	shalt  }
0x80: {  	_ =	shalt  }
0x81: {  	_ =	shalt  }
0x82: {  	_ =	shalt  }
0x83: {  	_ =	shalt  }
0x84: {  	_ =	shalt  }
0x85: {  	_ =	shalt  }
0x86: {  	_ =	shalt  }
0x87: {  	_ =	shalt  }
.Lfunc_end0:
.L_simem_size_0:
called_computation_lowered:
.L_overlay_start_0:
0x88: {  	s2 =	sld [smem:$0x3FD9]  }
0x89: {  	s3 =	sld [smem:$0x3FFE];
	_ =	sdelay $0x1  }
0x8a: {  	s1 =	srdreg.scid  }
0x8b: {  	s0 =	sand.u32 $0x1, s1  }
0x8c: {  	s17 =	sshll.u32 s0, $0xA;
	s2 =	sadd.s32 s3, s2  }
0x8d: {  	s2 =	sadd.s32 s2, s17  }
0x8e: {  	[smem:$0x3FC5] =	sst s2  }
0x8f: {  	_ = 	snop  }
0x90: {  	s2 =	sld [smem:$0x3FC9]  }
0x91: {  	s18 =	sld [smem:$0x3FC7]  }
0x92: {  	s4 =	sld [smem:$0x3FD0];
	(tm) =	ssettm $0x1  }
0x93: {  	s5 =	sld [smem:$0x3FFB];
	_ =	sdelay $0x3  }
0x94: {  	_ =	strace s5  }
0x95: {  	s5 =	sld [smem:$0x3FFC];
	_ =	sdelay $0x3  }
0x96: {  	_ =	strace s5  }
0x97: {  	s5 =	sld [smem:$0x3FFD];
	_ =	sdelay $0x3  }
0x98: {  	_ =	strace s5  }
0x99: {  	_ =	strace $0x8FFFFFFF  }
0x9a: {  	s19 =	sld [smem:$0x3FDB];
	_ =	sdelay $0x1  }
0x9b: {  	s6 =	simm.s32 $_scs_section_size  }
0x9c: {  	s7 =	simm.s32 $_size__tile_overlayer_lowered;
	s8 =	simm.s32 $_tile_overlayer_lowered  }
0x9d: {  	s22 =	simm.s32 $0x1BFF;
	s21 =	sshll.u32 s8, $0x1;
	s5 =	sadd.s32 s6, s19  }
0x9e: {  	s9 =	simm.s32 $0x0;
	s20 =	sshll.u32 s7, $0x1;
	s7 =	sadd.s32 s21, s5  }
0x9f: {  	[timem:s9], [sflag:s22] =	dma.local [hbm:s7], s20  }
0xa0: {  	_ =	swait.ge [sflag:s22], s20  }
0xa1: {  	s6 =	ssub.s32 $0x0, s20;
	[sflag:s22] =	ssyncset.done $0x0  }
0xa2: {  	[sflag:s22] =	ssyncadd.s32 s6;
	_ =	sdelay $0x1  }
0xa3: {  	s23 =	simm.s32 $0x1B8B  }
0xa4: {  	_ =	swait.ge [sflag:s23], $0x1  }
0xa5: {  	[sflag:s23] =	ssyncset.done $0x0  }
0xa6: {  	s25 =	simm.s32 $0x1B8E;
	s24 =	sld [smem:$0x3FFE];
	[sflag:s23] =	ssyncadd.s32 $0xFFFFFFFF  }
0xa7: {  	s26 =	simm.s32 $execute0_lowered;
	[smem:$0x3FD2] =	sst s25  }
0xa8: {  	s7 =	sshll.u32 s26, $0x1;
	_ =	strace $0x80000046;
	[dreg:$0x1] =	wrdreg $0xFFFFFFFF  }
0xa9: {  	s28 =	simm.s32 $_size_execute0_lowered;
	s5 =	sadd.s32 s5, s7;
	[dreg:$0x0] =	wrdreg $0x0  }
0xaa: {  	s7 =	sshll.u32 s28, $0x1;
	[dreg:$0x2] =	wrdreg s5  }
0xab: {  	[dreg:$0x3] =	wrdreg s7  }
0xac: {  	[dreg:$0x4] =	wrdreg $0xC0  }
0xad: {  	_ =	task [dreg:s9], $0x5FFFF  }
0xae: {  	[dreg:$0x1] =	wrdreg $0xFFFFFFFF  }
0xaf: {  	[dreg:$0x0] =	wrdreg $0x60  }
0xb0: {  	[dreg:$0x2] =	wrdreg s2  }
0xb1: {  	[dreg:$0x3] =	wrdreg s24  }
0xb2: {  	[dreg:$0x4] =	wrdreg s18  }
0xb3: {  	[dreg:$0x5] =	wrdreg s4  }
0xb4: {  	[dreg:$0x6] =	wrdreg $0x0  }
0xb5: {  	[dreg:$0x7] =	wrdreg $0x9  }
0xb6: {  	_ =	task.clear_ibuf [dreg:s9], $0x8FFFF;
	_ =	strace $0x90000046  }
0xb7: {  	s29 =	simm.s32 $0x9;
	_ =	strace $0x80000048  }
0xb8: {  	_ =	swait.ge [sflag:s29], $0x1  }
0xb9: {  	[sflag:s29] =	ssyncadd.s32 $0xFFFFFFFF  }
0xba: {  	_ =	strace $0x90000048  }
0xbb: {  	_ =	sfence  }
0xbc: {  	s30 =	sld [smem:$0x0];
	_ =	sdelay $0x2  }
0xbd: {  	s31 =	sshll.u32 s1, $0xD;
	s1 =	sshrl.u32 s1, $0x2  }
0xbe: {  	s3 =	sand.u32 $0x4000, s31;
	s1 =	sadd.s32 s1, s30  }
0xbf: {  	s0 =	sor.u32 s3, s0;
	s1 =	sshll.u32 s1, $0x11  }
0xc0: {  	s0 =	sor.u32 s1, s0  }
0xc1: {  	s0 =	sadd.s32 $0x8F2B, s0  }
0xc2: {  	[sflag:s0] =	ssyncadd.remote.s32 $0x1  }
0xc3: {  	_ =	sfence.sel $0xFFFF  }
0xc4: {  	[dreg:$0x0] =	wrdreg $0xFFFFFFFF;
	(pc) =	sbr.abs _section_cstart, $3  }
0xc5: {  	[dreg:$0x1] =	wrdreg $0xFFFFFFFF  }
0xc6: {  	_ =	task.clear_ibuf [dreg:s9], $0x2FFFF;
	_ =	strace $0x9FFFFFFF  }
0xc7: {  	(tm) =	ssettm $0x7FFFFFFF  }
tec
execute0_lowered:
.L_overlay_start_1:
0x0: {  	(tag) =	ssettag $0x1  }
0x1: {  	s1 =	rddreg [dreg:$0x0]  }
0x2: {  	s0 =	rddreg [dreg:$0x1]  }
0x3: {  	s6 =	rddreg [dreg:$0x2]  }
0x4: {  	s3 =	rddreg [dreg:$0x3]  }
0x5: {  	s4 =	rddreg [dreg:$0x4];
	s10 =	stileid.u32  }
0x6: {  	s30 =	simm.s32 $0x0;
	s2 =	srdreg.scid;
	s12 =	smul.u32 $0xC35, s10  }
0x7: {  	s28 =	simm.s32 $0x40;
	s29 =	simm.s32 $0x80;
	s5 =	smul.u32 $0x61A80, s10  }
0x8: {  	s31 =	simm.s32 $0x1F0C0;
	[smem:$0x7FF] =	sst s30;
	s13 =	smul.u32 $0xC38, s10  }
0x9: {  	s2 =	sand.u32 $0x1, s2;
	s8 =	sadd.s32 $0x400, s0;
	s10 =	smul.u32 $0xF46, s10  }
0xa: {  	_ =	strace $0x80000047;
	s26 =	ssub.s32 $0x2, s2;
	[dreg:$0x6] =	wrdreg s12  }
0xb: {  	s9 =	sshll.u32 s2, $0x6;
	s15 =	sadd.s32 $0x38, s12;
	[dreg:$0x7] =	wrdreg s13  }
0xc: {  	s7 =	sshrl.u32 s26, $0x1;
	s17 =	sadd.s32 $0x70, s12;
	[dreg:$0xa] =	wrdreg s15  }
0xd: {  	s2 =	sor.u32 s9, s5;
	s5 =	sadd.s32 s8, s10;
	[dreg:$0xb] =	wrdreg s17  }
0xe: {  	s11 =	sadd.s32 $0xBFD, s12;
	s14 =	sadd.s32 $0x20, s13;
	[dreg:$0xc] =	wrdreg s5  }
0xf: {  	s18 =	sshrl.u32 s13, $0x3;
	s21 =	sadd.s32 $0x40, s13;
	[dreg:$0x8] =	wrdreg s14  }
0x10: {  	s22 =	sadd.s32 $0x60, s13;
	s23 =	sadd.s32 $0x80, s13;
	[dreg:$0x10] =	wrdreg s21  }
0x11: {  	s24 =	sadd.s32 $0xA0, s13;
	s25 =	sadd.s32 $0xC0, s13;
	[dreg:$0x11] =	wrdreg s22  }
0x12: {  	s0 =	ssub.s32 s26, s7;
	s2 =	sshrl.u32 s2, $0x3;
	[dreg:$0x12] =	wrdreg s23  }
0x13: {  	s16 =	smul.u32 $0xA, s14;
	s5 =	sadd.s32 s1, s18;
	[dreg:$0x13] =	wrdreg s24  }
0x14: {  	s19 =	sshrl.u32 s14, $0x3;
	[dreg:$0x14] =	wrdreg s25;
	s26 =	sadd.s32 $0xE0, s13  }
0x15: {  	s13 =	simm.s32 $0x2;
	s17 =	simm.s32 $0x1B6C0;
	s18 =	simm.s32 $0x3  }
0x16: {  	s15 =	simm.s32 $0x5;
	s7 =	simm.s32 $0x20;
	[dreg:$0xd] =	wrdreg s5  }
0x17: {  	s21 =	simm.s32 $0x18AA0;
	s2 =	sadd.s32 s6, s2;
	[dreg:$0x16] =	wrdreg s26  }
0x18: {  	s22 =	simm.s32 $0x6;
	s20 =	sadd.s32 s1, s19;
	[dreg:$0x9] =	wrdreg s2  }
0x19: {  	s24 =	simm.s32 $0x7;
	s0 =	smax.u32 s0, $0x1;
	[dreg:$0xf] =	wrdreg s20  }
0x1a: {  	s6 =	simm.s32 $0x0;
	s2 =	sshrl.u32 s16, $0x3;
	[dreg:$0x15] =	wrdreg s0  }
0x1b: {  	s0 =	simm.s32 $0x1;
	s16 =	simm.s32 $0x4;
	s2 =	sadd.s32 s8, s2  }
0x1c: {  	s20 =	simm.s32 $0x18960;
	[dreg:$0xe] =	wrdreg s2;
	s2 =	simm.s32 $0x140  }
.LBB2_1:
0x1d: {  	s5 =	rddreg [dreg:$0x9];
	s26 =	simm.s32 $0x1E2C0  }
0x1e: {  	[tilespmem:s26], [sflag:$0x1] =	stream.strided.gather [hbm4b:s5+s28], $0xE00, s29, s28, $0x38;
	[tilespmem:$0x1FEC0] =	vst v63  }
0x1f: {  	[dreg:$0x17] =	wrdreg s6;
	s5 =	simm.s32 $0x0  }
.LBB2_2:
0x20: {  	s12 =	smul.u32 $0x70, s5  }
0x21: {  	s6 =	rddreg [dreg:$0xa]  }
0x22: {  	s10 =	sadd.s32 s12, s6  }
0x23: {  	s14 =	smov.u32 s11;
	p0 =	slt.s32 s10, s11  }
0x24: {  	s14 =	smov.u32 @p0 s10  }
0x25: {  	s10 =	sshll.u32 s14, $0x7  }
0x26: {  	s14 =	sor.u32 s9, s10  }
0x27: {  	s25 =	rddreg [dreg:$0x2];
	s14 =	sshrl.u32 s14, $0x3  }
0x28: {  	s14 =	sadd.s32 s25, s14  }
0x29: {  	[tilespmem:s31], [sflag:$0x2] =	stream.strided.gather [hbm4b:s14+s28], $0xE00, s29, s28, $0x38;
	[tilespmem:$0x1FEC0] =	vst v63  }
0x2a: {  	_ =	swait.ge [sflag:s0], $0xE00  }
0x2b: {  	p0 =	seq.s32 s5, $0x0;
	[sflag:s0] =	ssyncset.done $0x0  }
0x2c: {  	s14 =	simm.s32 @!p0 $0x3;
	[sflag:s0] =	ssyncadd.s32 $0xFFFFF200  }
0x2d: {  	_ =	swait.ge @!p0 [sflag:s14], $0x700  }
0x2e: {  	[sflag:s14] =	ssyncset.done @!p0 $0x0  }
0x2f: {  	[sflag:s14] =	ssyncadd.s32 @!p0 $0xFFFFF900;
	s14 =	simm.s32 $0x1E2E0  }
0x30: {  	v0 =	vld [tilespmem:s14+$0xFFFFFFE0]  }
0x31: {  	v1 =	vld [tilespmem:s14+$0xFFFFFFF0];
	_ =	sdelay $0x4  }
0x32: {  	s25 =	simm.s32 $0x10;
	v0 =	vpack.i.f32.bf16 v1, v0  }
0x33: {  	[tilespmem:s25+$0x18AB0] =	vst v0  }
0x34: {  	s26 =	rddreg [dreg:$0x6];
	v0 =	vld [tilespmem:s14+$0x0]  }
0x35: {  	s23 =	simm.s32 $0xC0;
	s19 =	sadd.s32 s26, s12;
	v1 =	vld [tilespmem:s14+$0x10]  }
.LBB2_3:
0x36: {  	_ =	sdelay $0x2  }
0x37: {  	p1 =	sne.s32 s23, $0x1BC0  }
0x38: {  	s14 =	sadd.s32 $0x40, s14;
	s26 =	smov.u32 s23;
	s23 =	sadd.s32 $0x80, s23;
	v0 =	vpack.i.f32.bf16 v1, v0  }
0x39: {  	[tilespmem:s25+$0x18AC0] =	vst v0  }
0x3a: {  	v0 =	vld [tilespmem:s14+$0xFFFFFFE0]  }
0x3b: {  	v1 =	vld [tilespmem:s14+$0xFFFFFFF0];
	_ =	sdelay $0x3  }
.Ltmp0:
0x3c: {  	(pc) =	sbr.rel @p1 .LBB2_3-.Ltmp0, $4  }
0x3d: {  	s25 =	sshra.s32 s26, $0x2;
	v0 =	vpack.i.f32.bf16 v1, v0  }
0x3e: {  	[tilespmem:s25+$0x18AB0] =	vst v0  }
0x3f: {  	v0 =	vld [tilespmem:s14+$0x0]  }
0x40: {  	v1 =	vld [tilespmem:s14+$0x10]  }
0x41: {  	_ = 	snop  }
0x42: {  	p1 =	sne.s32 s5, $0x1B  }
.Ltmp1:
0x43: {  	_ = 	snop;
	(pc) =	sbr.rel @p1 .LBB2_6-.Ltmp1, $4  }
0x44: {  	s14 =	sshll.u32 s19, $0x5  }
0x45: {  	s14 =	sand.u32 $0x3FFFFFE0, s14;
	v0 =	vpack.i.f32.bf16 v1, v0  }
0x46: {  	s6 =	simm.s32 $0x18AC0;
	s14 =	sadd.s32 s14, s4;
	[tilespmem:s25+$0x18AC0] =	vst v0  }
0x47: {  	[spmem:s14] =	stream.linear.scatter [tilespmem:s6], [sflag:$0x3], $0x700, $0x38;
	[tilespmem:$0x1FEC0] =	vst v63  }
.Ltmp2:
0x48: {  	(pc) =	sbr.rel .LBB2_7-.Ltmp2, $4  }
0x49: {  	_ = 	snop  }
0x4a: {  	_ =	swait.ge [sflag:s13], $0xE00  }
0x4b: {  	[sflag:s13] =	ssyncset.done $0x0  }
0x4c: {  	[sflag:s13] =	ssyncadd.s32 $0xFFFFF200  }
.LBB2_6:
0x4d: {  	s6 =	rddreg [dreg:$0xb]  }
0x4e: {  	s12 =	sadd.s32 s12, s6  }
0x4f: {  	s14 =	smov.u32 s11;
	p1 =	slt.s32 s12, s11  }
0x50: {  	s14 =	smov.u32 @p1 s12  }
0x51: {  	s12 =	sshll.u32 s14, $0x7  }
0x52: {  	s12 =	sor.u32 s9, s12  }
0x53: {  	s25 =	rddreg [dreg:$0x2];
	s12 =	sshrl.u32 s12, $0x3  }
.Ltmp3:
0x54: {  	s26 =	simm.s32 $0x1E2C0;
	s12 =	sadd.s32 s25, s12;
	(pc) =	sbr.rel @p0 .LBB2_8-.Ltmp3, $4  }
0x55: {  	[tilespmem:s26], [sflag:$0x1] =	stream.strided.gather [hbm4b:s12+s28], $0xE00, s29, s28, $0x38;
	[tilespmem:$0x1FEC0] =	vst v63  }
0x56: {  	_ =	swait.ge [sflag:s13], $0xE00  }
0x57: {  	[sflag:s13] =	ssyncset.done $0x0  }
0x58: {  	[sflag:s13] =	ssyncadd.s32 $0xFFFFF200  }
.LBB2_7:
0x59: {  	_ =	swait.ge [sflag:s16], $0x700  }
0x5a: {  	[sflag:s16] =	ssyncset.done $0x0  }
0x5b: {  	[sflag:s16] =	ssyncadd.s32 $0xFFFFF900  }
.LBB2_8:
0x5c: {  	s12 =	simm.s32 $0x1F0F0  }
0x5d: {  	v0 =	vld [tilespmem:s12+$0xFFFFFFD0]  }
0x5e: {  	v1 =	vld [tilespmem:s12+$0xFFFFFFE0];
	_ =	sdelay $0x4  }
0x5f: {  	s19 =	simm.s32 $0x0;
	v0 =	vpack.i.f32.bf16 v1, v0  }
0x60: {  	[tilespmem:s19+$0x1B6C0] =	vst v0  }
0x61: {  	v0 =	vld [tilespmem:s12+$0xFFFFFFF0]  }
0x62: {  	s14 =	simm.s32 $0x80;
	v1 =	vld [tilespmem:s12+$0x0]  }
.LBB2_9:
0x63: {  	_ =	sdelay $0x2  }
0x64: {  	p0 =	sne.s32 s14, $0x1B80  }
0x65: {  	s12 =	sadd.s32 $0x40, s12;
	s23 =	smov.u32 s14;
	s14 =	sadd.s32 $0x80, s14;
	v0 =	vpack.i.f32.bf16 v1, v0  }
0x66: {  	[tilespmem:s19+$0x1B6D0] =	vst v0  }
0x67: {  	v0 =	vld [tilespmem:s12+$0xFFFFFFD0]  }
0x68: {  	v1 =	vld [tilespmem:s12+$0xFFFFFFE0];
	_ =	sdelay $0x3  }
.Ltmp4:
0x69: {  	(pc) =	sbr.rel @p0 .LBB2_9-.Ltmp4, $4  }
0x6a: {  	s19 =	sshra.s32 s23, $0x2;
	v0 =	vpack.i.f32.bf16 v1, v0  }
0x6b: {  	[tilespmem:s19+$0x1B6C0] =	vst v0  }
0x6c: {  	v0 =	vld [tilespmem:s12+$0xFFFFFFF0]  }
0x6d: {  	v1 =	vld [tilespmem:s12+$0x0]  }
0x6e: {  	s5 =	sadd.s32 $0x1, s5  }
0x6f: {  	p0 =	sne.s32 s5, $0x1C  }
.Ltmp5:
0x70: {  	_ = 	snop;
	(pc) =	sbr.rel @p0 .LBB2_2-.Ltmp5, $4  }
0x71: {  	_ = 	snop  }
0x72: {  	s10 =	sshrl.u32 s10, $0x2;
	v0 =	vpack.i.f32.bf16 v1, v0  }
0x73: {  	s10 =	sadd.s32 s10, s4;
	[tilespmem:s19+$0x1B6D0] =	vst v0  }
0x74: {  	[spmem:s10] =	stream.linear.scatter [tilespmem:s17], [sflag:$0x4], $0x700, $0x38;
	[tilespmem:$0x1FEC0] =	vst v63  }
0x75: {  	_ =	swait.ge [sflag:s18], $0x700  }
0x76: {  	[sflag:s18] =	ssyncset.done $0x0  }
0x77: {  	[sflag:s18] =	ssyncadd.s32 $0xFFFFF900  }
0x78: {  	_ =	swait.ge [sflag:s16], $0x700  }
0x79: {  	[sflag:s16] =	ssyncset.done $0x0  }
0x7a: {  	[sflag:s16] =	ssyncadd.s32 $0xFFFFF900  }
0x7b: {  	[bflag:$0x0] =	sbarrier.arrive $0xFFFF  }
0x7c: {  	s26 =	simm.s32 $0x0;
	s6 =	simm.s32 $0x186A0;
	s5 =	rddreg [dreg:$0xc]  }
0x7d: {  	[tilespmem:s6], [sflag:$0x5] =	stream.linear.gather [hbm4b:s5+s26], $0x140, $0x38;
	[tilespmem:$0x1FEC0] =	vst v63  }
0x7e: {  	s10 =	simm.s32 $0x187E0;
	s23 =	rddreg [dreg:$0xd]  }
0x7f: {  	[tilespmem:s10], [sflag:$0x5] =	stream.linear.gather [hbm4b:s23+s26], $0x20, $0x38;
	[tilespmem:$0x1FEC0] =	vst v63  }
0x80: {  	_ =	swait.ge [sflag:s15], $0x140  }
0x81: {  	[sflag:s15] =	ssyncset.done $0x0  }
0x82: {  	[sflag:s15] =	ssyncadd.s32 $0xFFFFFEC0  }
0x83: {  	_ =	swait.ge [sflag:s15], $0x20  }
0x84: {  	[sflag:s15] =	ssyncset.done $0x0  }
0x85: {  	s25 =	simm.s32 $0x18AC0;
	[sflag:s15] =	ssyncadd.s32 $0xFFFFFFE0  }
0x86: {  	[tilespmem:s25], [sflag:$0x1] =	stream.indirect.gather [spmem:s4], $0x20, s6, s2, $0xb8;
	[tilespmem:$0x1FEC0] =	vst v63  }
0x87: {  	s12 =	simm.s32 $0x1B2C0  }
0x88: {  	[tilespmem:s12], [sflag:$0x1] =	stream.indirect.gather [spmem:s4], $0x20, s10, s7, $0xb8;
	[tilespmem:$0x1FEC0] =	vst v63  }
0x89: {  	s19 =	simm.s32 $0x18800;
	s14 =	rddreg [dreg:$0xe]  }
0x8a: {  	[tilespmem:s19], [sflag:$0x6] =	stream.linear.gather [hbm4b:s14+s26], $0x140, $0x38;
	[tilespmem:$0x1FEC0] =	vst v63  }
0x8b: {  	s23 =	rddreg [dreg:$0xf];
	s25 =	simm.s32 $0x18940  }
0x8c: {  	[tilespmem:s25], [sflag:$0x6] =	stream.linear.gather [hbm4b:s23+s26], $0x20, $0x38;
	[tilespmem:$0x1FEC0] =	vst v63  }
.LBB2_12:
0x8d: {  	s14 =	smul.u32 $0xC0, s26  }
0x8e: {  	s5 =	rddreg [dreg:$0x10]  }
0x8f: {  	s19 =	sadd.s32 s14, s5  }
0x90: {  	p0 =	slt.s32 s19, $0xC330  }
0x91: {  	s19 =	simm.s32 @!p0 $0xC330  }
0x92: {  	s10 =	smul.u32 $0xA, s19;
	_ =	sdelay $0x1  }
0x93: {  	s5 =	sshrl.u32 s10, $0x3  }
0x94: {  	s12 =	sshrl.u32 s19, $0x3;
	s5 =	sadd.s32 s8, s5  }
0x95: {  	[tilespmem:s20], [sflag:$0x7] =	stream.linear.gather [hbm4b:s5+s30], $0x140, $0x38;
	[tilespmem:$0x1FEC0] =	vst v63  }
0x96: {  	s5 =	sadd.s32 s1, s12  }
0x97: {  	[tilespmem:s21], [sflag:$0x7] =	stream.linear.gather [hbm4b:s5+s30], $0x20, $0x38;
	[tilespmem:$0x1FEC0] =	vst v63  }
0x98: {  	_ =	swait.ge [sflag:s22], $0x140  }
0x99: {  	[sflag:s22] =	ssyncset.done $0x0  }
0x9a: {  	[sflag:s22] =	ssyncadd.s32 $0xFFFFFEC0  }
0x9b: {  	_ =	swait.ge [sflag:s22], $0x20  }
0x9c: {  	[sflag:s22] =	ssyncset.done $0x0  }
0x9d: {  	s23 =	simm.s32 $0x18800;
	[sflag:s22] =	ssyncadd.s32 $0xFFFFFFE0  }
0x9e: {  	[tilespmem:s17], [sflag:$0x2] =	stream.indirect.gather [spmem:s4], $0x20, s23, s2, $0xb8;
	[tilespmem:$0x1FEC0] =	vst v63  }
0x9f: {  	s25 =	simm.s32 $0x18940;
	s6 =	simm.s32 $0x1DEC0  }
0xa0: {  	[tilespmem:s6], [sflag:$0x2] =	stream.indirect.gather [spmem:s4], $0x20, s25, s7, $0xb8;
	[tilespmem:$0x1FEC0] =	vst v63  }
0xa1: {  	_ =	swait.ge [sflag:s0], $0x2800  }
0xa2: {  	[sflag:s0] =	ssyncset.done $0x0  }
0xa3: {  	[sflag:s0] =	ssyncadd.s32 $0xFFFFD800  }
0xa4: {  	_ =	swait.ge [sflag:s0], $0x400  }
0xa5: {  	p0 =	seq.s32 s26, $0x0;
	[sflag:s0] =	ssyncset.done $0x0  }
0xa6: {  	s5 =	simm.s32 @!p0 $0x3;
	[sflag:s0] =	ssyncadd.s32 $0xFFFFFC00  }
0xa7: {  	_ =	swait.ge @!p0 [sflag:s5], $0x800  }
0xa8: {  	[sflag:s5] =	ssyncset.done @!p0 $0x0  }
0xa9: {  	s23 =	simm.s32 $0x18B60;
	[sflag:s5] =	ssyncadd.s32 @!p0 $0xFFFFF800  }
0xaa: {  	s10 =	simm.s32 $0x0;
	v0 =	vld [tilespmem:s23+$0xFFFFFF60]  }
0xab: {  	v1 =	vld [tilespmem:s10+$0x1B2C0];
	_ =	sdelay $0x1  }
0xac: {  	v2 =	vld [tilespmem:s23+$0xFFFFFF80];
	_ =	sdelay $0x1  }
0xad: {  	v3 =	vld [tilespmem:s23+$0xFFFFFFA0]  }
0xae: {  	v0 =	vadd.bf16 v0, v1  }
0xaf: {  	v1 =	vld [tilespmem:s23+$0xFFFFFFC0]  }
0xb0: {  	v0 =	vadd.bf16 v2, v0  }
0xb1: {  	v2 =	vld [tilespmem:s23+$0xFFFFFFE0]  }
0xb2: {  	v0 =	vadd.bf16 v3, v0  }
0xb3: {  	v3 =	vld [tilespmem:s23+$0x0]  }
0xb4: {  	v0 =	vadd.bf16 v1, v0  }
0xb5: {  	v1 =	vld [tilespmem:s23+$0x20]  }
0xb6: {  	v0 =	vadd.bf16 v2, v0  }
0xb7: {  	v2 =	vld [tilespmem:s23+$0x40]  }
0xb8: {  	v0 =	vadd.bf16 v3, v0  }
0xb9: {  	v3 =	vld [tilespmem:s23+$0x60]  }
0xba: {  	v0 =	vadd.bf16 v1, v0  }
0xbb: {  	v1 =	vld [tilespmem:s23+$0x80]  }
0xbc: {  	v0 =	vadd.bf16 v2, v0;
	_ =	sdelay $0x1  }
0xbd: {  	v0 =	vadd.bf16 v3, v0;
	_ =	sdelay $0x1  }
0xbe: {  	v0 =	vadd.bf16 v1, v0;
	_ =	sdelay $0x1  }
0xbf: {  	v1 =	vunpack.i.l.bf16.f32 v0  }
0xc0: {  	v0 =	vunpack.i.u.bf16.f32 v0;
	v1 =	vmul.f32 $9.090909360e-02, v1  }
0xc1: {  	s5 =	simm.s32 $0x1E2E0;
	v0 =	vmul.f32 $9.090909360e-02, v0  }
0xc2: {  	[tilespmem:s5+$0xFFFFFFE0] =	vst v1  }
0xc3: {  	[tilespmem:s5+$0xFFFFFFF0] =	vst v0  }
0xc4: {  	v0 =	vld [tilespmem:s10+$0x1B2D0]  }
0xc5: {  	v1 =	vld [tilespmem:s23+$0xFFFFFF70];
	_ =	sdelay $0x1  }
0xc6: {  	v2 =	vld [tilespmem:s23+$0xFFFFFF90];
	_ =	sdelay $0x1  }
0xc7: {  	v3 =	vld [tilespmem:s23+$0xFFFFFFB0]  }
0xc8: {  	v0 =	vadd.bf16 v1, v0  }
0xc9: {  	v1 =	vld [tilespmem:s23+$0xFFFFFFD0]  }
0xca: {  	v0 =	vadd.bf16 v2, v0  }
0xcb: {  	v2 =	vld [tilespmem:s23+$0xFFFFFFF0]  }
0xcc: {  	v0 =	vadd.bf16 v3, v0  }
0xcd: {  	v3 =	vld [tilespmem:s23+$0x10]  }
0xce: {  	v0 =	vadd.bf16 v1, v0  }
0xcf: {  	v1 =	vld [tilespmem:s23+$0x30]  }
0xd0: {  	v0 =	vadd.bf16 v2, v0  }
0xd1: {  	v2 =	vld [tilespmem:s23+$0x50]  }
0xd2: {  	v0 =	vadd.bf16 v3, v0  }
0xd3: {  	v3 =	vld [tilespmem:s23+$0x70]  }
0xd4: {  	v0 =	vadd.bf16 v1, v0  }
0xd5: {  	v1 =	vld [tilespmem:s23+$0x90]  }
0xd6: {  	v0 =	vadd.bf16 v2, v0;
	_ =	sdelay $0x1  }
0xd7: {  	v0 =	vadd.bf16 v3, v0;
	_ =	sdelay $0x1  }
0xd8: {  	v1 =	vadd.bf16 v1, v0;
	_ =	sdelay $0x1  }
0xd9: {  	s12 =	simm.s32 $0x1E2E0;
	s10 =	simm.s32 $0x80;
	v0 =	vunpack.i.u.bf16.f32 v1;
	v1 =	vunpack.i.l.bf16.f32 v1  }
.LBB2_13:
0xda: {  	p1 =	sne.s32 s10, $0xF80;
	v1 =	vmul.f32 $9.090909360e-02, v1;
	v0 =	vmul.f32 $9.090909360e-02, v0;
	s23 =	sadd.s32 $0x140, s23;
	s5 =	sadd.s32 $0x40, s5  }
0xdb: {  	s25 =	smov.u32 s10;
	s10 =	sadd.s32 $0x80, s10  }
0xdc: {  	[tilespmem:s12+$0x0] =	vst v1  }
0xdd: {  	[tilespmem:s12+$0x10] =	vst v0;
	s12 =	smov.u32 s5  }
0xde: {  	s25 =	sshra.s32 s25, $0x2;
	v0 =	vld [tilespmem:s23+$0xFFFFFF60]  }
0xdf: {  	v1 =	vld [tilespmem:s25+$0x1B2C0];
	_ =	sdelay $0x1  }
0xe0: {  	v2 =	vld [tilespmem:s23+$0xFFFFFF80];
	_ =	sdelay $0x1  }
0xe1: {  	v3 =	vld [tilespmem:s23+$0xFFFFFFA0]  }
0xe2: {  	v0 =	vadd.bf16 v0, v1  }
0xe3: {  	v1 =	vld [tilespmem:s23+$0xFFFFFFC0]  }
0xe4: {  	v0 =	vadd.bf16 v2, v0  }
0xe5: {  	v2 =	vld [tilespmem:s23+$0xFFFFFFE0]  }
0xe6: {  	v0 =	vadd.bf16 v3, v0  }
0xe7: {  	v3 =	vld [tilespmem:s23+$0x0]  }
0xe8: {  	v0 =	vadd.bf16 v1, v0  }
0xe9: {  	v1 =	vld [tilespmem:s23+$0x20]  }
0xea: {  	v0 =	vadd.bf16 v2, v0  }
0xeb: {  	v2 =	vld [tilespmem:s23+$0x40]  }
0xec: {  	v0 =	vadd.bf16 v3, v0  }
0xed: {  	v3 =	vld [tilespmem:s23+$0x60]  }
0xee: {  	v0 =	vadd.bf16 v1, v0  }
0xef: {  	v1 =	vld [tilespmem:s23+$0x80]  }
0xf0: {  	v0 =	vadd.bf16 v2, v0;
	_ =	sdelay $0x1  }
0xf1: {  	v0 =	vadd.bf16 v3, v0;
	_ =	sdelay $0x1  }
0xf2: {  	v0 =	vadd.bf16 v1, v0;
	_ =	sdelay $0x1  }
0xf3: {  	v1 =	vunpack.i.u.bf16.f32 v0;
	v0 =	vunpack.i.l.bf16.f32 v0  }
0xf4: {  	v0 =	vmul.f32 $9.090909360e-02, v0;
	v1 =	vmul.f32 $9.090909360e-02, v1;
	_ =	sdelay $0x1  }
0xf5: {  	[tilespmem:s5+$0xFFFFFFE0] =	vst v0  }
0xf6: {  	[tilespmem:s5+$0xFFFFFFF0] =	vst v1  }
0xf7: {  	v0 =	vld [tilespmem:s25+$0x1B2D0]  }
0xf8: {  	v1 =	vld [tilespmem:s23+$0xFFFFFF70];
	_ =	sdelay $0x1  }
0xf9: {  	v2 =	vld [tilespmem:s23+$0xFFFFFF90];
	_ =	sdelay $0x1  }
0xfa: {  	v3 =	vld [tilespmem:s23+$0xFFFFFFB0]  }
0xfb: {  	v0 =	vadd.bf16 v1, v0  }
0xfc: {  	v1 =	vld [tilespmem:s23+$0xFFFFFFD0]  }
0xfd: {  	v0 =	vadd.bf16 v2, v0  }
0xfe: {  	v2 =	vld [tilespmem:s23+$0xFFFFFFF0]  }
0xff: {  	v0 =	vadd.bf16 v3, v0  }
0x100: {  	v3 =	vld [tilespmem:s23+$0x10]  }
0x101: {  	v0 =	vadd.bf16 v1, v0  }
0x102: {  	v1 =	vld [tilespmem:s23+$0x30]  }
0x103: {  	v0 =	vadd.bf16 v2, v0  }
0x104: {  	v2 =	vld [tilespmem:s23+$0x50]  }
0x105: {  	v0 =	vadd.bf16 v3, v0  }
0x106: {  	v3 =	vld [tilespmem:s23+$0x70]  }
0x107: {  	v0 =	vadd.bf16 v1, v0  }
0x108: {  	v1 =	vld [tilespmem:s23+$0x90]  }
0x109: {  	v0 =	vadd.bf16 v2, v0;
	_ =	sdelay $0x1  }
.Ltmp6:
0x10a: {  	v0 =	vadd.bf16 v3, v0;
	(pc) =	sbr.rel @p1 .LBB2_13-.Ltmp6, $3  }
0x10b: {  	_ = 	snop  }
0x10c: {  	v1 =	vadd.bf16 v1, v0;
	_ =	sdelay $0x1  }
0x10d: {  	v0 =	vunpack.i.u.bf16.f32 v1;
	v1 =	vunpack.i.l.bf16.f32 v1  }
0x10e: {  	s5 =	rddreg [dreg:$0x7]  }
0x10f: {  	s6 =	rddreg [dreg:$0x11];
	s5 =	sadd.s32 s5, s14  }
0x110: {  	s25 =	sadd.s32 s14, s6;
	p1 =	slt.s32 s5, $0xC330  }
0x111: {  	s5 =	simm.s32 @!p1 $0xC330;
	p1 =	slt.s32 s25, $0xC330  }
0x112: {  	v1 =	vmul.f32 $9.090909360e-02, v1;
	s5 =	sshll.u32 s5, $0x7;
	s25 =	simm.s32 @!p1 $0xC330  }
0x113: {  	v0 =	vmul.f32 $9.090909360e-02, v0;
	s5 =	sor.u32 s9, s5;
	s10 =	smul.u32 $0xA, s25  }
0x114: {  	[tilespmem:s12+$0x0] =	vst v1;
	s5 =	sshrl.u32 s5, $0x3  }
0x115: {  	s23 =	simm.s32 $0x1E2C0;
	[tilespmem:s12+$0x10] =	vst v0;
	s5 =	sadd.s32 s3, s5;
	s12 =	sshrl.u32 s10, $0x3  }
0x116: {  	[hbm4b:s5+s28] =	stream.strided.scatter [tilespmem:s23], [sflag:$0x3], $0x800, s29, s28, $0x38;
	[tilespmem:$0x1FEC0] =	vst v63  }
0x117: {  	s6 =	sshrl.u32 s25, $0x3;
	s5 =	sadd.s32 s8, s12;
	s23 =	simm.s32 $0x186A0  }
0x118: {  	[tilespmem:s23], [sflag:$0x5] =	stream.linear.gather [hbm4b:s5+s30], $0x140, $0x38;
	[tilespmem:$0x1FEC0] =	vst v63  }
0x119: {  	s10 =	simm.s32 $0x187E0;
	s5 =	sadd.s32 s1, s6  }
0x11a: {  	[tilespmem:s10], [sflag:$0x5] =	stream.linear.gather [hbm4b:s5+s30], $0x20, $0x38;
	[tilespmem:$0x1FEC0] =	vst v63  }
0x11b: {  	_ =	swait.ge [sflag:s24], $0x140  }
0x11c: {  	[sflag:s24] =	ssyncset.done $0x0  }
0x11d: {  	[sflag:s24] =	ssyncadd.s32 $0xFFFFFEC0  }
0x11e: {  	_ =	swait.ge [sflag:s24], $0x20  }
0x11f: {  	[sflag:s24] =	ssyncset.done $0x0  }
0x120: {  	s12 =	simm.s32 $0x18AC0;
	[sflag:s24] =	ssyncadd.s32 $0xFFFFFFE0  }
0x121: {  	[tilespmem:s12], [sflag:$0x1] =	stream.indirect.gather [spmem:s4], $0x20, s20, s2, $0xb8;
	[tilespmem:$0x1FEC0] =	vst v63  }
0x122: {  	s23 =	simm.s32 $0x1B2C0  }
0x123: {  	[tilespmem:s23], [sflag:$0x1] =	stream.indirect.gather [spmem:s4], $0x20, s21, s7, $0xb8;
	[tilespmem:$0x1FEC0] =	vst v63  }
0x124: {  	_ =	swait.ge [sflag:s13], $0x2800  }
0x125: {  	[sflag:s13] =	ssyncset.done $0x0  }
0x126: {  	[sflag:s13] =	ssyncadd.s32 $0xFFFFD800  }
0x127: {  	_ =	swait.ge [sflag:s13], $0x400  }
0x128: {  	[sflag:s13] =	ssyncset.done $0x0  }
0x129: {  	s5 =	simm.s32 @!p0 $0x4;
	[sflag:s13] =	ssyncadd.s32 $0xFFFFFC00  }
0x12a: {  	_ =	swait.ge @!p0 [sflag:s5], $0x800  }
0x12b: {  	[sflag:s5] =	ssyncset.done @!p0 $0x0  }
0x12c: {  	s23 =	simm.s32 $0x1B7F0;
	[sflag:s5] =	ssyncadd.s32 @!p0 $0xFFFFF800  }
0x12d: {  	s30 =	simm.s32 $0x0;
	v0 =	vld [tilespmem:s23+$0xFFFFFED0]  }
0x12e: {  	v1 =	vld [tilespmem:s30+$0x1DEC0];
	_ =	sdelay $0x1  }
0x12f: {  	v2 =	vld [tilespmem:s23+$0xFFFFFEF0];
	_ =	sdelay $0x1  }
0x130: {  	v3 =	vld [tilespmem:s23+$0xFFFFFF10]  }
0x131: {  	v0 =	vadd.bf16 v0, v1  }
0x132: {  	v1 =	vld [tilespmem:s23+$0xFFFFFF30]  }
0x133: {  	v0 =	vadd.bf16 v2, v0  }
0x134: {  	v2 =	vld [tilespmem:s23+$0xFFFFFF50]  }
0x135: {  	v0 =	vadd.bf16 v3, v0  }
0x136: {  	v3 =	vld [tilespmem:s23+$0xFFFFFF70]  }
0x137: {  	v0 =	vadd.bf16 v1, v0  }
0x138: {  	v1 =	vld [tilespmem:s23+$0xFFFFFF90]  }
0x139: {  	v0 =	vadd.bf16 v2, v0  }
0x13a: {  	v2 =	vld [tilespmem:s23+$0xFFFFFFB0]  }
0x13b: {  	v0 =	vadd.bf16 v3, v0  }
0x13c: {  	v3 =	vld [tilespmem:s23+$0xFFFFFFD0]  }
0x13d: {  	v0 =	vadd.bf16 v1, v0  }
0x13e: {  	v1 =	vld [tilespmem:s23+$0xFFFFFFF0]  }
0x13f: {  	v0 =	vadd.bf16 v2, v0;
	_ =	sdelay $0x1  }
0x140: {  	v0 =	vadd.bf16 v3, v0;
	_ =	sdelay $0x1  }
0x141: {  	v0 =	vadd.bf16 v1, v0;
	_ =	sdelay $0x1  }
0x142: {  	v1 =	vunpack.i.l.bf16.f32 v0  }
0x143: {  	v0 =	vunpack.i.u.bf16.f32 v0;
	v1 =	vmul.f32 $9.090909360e-02, v1  }
0x144: {  	s5 =	simm.s32 $0x1F0F0;
	v0 =	vmul.f32 $9.090909360e-02, v0  }
0x145: {  	[tilespmem:s5+$0xFFFFFFD0] =	vst v1  }
0x146: {  	[tilespmem:s5+$0xFFFFFFE0] =	vst v0  }
0x147: {  	v0 =	vld [tilespmem:s30+$0x1DED0]  }
0x148: {  	v1 =	vld [tilespmem:s23+$0xFFFFFEE0];
	_ =	sdelay $0x1  }
0x149: {  	v2 =	vld [tilespmem:s23+$0xFFFFFF00];
	_ =	sdelay $0x1  }
0x14a: {  	v3 =	vld [tilespmem:s23+$0xFFFFFF20]  }
0x14b: {  	v0 =	vadd.bf16 v1, v0  }
0x14c: {  	v1 =	vld [tilespmem:s23+$0xFFFFFF40]  }
0x14d: {  	v0 =	vadd.bf16 v2, v0  }
0x14e: {  	v2 =	vld [tilespmem:s23+$0xFFFFFF60]  }
0x14f: {  	v0 =	vadd.bf16 v3, v0  }
0x150: {  	v3 =	vld [tilespmem:s23+$0xFFFFFF80]  }
0x151: {  	v0 =	vadd.bf16 v1, v0  }
0x152: {  	v1 =	vld [tilespmem:s23+$0xFFFFFFA0]  }
0x153: {  	v0 =	vadd.bf16 v2, v0  }
0x154: {  	v2 =	vld [tilespmem:s23+$0xFFFFFFC0]  }
0x155: {  	v0 =	vadd.bf16 v3, v0  }
0x156: {  	v3 =	vld [tilespmem:s23+$0xFFFFFFE0]  }
0x157: {  	v0 =	vadd.bf16 v1, v0  }
0x158: {  	v1 =	vld [tilespmem:s23+$0x0]  }
0x159: {  	v0 =	vadd.bf16 v2, v0;
	_ =	sdelay $0x1  }
0x15a: {  	v0 =	vadd.bf16 v3, v0;
	_ =	sdelay $0x1  }
0x15b: {  	v1 =	vadd.bf16 v1, v0;
	_ =	sdelay $0x1  }
0x15c: {  	s10 =	simm.s32 $0x80;
	s12 =	simm.s32 $0x1F0F0;
	v0 =	vunpack.i.u.bf16.f32 v1;
	v1 =	vunpack.i.l.bf16.f32 v1  }
.LBB2_15:
0x15d: {  	p0 =	sne.s32 s10, $0xF80;
	v1 =	vmul.f32 $9.090909360e-02, v1;
	v0 =	vmul.f32 $9.090909360e-02, v0;
	s23 =	sadd.s32 $0x140, s23;
	s5 =	sadd.s32 $0x40, s5  }
0x15e: {  	s30 =	smov.u32 s10;
	s10 =	sadd.s32 $0x80, s10  }
0x15f: {  	[tilespmem:s12+$0xFFFFFFF0] =	vst v1  }
0x160: {  	[tilespmem:s12+$0x0] =	vst v0;
	s12 =	smov.u32 s5  }
0x161: {  	s30 =	sshra.s32 s30, $0x2;
	v0 =	vld [tilespmem:s23+$0xFFFFFED0]  }
0x162: {  	v1 =	vld [tilespmem:s30+$0x1DEC0];
	_ =	sdelay $0x1  }
0x163: {  	v2 =	vld [tilespmem:s23+$0xFFFFFEF0];
	_ =	sdelay $0x1  }
0x164: {  	v3 =	vld [tilespmem:s23+$0xFFFFFF10]  }
0x165: {  	v0 =	vadd.bf16 v0, v1  }
0x166: {  	v1 =	vld [tilespmem:s23+$0xFFFFFF30]  }
0x167: {  	v0 =	vadd.bf16 v2, v0  }
0x168: {  	v2 =	vld [tilespmem:s23+$0xFFFFFF50]  }
0x169: {  	v0 =	vadd.bf16 v3, v0  }
0x16a: {  	v3 =	vld [tilespmem:s23+$0xFFFFFF70]  }
0x16b: {  	v0 =	vadd.bf16 v1, v0  }
0x16c: {  	v1 =	vld [tilespmem:s23+$0xFFFFFF90]  }
0x16d: {  	v0 =	vadd.bf16 v2, v0  }
0x16e: {  	v2 =	vld [tilespmem:s23+$0xFFFFFFB0]  }
0x16f: {  	v0 =	vadd.bf16 v3, v0  }
0x170: {  	v3 =	vld [tilespmem:s23+$0xFFFFFFD0]  }
0x171: {  	v0 =	vadd.bf16 v1, v0  }
0x172: {  	v1 =	vld [tilespmem:s23+$0xFFFFFFF0]  }
0x173: {  	v0 =	vadd.bf16 v2, v0;
	_ =	sdelay $0x1  }
0x174: {  	v0 =	vadd.bf16 v3, v0;
	_ =	sdelay $0x1  }
0x175: {  	v0 =	vadd.bf16 v1, v0;
	_ =	sdelay $0x1  }
0x176: {  	v1 =	vunpack.i.u.bf16.f32 v0;
	v0 =	vunpack.i.l.bf16.f32 v0  }
0x177: {  	v0 =	vmul.f32 $9.090909360e-02, v0;
	v1 =	vmul.f32 $9.090909360e-02, v1;
	_ =	sdelay $0x1  }
0x178: {  	[tilespmem:s5+$0xFFFFFFD0] =	vst v0  }
0x179: {  	[tilespmem:s5+$0xFFFFFFE0] =	vst v1  }
0x17a: {  	v0 =	vld [tilespmem:s30+$0x1DED0]  }
0x17b: {  	v1 =	vld [tilespmem:s23+$0xFFFFFEE0];
	_ =	sdelay $0x1  }
0x17c: {  	v2 =	vld [tilespmem:s23+$0xFFFFFF00];
	_ =	sdelay $0x1  }
0x17d: {  	v3 =	vld [tilespmem:s23+$0xFFFFFF20]  }
0x17e: {  	v0 =	vadd.bf16 v1, v0  }
0x17f: {  	v1 =	vld [tilespmem:s23+$0xFFFFFF40]  }
0x180: {  	v0 =	vadd.bf16 v2, v0  }
0x181: {  	v2 =	vld [tilespmem:s23+$0xFFFFFF60]  }
0x182: {  	v0 =	vadd.bf16 v3, v0  }
0x183: {  	v3 =	vld [tilespmem:s23+$0xFFFFFF80]  }
0x184: {  	v0 =	vadd.bf16 v1, v0  }
0x185: {  	v1 =	vld [tilespmem:s23+$0xFFFFFFA0]  }
0x186: {  	v0 =	vadd.bf16 v2, v0  }
0x187: {  	v2 =	vld [tilespmem:s23+$0xFFFFFFC0]  }
0x188: {  	v0 =	vadd.bf16 v3, v0  }
0x189: {  	v3 =	vld [tilespmem:s23+$0xFFFFFFE0]  }
0x18a: {  	v0 =	vadd.bf16 v1, v0  }
0x18b: {  	v1 =	vld [tilespmem:s23+$0x0]  }
0x18c: {  	v0 =	vadd.bf16 v2, v0;
	_ =	sdelay $0x1  }
.Ltmp7:
0x18d: {  	v0 =	vadd.bf16 v3, v0;
	(pc) =	sbr.rel @p0 .LBB2_15-.Ltmp7, $3  }
0x18e: {  	_ = 	snop  }
0x18f: {  	v1 =	vadd.bf16 v1, v0;
	_ =	sdelay $0x1  }
0x190: {  	v0 =	vunpack.i.u.bf16.f32 v1;
	v1 =	vunpack.i.l.bf16.f32 v1  }
0x191: {  	s5 =	rddreg [dreg:$0x8]  }
0x192: {  	s6 =	rddreg [dreg:$0x12];
	s5 =	sadd.s32 s14, s5  }
0x193: {  	s23 =	sadd.s32 s14, s6;
	p0 =	slt.s32 s5, $0xC330  }
0x194: {  	s5 =	simm.s32 @!p0 $0xC330;
	p0 =	slt.s32 s23, $0xC330  }
0x195: {  	v1 =	vmul.f32 $9.090909360e-02, v1;
	s5 =	sshll.u32 s5, $0x7;
	s23 =	simm.s32 @!p0 $0xC330  }
0x196: {  	v0 =	vmul.f32 $9.090909360e-02, v0;
	s5 =	sor.u32 s9, s5;
	s10 =	smul.u32 $0xA, s23  }
0x197: {  	[tilespmem:s12+$0xFFFFFFF0] =	vst v1;
	s5 =	sshrl.u32 s5, $0x3  }
0x198: {  	[tilespmem:s12+$0x0] =	vst v0;
	s12 =	simm.s32 $0x18800;
	s5 =	sadd.s32 s3, s5;
	s10 =	sshrl.u32 s10, $0x3  }
0x199: {  	[hbm4b:s5+s28] =	stream.strided.scatter [tilespmem:s31], [sflag:$0x4], $0x800, s29, s28, $0x38;
	[tilespmem:$0x1FEC0] =	vst v63  }
0x19a: {  	s6 =	sshrl.u32 s23, $0x3;
	s5 =	sadd.s32 s8, s10;
	s10 =	simm.s32 $0x0  }
0x19b: {  	[tilespmem:s12], [sflag:$0x6] =	stream.linear.gather [hbm4b:s5+s10], $0x140, $0x38;
	[tilespmem:$0x1FEC0] =	vst v63  }
0x19c: {  	s5 =	sadd.s32 s1, s6;
	s12 =	simm.s32 $0x18940  }
0x19d: {  	[tilespmem:s12], [sflag:$0x6] =	stream.linear.gather [hbm4b:s5+s10], $0x20, $0x38;
	[tilespmem:$0x1FEC0] =	vst v63  }
0x19e: {  	_ =	swait.ge [sflag:s15], $0x140  }
0x19f: {  	[sflag:s15] =	ssyncset.done $0x0  }
0x1a0: {  	[sflag:s15] =	ssyncadd.s32 $0xFFFFFEC0  }
0x1a1: {  	_ =	swait.ge [sflag:s15], $0x20  }
0x1a2: {  	[sflag:s15] =	ssyncset.done $0x0  }
0x1a3: {  	s6 =	simm.s32 $0x186A0;
	[sflag:s15] =	ssyncadd.s32 $0xFFFFFFE0  }
0x1a4: {  	[tilespmem:s17], [sflag:$0x2] =	stream.indirect.gather [spmem:s4], $0x20, s6, s2, $0xb8;
	[tilespmem:$0x1FEC0] =	vst v63  }
0x1a5: {  	s10 =	simm.s32 $0x187E0;
	s12 =	simm.s32 $0x1DEC0  }
0x1a6: {  	[tilespmem:s12], [sflag:$0x2] =	stream.indirect.gather [spmem:s4], $0x20, s10, s7, $0xb8;
	[tilespmem:$0x1FEC0] =	vst v63  }
0x1a7: {  	_ =	swait.ge [sflag:s0], $0x2800  }
0x1a8: {  	[sflag:s0] =	ssyncset.done $0x0  }
0x1a9: {  	[sflag:s0] =	ssyncadd.s32 $0xFFFFD800  }
0x1aa: {  	_ =	swait.ge [sflag:s0], $0x400  }
0x1ab: {  	[sflag:s0] =	ssyncset.done $0x0  }
0x1ac: {  	[sflag:s0] =	ssyncadd.s32 $0xFFFFFC00  }
0x1ad: {  	_ =	swait.ge [sflag:s18], $0x800  }
0x1ae: {  	[sflag:s18] =	ssyncset.done $0x0  }
0x1af: {  	s5 =	simm.s32 $0x18B60;
	[sflag:s18] =	ssyncadd.s32 $0xFFFFF800  }
0x1b0: {  	s6 =	simm.s32 $0x0;
	v0 =	vld [tilespmem:s5+$0xFFFFFF60]  }
0x1b1: {  	v1 =	vld [tilespmem:s6+$0x1B2C0];
	_ =	sdelay $0x1  }
0x1b2: {  	v2 =	vld [tilespmem:s5+$0xFFFFFF80];
	_ =	sdelay $0x1  }
0x1b3: {  	v3 =	vld [tilespmem:s5+$0xFFFFFFA0]  }
0x1b4: {  	v0 =	vadd.bf16 v0, v1  }
0x1b5: {  	v1 =	vld [tilespmem:s5+$0xFFFFFFC0]  }
0x1b6: {  	v0 =	vadd.bf16 v2, v0  }
0x1b7: {  	v2 =	vld [tilespmem:s5+$0xFFFFFFE0]  }
0x1b8: {  	v0 =	vadd.bf16 v3, v0  }
0x1b9: {  	v3 =	vld [tilespmem:s5+$0x0]  }
0x1ba: {  	v0 =	vadd.bf16 v1, v0  }
0x1bb: {  	v1 =	vld [tilespmem:s5+$0x20]  }
0x1bc: {  	v0 =	vadd.bf16 v2, v0  }
0x1bd: {  	v2 =	vld [tilespmem:s5+$0x40]  }
0x1be: {  	v0 =	vadd.bf16 v3, v0  }
0x1bf: {  	v3 =	vld [tilespmem:s5+$0x60]  }
0x1c0: {  	v0 =	vadd.bf16 v1, v0  }
0x1c1: {  	v1 =	vld [tilespmem:s5+$0x80]  }
0x1c2: {  	v0 =	vadd.bf16 v2, v0;
	_ =	sdelay $0x1  }
0x1c3: {  	v0 =	vadd.bf16 v3, v0;
	_ =	sdelay $0x1  }
0x1c4: {  	v0 =	vadd.bf16 v1, v0;
	_ =	sdelay $0x1  }
0x1c5: {  	v1 =	vunpack.i.l.bf16.f32 v0  }
0x1c6: {  	v0 =	vunpack.i.u.bf16.f32 v0;
	v1 =	vmul.f32 $9.090909360e-02, v1  }
0x1c7: {  	s12 =	simm.s32 $0x1E2E0;
	v0 =	vmul.f32 $9.090909360e-02, v0  }
0x1c8: {  	[tilespmem:s12+$0xFFFFFFE0] =	vst v1  }
0x1c9: {  	[tilespmem:s12+$0xFFFFFFF0] =	vst v0  }
0x1ca: {  	v0 =	vld [tilespmem:s6+$0x1B2D0]  }
0x1cb: {  	v1 =	vld [tilespmem:s5+$0xFFFFFF70];
	_ =	sdelay $0x1  }
0x1cc: {  	v2 =	vld [tilespmem:s5+$0xFFFFFF90];
	_ =	sdelay $0x1  }
0x1cd: {  	v3 =	vld [tilespmem:s5+$0xFFFFFFB0]  }
0x1ce: {  	v0 =	vadd.bf16 v1, v0  }
0x1cf: {  	v1 =	vld [tilespmem:s5+$0xFFFFFFD0]  }
0x1d0: {  	v0 =	vadd.bf16 v2, v0  }
0x1d1: {  	v2 =	vld [tilespmem:s5+$0xFFFFFFF0]  }
0x1d2: {  	v0 =	vadd.bf16 v3, v0  }
0x1d3: {  	v3 =	vld [tilespmem:s5+$0x10]  }
0x1d4: {  	v0 =	vadd.bf16 v1, v0  }
0x1d5: {  	v1 =	vld [tilespmem:s5+$0x30]  }
0x1d6: {  	v0 =	vadd.bf16 v2, v0  }
0x1d7: {  	v2 =	vld [tilespmem:s5+$0x50]  }
0x1d8: {  	v0 =	vadd.bf16 v3, v0  }
0x1d9: {  	v3 =	vld [tilespmem:s5+$0x70]  }
0x1da: {  	v0 =	vadd.bf16 v1, v0  }
0x1db: {  	v1 =	vld [tilespmem:s5+$0x90]  }
0x1dc: {  	v0 =	vadd.bf16 v2, v0;
	_ =	sdelay $0x1  }
0x1dd: {  	v0 =	vadd.bf16 v3, v0;
	_ =	sdelay $0x1  }
0x1de: {  	v1 =	vadd.bf16 v1, v0;
	_ =	sdelay $0x1  }
0x1df: {  	s30 =	simm.s32 $0x80;
	s10 =	simm.s32 $0x1E2E0;
	v0 =	vunpack.i.u.bf16.f32 v1;
	v1 =	vunpack.i.l.bf16.f32 v1  }
.LBB2_17:
0x1e0: {  	p0 =	sne.s32 s30, $0xF80;
	v1 =	vmul.f32 $9.090909360e-02, v1;
	v0 =	vmul.f32 $9.090909360e-02, v0;
	s5 =	sadd.s32 $0x140, s5;
	s12 =	sadd.s32 $0x40, s12  }
0x1e1: {  	s6 =	smov.u32 s30;
	s30 =	sadd.s32 $0x80, s30  }
0x1e2: {  	[tilespmem:s10+$0x0] =	vst v1  }
0x1e3: {  	[tilespmem:s10+$0x10] =	vst v0;
	s10 =	smov.u32 s12  }
0x1e4: {  	s6 =	sshra.s32 s6, $0x2;
	v0 =	vld [tilespmem:s5+$0xFFFFFF60]  }
0x1e5: {  	v1 =	vld [tilespmem:s6+$0x1B2C0];
	_ =	sdelay $0x1  }
0x1e6: {  	v2 =	vld [tilespmem:s5+$0xFFFFFF80];
	_ =	sdelay $0x1  }
0x1e7: {  	v3 =	vld [tilespmem:s5+$0xFFFFFFA0]  }
0x1e8: {  	v0 =	vadd.bf16 v0, v1  }
0x1e9: {  	v1 =	vld [tilespmem:s5+$0xFFFFFFC0]  }
0x1ea: {  	v0 =	vadd.bf16 v2, v0  }
0x1eb: {  	v2 =	vld [tilespmem:s5+$0xFFFFFFE0]  }
0x1ec: {  	v0 =	vadd.bf16 v3, v0  }
0x1ed: {  	v3 =	vld [tilespmem:s5+$0x0]  }
0x1ee: {  	v0 =	vadd.bf16 v1, v0  }
0x1ef: {  	v1 =	vld [tilespmem:s5+$0x20]  }
0x1f0: {  	v0 =	vadd.bf16 v2, v0  }
0x1f1: {  	v2 =	vld [tilespmem:s5+$0x40]  }
0x1f2: {  	v0 =	vadd.bf16 v3, v0  }
0x1f3: {  	v3 =	vld [tilespmem:s5+$0x60]  }
0x1f4: {  	v0 =	vadd.bf16 v1, v0  }
0x1f5: {  	v1 =	vld [tilespmem:s5+$0x80]  }
0x1f6: {  	v0 =	vadd.bf16 v2, v0;
	_ =	sdelay $0x1  }
0x1f7: {  	v0 =	vadd.bf16 v3, v0;
	_ =	sdelay $0x1  }
0x1f8: {  	v0 =	vadd.bf16 v1, v0;
	_ =	sdelay $0x1  }
0x1f9: {  	v1 =	vunpack.i.u.bf16.f32 v0;
	v0 =	vunpack.i.l.bf16.f32 v0  }
0x1fa: {  	v0 =	vmul.f32 $9.090909360e-02, v0;
	v1 =	vmul.f32 $9.090909360e-02, v1;
	_ =	sdelay $0x1  }
0x1fb: {  	[tilespmem:s12+$0xFFFFFFE0] =	vst v0  }
0x1fc: {  	[tilespmem:s12+$0xFFFFFFF0] =	vst v1  }
0x1fd: {  	v0 =	vld [tilespmem:s6+$0x1B2D0]  }
0x1fe: {  	v1 =	vld [tilespmem:s5+$0xFFFFFF70];
	_ =	sdelay $0x1  }
0x1ff: {  	v2 =	vld [tilespmem:s5+$0xFFFFFF90];
	_ =	sdelay $0x1  }
0x200: {  	v3 =	vld [tilespmem:s5+$0xFFFFFFB0]  }
0x201: {  	v0 =	vadd.bf16 v1, v0  }
0x202: {  	v1 =	vld [tilespmem:s5+$0xFFFFFFD0]  }
0x203: {  	v0 =	vadd.bf16 v2, v0  }
0x204: {  	v2 =	vld [tilespmem:s5+$0xFFFFFFF0]  }
0x205: {  	v0 =	vadd.bf16 v3, v0  }
0x206: {  	v3 =	vld [tilespmem:s5+$0x10]  }
0x207: {  	v0 =	vadd.bf16 v1, v0  }
0x208: {  	v1 =	vld [tilespmem:s5+$0x30]  }
0x209: {  	v0 =	vadd.bf16 v2, v0  }
0x20a: {  	v2 =	vld [tilespmem:s5+$0x50]  }
0x20b: {  	v0 =	vadd.bf16 v3, v0  }
0x20c: {  	v3 =	vld [tilespmem:s5+$0x70]  }
0x20d: {  	v0 =	vadd.bf16 v1, v0  }
0x20e: {  	v1 =	vld [tilespmem:s5+$0x90]  }
0x20f: {  	v0 =	vadd.bf16 v2, v0;
	_ =	sdelay $0x1  }
.Ltmp8:
0x210: {  	v0 =	vadd.bf16 v3, v0;
	(pc) =	sbr.rel @p0 .LBB2_17-.Ltmp8, $3  }
0x211: {  	_ = 	snop  }
0x212: {  	v1 =	vadd.bf16 v1, v0;
	_ =	sdelay $0x1  }
0x213: {  	v0 =	vunpack.i.u.bf16.f32 v1;
	v1 =	vunpack.i.l.bf16.f32 v1  }
0x214: {  	s6 =	rddreg [dreg:$0x13]  }
0x215: {  	v1 =	vmul.f32 $9.090909360e-02, v1;
	s5 =	sshll.u32 s19, $0x7;
	s19 =	sadd.s32 s14, s6  }
0x216: {  	v0 =	vmul.f32 $9.090909360e-02, v0;
	s5 =	sor.u32 s9, s5;
	p0 =	slt.s32 s19, $0xC330  }
0x217: {  	[tilespmem:s10+$0x0] =	vst v1;
	s5 =	sshrl.u32 s5, $0x3;
	s19 =	simm.s32 @!p0 $0xC330  }
0x218: {  	s12 =	simm.s32 $0x1E2C0;
	[tilespmem:s10+$0x10] =	vst v0;
	s5 =	sadd.s32 s3, s5;
	s6 =	smul.u32 $0xA, s19  }
0x219: {  	[hbm4b:s5+s28] =	stream.strided.scatter [tilespmem:s12], [sflag:$0x3], $0x800, s29, s28, $0x38;
	[tilespmem:$0x1FEC0] =	vst v63  }
0x21a: {  	s6 =	sshrl.u32 s6, $0x3  }
0x21b: {  	s10 =	simm.s32 $0x0;
	s12 =	sshrl.u32 s19, $0x3;
	s5 =	sadd.s32 s8, s6  }
0x21c: {  	[tilespmem:s20], [sflag:$0x7] =	stream.linear.gather [hbm4b:s5+s10], $0x140, $0x38;
	[tilespmem:$0x1FEC0] =	vst v63  }
0x21d: {  	s5 =	sadd.s32 s1, s12  }
0x21e: {  	[tilespmem:s21], [sflag:$0x7] =	stream.linear.gather [hbm4b:s5+s10], $0x20, $0x38;
	[tilespmem:$0x1FEC0] =	vst v63  }
0x21f: {  	_ =	swait.ge [sflag:s22], $0x140  }
0x220: {  	[sflag:s22] =	ssyncset.done $0x0  }
0x221: {  	[sflag:s22] =	ssyncadd.s32 $0xFFFFFEC0  }
0x222: {  	_ =	swait.ge [sflag:s22], $0x20  }
0x223: {  	[sflag:s22] =	ssyncset.done $0x0  }
0x224: {  	s12 =	simm.s32 $0x18800;
	s10 =	simm.s32 $0x18AC0;
	[sflag:s22] =	ssyncadd.s32 $0xFFFFFFE0  }
0x225: {  	[tilespmem:s10], [sflag:$0x1] =	stream.indirect.gather [spmem:s4], $0x20, s12, s2, $0xb8;
	[tilespmem:$0x1FEC0] =	vst v63  }
0x226: {  	s10 =	simm.s32 $0x1B2C0;
	s12 =	simm.s32 $0x18940  }
0x227: {  	[tilespmem:s10], [sflag:$0x1] =	stream.indirect.gather [spmem:s4], $0x20, s12, s7, $0xb8;
	[tilespmem:$0x1FEC0] =	vst v63  }
0x228: {  	_ =	swait.ge [sflag:s13], $0x2800  }
0x229: {  	[sflag:s13] =	ssyncset.done $0x0  }
0x22a: {  	[sflag:s13] =	ssyncadd.s32 $0xFFFFD800  }
0x22b: {  	_ =	swait.ge [sflag:s13], $0x400  }
0x22c: {  	[sflag:s13] =	ssyncset.done $0x0  }
0x22d: {  	[sflag:s13] =	ssyncadd.s32 $0xFFFFFC00  }
0x22e: {  	_ =	swait.ge [sflag:s16], $0x800  }
0x22f: {  	[sflag:s16] =	ssyncset.done $0x0  }
0x230: {  	s5 =	simm.s32 $0x1B7F0;
	[sflag:s16] =	ssyncadd.s32 $0xFFFFF800  }
0x231: {  	s10 =	simm.s32 $0x0;
	v0 =	vld [tilespmem:s5+$0xFFFFFED0]  }
0x232: {  	v1 =	vld [tilespmem:s10+$0x1DEC0];
	_ =	sdelay $0x1  }
0x233: {  	v2 =	vld [tilespmem:s5+$0xFFFFFEF0];
	_ =	sdelay $0x1  }
0x234: {  	v3 =	vld [tilespmem:s5+$0xFFFFFF10]  }
0x235: {  	v0 =	vadd.bf16 v0, v1  }
0x236: {  	v1 =	vld [tilespmem:s5+$0xFFFFFF30]  }
0x237: {  	v0 =	vadd.bf16 v2, v0  }
0x238: {  	v2 =	vld [tilespmem:s5+$0xFFFFFF50]  }
0x239: {  	v0 =	vadd.bf16 v3, v0  }
0x23a: {  	v3 =	vld [tilespmem:s5+$0xFFFFFF70]  }
0x23b: {  	v0 =	vadd.bf16 v1, v0  }
0x23c: {  	v1 =	vld [tilespmem:s5+$0xFFFFFF90]  }
0x23d: {  	v0 =	vadd.bf16 v2, v0  }
0x23e: {  	v2 =	vld [tilespmem:s5+$0xFFFFFFB0]  }
0x23f: {  	v0 =	vadd.bf16 v3, v0  }
0x240: {  	v3 =	vld [tilespmem:s5+$0xFFFFFFD0]  }
0x241: {  	v0 =	vadd.bf16 v1, v0  }
0x242: {  	v1 =	vld [tilespmem:s5+$0xFFFFFFF0]  }
0x243: {  	v0 =	vadd.bf16 v2, v0;
	_ =	sdelay $0x1  }
0x244: {  	v0 =	vadd.bf16 v3, v0;
	_ =	sdelay $0x1  }
0x245: {  	v0 =	vadd.bf16 v1, v0;
	_ =	sdelay $0x1  }
0x246: {  	v1 =	vunpack.i.l.bf16.f32 v0  }
0x247: {  	v0 =	vunpack.i.u.bf16.f32 v0;
	v1 =	vmul.f32 $9.090909360e-02, v1  }
0x248: {  	s12 =	simm.s32 $0x1F0F0;
	v0 =	vmul.f32 $9.090909360e-02, v0  }
0x249: {  	[tilespmem:s12+$0xFFFFFFD0] =	vst v1  }
0x24a: {  	[tilespmem:s12+$0xFFFFFFE0] =	vst v0  }
0x24b: {  	v0 =	vld [tilespmem:s10+$0x1DED0]  }
0x24c: {  	v1 =	vld [tilespmem:s5+$0xFFFFFEE0];
	_ =	sdelay $0x1  }
0x24d: {  	v2 =	vld [tilespmem:s5+$0xFFFFFF00];
	_ =	sdelay $0x1  }
0x24e: {  	v3 =	vld [tilespmem:s5+$0xFFFFFF20]  }
0x24f: {  	v0 =	vadd.bf16 v1, v0  }
0x250: {  	v1 =	vld [tilespmem:s5+$0xFFFFFF40]  }
0x251: {  	v0 =	vadd.bf16 v2, v0  }
0x252: {  	v2 =	vld [tilespmem:s5+$0xFFFFFF60]  }
0x253: {  	v0 =	vadd.bf16 v3, v0  }
0x254: {  	v3 =	vld [tilespmem:s5+$0xFFFFFF80]  }
0x255: {  	v0 =	vadd.bf16 v1, v0  }
0x256: {  	v1 =	vld [tilespmem:s5+$0xFFFFFFA0]  }
0x257: {  	v0 =	vadd.bf16 v2, v0  }
0x258: {  	v2 =	vld [tilespmem:s5+$0xFFFFFFC0]  }
0x259: {  	v0 =	vadd.bf16 v3, v0  }
0x25a: {  	v3 =	vld [tilespmem:s5+$0xFFFFFFE0]  }
0x25b: {  	v0 =	vadd.bf16 v1, v0  }
0x25c: {  	v1 =	vld [tilespmem:s5+$0x0]  }
0x25d: {  	v0 =	vadd.bf16 v2, v0;
	_ =	sdelay $0x1  }
0x25e: {  	v0 =	vadd.bf16 v3, v0;
	_ =	sdelay $0x1  }
0x25f: {  	v1 =	vadd.bf16 v1, v0;
	_ =	sdelay $0x1  }
0x260: {  	s30 =	simm.s32 $0x80;
	s10 =	simm.s32 $0x1F0F0;
	v0 =	vunpack.i.u.bf16.f32 v1;
	v1 =	vunpack.i.l.bf16.f32 v1  }
.LBB2_19:
0x261: {  	p0 =	sne.s32 s30, $0xF80;
	v1 =	vmul.f32 $9.090909360e-02, v1;
	v0 =	vmul.f32 $9.090909360e-02, v0;
	s5 =	sadd.s32 $0x140, s5;
	s12 =	sadd.s32 $0x40, s12  }
0x262: {  	s6 =	smov.u32 s30;
	s30 =	sadd.s32 $0x80, s30  }
0x263: {  	[tilespmem:s10+$0xFFFFFFF0] =	vst v1  }
0x264: {  	[tilespmem:s10+$0x0] =	vst v0;
	s10 =	smov.u32 s12  }
0x265: {  	s6 =	sshra.s32 s6, $0x2;
	v0 =	vld [tilespmem:s5+$0xFFFFFED0]  }
0x266: {  	v1 =	vld [tilespmem:s6+$0x1DEC0];
	_ =	sdelay $0x1  }
0x267: {  	v2 =	vld [tilespmem:s5+$0xFFFFFEF0];
	_ =	sdelay $0x1  }
0x268: {  	v3 =	vld [tilespmem:s5+$0xFFFFFF10]  }
0x269: {  	v0 =	vadd.bf16 v0, v1  }
0x26a: {  	v1 =	vld [tilespmem:s5+$0xFFFFFF30]  }
0x26b: {  	v0 =	vadd.bf16 v2, v0  }
0x26c: {  	v2 =	vld [tilespmem:s5+$0xFFFFFF50]  }
0x26d: {  	v0 =	vadd.bf16 v3, v0  }
0x26e: {  	v3 =	vld [tilespmem:s5+$0xFFFFFF70]  }
0x26f: {  	v0 =	vadd.bf16 v1, v0  }
0x270: {  	v1 =	vld [tilespmem:s5+$0xFFFFFF90]  }
0x271: {  	v0 =	vadd.bf16 v2, v0  }
0x272: {  	v2 =	vld [tilespmem:s5+$0xFFFFFFB0]  }
0x273: {  	v0 =	vadd.bf16 v3, v0  }
0x274: {  	v3 =	vld [tilespmem:s5+$0xFFFFFFD0]  }
0x275: {  	v0 =	vadd.bf16 v1, v0  }
0x276: {  	v1 =	vld [tilespmem:s5+$0xFFFFFFF0]  }
0x277: {  	v0 =	vadd.bf16 v2, v0;
	_ =	sdelay $0x1  }
0x278: {  	v0 =	vadd.bf16 v3, v0;
	_ =	sdelay $0x1  }
0x279: {  	v0 =	vadd.bf16 v1, v0;
	_ =	sdelay $0x1  }
0x27a: {  	v1 =	vunpack.i.u.bf16.f32 v0;
	v0 =	vunpack.i.l.bf16.f32 v0  }
0x27b: {  	v0 =	vmul.f32 $9.090909360e-02, v0;
	v1 =	vmul.f32 $9.090909360e-02, v1;
	_ =	sdelay $0x1  }
0x27c: {  	[tilespmem:s12+$0xFFFFFFD0] =	vst v0  }
0x27d: {  	[tilespmem:s12+$0xFFFFFFE0] =	vst v1  }
0x27e: {  	v0 =	vld [tilespmem:s6+$0x1DED0]  }
0x27f: {  	v1 =	vld [tilespmem:s5+$0xFFFFFEE0];
	_ =	sdelay $0x1  }
0x280: {  	v2 =	vld [tilespmem:s5+$0xFFFFFF00];
	_ =	sdelay $0x1  }
0x281: {  	v3 =	vld [tilespmem:s5+$0xFFFFFF20]  }
0x282: {  	v0 =	vadd.bf16 v1, v0  }
0x283: {  	v1 =	vld [tilespmem:s5+$0xFFFFFF40]  }
0x284: {  	v0 =	vadd.bf16 v2, v0  }
0x285: {  	v2 =	vld [tilespmem:s5+$0xFFFFFF60]  }
0x286: {  	v0 =	vadd.bf16 v3, v0  }
0x287: {  	v3 =	vld [tilespmem:s5+$0xFFFFFF80]  }
0x288: {  	v0 =	vadd.bf16 v1, v0  }
0x289: {  	v1 =	vld [tilespmem:s5+$0xFFFFFFA0]  }
0x28a: {  	v0 =	vadd.bf16 v2, v0  }
0x28b: {  	v2 =	vld [tilespmem:s5+$0xFFFFFFC0]  }
0x28c: {  	v0 =	vadd.bf16 v3, v0  }
0x28d: {  	v3 =	vld [tilespmem:s5+$0xFFFFFFE0]  }
0x28e: {  	v0 =	vadd.bf16 v1, v0  }
0x28f: {  	v1 =	vld [tilespmem:s5+$0x0]  }
0x290: {  	v0 =	vadd.bf16 v2, v0;
	_ =	sdelay $0x1  }
.Ltmp9:
0x291: {  	v0 =	vadd.bf16 v3, v0;
	(pc) =	sbr.rel @p0 .LBB2_19-.Ltmp9, $3  }
0x292: {  	_ = 	snop  }
0x293: {  	v1 =	vadd.bf16 v1, v0;
	_ =	sdelay $0x1  }
0x294: {  	v0 =	vunpack.i.u.bf16.f32 v1;
	v1 =	vunpack.i.l.bf16.f32 v1  }
0x295: {  	p0 =	seq.s32 s26, $0x10;
	s5 =	rddreg [dreg:$0x14]  }
0x296: {  	s5 =	sadd.s32 @!p0 s14, s5  }
0x297: {  	v1 =	vmul.f32 $9.090909360e-02, v1;
	s6 =	sshll.u32 s25, $0x7;
	p1 =	slt.s32 @!p0 s5, $0xC330  }
0x298: {  	v0 =	vmul.f32 $9.090909360e-02, v0;
	s6 =	sor.u32 s9, s6;
	p1 =	por !p1, p0  }
0x299: {  	[tilespmem:s10+$0xFFFFFFF0] =	vst v1;
	s6 =	sshrl.u32 s6, $0x3;
	s5 =	simm.s32 @p1 $0xC330  }
0x29a: {  	[tilespmem:s10+$0x0] =	vst v0;
	s6 =	sadd.s32 s3, s6;
	s10 =	smul.u32 @!p0 $0xA, s5  }
0x29b: {  	[hbm4b:s6+s28] =	stream.strided.scatter [tilespmem:s31], [sflag:$0x4], $0x800, s29, s28, $0x38;
	[tilespmem:$0x1FEC0] =	vst v63  }
0x29c: {  	s12 =	simm.s32 @!p0 $0x186A0;
	s6 =	sshrl.u32 @!p0 s10, $0x3  }
0x29d: {  	s5 =	sshrl.u32 @!p0 s5, $0x3;
	s10 =	simm.s32 @!p0 $0x0;
	s6 =	sadd.s32 @!p0 s8, s6  }
0x29e: {  	[tilespmem:s12], [sflag:$0x5] =	stream.linear.gather @!p0 [hbm4b:s6+s10], $0x140, $0x38;
	[tilespmem:$0x1FEC0] =	vst v63  }
0x29f: {  	s5 =	sadd.s32 @!p0 s1, s5;
	s6 =	simm.s32 @!p0 $0x187E0  }
0x2a0: {  	[tilespmem:s6], [sflag:$0x5] =	stream.linear.gather @!p0 [hbm4b:s5+s10], $0x20, $0x38;
	[tilespmem:$0x1FEC0] =	vst v63  }
0x2a1: {  	_ =	swait.ge [sflag:s24], $0x140  }
0x2a2: {  	[sflag:s24] =	ssyncset.done $0x0  }
0x2a3: {  	[sflag:s24] =	ssyncadd.s32 $0xFFFFFEC0  }
0x2a4: {  	_ =	swait.ge [sflag:s24], $0x20  }
0x2a5: {  	[sflag:s24] =	ssyncset.done $0x0  }
0x2a6: {  	[sflag:s24] =	ssyncadd.s32 $0xFFFFFFE0  }
0x2a7: {  	[tilespmem:s17], [sflag:$0x2] =	stream.indirect.gather [spmem:s4], $0x20, s20, s2, $0xb8;
	[tilespmem:$0x1FEC0] =	vst v63  }
0x2a8: {  	s25 =	simm.s32 $0x1DEC0  }
0x2a9: {  	[tilespmem:s25], [sflag:$0x2] =	stream.indirect.gather [spmem:s4], $0x20, s21, s7, $0xb8;
	[tilespmem:$0x1FEC0] =	vst v63  }
0x2aa: {  	_ =	swait.ge [sflag:s0], $0x2800  }
0x2ab: {  	[sflag:s0] =	ssyncset.done $0x0  }
0x2ac: {  	[sflag:s0] =	ssyncadd.s32 $0xFFFFD800  }
0x2ad: {  	_ =	swait.ge [sflag:s0], $0x400  }
0x2ae: {  	[sflag:s0] =	ssyncset.done $0x0  }
0x2af: {  	[sflag:s0] =	ssyncadd.s32 $0xFFFFFC00  }
0x2b0: {  	_ =	swait.ge [sflag:s18], $0x800  }
0x2b1: {  	[sflag:s18] =	ssyncset.done $0x0  }
0x2b2: {  	s5 =	simm.s32 $0x18B60;
	[sflag:s18] =	ssyncadd.s32 $0xFFFFF800  }
0x2b3: {  	s30 =	simm.s32 $0x0;
	v0 =	vld [tilespmem:s5+$0xFFFFFF60]  }
0x2b4: {  	v1 =	vld [tilespmem:s30+$0x1B2C0];
	_ =	sdelay $0x1  }
0x2b5: {  	v2 =	vld [tilespmem:s5+$0xFFFFFF80];
	_ =	sdelay $0x1  }
0x2b6: {  	v3 =	vld [tilespmem:s5+$0xFFFFFFA0]  }
0x2b7: {  	v0 =	vadd.bf16 v0, v1  }
0x2b8: {  	v1 =	vld [tilespmem:s5+$0xFFFFFFC0]  }
0x2b9: {  	v0 =	vadd.bf16 v2, v0  }
0x2ba: {  	v2 =	vld [tilespmem:s5+$0xFFFFFFE0]  }
0x2bb: {  	v0 =	vadd.bf16 v3, v0  }
0x2bc: {  	v3 =	vld [tilespmem:s5+$0x0]  }
0x2bd: {  	v0 =	vadd.bf16 v1, v0  }
0x2be: {  	v1 =	vld [tilespmem:s5+$0x20]  }
0x2bf: {  	v0 =	vadd.bf16 v2, v0  }
0x2c0: {  	v2 =	vld [tilespmem:s5+$0x40]  }
0x2c1: {  	v0 =	vadd.bf16 v3, v0  }
0x2c2: {  	v3 =	vld [tilespmem:s5+$0x60]  }
0x2c3: {  	v0 =	vadd.bf16 v1, v0  }
0x2c4: {  	v1 =	vld [tilespmem:s5+$0x80]  }
0x2c5: {  	v0 =	vadd.bf16 v2, v0;
	_ =	sdelay $0x1  }
0x2c6: {  	v0 =	vadd.bf16 v3, v0;
	_ =	sdelay $0x1  }
0x2c7: {  	v0 =	vadd.bf16 v1, v0;
	_ =	sdelay $0x1  }
0x2c8: {  	v1 =	vunpack.i.l.bf16.f32 v0  }
0x2c9: {  	v0 =	vunpack.i.u.bf16.f32 v0;
	v1 =	vmul.f32 $9.090909360e-02, v1  }
0x2ca: {  	s12 =	simm.s32 $0x1E2E0;
	v0 =	vmul.f32 $9.090909360e-02, v0  }
0x2cb: {  	[tilespmem:s12+$0xFFFFFFE0] =	vst v1  }
0x2cc: {  	[tilespmem:s12+$0xFFFFFFF0] =	vst v0  }
0x2cd: {  	v0 =	vld [tilespmem:s30+$0x1B2D0]  }
0x2ce: {  	v1 =	vld [tilespmem:s5+$0xFFFFFF70];
	_ =	sdelay $0x1  }
0x2cf: {  	v2 =	vld [tilespmem:s5+$0xFFFFFF90];
	_ =	sdelay $0x1  }
0x2d0: {  	v3 =	vld [tilespmem:s5+$0xFFFFFFB0]  }
0x2d1: {  	v0 =	vadd.bf16 v1, v0  }
0x2d2: {  	v1 =	vld [tilespmem:s5+$0xFFFFFFD0]  }
0x2d3: {  	v0 =	vadd.bf16 v2, v0  }
0x2d4: {  	v2 =	vld [tilespmem:s5+$0xFFFFFFF0]  }
0x2d5: {  	v0 =	vadd.bf16 v3, v0  }
0x2d6: {  	v3 =	vld [tilespmem:s5+$0x10]  }
0x2d7: {  	v0 =	vadd.bf16 v1, v0  }
0x2d8: {  	v1 =	vld [tilespmem:s5+$0x30]  }
0x2d9: {  	v0 =	vadd.bf16 v2, v0  }
0x2da: {  	v2 =	vld [tilespmem:s5+$0x50]  }
0x2db: {  	v0 =	vadd.bf16 v3, v0  }
0x2dc: {  	v3 =	vld [tilespmem:s5+$0x70]  }
0x2dd: {  	v0 =	vadd.bf16 v1, v0  }
0x2de: {  	v1 =	vld [tilespmem:s5+$0x90]  }
0x2df: {  	v0 =	vadd.bf16 v2, v0;
	_ =	sdelay $0x1  }
0x2e0: {  	v0 =	vadd.bf16 v3, v0;
	_ =	sdelay $0x1  }
0x2e1: {  	v1 =	vadd.bf16 v1, v0;
	_ =	sdelay $0x1  }
0x2e2: {  	s10 =	simm.s32 $0x1E2E0;
	s25 =	simm.s32 $0x80;
	v0 =	vunpack.i.u.bf16.f32 v1;
	v1 =	vunpack.i.l.bf16.f32 v1  }
.LBB2_21:
0x2e3: {  	p1 =	sne.s32 s25, $0xF80;
	v1 =	vmul.f32 $9.090909360e-02, v1;
	v0 =	vmul.f32 $9.090909360e-02, v0;
	s5 =	sadd.s32 $0x140, s5;
	s12 =	sadd.s32 $0x40, s12  }
0x2e4: {  	s6 =	smov.u32 s25;
	s25 =	sadd.s32 $0x80, s25  }
0x2e5: {  	[tilespmem:s10+$0x0] =	vst v1  }
0x2e6: {  	[tilespmem:s10+$0x10] =	vst v0;
	s10 =	smov.u32 s12  }
0x2e7: {  	s6 =	sshra.s32 s6, $0x2;
	v0 =	vld [tilespmem:s5+$0xFFFFFF60]  }
0x2e8: {  	v1 =	vld [tilespmem:s6+$0x1B2C0];
	_ =	sdelay $0x1  }
0x2e9: {  	v2 =	vld [tilespmem:s5+$0xFFFFFF80];
	_ =	sdelay $0x1  }
0x2ea: {  	v3 =	vld [tilespmem:s5+$0xFFFFFFA0]  }
0x2eb: {  	v0 =	vadd.bf16 v0, v1  }
0x2ec: {  	v1 =	vld [tilespmem:s5+$0xFFFFFFC0]  }
0x2ed: {  	v0 =	vadd.bf16 v2, v0  }
0x2ee: {  	v2 =	vld [tilespmem:s5+$0xFFFFFFE0]  }
0x2ef: {  	v0 =	vadd.bf16 v3, v0  }
0x2f0: {  	v3 =	vld [tilespmem:s5+$0x0]  }
0x2f1: {  	v0 =	vadd.bf16 v1, v0  }
0x2f2: {  	v1 =	vld [tilespmem:s5+$0x20]  }
0x2f3: {  	v0 =	vadd.bf16 v2, v0  }
0x2f4: {  	v2 =	vld [tilespmem:s5+$0x40]  }
0x2f5: {  	v0 =	vadd.bf16 v3, v0  }
0x2f6: {  	v3 =	vld [tilespmem:s5+$0x60]  }
0x2f7: {  	v0 =	vadd.bf16 v1, v0  }
0x2f8: {  	v1 =	vld [tilespmem:s5+$0x80]  }
0x2f9: {  	v0 =	vadd.bf16 v2, v0;
	_ =	sdelay $0x1  }
0x2fa: {  	v0 =	vadd.bf16 v3, v0;
	_ =	sdelay $0x1  }
0x2fb: {  	v0 =	vadd.bf16 v1, v0;
	_ =	sdelay $0x1  }
0x2fc: {  	v1 =	vunpack.i.u.bf16.f32 v0;
	v0 =	vunpack.i.l.bf16.f32 v0  }
0x2fd: {  	v0 =	vmul.f32 $9.090909360e-02, v0;
	v1 =	vmul.f32 $9.090909360e-02, v1;
	_ =	sdelay $0x1  }
0x2fe: {  	[tilespmem:s12+$0xFFFFFFE0] =	vst v0  }
0x2ff: {  	[tilespmem:s12+$0xFFFFFFF0] =	vst v1  }
0x300: {  	v0 =	vld [tilespmem:s6+$0x1B2D0]  }
0x301: {  	v1 =	vld [tilespmem:s5+$0xFFFFFF70];
	_ =	sdelay $0x1  }
0x302: {  	v2 =	vld [tilespmem:s5+$0xFFFFFF90];
	_ =	sdelay $0x1  }
0x303: {  	v3 =	vld [tilespmem:s5+$0xFFFFFFB0]  }
0x304: {  	v0 =	vadd.bf16 v1, v0  }
0x305: {  	v1 =	vld [tilespmem:s5+$0xFFFFFFD0]  }
0x306: {  	v0 =	vadd.bf16 v2, v0  }
0x307: {  	v2 =	vld [tilespmem:s5+$0xFFFFFFF0]  }
0x308: {  	v0 =	vadd.bf16 v3, v0  }
0x309: {  	v3 =	vld [tilespmem:s5+$0x10]  }
0x30a: {  	v0 =	vadd.bf16 v1, v0  }
0x30b: {  	v1 =	vld [tilespmem:s5+$0x30]  }
0x30c: {  	v0 =	vadd.bf16 v2, v0  }
0x30d: {  	v2 =	vld [tilespmem:s5+$0x50]  }
0x30e: {  	v0 =	vadd.bf16 v3, v0  }
0x30f: {  	v3 =	vld [tilespmem:s5+$0x70]  }
0x310: {  	v0 =	vadd.bf16 v1, v0  }
0x311: {  	v1 =	vld [tilespmem:s5+$0x90]  }
0x312: {  	v0 =	vadd.bf16 v2, v0;
	_ =	sdelay $0x1  }
.Ltmp10:
0x313: {  	v0 =	vadd.bf16 v3, v0;
	(pc) =	sbr.rel @p1 .LBB2_21-.Ltmp10, $3  }
0x314: {  	_ = 	snop  }
0x315: {  	v1 =	vadd.bf16 v1, v0;
	_ =	sdelay $0x1  }
0x316: {  	v0 =	vunpack.i.u.bf16.f32 v1;
	v1 =	vunpack.i.l.bf16.f32 v1  }
0x317: {  	s5 =	rddreg [dreg:$0x16]  }
0x318: {  	s5 =	sadd.s32 @!p0 s14, s5  }
0x319: {  	v1 =	vmul.f32 $9.090909360e-02, v1;
	s6 =	sshll.u32 s23, $0x7;
	p1 =	slt.s32 @!p0 s5, $0xC330  }
0x31a: {  	v0 =	vmul.f32 $9.090909360e-02, v0;
	s6 =	sor.u32 s9, s6;
	p1 =	por !p1, p0  }
0x31b: {  	[tilespmem:s10+$0x0] =	vst v1;
	s6 =	sshrl.u32 s6, $0x3;
	s5 =	simm.s32 @p1 $0xC330  }
0x31c: {  	s12 =	simm.s32 $0x1E2C0;
	[tilespmem:s10+$0x10] =	vst v0;
	s6 =	sadd.s32 s3, s6;
	s10 =	smul.u32 @!p0 $0xA, s5  }
0x31d: {  	[hbm4b:s6+s28] =	stream.strided.scatter [tilespmem:s12], [sflag:$0x3], $0x800, s29, s28, $0x38;
	[tilespmem:$0x1FEC0] =	vst v63  }
0x31e: {  	s12 =	simm.s32 @!p0 $0x18800;
	s6 =	sshrl.u32 @!p0 s10, $0x3  }
0x31f: {  	s5 =	sshrl.u32 @!p0 s5, $0x3;
	s10 =	simm.s32 @!p0 $0x0;
	s6 =	sadd.s32 @!p0 s8, s6  }
0x320: {  	[tilespmem:s12], [sflag:$0x6] =	stream.linear.gather @!p0 [hbm4b:s6+s10], $0x140, $0x38;
	[tilespmem:$0x1FEC0] =	vst v63  }
0x321: {  	s5 =	sadd.s32 @!p0 s1, s5;
	s6 =	simm.s32 @!p0 $0x18940  }
0x322: {  	[tilespmem:s6], [sflag:$0x6] =	stream.linear.gather @!p0 [hbm4b:s5+s10], $0x20, $0x38;
	[tilespmem:$0x1FEC0] =	vst v63  }
0x323: {  	s5 =	simm.s32 @!p0 $0x5  }
0x324: {  	_ =	swait.ge @!p0 [sflag:s5], $0x140  }
0x325: {  	[sflag:s5] =	ssyncset.done @!p0 $0x0  }
0x326: {  	[sflag:s5] =	ssyncadd.s32 @!p0 $0xFFFFFEC0  }
0x327: {  	_ =	swait.ge @!p0 [sflag:s5], $0x20  }
0x328: {  	s6 =	simm.s32 @!p0 $0x186A0;
	[sflag:s5] =	ssyncset.done @!p0 $0x0  }
0x329: {  	s10 =	simm.s32 @!p0 $0x18AC0;
	[sflag:s5] =	ssyncadd.s32 @!p0 $0xFFFFFFE0;
	s5 =	simm.s32 @!p0 $0x140  }
0x32a: {  	[tilespmem:s10], [sflag:$0x1] =	stream.indirect.gather @!p0 [spmem:s4], $0x20, s6, s5, $0xb8;
	[tilespmem:$0x1FEC0] =	vst v63  }
0x32b: {  	s5 =	simm.s32 @!p0 $0x20;
	s6 =	simm.s32 @!p0 $0x187E0;
	s10 =	simm.s32 @!p0 $0x1B2C0  }
0x32c: {  	[tilespmem:s10], [sflag:$0x1] =	stream.indirect.gather @!p0 [spmem:s4], $0x20, s6, s5, $0xb8;
	[tilespmem:$0x1FEC0] =	vst v63  }
0x32d: {  	_ =	swait.ge [sflag:s13], $0x2800  }
0x32e: {  	[sflag:s13] =	ssyncset.done $0x0  }
0x32f: {  	[sflag:s13] =	ssyncadd.s32 $0xFFFFD800  }
0x330: {  	_ =	swait.ge [sflag:s13], $0x400  }
0x331: {  	[sflag:s13] =	ssyncset.done $0x0  }
0x332: {  	[sflag:s13] =	ssyncadd.s32 $0xFFFFFC00  }
0x333: {  	_ =	swait.ge [sflag:s16], $0x800  }
0x334: {  	[sflag:s16] =	ssyncset.done $0x0  }
0x335: {  	s5 =	simm.s32 $0x1B7F0;
	[sflag:s16] =	ssyncadd.s32 $0xFFFFF800  }
0x336: {  	s25 =	simm.s32 $0x0;
	v0 =	vld [tilespmem:s5+$0xFFFFFED0]  }
0x337: {  	v1 =	vld [tilespmem:s25+$0x1DEC0];
	_ =	sdelay $0x1  }
0x338: {  	v2 =	vld [tilespmem:s5+$0xFFFFFEF0];
	_ =	sdelay $0x1  }
0x339: {  	v3 =	vld [tilespmem:s5+$0xFFFFFF10]  }
0x33a: {  	v0 =	vadd.bf16 v0, v1  }
0x33b: {  	v1 =	vld [tilespmem:s5+$0xFFFFFF30]  }
0x33c: {  	v0 =	vadd.bf16 v2, v0  }
0x33d: {  	v2 =	vld [tilespmem:s5+$0xFFFFFF50]  }
0x33e: {  	v0 =	vadd.bf16 v3, v0  }
0x33f: {  	v3 =	vld [tilespmem:s5+$0xFFFFFF70]  }
0x340: {  	v0 =	vadd.bf16 v1, v0  }
0x341: {  	v1 =	vld [tilespmem:s5+$0xFFFFFF90]  }
0x342: {  	v0 =	vadd.bf16 v2, v0  }
0x343: {  	v2 =	vld [tilespmem:s5+$0xFFFFFFB0]  }
0x344: {  	v0 =	vadd.bf16 v3, v0  }
0x345: {  	v3 =	vld [tilespmem:s5+$0xFFFFFFD0]  }
0x346: {  	v0 =	vadd.bf16 v1, v0  }
0x347: {  	v1 =	vld [tilespmem:s5+$0xFFFFFFF0]  }
0x348: {  	v0 =	vadd.bf16 v2, v0;
	_ =	sdelay $0x1  }
0x349: {  	v0 =	vadd.bf16 v3, v0;
	_ =	sdelay $0x1  }
0x34a: {  	v0 =	vadd.bf16 v1, v0;
	_ =	sdelay $0x1  }
0x34b: {  	v1 =	vunpack.i.l.bf16.f32 v0  }
0x34c: {  	v0 =	vunpack.i.u.bf16.f32 v0;
	v1 =	vmul.f32 $9.090909360e-02, v1  }
0x34d: {  	s12 =	simm.s32 $0x1F0F0;
	v0 =	vmul.f32 $9.090909360e-02, v0  }
0x34e: {  	[tilespmem:s12+$0xFFFFFFD0] =	vst v1  }
0x34f: {  	[tilespmem:s12+$0xFFFFFFE0] =	vst v0  }
0x350: {  	v0 =	vld [tilespmem:s25+$0x1DED0]  }
0x351: {  	v1 =	vld [tilespmem:s5+$0xFFFFFEE0];
	_ =	sdelay $0x1  }
0x352: {  	v2 =	vld [tilespmem:s5+$0xFFFFFF00];
	_ =	sdelay $0x1  }
0x353: {  	v3 =	vld [tilespmem:s5+$0xFFFFFF20]  }
0x354: {  	v0 =	vadd.bf16 v1, v0  }
0x355: {  	v1 =	vld [tilespmem:s5+$0xFFFFFF40]  }
0x356: {  	v0 =	vadd.bf16 v2, v0  }
0x357: {  	v2 =	vld [tilespmem:s5+$0xFFFFFF60]  }
0x358: {  	v0 =	vadd.bf16 v3, v0  }
0x359: {  	v3 =	vld [tilespmem:s5+$0xFFFFFF80]  }
0x35a: {  	v0 =	vadd.bf16 v1, v0  }
0x35b: {  	v1 =	vld [tilespmem:s5+$0xFFFFFFA0]  }
0x35c: {  	v0 =	vadd.bf16 v2, v0  }
0x35d: {  	v2 =	vld [tilespmem:s5+$0xFFFFFFC0]  }
0x35e: {  	v0 =	vadd.bf16 v3, v0  }
0x35f: {  	v3 =	vld [tilespmem:s5+$0xFFFFFFE0]  }
0x360: {  	v0 =	vadd.bf16 v1, v0  }
0x361: {  	v1 =	vld [tilespmem:s5+$0x0]  }
0x362: {  	v0 =	vadd.bf16 v2, v0;
	_ =	sdelay $0x1  }
0x363: {  	v0 =	vadd.bf16 v3, v0;
	_ =	sdelay $0x1  }
0x364: {  	v1 =	vadd.bf16 v1, v0;
	_ =	sdelay $0x1  }
0x365: {  	s30 =	simm.s32 $0x0;
	s14 =	simm.s32 $0x80;
	s10 =	simm.s32 $0x1F0F0;
	v0 =	vunpack.i.u.bf16.f32 v1;
	v1 =	vunpack.i.l.bf16.f32 v1  }
.LBB2_23:
0x366: {  	p0 =	sne.s32 s14, $0xF80;
	v1 =	vmul.f32 $9.090909360e-02, v1;
	v0 =	vmul.f32 $9.090909360e-02, v0;
	s5 =	sadd.s32 $0x140, s5;
	s12 =	sadd.s32 $0x40, s12  }
0x367: {  	s6 =	smov.u32 s14;
	s14 =	sadd.s32 $0x80, s14  }
0x368: {  	[tilespmem:s10+$0xFFFFFFF0] =	vst v1  }
0x369: {  	[tilespmem:s10+$0x0] =	vst v0;
	s10 =	smov.u32 s12  }
0x36a: {  	s6 =	sshra.s32 s6, $0x2;
	v0 =	vld [tilespmem:s5+$0xFFFFFED0]  }
0x36b: {  	v1 =	vld [tilespmem:s6+$0x1DEC0];
	_ =	sdelay $0x1  }
0x36c: {  	v2 =	vld [tilespmem:s5+$0xFFFFFEF0];
	_ =	sdelay $0x1  }
0x36d: {  	v3 =	vld [tilespmem:s5+$0xFFFFFF10]  }
0x36e: {  	v0 =	vadd.bf16 v0, v1  }
0x36f: {  	v1 =	vld [tilespmem:s5+$0xFFFFFF30]  }
0x370: {  	v0 =	vadd.bf16 v2, v0  }
0x371: {  	v2 =	vld [tilespmem:s5+$0xFFFFFF50]  }
0x372: {  	v0 =	vadd.bf16 v3, v0  }
0x373: {  	v3 =	vld [tilespmem:s5+$0xFFFFFF70]  }
0x374: {  	v0 =	vadd.bf16 v1, v0  }
0x375: {  	v1 =	vld [tilespmem:s5+$0xFFFFFF90]  }
0x376: {  	v0 =	vadd.bf16 v2, v0  }
0x377: {  	v2 =	vld [tilespmem:s5+$0xFFFFFFB0]  }
0x378: {  	v0 =	vadd.bf16 v3, v0  }
0x379: {  	v3 =	vld [tilespmem:s5+$0xFFFFFFD0]  }
0x37a: {  	v0 =	vadd.bf16 v1, v0  }
0x37b: {  	v1 =	vld [tilespmem:s5+$0xFFFFFFF0]  }
0x37c: {  	v0 =	vadd.bf16 v2, v0;
	_ =	sdelay $0x1  }
0x37d: {  	v0 =	vadd.bf16 v3, v0;
	_ =	sdelay $0x1  }
0x37e: {  	v0 =	vadd.bf16 v1, v0;
	_ =	sdelay $0x1  }
0x37f: {  	v1 =	vunpack.i.u.bf16.f32 v0;
	v0 =	vunpack.i.l.bf16.f32 v0  }
0x380: {  	v0 =	vmul.f32 $9.090909360e-02, v0;
	v1 =	vmul.f32 $9.090909360e-02, v1;
	_ =	sdelay $0x1  }
0x381: {  	[tilespmem:s12+$0xFFFFFFD0] =	vst v0  }
0x382: {  	[tilespmem:s12+$0xFFFFFFE0] =	vst v1  }
0x383: {  	v0 =	vld [tilespmem:s6+$0x1DED0]  }
0x384: {  	v1 =	vld [tilespmem:s5+$0xFFFFFEE0];
	_ =	sdelay $0x1  }
0x385: {  	v2 =	vld [tilespmem:s5+$0xFFFFFF00];
	_ =	sdelay $0x1  }
0x386: {  	v3 =	vld [tilespmem:s5+$0xFFFFFF20]  }
0x387: {  	v0 =	vadd.bf16 v1, v0  }
0x388: {  	v1 =	vld [tilespmem:s5+$0xFFFFFF40]  }
0x389: {  	v0 =	vadd.bf16 v2, v0  }
0x38a: {  	v2 =	vld [tilespmem:s5+$0xFFFFFF60]  }
0x38b: {  	v0 =	vadd.bf16 v3, v0  }
0x38c: {  	v3 =	vld [tilespmem:s5+$0xFFFFFF80]  }
0x38d: {  	v0 =	vadd.bf16 v1, v0  }
0x38e: {  	v1 =	vld [tilespmem:s5+$0xFFFFFFA0]  }
0x38f: {  	v0 =	vadd.bf16 v2, v0  }
0x390: {  	v2 =	vld [tilespmem:s5+$0xFFFFFFC0]  }
0x391: {  	v0 =	vadd.bf16 v3, v0  }
0x392: {  	v3 =	vld [tilespmem:s5+$0xFFFFFFE0]  }
0x393: {  	v0 =	vadd.bf16 v1, v0  }
0x394: {  	v1 =	vld [tilespmem:s5+$0x0]  }
0x395: {  	v0 =	vadd.bf16 v2, v0;
	_ =	sdelay $0x1  }
.Ltmp11:
0x396: {  	v0 =	vadd.bf16 v3, v0;
	(pc) =	sbr.rel @p0 .LBB2_23-.Ltmp11, $3  }
0x397: {  	_ = 	snop  }
0x398: {  	v1 =	vadd.bf16 v1, v0;
	_ =	sdelay $0x1  }
0x399: {  	v0 =	vunpack.i.u.bf16.f32 v1;
	v1 =	vunpack.i.l.bf16.f32 v1  }
0x39a: {  	s26 =	sadd.s32 $0x1, s26  }
0x39b: {  	p0 =	sne.s32 s26, $0x11  }
.Ltmp12:
0x39c: {  	v1 =	vmul.f32 $9.090909360e-02, v1;
	s5 =	sshll.u32 s19, $0x7;
	(pc) =	sbr.rel @p0 .LBB2_12-.Ltmp12, $4  }
0x39d: {  	v0 =	vmul.f32 $9.090909360e-02, v0;
	s5 =	sor.u32 s9, s5  }
0x39e: {  	[tilespmem:s10+$0xFFFFFFF0] =	vst v1;
	s5 =	sshrl.u32 s5, $0x3  }
0x39f: {  	[tilespmem:s10+$0x0] =	vst v0;
	s5 =	sadd.s32 s3, s5  }
0x3a0: {  	[hbm4b:s5+s28] =	stream.strided.scatter [tilespmem:s31], [sflag:$0x4], $0x800, s29, s28, $0x38;
	[tilespmem:$0x1FEC0] =	vst v63  }
0x3a1: {  	_ =	swait.ge [sflag:s18], $0x800  }
0x3a2: {  	[sflag:s18] =	ssyncset.done $0x0  }
0x3a3: {  	[sflag:s18] =	ssyncadd.s32 $0xFFFFF800  }
0x3a4: {  	_ =	swait.ge [sflag:s16], $0x800  }
0x3a5: {  	s6 =	rddreg [dreg:$0x17]  }
0x3a6: {  	s5 =	rddreg [dreg:$0x15];
	s6 =	sadd.s32 $0x1, s6  }
0x3a7: {  	p0 =	sne.s32 s6, s5  }
.Ltmp13:
0x3a8: {  	_ = 	snop;
	(pc) =	sbr.rel @p0 .LBB2_1-.Ltmp13, $3  }
0x3a9: {  	_ =	sdelay $0x1  }
0x3aa: {  	[sflag:s16] =	ssyncset.done $0x0  }
0x3ab: {  	[sflag:s16] =	ssyncadd.s32 $0xFFFFF800  }
0x3ac: {  	_ =	sfence.sel $0x180000  }
0x3ad: {  	[bflag:$0x0] =	sbarrier.arrive $0xFFFF  }
0x3ae: {  	_ =	strace $0x90000047  }
0x3af: {  	s0 =	stileid.u32;
	[bflag:$0x2] =	sbarrier.arrive $0xFFFF  }
0x3b0: {  	p0 =	sne.s32 s0, $0x0;
	s0 =	rddreg [dreg:$0x5]  }
0x3b1: {  	s0 =	sadd.s32 @!p0 $0x100000, s0  }
0x3b2: {  	[sflag:s0] =	ssyncadd.tile.s32 @!p0 $0x1;
	_ =	shalt  }
.Lfunc_end2:
_tile_overlayer_lowered:
.L_overlay_start_2:
0x3b3: {  	(tag) =	ssettag $0x2  }
0x3b4: {  	s0 =	rddreg [dreg:$0x0];
	s2 =	stileid.u32  }
0x3b5: {  	s1 =	rddreg [dreg:$0x1];
	p0 =	sne.s32 s2, $0x0  }
0x3b6: {  	s3 =	rddreg [dreg:$0x2];
	[bflag:$0x3] =	sbarrier.arrive $0xFFFF;
	s2 =	simm.s32 @!p0 $0x1C08  }
0x3b7: {  	[timem:s3], [sflag:s2] =	dma.local @!p0 [hbm:s0], s1  }
0x3b8: {  	s0 =	simm.s32 @!p0 $0x8  }
0x3b9: {  	_ =	swait.ge @!p0 [sflag:s0], s1  }
0x3ba: {  	s1 =	ssub.s32 @!p0 $0x0, s1;
	[sflag:s0] =	ssyncset.done @!p0 $0x0  }
0x3bb: {  	[sflag:s0] =	ssyncadd.s32 @!p0 s1  }
0x3bc: {  	[bflag:$0x3] =	sbarrier.arrive $0xFFFF  }
0x3bd: {  	_ =	shalt  }

</sc_bundles>
